<compile_context>
chip_gen: v7x
topology: tpu7x:2x2x1
jax: 0.10.2.dev20260603
libtpu: 0.0.44.dev20260713+nightly
codegen_flags: <defaults>
</compile_context>

<pallas_src>
import functools

import jax
import jax.numpy as jnp
from jax import lax
from jax.experimental import pallas as pl
from jax.experimental.pallas import tpu as pltpu
from jax.experimental.pallas import tpu_sc as plsc

_A = 8
_BINS = (-16.0, -8.0, -4.0, 0.0, 4.0, 8.0, 16.0)

_NC, _NS = 2, 16
_NW = _NC * _NS
_GRP = 128
_BSC = 4


def _sc_segment_sum_body(e_hbm, a_hbm, m_hbm, partial_hbm, cnt_hbm,
                         av, mv, idxv, bufs, acc, cbuf, sem0, sem1):
    n_b, seq, d = e_hbm.shape
    parts = _NW // _BSC
    tok_w = seq // parts
    ngrp = tok_w // _GRP
    c = lax.axis_index("c")
    s = lax.axis_index("s")
    wid = c * _NS + s
    b = wid // parts
    h = wid % parts
    trow0 = h * tok_w

    sems = (sem0, sem1)

    def start(g):
        return pltpu.async_copy(
            e_hbm.at[b, pl.ds(trow0 + g * _GRP, _GRP)], bufs.at[g % 2],
            sems[g % 2])

    cps = [start(0), start(1)]

    pltpu.sync_copy(a_hbm.at[b, pl.ds(trow0, tok_w)], av)
    pltpu.sync_copy(m_hbm.at[b, pl.ds(trow0, tok_w)], mv)

    zero16f = jnp.zeros((16,), jnp.float32)
    for r in range(_A + 1):
        for j in range(d // 16):
            acc[r, pl.ds(j * 16, 16)] = zero16f

    trash = jnp.full((16,), _A, jnp.int32)
    ones16 = jnp.ones((16,), jnp.float32)
    cnt_acc = [zero16f] * _A
    for g in range(ngrp):
        for j in range(_GRP // 16):
            o = g * _GRP + j * 16
            a_v = av[pl.ds(o, 16)]
            m_v = mv[pl.ds(o, 16)]
            ix = jnp.where(m_v != 0, a_v, trash)
            idxv[pl.ds(o, 16)] = ix
            for a in range(_A):
                cnt_acc[a] = cnt_acc[a] + jnp.where(ix == a, ones16, zero16f)

    lane = lax.iota(jnp.int32, 16)
    dmask = jnp.full((16,), d - 1, jnp.int32)
    for g in range(ngrp):
        cps[g % 2].wait()
        chunk = bufs.at[g % 2]
        toks = [lane + (16 * j) for j in range(_GRP // 16)]
        ixs = [idxv[pl.ds(g * _GRP + 16 * j, 16)] for j in range(_GRP // 16)]

        def dstep(k, offs):
            vs = [plsc.load_gather(chunk, [toks[j], offs])
                  for j in range(_GRP // 16)]
            for j in range(_GRP // 16):
                plsc.addupdate_scatter(acc, [ixs[j], offs], vs[j])
            return (offs + 1) & dmask

        lax.fori_loop(0, d, dstep, lane, unroll=2)
        if g + 2 < ngrp:
            cps[g % 2] = start(g + 2)

    for a in range(_A):
        cbuf[a, pl.ds(0, 16)] = cnt_acc[a]

    pltpu.sync_copy(acc.at[pl.ds(0, _A)], partial_hbm.at[h, pl.ds(b * _A, _A)])
    pltpu.sync_copy(cbuf, cnt_hbm.at[h, pl.ds(b * _A, _A)])


def _make_sc_call(seq, d):
    parts = _NW // _BSC
    tok_w = seq // parts
    mesh = plsc.VectorSubcoreMesh(core_axis_name="c", subcore_axis_name="s",
                                  num_cores=_NC, num_subcores=_NS)
    nb = _BSC * _A
    return pl.kernel(
        _sc_segment_sum_body,
        out_type=(
            jax.ShapeDtypeStruct((parts, nb, d), jnp.float32),
            jax.ShapeDtypeStruct((parts, nb, 16), jnp.float32),
        ),
        mesh=mesh,
        compiler_params=pltpu.CompilerParams(use_tc_tiling_on_sc=True,
                                             needs_layout_passes=False,
                                             skip_device_barrier=True),
        scratch_types=(
            pltpu.VMEM((tok_w,), jnp.int32),
            pltpu.VMEM((tok_w,), jnp.int32),
            pltpu.VMEM((tok_w,), jnp.int32),
            pltpu.VMEM((2, _GRP, d), jnp.float32),
            pltpu.VMEM((_A + 1, d), jnp.float32),
            pltpu.VMEM((_A, 16), jnp.float32),
            pltpu.SemaphoreType.DMA,
            pltpu.SemaphoreType.DMA,
        ),
    )


def _tc_segment_body(a_ref, m_ref, e_ref, sums_ref, cnt_ref):
    a_row = a_ref[0]
    m_row = m_ref[0]
    act = lax.broadcasted_iota(jnp.int32, (_A, a_row.shape[1]), 0)
    oh = jnp.where((a_row == act) & (m_row != 0), 1.0, 0.0)
    sums_ref[0] = jnp.dot(oh, e_ref[0], preferred_element_type=jnp.float32)
    cnt_ref[0] = jnp.sum(oh, axis=1, keepdims=True)


def _tc_segment_call(emb, act, msk):
    n_b, seq, d = emb.shape
    n_tc = n_b - _BSC
    return pl.pallas_call(
        _tc_segment_body,
        grid=(n_tc,),
        in_specs=[
            pl.BlockSpec((1, 1, seq), lambda i: (i + _BSC, 0, 0)),
            pl.BlockSpec((1, 1, seq), lambda i: (i + _BSC, 0, 0)),
            pl.BlockSpec((1, seq, d), lambda i: (i + _BSC, 0, 0)),
        ],
        out_specs=[
            pl.BlockSpec((1, _A, d), lambda i: (i, 0, 0)),
            pl.BlockSpec((1, _A, 1), lambda i: (i, 0, 0)),
        ],
        out_shape=(
            jax.ShapeDtypeStruct((n_tc, _A, d), jnp.float32),
            jax.ShapeDtypeStruct((n_tc, _A, 1), jnp.float32),
        ),
    )(act.reshape(n_b, 1, seq), msk.reshape(n_b, 1, seq), emb)


def _head_body(p_ref, c_ref, ts_ref, tc_ref, W1_ref, b1_ref, W2_ref, b2_ref,
               W3_ref, b3_ref, W4_ref, b4_ref, bins_ref,
               shift_ref, dx_ref, dy_ref, e0_ref, e1_ref, e2_ref):
    parts = p_ref.shape[0]
    p_sc = p_ref[0]
    c_sc = c_ref[0]
    for i in range(1, parts):
        p_sc = p_sc + p_ref[i]
        c_sc = c_sc + c_ref[i]
    cts_sc = jnp.sum(c_sc, axis=1, keepdims=True)
    p = jnp.concatenate([p_sc, ts_ref[...]], axis=0)
    cts = jnp.concatenate([cts_sc, tc_ref[...]], axis=0)
    feats = p / jnp.maximum(cts, 1.0)
    seen = (cts > 0.0).astype(jnp.float32)

    h1 = jnp.maximum(
        jnp.dot(feats, W1_ref[...], preferred_element_type=jnp.float32)
        + b1_ref[...], 0.0)
    logits = jnp.dot(h1, W2_ref[...], preferred_element_type=jnp.float32) + b2_ref[...]
    dx = logits[:, 0:7]
    dy = logits[:, 7:14]
    bins = bins_ref[...]

    def soft_bin(z):
        m = jnp.max(z, axis=1, keepdims=True)
        e = jnp.exp(z - m)
        return jnp.sum(e * bins, axis=1, keepdims=True) / jnp.sum(e, axis=1, keepdims=True)

    h2 = jnp.maximum(
        jnp.dot(feats, W3_ref[...], preferred_element_type=jnp.float32)
        + b3_ref[...], 0.0)
    eff = jnp.dot(h2, W4_ref[...], preferred_element_type=jnp.float32) + b4_ref[...]

    shift_ref[...] = jnp.concatenate([soft_bin(dx), soft_bin(dy)], axis=1) * seen
    dx_ref[...] = dx
    dy_ref[...] = dy

    def sig(z):
        return 1.0 / (1.0 + jnp.exp(-z))

    e0_ref[...] = sig(eff[:, 0:1]) * seen
    e1_ref[...] = sig(eff[:, 1:2]) * seen
    e2_ref[...] = eff[:, 2:3] * seen


def _head_call(partial, cnts, tc_sums, tc_cnt, W1, b1, W2, b2, W3, b3, W4, b4):
    nb = partial.shape[1] + tc_sums.shape[0]
    return pl.pallas_call(
        _head_body,
        out_shape=(
            jax.ShapeDtypeStruct((nb, 2), jnp.float32),
            jax.ShapeDtypeStruct((nb, 7), jnp.float32),
            jax.ShapeDtypeStruct((nb, 7), jnp.float32),
            jax.ShapeDtypeStruct((nb, 1), jnp.float32),
            jax.ShapeDtypeStruct((nb, 1), jnp.float32),
            jax.ShapeDtypeStruct((nb, 1), jnp.float32),
        ),
    )(partial, cnts, tc_sums, tc_cnt,
      W1, b1.reshape(1, -1), W2, b2.reshape(1, -1),
      W3, b3.reshape(1, -1), W4, b4.reshape(1, -1),
      jnp.array(_BINS, jnp.float32).reshape(1, -1))


def kernel(embeddings, actions, mask, W1, b1, W2, b2, W3, b3, W4, b4):
    B, L, D = embeddings.shape
    a_i32 = actions.astype(jnp.int32)
    m_i32 = mask.astype(jnp.int32)

    partial, cnts = _make_sc_call(L, D)(embeddings, a_i32, m_i32)
    tc_sums, tc_cnt = _tc_segment_call(embeddings, a_i32, m_i32)
    shift, dx, dy, e0, e1, e2 = _head_call(
        partial, cnts, tc_sums.reshape((B - _BSC) * _A, D),
        tc_cnt.reshape((B - _BSC) * _A, 1),
        W1, b1, W2, b2, W3, b3, W4, b4)

    return (shift.reshape(B, _A, 2),
            dx.reshape(B, _A, 7),
            dy.reshape(B, _A, 7),
            e0.reshape(B, _A),
            e1.reshape(B, _A),
            e2.reshape(B, _A))

# --- scband reference (transcript-rebuilt; emitter-appended) ---
"""Pipeline reference for scband-action-effect-head-21689584845265 (READ-ONLY COPY).

The authoritative reference and input builder live on the scoring server;
editing this copy changes nothing except your own understanding.
"""

import jax, jax.numpy as jnp
import numpy as np

NUM_ACTIONS = 8
SHIFT_BINS = jnp.array([-16.0, -8.0, -4.0, 0.0, 4.0, 8.0, 16.0], dtype=jnp.float32)


def setup_inputs(seed: int = 0) -> dict:
    key = jax.random.key(seed)
    ks = jax.random.split(key, 12)
    B, L, D = 16, 4096, 256
    embeddings = jax.random.normal(ks[0], (B, L, D), dtype=jnp.float32)
    actions = jax.random.randint(ks[1], (B, L), 0, NUM_ACTIONS)
    mask = jax.random.randint(ks[2], (B, L), 0, 2).astype(bool)

    def lin(k, fan_in, shape):
        return jax.random.uniform(k, shape, jnp.float32, -1.0, 1.0) / np.sqrt(fan_in)

    W1 = lin(ks[3], D, (D, 128)); b1 = lin(ks[4], D, (128,))
    W2 = lin(ks[5], 128, (128, 2 * 7)); b2 = lin(ks[6], 128, (2 * 7,))
    W3 = lin(ks[7], D, (D, 64)); b3 = lin(ks[8], D, (64,))
    W4 = lin(ks[9], 64, (64, 3)); b4 = lin(ks[10], 64, (3,))
    return {"embeddings": embeddings, "actions": actions, "mask": mask,
            "W1": W1, "b1": b1, "W2": W2, "b2": b2,
            "W3": W3, "b3": b3, "W4": W4, "b4": b4}


def reference(embeddings, actions, mask, W1, b1, W2, b2, W3, b3, W4, b4):
    B, L, D = embeddings.shape
    # group-by-action masked mean (segment reduce)
    onehot = (actions[..., None] == jnp.arange(NUM_ACTIONS)[None, None, :]) & mask[..., None]  # [B,L,A]
    oh = onehot.astype(jnp.float32)
    counts = oh.sum(axis=1)  # [B,A]
    summed = jnp.einsum('bla,bld->bad', oh, embeddings)  # [B,A,D]
    safe = jnp.clip(counts, 1.0, None)
    action_features = summed / safe[..., None]

    shift_logits = jnp.maximum(action_features @ W1 + b1, 0.0) @ W2 + b2  # [B,A,14]
    shift_dx_logits = shift_logits[:, :, :7]
    shift_dy_logits = shift_logits[:, :, 7:]
    shift_dx = (jax.nn.softmax(shift_dx_logits, axis=-1) * SHIFT_BINS).sum(axis=-1)
    shift_dy = (jax.nn.softmax(shift_dy_logits, axis=-1) * SHIFT_BINS).sum(axis=-1)
    shift = jnp.stack([shift_dx, shift_dy], axis=-1)  # [B,A,2]

    effects = jnp.maximum(action_features @ W3 + b3, 0.0) @ W4 + b4  # [B,A,3]
    seen = (counts > 0).astype(jnp.float32)[..., None]  # [B,A,1]

    return (shift * seen,
            shift_dx_logits,
            shift_dy_logits,
            jax.nn.sigmoid(effects[:, :, 0]) * seen[..., 0],
            jax.nn.sigmoid(effects[:, :, 1]) * seen[..., 0],
            effects[:, :, 2] * seen[..., 0])

if __name__ == "__main__":
    import jax
    _d = setup_inputs()
    print(jax.jit(kernel)(*tuple(_d.values())))

</pallas_src>

<mosaic_0001>
#map = affine_map<(d0, d1) -> (0, 0, 0)>
#map1 = affine_map<(d0, d1) -> (0, 0)>
module attributes {stable_mosaic.version = 14 : i64} {
  func.func @_sc_segment_sum_body(%arg0: i32, %arg1: i32, %arg2: memref<16x4096x256xf32, #tpu.memory_space<hbm>>, %arg3: memref<16x4096xi32, #tpu.memory_space<hbm>>, %arg4: memref<16x4096xi32, #tpu.memory_space<hbm>>, %arg5: memref<8x32x256xf32, #tpu.memory_space<hbm>>, %arg6: memref<8x32x16xf32, #tpu.memory_space<hbm>>, %arg7: memref<512xi32, #tpu.memory_space<vmem>>, %arg8: memref<512xi32, #tpu.memory_space<vmem>>, %arg9: memref<512xi32, #tpu.memory_space<vmem>>, %arg10: memref<2x128x256xf32, #tpu.memory_space<vmem>>, %arg11: memref<9x256xf32, #tpu.memory_space<vmem>>, %arg12: memref<8x16xf32, #tpu.memory_space<vmem>>, %arg13: memref<!tpu.dma_semaphore, #tpu.memory_space<semaphore_mem>>, %arg14: memref<!tpu.dma_semaphore, #tpu.memory_space<semaphore_mem>>) attributes {dimension_semantics = [#tpu.dimension_semantics<core_parallel>, #tpu.dimension_semantics<subcore_parallel>], iteration_bounds = array<i64: 2, 16>, scalar_prefetch = 0 : i64, scratch_operands = 8 : i64, tpu.core_type = #tpu.core_type<sc_vector_subcore>, window_params = [{transform_indices = #map}, {transform_indices = #map1}, {transform_indices = #map1}, {transform_indices = #map}, {transform_indices = #map}]} {
    %mul3A = arith.constant 16 : i32
    %mul3A_0 = arith.muli %arg0, %mul3A : i32
    %add3A = arith.addi %mul3A_0, %arg1 : i32
    %jit3A = arith.constant 8 : i32
    %div3A = arith.divsi %add3A, %jit3A : i32
    %sign3A = arith.constant 0 : i32
    %sign3A_1 = arith.cmpi sgt, %add3A, %sign3A : i32
    %sign3A_2 = arith.extui %sign3A_1 : i1 to i32
    %sign3A_3 = arith.constant 0 : i32
    %sign3A_4 = arith.cmpi slt, %add3A, %sign3A_3 : i32
    %sign3A_5 = arith.extui %sign3A_4 : i1 to i32
    %sign3A_6 = arith.subi %sign3A_2, %sign3A_5 : i32
    %sign3A_7 = arith.constant 0 : i32
    %sign3A_8 = arith.cmpi sgt, %jit3A, %sign3A_7 : i32
    %sign3A_9 = arith.extui %sign3A_8 : i1 to i32
    %sign3A_10 = arith.constant 0 : i32
    %sign3A_11 = arith.cmpi slt, %jit3A, %sign3A_10 : i32
    %sign3A_12 = arith.extui %sign3A_11 : i1 to i32
    %sign3A_13 = arith.subi %sign3A_9, %sign3A_12 : i32
    %ne3A = arith.cmpi ne, %sign3A_6, %sign3A_13 : i32
    %rem3A = arith.remsi %add3A, %jit3A : i32
    %ne3A_14 = arith.constant 0 : i32
    %ne3A_15 = arith.cmpi ne, %rem3A, %ne3A_14 : i32
    %and3A = arith.andi %ne3A, %ne3A_15 : i1
    %sub3A = arith.constant 1 : i32
    %sub3A_16 = arith.subi %div3A, %sub3A : i32
    %select_n3A = arith.select %and3A, %sub3A_16, %div3A : i32
    %jit3A_17 = arith.constant 8 : i32
    %eq3A = arith.constant 0 : i32
    %eq3A_18 = arith.cmpi eq, %jit3A_17, %eq3A : i32
    %jit3A_19 = arith.constant 1 : i32
    %select_n3A_20 = arith.select %eq3A_18, %jit3A_19, %jit3A_17 : i32
    %rem3A_21 = arith.remsi %add3A, %select_n3A_20 : i32
    %ne3A_22 = arith.constant 0 : i32
    %ne3A_23 = arith.cmpi ne, %rem3A_21, %ne3A_22 : i32
    %lt3A = arith.constant 0 : i32
    %lt3A_24 = arith.cmpi slt, %rem3A_21, %lt3A : i32
    %lt3A_25 = arith.constant 0 : i32
    %lt3A_26 = arith.cmpi slt, %select_n3A_20, %lt3A_25 : i32
    %ne3A_27 = arith.xori %lt3A_24, %lt3A_26 : i1
    %and3A_28 = arith.andi %ne3A_27, %ne3A_23 : i1
    %add3A_29 = arith.addi %rem3A_21, %select_n3A_20 : i32
    %select_n3A_30 = arith.select %and3A_28, %add3A_29, %rem3A_21 : i32
    %mul3A_31 = arith.constant 512 : i32
    %mul3A_32 = arith.muli %select_n3A_30, %mul3A_31 : i32
    %add3A_33 = arith.constant 0 : i32
    %add3A_34 = arith.addi %mul3A_32, %add3A_33 : i32
    %dma_start3A = arith.constant 0 : i32
    %dma_start3A_35 = arith.constant 0 : i32
    %dma_start3A_36 = arith.constant 0 : i32
    %dma_start3A_37 = tpu.memref_slice %arg10[%dma_start3A, %dma_start3A_35, %dma_start3A_36] : memref<2x128x256xf32, #tpu.memory_space<vmem>> -> memref<1x128x256xf32, #tpu.memory_space<vmem>>
    %dma_start3A_38 = tpu.memref_squeeze %dma_start3A_37 : memref<1x128x256xf32, #tpu.memory_space<vmem>> -> memref<128x256xf32, #tpu.memory_space<vmem>>
    %dma_start3A_39 = arith.constant 0 : i32
    %dma_start3A_40 = tpu.memref_slice %arg2[%select_n3A, %add3A_34, %dma_start3A_39] : memref<16x4096x256xf32, #tpu.memory_space<hbm>> -> memref<1x128x256xf32, #tpu.memory_space<hbm>>
    %dma_start3A_41 = tpu.memref_squeeze %dma_start3A_40 : memref<1x128x256xf32, #tpu.memory_space<hbm>> -> memref<128x256xf32, #tpu.memory_space<hbm>>
    %dma_start3A_42 = arith.constant 0 : i32
    %dma_start3A_43 = arith.constant 0 : i32
    %dma_start3A_44 = tpu.memref_slice %arg10[%dma_start3A, %dma_start3A_42, %dma_start3A_43] : memref<2x128x256xf32, #tpu.memory_space<vmem>> -> memref<1x128x256xf32, #tpu.memory_space<vmem>>
    %dma_start3A_45 = tpu.memref_squeeze %dma_start3A_44 : memref<1x128x256xf32, #tpu.memory_space<vmem>> -> memref<128x256xf32, #tpu.memory_space<vmem>>
    %dma_start3A_46 = arith.constant 0 : i32
    %dma_start3A_47 = tpu.memref_slice %arg2[%select_n3A, %add3A_34, %dma_start3A_46] : memref<16x4096x256xf32, #tpu.memory_space<hbm>> -> memref<1x128x256xf32, #tpu.memory_space<hbm>>
    %dma_start3A_48 = tpu.memref_squeeze %dma_start3A_47 : memref<1x128x256xf32, #tpu.memory_space<hbm>> -> memref<128x256xf32, #tpu.memory_space<hbm>>
    tpu.enqueue_dma source(%dma_start3A_48 : memref<128x256xf32, #tpu.memory_space<hbm>>) target(%dma_start3A_45 : memref<128x256xf32, #tpu.memory_space<vmem>>) target_semaphore(%arg13 : memref<!tpu.dma_semaphore, #tpu.memory_space<semaphore_mem>>)
    %add3A_49 = arith.constant 128 : i32
    %add3A_50 = arith.addi %mul3A_32, %add3A_49 : i32
    %dma_start3A_51 = arith.constant 1 : i32
    %dma_start3A_52 = arith.constant 0 : i32
    %dma_start3A_53 = arith.constant 0 : i32
    %dma_start3A_54 = tpu.memref_slice %arg10[%dma_start3A_51, %dma_start3A_52, %dma_start3A_53] : memref<2x128x256xf32, #tpu.memory_space<vmem>> -> memref<1x128x256xf32, #tpu.memory_space<vmem>>
    %dma_start3A_55 = tpu.memref_squeeze %dma_start3A_54 : memref<1x128x256xf32, #tpu.memory_space<vmem>> -> memref<128x256xf32, #tpu.memory_space<vmem>>
    %dma_start3A_56 = arith.constant 0 : i32
    %dma_start3A_57 = tpu.memref_slice %arg2[%select_n3A, %add3A_50, %dma_start3A_56] : memref<16x4096x256xf32, #tpu.memory_space<hbm>> -> memref<1x128x256xf32, #tpu.memory_space<hbm>>
    %dma_start3A_58 = tpu.memref_squeeze %dma_start3A_57 : memref<1x128x256xf32, #tpu.memory_space<hbm>> -> memref<128x256xf32, #tpu.memory_space<hbm>>
    %dma_start3A_59 = arith.constant 0 : i32
    %dma_start3A_60 = arith.constant 0 : i32
    %dma_start3A_61 = tpu.memref_slice %arg10[%dma_start3A_51, %dma_start3A_59, %dma_start3A_60] : memref<2x128x256xf32, #tpu.memory_space<vmem>> -> memref<1x128x256xf32, #tpu.memory_space<vmem>>
    %dma_start3A_62 = tpu.memref_squeeze %dma_start3A_61 : memref<1x128x256xf32, #tpu.memory_space<vmem>> -> memref<128x256xf32, #tpu.memory_space<vmem>>
    %dma_start3A_63 = arith.constant 0 : i32
    %dma_start3A_64 = tpu.memref_slice %arg2[%select_n3A, %add3A_50, %dma_start3A_63] : memref<16x4096x256xf32, #tpu.memory_space<hbm>> -> memref<1x128x256xf32, #tpu.memory_space<hbm>>
    %dma_start3A_65 = tpu.memref_squeeze %dma_start3A_64 : memref<1x128x256xf32, #tpu.memory_space<hbm>> -> memref<128x256xf32, #tpu.memory_space<hbm>>
    tpu.enqueue_dma source(%dma_start3A_65 : memref<128x256xf32, #tpu.memory_space<hbm>>) target(%dma_start3A_62 : memref<128x256xf32, #tpu.memory_space<vmem>>) target_semaphore(%arg14 : memref<!tpu.dma_semaphore, #tpu.memory_space<semaphore_mem>>)
    "tpu.region"() ({
      %run_scoped3A = tpu.sem_alloc : memref<!tpu.dma_semaphore, #tpu.memory_space<semaphore_mem>>
      %dma_start3A_2563 = tpu.memref_slice %arg3[%select_n3A, %mul3A_32] : memref<16x4096xi32, #tpu.memory_space<hbm>> -> memref<1x512xi32, #tpu.memory_space<hbm>>
      %dma_start3A_2564 = tpu.memref_squeeze %dma_start3A_2563 : memref<1x512xi32, #tpu.memory_space<hbm>> -> memref<512xi32, #tpu.memory_space<hbm>>
      %dma_start3A_2565 = tpu.memref_slice %arg3[%select_n3A, %mul3A_32] : memref<16x4096xi32, #tpu.memory_space<hbm>> -> memref<1x512xi32, #tpu.memory_space<hbm>>
      %dma_start3A_2566 = tpu.memref_squeeze %dma_start3A_2565 : memref<1x512xi32, #tpu.memory_space<hbm>> -> memref<512xi32, #tpu.memory_space<hbm>>
      tpu.enqueue_dma source(%dma_start3A_2566 : memref<512xi32, #tpu.memory_space<hbm>>) target(%arg7 : memref<512xi32, #tpu.memory_space<vmem>>) target_semaphore(%run_scoped3A : memref<!tpu.dma_semaphore, #tpu.memory_space<semaphore_mem>>)
      %dma_wait3A_2567 = tpu.memref_slice %arg3[%select_n3A, %mul3A_32] : memref<16x4096xi32, #tpu.memory_space<hbm>> -> memref<1x512xi32, #tpu.memory_space<hbm>>
      %dma_wait3A_2568 = tpu.memref_squeeze %dma_wait3A_2567 : memref<1x512xi32, #tpu.memory_space<hbm>> -> memref<512xi32, #tpu.memory_space<hbm>>
      %dma_wait3A_2569 = tpu.memref_slice %arg3[%select_n3A, %mul3A_32] : memref<16x4096xi32, #tpu.memory_space<hbm>> -> memref<1x512xi32, #tpu.memory_space<hbm>>
      %dma_wait3A_2570 = tpu.memref_squeeze %dma_wait3A_2569 : memref<1x512xi32, #tpu.memory_space<hbm>> -> memref<512xi32, #tpu.memory_space<hbm>>
      tpu.wait_dma2 semaphore(%run_scoped3A : memref<!tpu.dma_semaphore, #tpu.memory_space<semaphore_mem>>) src(%dma_wait3A_2570 : memref<512xi32, #tpu.memory_space<hbm>>) dst(%arg7 : memref<512xi32, #tpu.memory_space<vmem>>)
      tpu.yield
    }) : () -> ()
    "tpu.region"() ({
      %run_scoped3A = tpu.sem_alloc : memref<!tpu.dma_semaphore, #tpu.memory_space<semaphore_mem>>
      %dma_start3A_2563 = tpu.memref_slice %arg4[%select_n3A, %mul3A_32] : memref<16x4096xi32, #tpu.memory_space<hbm>> -> memref<1x512xi32, #tpu.memory_space<hbm>>
      %dma_start3A_2564 = tpu.memref_squeeze %dma_start3A_2563 : memref<1x512xi32, #tpu.memory_space<hbm>> -> memref<512xi32, #tpu.memory_space<hbm>>
      %dma_start3A_2565 = tpu.memref_slice %arg4[%select_n3A, %mul3A_32] : memref<16x4096xi32, #tpu.memory_space<hbm>> -> memref<1x512xi32, #tpu.memory_space<hbm>>
      %dma_start3A_2566 = tpu.memref_squeeze %dma_start3A_2565 : memref<1x512xi32, #tpu.memory_space<hbm>> -> memref<512xi32, #tpu.memory_space<hbm>>
      tpu.enqueue_dma source(%dma_start3A_2566 : memref<512xi32, #tpu.memory_space<hbm>>) target(%arg8 : memref<512xi32, #tpu.memory_space<vmem>>) target_semaphore(%run_scoped3A : memref<!tpu.dma_semaphore, #tpu.memory_space<semaphore_mem>>)
      %dma_wait3A_2567 = tpu.memref_slice %arg4[%select_n3A, %mul3A_32] : memref<16x4096xi32, #tpu.memory_space<hbm>> -> memref<1x512xi32, #tpu.memory_space<hbm>>
      %dma_wait3A_2568 = tpu.memref_squeeze %dma_wait3A_2567 : memref<1x512xi32, #tpu.memory_space<hbm>> -> memref<512xi32, #tpu.memory_space<hbm>>
      %dma_wait3A_2569 = tpu.memref_slice %arg4[%select_n3A, %mul3A_32] : memref<16x4096xi32, #tpu.memory_space<hbm>> -> memref<1x512xi32, #tpu.memory_space<hbm>>
      %dma_wait3A_2570 = tpu.memref_squeeze %dma_wait3A_2569 : memref<1x512xi32, #tpu.memory_space<hbm>> -> memref<512xi32, #tpu.memory_space<hbm>>
      tpu.wait_dma2 semaphore(%run_scoped3A : memref<!tpu.dma_semaphore, #tpu.memory_space<semaphore_mem>>) src(%dma_wait3A_2570 : memref<512xi32, #tpu.memory_space<hbm>>) dst(%arg8 : memref<512xi32, #tpu.memory_space<vmem>>)
      tpu.yield
    }) : () -> ()
    %broadcast_in_dim3A = arith.constant 0.000000e+00 : f32
    %broadcast_in_dim3A_66 = vector.broadcast %broadcast_in_dim3A : f32 to vector<16xf32>
    %swap3A = arith.constant 0 : i32
    %swap3A_67 = arith.index_cast %swap3A : i32 to index
    %swap3A_68 = arith.constant 0 : index
    %swap3A_69 = tpu.vector_load %arg11[%swap3A_67, %swap3A_68] {strides = array<i32>} : memref<9x256xf32, #tpu.memory_space<vmem>>, vector<16xf32>,
    tpu.vector_store %arg11[%swap3A_67, %swap3A_68], %broadcast_in_dim3A_66 {strides = array<i32>} : memref<9x256xf32, #tpu.memory_space<vmem>>, vector<16xf32>,
    %swap3A_70 = arith.constant 0 : i32
    %swap3A_71 = arith.index_cast %swap3A_70 : i32 to index
    %swap3A_72 = arith.constant 16 : index
    %swap3A_73 = tpu.vector_load %arg11[%swap3A_71, %swap3A_72] {strides = array<i32>} : memref<9x256xf32, #tpu.memory_space<vmem>>, vector<16xf32>,
    tpu.vector_store %arg11[%swap3A_71, %swap3A_72], %broadcast_in_dim3A_66 {strides = array<i32>} : memref<9x256xf32, #tpu.memory_space<vmem>>, vector<16xf32>,
    %swap3A_74 = arith.constant 0 : i32
    %swap3A_75 = arith.index_cast %swap3A_74 : i32 to index
    %swap3A_76 = arith.constant 32 : index
    %swap3A_77 = tpu.vector_load %arg11[%swap3A_75, %swap3A_76] {strides = array<i32>} : memref<9x256xf32, #tpu.memory_space<vmem>>, vector<16xf32>,
    tpu.vector_store %arg11[%swap3A_75, %swap3A_76], %broadcast_in_dim3A_66 {strides = array<i32>} : memref<9x256xf32, #tpu.memory_space<vmem>>, vector<16xf32>,
    %swap3A_78 = arith.constant 0 : i32
    %swap3A_79 = arith.index_cast %swap3A_78 : i32 to index
    %swap3A_80 = arith.constant 48 : index
    %swap3A_81 = tpu.vector_load %arg11[%swap3A_79, %swap3A_80] {strides = array<i32>} : memref<9x256xf32, #tpu.memory_space<vmem>>, vector<16xf32>,
    tpu.vector_store %arg11[%swap3A_79, %swap3A_80], %broadcast_in_dim3A_66 {strides = array<i32>} : memref<9x256xf32, #tpu.memory_space<vmem>>, vector<16xf32>,
    %swap3A_82 = arith.constant 0 : i32
    %swap3A_83 = arith.index_cast %swap3A_82 : i32 to index
    %swap3A_84 = arith.constant 64 : index
    %swap3A_85 = tpu.vector_load %arg11[%swap3A_83, %swap3A_84] {strides = array<i32>} : memref<9x256xf32, #tpu.memory_space<vmem>>, vector<16xf32>,
    tpu.vector_store %arg11[%swap3A_83, %swap3A_84], %broadcast_in_dim3A_66 {strides = array<i32>} : memref<9x256xf32, #tpu.memory_space<vmem>>, vector<16xf32>,
    %swap3A_86 = arith.constant 0 : i32
    %swap3A_87 = arith.index_cast %swap3A_86 : i32 to index
    %swap3A_88 = arith.constant 80 : index
    %swap3A_89 = tpu.vector_load %arg11[%swap3A_87, %swap3A_88] {strides = array<i32>} : memref<9x256xf32, #tpu.memory_space<vmem>>, vector<16xf32>,
    tpu.vector_store %arg11[%swap3A_87, %swap3A_88], %broadcast_in_dim3A_66 {strides = array<i32>} : memref<9x256xf32, #tpu.memory_space<vmem>>, vector<16xf32>,
    %swap3A_90 = arith.constant 0 : i32
    %swap3A_91 = arith.index_cast %swap3A_90 : i32 to index
    %swap3A_92 = arith.constant 96 : index
    %swap3A_93 = tpu.vector_load %arg11[%swap3A_91, %swap3A_92] {strides = array<i32>} : memref<9x256xf32, #tpu.memory_space<vmem>>, vector<16xf32>,
    tpu.vector_store %arg11[%swap3A_91, %swap3A_92], %broadcast_in_dim3A_66 {strides = array<i32>} : memref<9x256xf32, #tpu.memory_space<vmem>>, vector<16xf32>,
    %swap3A_94 = arith.constant 0 : i32
    %swap3A_95 = arith.index_cast %swap3A_94 : i32 to index
    %swap3A_96 = arith.constant 112 : index
    %swap3A_97 = tpu.vector_load %arg11[%swap3A_95, %swap3A_96] {strides = array<i32>} : memref<9x256xf32, #tpu.memory_space<vmem>>, vector<16xf32>,
    tpu.vector_store %arg11[%swap3A_95, %swap3A_96], %broadcast_in_dim3A_66 {strides = array<i32>} : memref<9x256xf32, #tpu.memory_space<vmem>>, vector<16xf32>,
    %swap3A_98 = arith.constant 0 : i32
    %swap3A_99 = arith.index_cast %swap3A_98 : i32 to index
    %swap3A_100 = arith.constant 128 : index
    %swap3A_101 = tpu.vector_load %arg11[%swap3A_99, %swap3A_100] {strides = array<i32>} : memref<9x256xf32, #tpu.memory_space<vmem>>, vector<16xf32>,
    tpu.vector_store %arg11[%swap3A_99, %swap3A_100], %broadcast_in_dim3A_66 {strides = array<i32>} : memref<9x256xf32, #tpu.memory_space<vmem>>, vector<16xf32>,
    %swap3A_102 = arith.constant 0 : i32
    %swap3A_103 = arith.index_cast %swap3A_102 : i32 to index
    %swap3A_104 = arith.constant 144 : index
    %swap3A_105 = tpu.vector_load %arg11[%swap3A_103, %swap3A_104] {strides = array<i32>} : memref<9x256xf32, #tpu.memory_space<vmem>>, vector<16xf32>,
    tpu.vector_store %arg11[%swap3A_103, %swap3A_104], %broadcast_in_dim3A_66 {strides = array<i32>} : memref<9x256xf32, #tpu.memory_space<vmem>>, vector<16xf32>,
    %swap3A_106 = arith.constant 0 : i32
    %swap3A_107 = arith.index_cast %swap3A_106 : i32 to index
    %swap3A_108 = arith.constant 160 : index
    %swap3A_109 = tpu.vector_load %arg11[%swap3A_107, %swap3A_108] {strides = array<i32>} : memref<9x256xf32, #tpu.memory_space<vmem>>, vector<16xf32>,
    tpu.vector_store %arg11[%swap3A_107, %swap3A_108], %broadcast_in_dim3A_66 {strides = array<i32>} : memref<9x256xf32, #tpu.memory_space<vmem>>, vector<16xf32>,
    %swap3A_110 = arith.constant 0 : i32
    %swap3A_111 = arith.index_cast %swap3A_110 : i32 to index
    %swap3A_112 = arith.constant 176 : index
    %swap3A_113 = tpu.vector_load %arg11[%swap3A_111, %swap3A_112] {strides = array<i32>} : memref<9x256xf32, #tpu.memory_space<vmem>>, vector<16xf32>,
    tpu.vector_store %arg11[%swap3A_111, %swap3A_112], %broadcast_in_dim3A_66 {strides = array<i32>} : memref<9x256xf32, #tpu.memory_space<vmem>>, vector<16xf32>,
    %swap3A_114 = arith.constant 0 : i32
    %swap3A_115 = arith.index_cast %swap3A_114 : i32 to index
    %swap3A_116 = arith.constant 192 : index
    %swap3A_117 = tpu.vector_load %arg11[%swap3A_115, %swap3A_116] {strides = array<i32>} : memref<9x256xf32, #tpu.memory_space<vmem>>, vector<16xf32>,
    tpu.vector_store %arg11[%swap3A_115, %swap3A_116], %broadcast_in_dim3A_66 {strides = array<i32>} : memref<9x256xf32, #tpu.memory_space<vmem>>, vector<16xf32>,
    %swap3A_118 = arith.constant 0 : i32
    %swap3A_119 = arith.index_cast %swap3A_118 : i32 to index
    %swap3A_120 = arith.constant 208 : index
    %swap3A_121 = tpu.vector_load %arg11[%swap3A_119, %swap3A_120] {strides = array<i32>} : memref<9x256xf32, #tpu.memory_space<vmem>>, vector<16xf32>,
    tpu.vector_store %arg11[%swap3A_119, %swap3A_120], %broadcast_in_dim3A_66 {strides = array<i32>} : memref<9x256xf32, #tpu.memory_space<vmem>>, vector<16xf32>,
    %swap3A_122 = arith.constant 0 : i32
    %swap3A_123 = arith.index_cast %swap3A_122 : i32 to index
    %swap3A_124 = arith.constant 224 : index
    %swap3A_125 = tpu.vector_load %arg11[%swap3A_123, %swap3A_124] {strides = array<i32>} : memref<9x256xf32, #tpu.memory_space<vmem>>, vector<16xf32>,
    tpu.vector_store %arg11[%swap3A_123, %swap3A_124], %broadcast_in_dim3A_66 {strides = array<i32>} : memref<9x256xf32, #tpu.memory_space<vmem>>, vector<16xf32>,
    %swap3A_126 = arith.constant 0 : i32
    %swap3A_127 = arith.index_cast %swap3A_126 : i32 to index
    %swap3A_128 = arith.constant 240 : index
    %swap3A_129 = tpu.vector_load %arg11[%swap3A_127, %swap3A_128] {strides = array<i32>} : memref<9x256xf32, #tpu.memory_space<vmem>>, vector<16xf32>,
    tpu.vector_store %arg11[%swap3A_127, %swap3A_128], %broadcast_in_dim3A_66 {strides = array<i32>} : memref<9x256xf32, #tpu.memory_space<vmem>>, vector<16xf32>,
    %swap3A_130 = arith.constant 1 : i32
    %swap3A_131 = arith.index_cast %swap3A_130 : i32 to index
    %swap3A_132 = arith.constant 0 : index
    %swap3A_133 = tpu.vector_load %arg11[%swap3A_131, %swap3A_132] {strides = array<i32>} : memref<9x256xf32, #tpu.memory_space<vmem>>, vector<16xf32>,
    tpu.vector_store %arg11[%swap3A_131, %swap3A_132], %broadcast_in_dim3A_66 {strides = array<i32>} : memref<9x256xf32, #tpu.memory_space<vmem>>, vector<16xf32>,
    %swap3A_134 = arith.constant 1 : i32
    %swap3A_135 = arith.index_cast %swap3A_134 : i32 to index
    %swap3A_136 = arith.constant 16 : index
    %swap3A_137 = tpu.vector_load %arg11[%swap3A_135, %swap3A_136] {strides = array<i32>} : memref<9x256xf32, #tpu.memory_space<vmem>>, vector<16xf32>,
    tpu.vector_store %arg11[%swap3A_135, %swap3A_136], %broadcast_in_dim3A_66 {strides = array<i32>} : memref<9x256xf32, #tpu.memory_space<vmem>>, vector<16xf32>,
    %swap3A_138 = arith.constant 1 : i32
    %swap3A_139 = arith.index_cast %swap3A_138 : i32 to index
    %swap3A_140 = arith.constant 32 : index
    %swap3A_141 = tpu.vector_load %arg11[%swap3A_139, %swap3A_140] {strides = array<i32>} : memref<9x256xf32, #tpu.memory_space<vmem>>, vector<16xf32>,
    tpu.vector_store %arg11[%swap3A_139, %swap3A_140], %broadcast_in_dim3A_66 {strides = array<i32>} : memref<9x256xf32, #tpu.memory_space<vmem>>, vector<16xf32>,
    %swap3A_142 = arith.constant 1 : i32
    %swap3A_143 = arith.index_cast %swap3A_142 : i32 to index
    %swap3A_144 = arith.constant 48 : index
    %swap3A_145 = tpu.vector_load %arg11[%swap3A_143, %swap3A_144] {strides = array<i32>} : memref<9x256xf32, #tpu.memory_space<vmem>>, vector<16xf32>,
    tpu.vector_store %arg11[%swap3A_143, %swap3A_144], %broadcast_in_dim3A_66 {strides = array<i32>} : memref<9x256xf32, #tpu.memory_space<vmem>>, vector<16xf32>,
    %swap3A_146 = arith.constant 1 : i32
    %swap3A_147 = arith.index_cast %swap3A_146 : i32 to index
    %swap3A_148 = arith.constant 64 : index
    %swap3A_149 = tpu.vector_load %arg11[%swap3A_147, %swap3A_148] {strides = array<i32>} : memref<9x256xf32, #tpu.memory_space<vmem>>, vector<16xf32>,
    tpu.vector_store %arg11[%swap3A_147, %swap3A_148], %broadcast_in_dim3A_66 {strides = array<i32>} : memref<9x256xf32, #tpu.memory_space<vmem>>, vector<16xf32>,
    %swap3A_150 = arith.constant 1 : i32
    %swap3A_151 = arith.index_cast %swap3A_150 : i32 to index
    %swap3A_152 = arith.constant 80 : index
    %swap3A_153 = tpu.vector_load %arg11[%swap3A_151, %swap3A_152] {strides = array<i32>} : memref<9x256xf32, #tpu.memory_space<vmem>>, vector<16xf32>,
    tpu.vector_store %arg11[%swap3A_151, %swap3A_152], %broadcast_in_dim3A_66 {strides = array<i32>} : memref<9x256xf32, #tpu.memory_space<vmem>>, vector<16xf32>,
    %swap3A_154 = arith.constant 1 : i32
    %swap3A_155 = arith.index_cast %swap3A_154 : i32 to index
    %swap3A_156 = arith.constant 96 : index
    %swap3A_157 = tpu.vector_load %arg11[%swap3A_155, %swap3A_156] {strides = array<i32>} : memref<9x256xf32, #tpu.memory_space<vmem>>, vector<16xf32>,
    tpu.vector_store %arg11[%swap3A_155, %swap3A_156], %broadcast_in_dim3A_66 {strides = array<i32>} : memref<9x256xf32, #tpu.memory_space<vmem>>, vector<16xf32>,
    %swap3A_158 = arith.constant 1 : i32
    %swap3A_159 = arith.index_cast %swap3A_158 : i32 to index
    %swap3A_160 = arith.constant 112 : index
    %swap3A_161 = tpu.vector_load %arg11[%swap3A_159, %swap3A_160] {strides = array<i32>} : memref<9x256xf32, #tpu.memory_space<vmem>>, vector<16xf32>,
    tpu.vector_store %arg11[%swap3A_159, %swap3A_160], %broadcast_in_dim3A_66 {strides = array<i32>} : memref<9x256xf32, #tpu.memory_space<vmem>>, vector<16xf32>,
    %swap3A_162 = arith.constant 1 : i32
    %swap3A_163 = arith.index_cast %swap3A_162 : i32 to index
    %swap3A_164 = arith.constant 128 : index
    %swap3A_165 = tpu.vector_load %arg11[%swap3A_163, %swap3A_164] {strides = array<i32>} : memref<9x256xf32, #tpu.memory_space<vmem>>, vector<16xf32>,
    tpu.vector_store %arg11[%swap3A_163, %swap3A_164], %broadcast_in_dim3A_66 {strides = array<i32>} : memref<9x256xf32, #tpu.memory_space<vmem>>, vector<16xf32>,
    %swap3A_166 = arith.constant 1 : i32
    %swap3A_167 = arith.index_cast %swap3A_166 : i32 to index
    %swap3A_168 = arith.constant 144 : index
    %swap3A_169 = tpu.vector_load %arg11[%swap3A_167, %swap3A_168] {strides = array<i32>} : memref<9x256xf32, #tpu.memory_space<vmem>>, vector<16xf32>,
    tpu.vector_store %arg11[%swap3A_167, %swap3A_168], %broadcast_in_dim3A_66 {strides = array<i32>} : memref<9x256xf32, #tpu.memory_space<vmem>>, vector<16xf32>,
    %swap3A_170 = arith.constant 1 : i32
    %swap3A_171 = arith.index_cast %swap3A_170 : i32 to index
    %swap3A_172 = arith.constant 160 : index
    %swap3A_173 = tpu.vector_load %arg11[%swap3A_171, %swap3A_172] {strides = array<i32>} : memref<9x256xf32, #tpu.memory_space<vmem>>, vector<16xf32>,
    tpu.vector_store %arg11[%swap3A_171, %swap3A_172], %broadcast_in_dim3A_66 {strides = array<i32>} : memref<9x256xf32, #tpu.memory_space<vmem>>, vector<16xf32>,
    %swap3A_174 = arith.constant 1 : i32
    %swap3A_175 = arith.index_cast %swap3A_174 : i32 to index
    %swap3A_176 = arith.constant 176 : index
    %swap3A_177 = tpu.vector_load %arg11[%swap3A_175, %swap3A_176] {strides = array<i32>} : memref<9x256xf32, #tpu.memory_space<vmem>>, vector<16xf32>,
    tpu.vector_store %arg11[%swap3A_175, %swap3A_176], %broadcast_in_dim3A_66 {strides = array<i32>} : memref<9x256xf32, #tpu.memory_space<vmem>>, vector<16xf32>,
    %swap3A_178 = arith.constant 1 : i32
    %swap3A_179 = arith.index_cast %swap3A_178 : i32 to index
    %swap3A_180 = arith.constant 192 : index
    %swap3A_181 = tpu.vector_load %arg11[%swap3A_179, %swap3A_180] {strides = array<i32>} : memref<9x256xf32, #tpu.memory_space<vmem>>, vector<16xf32>,
    tpu.vector_store %arg11[%swap3A_179, %swap3A_180], %broadcast_in_dim3A_66 {strides = array<i32>} : memref<9x256xf32, #tpu.memory_space<vmem>>, vector<16xf32>,
    %swap3A_182 = arith.constant 1 : i32
    %swap3A_183 = arith.index_cast %swap3A_182 : i32 to index
    %swap3A_184 = arith.constant 208 : index
    %swap3A_185 = tpu.vector_load %arg11[%swap3A_183, %swap3A_184] {strides = array<i32>} : memref<9x256xf32, #tpu.memory_space<vmem>>, vector<16xf32>,
    tpu.vector_store %arg11[%swap3A_183, %swap3A_184], %broadcast_in_dim3A_66 {strides = array<i32>} : memref<9x256xf32, #tpu.memory_space<vmem>>, vector<16xf32>,
    %swap3A_186 = arith.constant 1 : i32
    %swap3A_187 = arith.index_cast %swap3A_186 : i32 to index
    %swap3A_188 = arith.constant 224 : index
    %swap3A_189 = tpu.vector_load %arg11[%swap3A_187, %swap3A_188] {strides = array<i32>} : memref<9x256xf32, #tpu.memory_space<vmem>>, vector<16xf32>,
    tpu.vector_store %arg11[%swap3A_187, %swap3A_188], %broadcast_in_dim3A_66 {strides = array<i32>} : memref<9x256xf32, #tpu.memory_space<vmem>>, vector<16xf32>,
    %swap3A_190 = arith.constant 1 : i32
    %swap3A_191 = arith.index_cast %swap3A_190 : i32 to index
    %swap3A_192 = arith.constant 240 : index
    %swap3A_193 = tpu.vector_load %arg11[%swap3A_191, %swap3A_192] {strides = array<i32>} : memref<9x256xf32, #tpu.memory_space<vmem>>, vector<16xf32>,
    tpu.vector_store %arg11[%swap3A_191, %swap3A_192], %broadcast_in_dim3A_66 {strides = array<i32>} : memref<9x256xf32, #tpu.memory_space<vmem>>, vector<16xf32>,
    %swap3A_194 = arith.constant 2 : i32
    %swap3A_195 = arith.index_cast %swap3A_194 : i32 to index
    %swap3A_196 = arith.constant 0 : index
    %swap3A_197 = tpu.vector_load %arg11[%swap3A_195, %swap3A_196] {strides = array<i32>} : memref<9x256xf32, #tpu.memory_space<vmem>>, vector<16xf32>,
    tpu.vector_store %arg11[%swap3A_195, %swap3A_196], %broadcast_in_dim3A_66 {strides = array<i32>} : memref<9x256xf32, #tpu.memory_space<vmem>>, vector<16xf32>,
    %swap3A_198 = arith.constant 2 : i32
    %swap3A_199 = arith.index_cast %swap3A_198 : i32 to index
    %swap3A_200 = arith.constant 16 : index
    %swap3A_201 = tpu.vector_load %arg11[%swap3A_199, %swap3A_200] {strides = array<i32>} : memref<9x256xf32, #tpu.memory_space<vmem>>, vector<16xf32>,
    tpu.vector_store %arg11[%swap3A_199, %swap3A_200], %broadcast_in_dim3A_66 {strides = array<i32>} : memref<9x256xf32, #tpu.memory_space<vmem>>, vector<16xf32>,
    %swap3A_202 = arith.constant 2 : i32
    %swap3A_203 = arith.index_cast %swap3A_202 : i32 to index
    %swap3A_204 = arith.constant 32 : index
    %swap3A_205 = tpu.vector_load %arg11[%swap3A_203, %swap3A_204] {strides = array<i32>} : memref<9x256xf32, #tpu.memory_space<vmem>>, vector<16xf32>,
    tpu.vector_store %arg11[%swap3A_203, %swap3A_204], %broadcast_in_dim3A_66 {strides = array<i32>} : memref<9x256xf32, #tpu.memory_space<vmem>>, vector<16xf32>,
    %swap3A_206 = arith.constant 2 : i32
    %swap3A_207 = arith.index_cast %swap3A_206 : i32 to index
    %swap3A_208 = arith.constant 48 : index
    %swap3A_209 = tpu.vector_load %arg11[%swap3A_207, %swap3A_208] {strides = array<i32>} : memref<9x256xf32, #tpu.memory_space<vmem>>, vector<16xf32>,
    tpu.vector_store %arg11[%swap3A_207, %swap3A_208], %broadcast_in_dim3A_66 {strides = array<i32>} : memref<9x256xf32, #tpu.memory_space<vmem>>, vector<16xf32>,
    %swap3A_210 = arith.constant 2 : i32
    %swap3A_211 = arith.index_cast %swap3A_210 : i32 to index
    %swap3A_212 = arith.constant 64 : index
    %swap3A_213 = tpu.vector_load %arg11[%swap3A_211, %swap3A_212] {strides = array<i32>} : memref<9x256xf32, #tpu.memory_space<vmem>>, vector<16xf32>,
    tpu.vector_store %arg11[%swap3A_211, %swap3A_212], %broadcast_in_dim3A_66 {strides = array<i32>} : memref<9x256xf32, #tpu.memory_space<vmem>>, vector<16xf32>,
    %swap3A_214 = arith.constant 2 : i32
    %swap3A_215 = arith.index_cast %swap3A_214 : i32 to index
    %swap3A_216 = arith.constant 80 : index
    %swap3A_217 = tpu.vector_load %arg11[%swap3A_215, %swap3A_216] {strides = array<i32>} : memref<9x256xf32, #tpu.memory_space<vmem>>, vector<16xf32>,
    tpu.vector_store %arg11[%swap3A_215, %swap3A_216], %broadcast_in_dim3A_66 {strides = array<i32>} : memref<9x256xf32, #tpu.memory_space<vmem>>, vector<16xf32>,
    %swap3A_218 = arith.constant 2 : i32
    %swap3A_219 = arith.index_cast %swap3A_218 : i32 to index
    %swap3A_220 = arith.constant 96 : index
    %swap3A_221 = tpu.vector_load %arg11[%swap3A_219, %swap3A_220] {strides = array<i32>} : memref<9x256xf32, #tpu.memory_space<vmem>>, vector<16xf32>,
    tpu.vector_store %arg11[%swap3A_219, %swap3A_220], %broadcast_in_dim3A_66 {strides = array<i32>} : memref<9x256xf32, #tpu.memory_space<vmem>>, vector<16xf32>,
    %swap3A_222 = arith.constant 2 : i32
    %swap3A_223 = arith.index_cast %swap3A_222 : i32 to index
    %swap3A_224 = arith.constant 112 : index
    %swap3A_225 = tpu.vector_load %arg11[%swap3A_223, %swap3A_224] {strides = array<i32>} : memref<9x256xf32, #tpu.memory_space<vmem>>, vector<16xf32>,
    tpu.vector_store %arg11[%swap3A_223, %swap3A_224], %broadcast_in_dim3A_66 {strides = array<i32>} : memref<9x256xf32, #tpu.memory_space<vmem>>, vector<16xf32>,
    %swap3A_226 = arith.constant 2 : i32
    %swap3A_227 = arith.index_cast %swap3A_226 : i32 to index
    %swap3A_228 = arith.constant 128 : index
    %swap3A_229 = tpu.vector_load %arg11[%swap3A_227, %swap3A_228] {strides = array<i32>} : memref<9x256xf32, #tpu.memory_space<vmem>>, vector<16xf32>,
    tpu.vector_store %arg11[%swap3A_227, %swap3A_228], %broadcast_in_dim3A_66 {strides = array<i32>} : memref<9x256xf32, #tpu.memory_space<vmem>>, vector<16xf32>,
    %swap3A_230 = arith.constant 2 : i32
    %swap3A_231 = arith.index_cast %swap3A_230 : i32 to index
    %swap3A_232 = arith.constant 144 : index
    %swap3A_233 = tpu.vector_load %arg11[%swap3A_231, %swap3A_232] {strides = array<i32>} : memref<9x256xf32, #tpu.memory_space<vmem>>, vector<16xf32>,
    tpu.vector_store %arg11[%swap3A_231, %swap3A_232], %broadcast_in_dim3A_66 {strides = array<i32>} : memref<9x256xf32, #tpu.memory_space<vmem>>, vector<16xf32>,
    %swap3A_234 = arith.constant 2 : i32
    %swap3A_235 = arith.index_cast %swap3A_234 : i32 to index
    %swap3A_236 = arith.constant 160 : index
    %swap3A_237 = tpu.vector_load %arg11[%swap3A_235, %swap3A_236] {strides = array<i32>} : memref<9x256xf32, #tpu.memory_space<vmem>>, vector<16xf32>,
    tpu.vector_store %arg11[%swap3A_235, %swap3A_236], %broadcast_in_dim3A_66 {strides = array<i32>} : memref<9x256xf32, #tpu.memory_space<vmem>>, vector<16xf32>,
    %swap3A_238 = arith.constant 2 : i32
    %swap3A_239 = arith.index_cast %swap3A_238 : i32 to index
    %swap3A_240 = arith.constant 176 : index
    %swap3A_241 = tpu.vector_load %arg11[%swap3A_239, %swap3A_240] {strides = array<i32>} : memref<9x256xf32, #tpu.memory_space<vmem>>, vector<16xf32>,
    tpu.vector_store %arg11[%swap3A_239, %swap3A_240], %broadcast_in_dim3A_66 {strides = array<i32>} : memref<9x256xf32, #tpu.memory_space<vmem>>, vector<16xf32>,
    %swap3A_242 = arith.constant 2 : i32
    %swap3A_243 = arith.index_cast %swap3A_242 : i32 to index
    %swap3A_244 = arith.constant 192 : index
    %swap3A_245 = tpu.vector_load %arg11[%swap3A_243, %swap3A_244] {strides = array<i32>} : memref<9x256xf32, #tpu.memory_space<vmem>>, vector<16xf32>,
    tpu.vector_store %arg11[%swap3A_243, %swap3A_244], %broadcast_in_dim3A_66 {strides = array<i32>} : memref<9x256xf32, #tpu.memory_space<vmem>>, vector<16xf32>,
    %swap3A_246 = arith.constant 2 : i32
    %swap3A_247 = arith.index_cast %swap3A_246 : i32 to index
    %swap3A_248 = arith.constant 208 : index
    %swap3A_249 = tpu.vector_load %arg11[%swap3A_247, %swap3A_248] {strides = array<i32>} : memref<9x256xf32, #tpu.memory_space<vmem>>, vector<16xf32>,
    tpu.vector_store %arg11[%swap3A_247, %swap3A_248], %broadcast_in_dim3A_66 {strides = array<i32>} : memref<9x256xf32, #tpu.memory_space<vmem>>, vector<16xf32>,
    %swap3A_250 = arith.constant 2 : i32
    %swap3A_251 = arith.index_cast %swap3A_250 : i32 to index
    %swap3A_252 = arith.constant 224 : index
    %swap3A_253 = tpu.vector_load %arg11[%swap3A_251, %swap3A_252] {strides = array<i32>} : memref<9x256xf32, #tpu.memory_space<vmem>>, vector<16xf32>,
    tpu.vector_store %arg11[%swap3A_251, %swap3A_252], %broadcast_in_dim3A_66 {strides = array<i32>} : memref<9x256xf32, #tpu.memory_space<vmem>>, vector<16xf32>,
    %swap3A_254 = arith.constant 2 : i32
    %swap3A_255 = arith.index_cast %swap3A_254 : i32 to index
    %swap3A_256 = arith.constant 240 : index
    %swap3A_257 = tpu.vector_load %arg11[%swap3A_255, %swap3A_256] {strides = array<i32>} : memref<9x256xf32, #tpu.memory_space<vmem>>, vector<16xf32>,
    tpu.vector_store %arg11[%swap3A_255, %swap3A_256], %broadcast_in_dim3A_66 {strides = array<i32>} : memref<9x256xf32, #tpu.memory_space<vmem>>, vector<16xf32>,
    %swap3A_258 = arith.constant 3 : i32
    %swap3A_259 = arith.index_cast %swap3A_258 : i32 to index
    %swap3A_260 = arith.constant 0 : index
    %swap3A_261 = tpu.vector_load %arg11[%swap3A_259, %swap3A_260] {strides = array<i32>} : memref<9x256xf32, #tpu.memory_space<vmem>>, vector<16xf32>,
    tpu.vector_store %arg11[%swap3A_259, %swap3A_260], %broadcast_in_dim3A_66 {strides = array<i32>} : memref<9x256xf32, #tpu.memory_space<vmem>>, vector<16xf32>,
    %swap3A_262 = arith.constant 3 : i32
    %swap3A_263 = arith.index_cast %swap3A_262 : i32 to index
    %swap3A_264 = arith.constant 16 : index
    %swap3A_265 = tpu.vector_load %arg11[%swap3A_263, %swap3A_264] {strides = array<i32>} : memref<9x256xf32, #tpu.memory_space<vmem>>, vector<16xf32>,
    tpu.vector_store %arg11[%swap3A_263, %swap3A_264], %broadcast_in_dim3A_66 {strides = array<i32>} : memref<9x256xf32, #tpu.memory_space<vmem>>, vector<16xf32>,
    %swap3A_266 = arith.constant 3 : i32
    %swap3A_267 = arith.index_cast %swap3A_266 : i32 to index
    %swap3A_268 = arith.constant 32 : index
    %swap3A_269 = tpu.vector_load %arg11[%swap3A_267, %swap3A_268] {strides = array<i32>} : memref<9x256xf32, #tpu.memory_space<vmem>>, vector<16xf32>,
    tpu.vector_store %arg11[%swap3A_267, %swap3A_268], %broadcast_in_dim3A_66 {strides = array<i32>} : memref<9x256xf32, #tpu.memory_space<vmem>>, vector<16xf32>,
    %swap3A_270 = arith.constant 3 : i32
    %swap3A_271 = arith.index_cast %swap3A_270 : i32 to index
    %swap3A_272 = arith.constant 48 : index
    %swap3A_273 = tpu.vector_load %arg11[%swap3A_271, %swap3A_272] {strides = array<i32>} : memref<9x256xf32, #tpu.memory_space<vmem>>, vector<16xf32>,
    tpu.vector_store %arg11[%swap3A_271, %swap3A_272], %broadcast_in_dim3A_66 {strides = array<i32>} : memref<9x256xf32, #tpu.memory_space<vmem>>, vector<16xf32>,
    %swap3A_274 = arith.constant 3 : i32
    %swap3A_275 = arith.index_cast %swap3A_274 : i32 to index
    %swap3A_276 = arith.constant 64 : index
    %swap3A_277 = tpu.vector_load %arg11[%swap3A_275, %swap3A_276] {strides = array<i32>} : memref<9x256xf32, #tpu.memory_space<vmem>>, vector<16xf32>,
    tpu.vector_store %arg11[%swap3A_275, %swap3A_276], %broadcast_in_dim3A_66 {strides = array<i32>} : memref<9x256xf32, #tpu.memory_space<vmem>>, vector<16xf32>,
    %swap3A_278 = arith.constant 3 : i32
    %swap3A_279 = arith.index_cast %swap3A_278 : i32 to index
    %swap3A_280 = arith.constant 80 : index
    %swap3A_281 = tpu.vector_load %arg11[%swap3A_279, %swap3A_280] {strides = array<i32>} : memref<9x256xf32, #tpu.memory_space<vmem>>, vector<16xf32>,
    tpu.vector_store %arg11[%swap3A_279, %swap3A_280], %broadcast_in_dim3A_66 {strides = array<i32>} : memref<9x256xf32, #tpu.memory_space<vmem>>, vector<16xf32>,
    %swap3A_282 = arith.constant 3 : i32
    %swap3A_283 = arith.index_cast %swap3A_282 : i32 to index
    %swap3A_284 = arith.constant 96 : index
    %swap3A_285 = tpu.vector_load %arg11[%swap3A_283, %swap3A_284] {strides = array<i32>} : memref<9x256xf32, #tpu.memory_space<vmem>>, vector<16xf32>,
    tpu.vector_store %arg11[%swap3A_283, %swap3A_284], %broadcast_in_dim3A_66 {strides = array<i32>} : memref<9x256xf32, #tpu.memory_space<vmem>>, vector<16xf32>,
    %swap3A_286 = arith.constant 3 : i32
    %swap3A_287 = arith.index_cast %swap3A_286 : i32 to index
    %swap3A_288 = arith.constant 112 : index
    %swap3A_289 = tpu.vector_load %arg11[%swap3A_287, %swap3A_288] {strides = array<i32>} : memref<9x256xf32, #tpu.memory_space<vmem>>, vector<16xf32>,
    tpu.vector_store %arg11[%swap3A_287, %swap3A_288], %broadcast_in_dim3A_66 {strides = array<i32>} : memref<9x256xf32, #tpu.memory_space<vmem>>, vector<16xf32>,
    %swap3A_290 = arith.constant 3 : i32
    %swap3A_291 = arith.index_cast %swap3A_290 : i32 to index
    %swap3A_292 = arith.constant 128 : index
    %swap3A_293 = tpu.vector_load %arg11[%swap3A_291, %swap3A_292] {strides = array<i32>} : memref<9x256xf32, #tpu.memory_space<vmem>>, vector<16xf32>,
    tpu.vector_store %arg11[%swap3A_291, %swap3A_292], %broadcast_in_dim3A_66 {strides = array<i32>} : memref<9x256xf32, #tpu.memory_space<vmem>>, vector<16xf32>,
    %swap3A_294 = arith.constant 3 : i32
    %swap3A_295 = arith.index_cast %swap3A_294 : i32 to index
    %swap3A_296 = arith.constant 144 : index
    %swap3A_297 = tpu.vector_load %arg11[%swap3A_295, %swap3A_296] {strides = array<i32>} : memref<9x256xf32, #tpu.memory_space<vmem>>, vector<16xf32>,
    tpu.vector_store %arg11[%swap3A_295, %swap3A_296], %broadcast_in_dim3A_66 {strides = array<i32>} : memref<9x256xf32, #tpu.memory_space<vmem>>, vector<16xf32>,
    %swap3A_298 = arith.constant 3 : i32
    %swap3A_299 = arith.index_cast %swap3A_298 : i32 to index
    %swap3A_300 = arith.constant 160 : index
    %swap3A_301 = tpu.vector_load %arg11[%swap3A_299, %swap3A_300] {strides = array<i32>} : memref<9x256xf32, #tpu.memory_space<vmem>>, vector<16xf32>,
    tpu.vector_store %arg11[%swap3A_299, %swap3A_300], %broadcast_in_dim3A_66 {strides = array<i32>} : memref<9x256xf32, #tpu.memory_space<vmem>>, vector<16xf32>,
    %swap3A_302 = arith.constant 3 : i32
    %swap3A_303 = arith.index_cast %swap3A_302 : i32 to index
    %swap3A_304 = arith.constant 176 : index
    %swap3A_305 = tpu.vector_load %arg11[%swap3A_303, %swap3A_304] {strides = array<i32>} : memref<9x256xf32, #tpu.memory_space<vmem>>, vector<16xf32>,
    tpu.vector_store %arg11[%swap3A_303, %swap3A_304], %broadcast_in_dim3A_66 {strides = array<i32>} : memref<9x256xf32, #tpu.memory_space<vmem>>, vector<16xf32>,
    %swap3A_306 = arith.constant 3 : i32
    %swap3A_307 = arith.index_cast %swap3A_306 : i32 to index
    %swap3A_308 = arith.constant 192 : index
    %swap3A_309 = tpu.vector_load %arg11[%swap3A_307, %swap3A_308] {strides = array<i32>} : memref<9x256xf32, #tpu.memory_space<vmem>>, vector<16xf32>,
    tpu.vector_store %arg11[%swap3A_307, %swap3A_308], %broadcast_in_dim3A_66 {strides = array<i32>} : memref<9x256xf32, #tpu.memory_space<vmem>>, vector<16xf32>,
    %swap3A_310 = arith.constant 3 : i32
    %swap3A_311 = arith.index_cast %swap3A_310 : i32 to index
    %swap3A_312 = arith.constant 208 : index
    %swap3A_313 = tpu.vector_load %arg11[%swap3A_311, %swap3A_312] {strides = array<i32>} : memref<9x256xf32, #tpu.memory_space<vmem>>, vector<16xf32>,
    tpu.vector_store %arg11[%swap3A_311, %swap3A_312], %broadcast_in_dim3A_66 {strides = array<i32>} : memref<9x256xf32, #tpu.memory_space<vmem>>, vector<16xf32>,
    %swap3A_314 = arith.constant 3 : i32
    %swap3A_315 = arith.index_cast %swap3A_314 : i32 to index
    %swap3A_316 = arith.constant 224 : index
    %swap3A_317 = tpu.vector_load %arg11[%swap3A_315, %swap3A_316] {strides = array<i32>} : memref<9x256xf32, #tpu.memory_space<vmem>>, vector<16xf32>,
    tpu.vector_store %arg11[%swap3A_315, %swap3A_316], %broadcast_in_dim3A_66 {strides = array<i32>} : memref<9x256xf32, #tpu.memory_space<vmem>>, vector<16xf32>,
    %swap3A_318 = arith.constant 3 : i32
    %swap3A_319 = arith.index_cast %swap3A_318 : i32 to index
    %swap3A_320 = arith.constant 240 : index
    %swap3A_321 = tpu.vector_load %arg11[%swap3A_319, %swap3A_320] {strides = array<i32>} : memref<9x256xf32, #tpu.memory_space<vmem>>, vector<16xf32>,
    tpu.vector_store %arg11[%swap3A_319, %swap3A_320], %broadcast_in_dim3A_66 {strides = array<i32>} : memref<9x256xf32, #tpu.memory_space<vmem>>, vector<16xf32>,
    %swap3A_322 = arith.constant 4 : i32
    %swap3A_323 = arith.index_cast %swap3A_322 : i32 to index
    %swap3A_324 = arith.constant 0 : index
    %swap3A_325 = tpu.vector_load %arg11[%swap3A_323, %swap3A_324] {strides = array<i32>} : memref<9x256xf32, #tpu.memory_space<vmem>>, vector<16xf32>,
    tpu.vector_store %arg11[%swap3A_323, %swap3A_324], %broadcast_in_dim3A_66 {strides = array<i32>} : memref<9x256xf32, #tpu.memory_space<vmem>>, vector<16xf32>,
    %swap3A_326 = arith.constant 4 : i32
    %swap3A_327 = arith.index_cast %swap3A_326 : i32 to index
    %swap3A_328 = arith.constant 16 : index
    %swap3A_329 = tpu.vector_load %arg11[%swap3A_327, %swap3A_328] {strides = array<i32>} : memref<9x256xf32, #tpu.memory_space<vmem>>, vector<16xf32>,
    tpu.vector_store %arg11[%swap3A_327, %swap3A_328], %broadcast_in_dim3A_66 {strides = array<i32>} : memref<9x256xf32, #tpu.memory_space<vmem>>, vector<16xf32>,
    %swap3A_330 = arith.constant 4 : i32
    %swap3A_331 = arith.index_cast %swap3A_330 : i32 to index
    %swap3A_332 = arith.constant 32 : index
    %swap3A_333 = tpu.vector_load %arg11[%swap3A_331, %swap3A_332] {strides = array<i32>} : memref<9x256xf32, #tpu.memory_space<vmem>>, vector<16xf32>,
    tpu.vector_store %arg11[%swap3A_331, %swap3A_332], %broadcast_in_dim3A_66 {strides = array<i32>} : memref<9x256xf32, #tpu.memory_space<vmem>>, vector<16xf32>,
    %swap3A_334 = arith.constant 4 : i32
    %swap3A_335 = arith.index_cast %swap3A_334 : i32 to index
    %swap3A_336 = arith.constant 48 : index
    %swap3A_337 = tpu.vector_load %arg11[%swap3A_335, %swap3A_336] {strides = array<i32>} : memref<9x256xf32, #tpu.memory_space<vmem>>, vector<16xf32>,
    tpu.vector_store %arg11[%swap3A_335, %swap3A_336], %broadcast_in_dim3A_66 {strides = array<i32>} : memref<9x256xf32, #tpu.memory_space<vmem>>, vector<16xf32>,
    %swap3A_338 = arith.constant 4 : i32
    %swap3A_339 = arith.index_cast %swap3A_338 : i32 to index
    %swap3A_340 = arith.constant 64 : index
    %swap3A_341 = tpu.vector_load %arg11[%swap3A_339, %swap3A_340] {strides = array<i32>} : memref<9x256xf32, #tpu.memory_space<vmem>>, vector<16xf32>,
    tpu.vector_store %arg11[%swap3A_339, %swap3A_340], %broadcast_in_dim3A_66 {strides = array<i32>} : memref<9x256xf32, #tpu.memory_space<vmem>>, vector<16xf32>,
    %swap3A_342 = arith.constant 4 : i32
    %swap3A_343 = arith.index_cast %swap3A_342 : i32 to index
    %swap3A_344 = arith.constant 80 : index
    %swap3A_345 = tpu.vector_load %arg11[%swap3A_343, %swap3A_344] {strides = array<i32>} : memref<9x256xf32, #tpu.memory_space<vmem>>, vector<16xf32>,
    tpu.vector_store %arg11[%swap3A_343, %swap3A_344], %broadcast_in_dim3A_66 {strides = array<i32>} : memref<9x256xf32, #tpu.memory_space<vmem>>, vector<16xf32>,
    %swap3A_346 = arith.constant 4 : i32
    %swap3A_347 = arith.index_cast %swap3A_346 : i32 to index
    %swap3A_348 = arith.constant 96 : index
    %swap3A_349 = tpu.vector_load %arg11[%swap3A_347, %swap3A_348] {strides = array<i32>} : memref<9x256xf32, #tpu.memory_space<vmem>>, vector<16xf32>,
    tpu.vector_store %arg11[%swap3A_347, %swap3A_348], %broadcast_in_dim3A_66 {strides = array<i32>} : memref<9x256xf32, #tpu.memory_space<vmem>>, vector<16xf32>,
    %swap3A_350 = arith.constant 4 : i32
    %swap3A_351 = arith.index_cast %swap3A_350 : i32 to index
    %swap3A_352 = arith.constant 112 : index
    %swap3A_353 = tpu.vector_load %arg11[%swap3A_351, %swap3A_352] {strides = array<i32>} : memref<9x256xf32, #tpu.memory_space<vmem>>, vector<16xf32>,
    tpu.vector_store %arg11[%swap3A_351, %swap3A_352], %broadcast_in_dim3A_66 {strides = array<i32>} : memref<9x256xf32, #tpu.memory_space<vmem>>, vector<16xf32>,
    %swap3A_354 = arith.constant 4 : i32
    %swap3A_355 = arith.index_cast %swap3A_354 : i32 to index
    %swap3A_356 = arith.constant 128 : index
    %swap3A_357 = tpu.vector_load %arg11[%swap3A_355, %swap3A_356] {strides = array<i32>} : memref<9x256xf32, #tpu.memory_space<vmem>>, vector<16xf32>,
    tpu.vector_store %arg11[%swap3A_355, %swap3A_356], %broadcast_in_dim3A_66 {strides = array<i32>} : memref<9x256xf32, #tpu.memory_space<vmem>>, vector<16xf32>,
    %swap3A_358 = arith.constant 4 : i32
    %swap3A_359 = arith.index_cast %swap3A_358 : i32 to index
    %swap3A_360 = arith.constant 144 : index
    %swap3A_361 = tpu.vector_load %arg11[%swap3A_359, %swap3A_360] {strides = array<i32>} : memref<9x256xf32, #tpu.memory_space<vmem>>, vector<16xf32>,
    tpu.vector_store %arg11[%swap3A_359, %swap3A_360], %broadcast_in_dim3A_66 {strides = array<i32>} : memref<9x256xf32, #tpu.memory_space<vmem>>, vector<16xf32>,
    %swap3A_362 = arith.constant 4 : i32
    %swap3A_363 = arith.index_cast %swap3A_362 : i32 to index
    %swap3A_364 = arith.constant 160 : index
    %swap3A_365 = tpu.vector_load %arg11[%swap3A_363, %swap3A_364] {strides = array<i32>} : memref<9x256xf32, #tpu.memory_space<vmem>>, vector<16xf32>,
    tpu.vector_store %arg11[%swap3A_363, %swap3A_364], %broadcast_in_dim3A_66 {strides = array<i32>} : memref<9x256xf32, #tpu.memory_space<vmem>>, vector<16xf32>,
    %swap3A_366 = arith.constant 4 : i32
    %swap3A_367 = arith.index_cast %swap3A_366 : i32 to index
    %swap3A_368 = arith.constant 176 : index
    %swap3A_369 = tpu.vector_load %arg11[%swap3A_367, %swap3A_368] {strides = array<i32>} : memref<9x256xf32, #tpu.memory_space<vmem>>, vector<16xf32>,
    tpu.vector_store %arg11[%swap3A_367, %swap3A_368], %broadcast_in_dim3A_66 {strides = array<i32>} : memref<9x256xf32, #tpu.memory_space<vmem>>, vector<16xf32>,
    %swap3A_370 = arith.constant 4 : i32
    %swap3A_371 = arith.index_cast %swap3A_370 : i32 to index
    %swap3A_372 = arith.constant 192 : index
    %swap3A_373 = tpu.vector_load %arg11[%swap3A_371, %swap3A_372] {strides = array<i32>} : memref<9x256xf32, #tpu.memory_space<vmem>>, vector<16xf32>,
    tpu.vector_store %arg11[%swap3A_371, %swap3A_372], %broadcast_in_dim3A_66 {strides = array<i32>} : memref<9x256xf32, #tpu.memory_space<vmem>>, vector<16xf32>,
    %swap3A_374 = arith.constant 4 : i32
    %swap3A_375 = arith.index_cast %swap3A_374 : i32 to index
    %swap3A_376 = arith.constant 208 : index
    %swap3A_377 = tpu.vector_load %arg11[%swap3A_375, %swap3A_376] {strides = array<i32>} : memref<9x256xf32, #tpu.memory_space<vmem>>, vector<16xf32>,
    tpu.vector_store %arg11[%swap3A_375, %swap3A_376], %broadcast_in_dim3A_66 {strides = array<i32>} : memref<9x256xf32, #tpu.memory_space<vmem>>, vector<16xf32>,
    %swap3A_378 = arith.constant 4 : i32
    %swap3A_379 = arith.index_cast %swap3A_378 : i32 to index
    %swap3A_380 = arith.constant 224 : index
    %swap3A_381 = tpu.vector_load %arg11[%swap3A_379, %swap3A_380] {strides = array<i32>} : memref<9x256xf32, #tpu.memory_space<vmem>>, vector<16xf32>,
    tpu.vector_store %arg11[%swap3A_379, %swap3A_380], %broadcast_in_dim3A_66 {strides = array<i32>} : memref<9x256xf32, #tpu.memory_space<vmem>>, vector<16xf32>,
    %swap3A_382 = arith.constant 4 : i32
    %swap3A_383 = arith.index_cast %swap3A_382 : i32 to index
    %swap3A_384 = arith.constant 240 : index
    %swap3A_385 = tpu.vector_load %arg11[%swap3A_383, %swap3A_384] {strides = array<i32>} : memref<9x256xf32, #tpu.memory_space<vmem>>, vector<16xf32>,
    tpu.vector_store %arg11[%swap3A_383, %swap3A_384], %broadcast_in_dim3A_66 {strides = array<i32>} : memref<9x256xf32, #tpu.memory_space<vmem>>, vector<16xf32>,
    %swap3A_386 = arith.constant 5 : i32
    %swap3A_387 = arith.index_cast %swap3A_386 : i32 to index
    %swap3A_388 = arith.constant 0 : index
    %swap3A_389 = tpu.vector_load %arg11[%swap3A_387, %swap3A_388] {strides = array<i32>} : memref<9x256xf32, #tpu.memory_space<vmem>>, vector<16xf32>,
    tpu.vector_store %arg11[%swap3A_387, %swap3A_388], %broadcast_in_dim3A_66 {strides = array<i32>} : memref<9x256xf32, #tpu.memory_space<vmem>>, vector<16xf32>,
    %swap3A_390 = arith.constant 5 : i32
    %swap3A_391 = arith.index_cast %swap3A_390 : i32 to index
    %swap3A_392 = arith.constant 16 : index
    %swap3A_393 = tpu.vector_load %arg11[%swap3A_391, %swap3A_392] {strides = array<i32>} : memref<9x256xf32, #tpu.memory_space<vmem>>, vector<16xf32>,
    tpu.vector_store %arg11[%swap3A_391, %swap3A_392], %broadcast_in_dim3A_66 {strides = array<i32>} : memref<9x256xf32, #tpu.memory_space<vmem>>, vector<16xf32>,
    %swap3A_394 = arith.constant 5 : i32
    %swap3A_395 = arith.index_cast %swap3A_394 : i32 to index
    %swap3A_396 = arith.constant 32 : index
    %swap3A_397 = tpu.vector_load %arg11[%swap3A_395, %swap3A_396] {strides = array<i32>} : memref<9x256xf32, #tpu.memory_space<vmem>>, vector<16xf32>,
    tpu.vector_store %arg11[%swap3A_395, %swap3A_396], %broadcast_in_dim3A_66 {strides = array<i32>} : memref<9x256xf32, #tpu.memory_space<vmem>>, vector<16xf32>,
    %swap3A_398 = arith.constant 5 : i32
    %swap3A_399 = arith.index_cast %swap3A_398 : i32 to index
    %swap3A_400 = arith.constant 48 : index
    %swap3A_401 = tpu.vector_load %arg11[%swap3A_399, %swap3A_400] {strides = array<i32>} : memref<9x256xf32, #tpu.memory_space<vmem>>, vector<16xf32>,
    tpu.vector_store %arg11[%swap3A_399, %swap3A_400], %broadcast_in_dim3A_66 {strides = array<i32>} : memref<9x256xf32, #tpu.memory_space<vmem>>, vector<16xf32>,
    %swap3A_402 = arith.constant 5 : i32
    %swap3A_403 = arith.index_cast %swap3A_402 : i32 to index
    %swap3A_404 = arith.constant 64 : index
    %swap3A_405 = tpu.vector_load %arg11[%swap3A_403, %swap3A_404] {strides = array<i32>} : memref<9x256xf32, #tpu.memory_space<vmem>>, vector<16xf32>,
    tpu.vector_store %arg11[%swap3A_403, %swap3A_404], %broadcast_in_dim3A_66 {strides = array<i32>} : memref<9x256xf32, #tpu.memory_space<vmem>>, vector<16xf32>,
    %swap3A_406 = arith.constant 5 : i32
    %swap3A_407 = arith.index_cast %swap3A_406 : i32 to index
    %swap3A_408 = arith.constant 80 : index
    %swap3A_409 = tpu.vector_load %arg11[%swap3A_407, %swap3A_408] {strides = array<i32>} : memref<9x256xf32, #tpu.memory_space<vmem>>, vector<16xf32>,
    tpu.vector_store %arg11[%swap3A_407, %swap3A_408], %broadcast_in_dim3A_66 {strides = array<i32>} : memref<9x256xf32, #tpu.memory_space<vmem>>, vector<16xf32>,
    %swap3A_410 = arith.constant 5 : i32
    %swap3A_411 = arith.index_cast %swap3A_410 : i32 to index
    %swap3A_412 = arith.constant 96 : index
    %swap3A_413 = tpu.vector_load %arg11[%swap3A_411, %swap3A_412] {strides = array<i32>} : memref<9x256xf32, #tpu.memory_space<vmem>>, vector<16xf32>,
    tpu.vector_store %arg11[%swap3A_411, %swap3A_412], %broadcast_in_dim3A_66 {strides = array<i32>} : memref<9x256xf32, #tpu.memory_space<vmem>>, vector<16xf32>,
    %swap3A_414 = arith.constant 5 : i32
    %swap3A_415 = arith.index_cast %swap3A_414 : i32 to index
    %swap3A_416 = arith.constant 112 : index
    %swap3A_417 = tpu.vector_load %arg11[%swap3A_415, %swap3A_416] {strides = array<i32>} : memref<9x256xf32, #tpu.memory_space<vmem>>, vector<16xf32>,
    tpu.vector_store %arg11[%swap3A_415, %swap3A_416], %broadcast_in_dim3A_66 {strides = array<i32>} : memref<9x256xf32, #tpu.memory_space<vmem>>, vector<16xf32>,
    %swap3A_418 = arith.constant 5 : i32
    %swap3A_419 = arith.index_cast %swap3A_418 : i32 to index
    %swap3A_420 = arith.constant 128 : index
    %swap3A_421 = tpu.vector_load %arg11[%swap3A_419, %swap3A_420] {strides = array<i32>} : memref<9x256xf32, #tpu.memory_space<vmem>>, vector<16xf32>,
    tpu.vector_store %arg11[%swap3A_419, %swap3A_420], %broadcast_in_dim3A_66 {strides = array<i32>} : memref<9x256xf32, #tpu.memory_space<vmem>>, vector<16xf32>,
    %swap3A_422 = arith.constant 5 : i32
    %swap3A_423 = arith.index_cast %swap3A_422 : i32 to index
    %swap3A_424 = arith.constant 144 : index
    %swap3A_425 = tpu.vector_load %arg11[%swap3A_423, %swap3A_424] {strides = array<i32>} : memref<9x256xf32, #tpu.memory_space<vmem>>, vector<16xf32>,
    tpu.vector_store %arg11[%swap3A_423, %swap3A_424], %broadcast_in_dim3A_66 {strides = array<i32>} : memref<9x256xf32, #tpu.memory_space<vmem>>, vector<16xf32>,
    %swap3A_426 = arith.constant 5 : i32
    %swap3A_427 = arith.index_cast %swap3A_426 : i32 to index
    %swap3A_428 = arith.constant 160 : index
    %swap3A_429 = tpu.vector_load %arg11[%swap3A_427, %swap3A_428] {strides = array<i32>} : memref<9x256xf32, #tpu.memory_space<vmem>>, vector<16xf32>,
    tpu.vector_store %arg11[%swap3A_427, %swap3A_428], %broadcast_in_dim3A_66 {strides = array<i32>} : memref<9x256xf32, #tpu.memory_space<vmem>>, vector<16xf32>,
    %swap3A_430 = arith.constant 5 : i32
    %swap3A_431 = arith.index_cast %swap3A_430 : i32 to index
    %swap3A_432 = arith.constant 176 : index
    %swap3A_433 = tpu.vector_load %arg11[%swap3A_431, %swap3A_432] {strides = array<i32>} : memref<9x256xf32, #tpu.memory_space<vmem>>, vector<16xf32>,
    tpu.vector_store %arg11[%swap3A_431, %swap3A_432], %broadcast_in_dim3A_66 {strides = array<i32>} : memref<9x256xf32, #tpu.memory_space<vmem>>, vector<16xf32>,
    %swap3A_434 = arith.constant 5 : i32
    %swap3A_435 = arith.index_cast %swap3A_434 : i32 to index
    %swap3A_436 = arith.constant 192 : index
    %swap3A_437 = tpu.vector_load %arg11[%swap3A_435, %swap3A_436] {strides = array<i32>} : memref<9x256xf32, #tpu.memory_space<vmem>>, vector<16xf32>,
    tpu.vector_store %arg11[%swap3A_435, %swap3A_436], %broadcast_in_dim3A_66 {strides = array<i32>} : memref<9x256xf32, #tpu.memory_space<vmem>>, vector<16xf32>,
    %swap3A_438 = arith.constant 5 : i32
    %swap3A_439 = arith.index_cast %swap3A_438 : i32 to index
    %swap3A_440 = arith.constant 208 : index
    %swap3A_441 = tpu.vector_load %arg11[%swap3A_439, %swap3A_440] {strides = array<i32>} : memref<9x256xf32, #tpu.memory_space<vmem>>, vector<16xf32>,
    tpu.vector_store %arg11[%swap3A_439, %swap3A_440], %broadcast_in_dim3A_66 {strides = array<i32>} : memref<9x256xf32, #tpu.memory_space<vmem>>, vector<16xf32>,
    %swap3A_442 = arith.constant 5 : i32
    %swap3A_443 = arith.index_cast %swap3A_442 : i32 to index
    %swap3A_444 = arith.constant 224 : index
    %swap3A_445 = tpu.vector_load %arg11[%swap3A_443, %swap3A_444] {strides = array<i32>} : memref<9x256xf32, #tpu.memory_space<vmem>>, vector<16xf32>,
    tpu.vector_store %arg11[%swap3A_443, %swap3A_444], %broadcast_in_dim3A_66 {strides = array<i32>} : memref<9x256xf32, #tpu.memory_space<vmem>>, vector<16xf32>,
    %swap3A_446 = arith.constant 5 : i32
    %swap3A_447 = arith.index_cast %swap3A_446 : i32 to index
    %swap3A_448 = arith.constant 240 : index
    %swap3A_449 = tpu.vector_load %arg11[%swap3A_447, %swap3A_448] {strides = array<i32>} : memref<9x256xf32, #tpu.memory_space<vmem>>, vector<16xf32>,
    tpu.vector_store %arg11[%swap3A_447, %swap3A_448], %broadcast_in_dim3A_66 {strides = array<i32>} : memref<9x256xf32, #tpu.memory_space<vmem>>, vector<16xf32>,
    %swap3A_450 = arith.constant 6 : i32
    %swap3A_451 = arith.index_cast %swap3A_450 : i32 to index
    %swap3A_452 = arith.constant 0 : index
    %swap3A_453 = tpu.vector_load %arg11[%swap3A_451, %swap3A_452] {strides = array<i32>} : memref<9x256xf32, #tpu.memory_space<vmem>>, vector<16xf32>,
    tpu.vector_store %arg11[%swap3A_451, %swap3A_452], %broadcast_in_dim3A_66 {strides = array<i32>} : memref<9x256xf32, #tpu.memory_space<vmem>>, vector<16xf32>,
    %swap3A_454 = arith.constant 6 : i32
    %swap3A_455 = arith.index_cast %swap3A_454 : i32 to index
    %swap3A_456 = arith.constant 16 : index
    %swap3A_457 = tpu.vector_load %arg11[%swap3A_455, %swap3A_456] {strides = array<i32>} : memref<9x256xf32, #tpu.memory_space<vmem>>, vector<16xf32>,
    tpu.vector_store %arg11[%swap3A_455, %swap3A_456], %broadcast_in_dim3A_66 {strides = array<i32>} : memref<9x256xf32, #tpu.memory_space<vmem>>, vector<16xf32>,
    %swap3A_458 = arith.constant 6 : i32
    %swap3A_459 = arith.index_cast %swap3A_458 : i32 to index
    %swap3A_460 = arith.constant 32 : index
    %swap3A_461 = tpu.vector_load %arg11[%swap3A_459, %swap3A_460] {strides = array<i32>} : memref<9x256xf32, #tpu.memory_space<vmem>>, vector<16xf32>,
    tpu.vector_store %arg11[%swap3A_459, %swap3A_460], %broadcast_in_dim3A_66 {strides = array<i32>} : memref<9x256xf32, #tpu.memory_space<vmem>>, vector<16xf32>,
    %swap3A_462 = arith.constant 6 : i32
    %swap3A_463 = arith.index_cast %swap3A_462 : i32 to index
    %swap3A_464 = arith.constant 48 : index
    %swap3A_465 = tpu.vector_load %arg11[%swap3A_463, %swap3A_464] {strides = array<i32>} : memref<9x256xf32, #tpu.memory_space<vmem>>, vector<16xf32>,
    tpu.vector_store %arg11[%swap3A_463, %swap3A_464], %broadcast_in_dim3A_66 {strides = array<i32>} : memref<9x256xf32, #tpu.memory_space<vmem>>, vector<16xf32>,
    %swap3A_466 = arith.constant 6 : i32
    %swap3A_467 = arith.index_cast %swap3A_466 : i32 to index
    %swap3A_468 = arith.constant 64 : index
    %swap3A_469 = tpu.vector_load %arg11[%swap3A_467, %swap3A_468] {strides = array<i32>} : memref<9x256xf32, #tpu.memory_space<vmem>>, vector<16xf32>,
    tpu.vector_store %arg11[%swap3A_467, %swap3A_468], %broadcast_in_dim3A_66 {strides = array<i32>} : memref<9x256xf32, #tpu.memory_space<vmem>>, vector<16xf32>,
    %swap3A_470 = arith.constant 6 : i32
    %swap3A_471 = arith.index_cast %swap3A_470 : i32 to index
    %swap3A_472 = arith.constant 80 : index
    %swap3A_473 = tpu.vector_load %arg11[%swap3A_471, %swap3A_472] {strides = array<i32>} : memref<9x256xf32, #tpu.memory_space<vmem>>, vector<16xf32>,
    tpu.vector_store %arg11[%swap3A_471, %swap3A_472], %broadcast_in_dim3A_66 {strides = array<i32>} : memref<9x256xf32, #tpu.memory_space<vmem>>, vector<16xf32>,
    %swap3A_474 = arith.constant 6 : i32
    %swap3A_475 = arith.index_cast %swap3A_474 : i32 to index
    %swap3A_476 = arith.constant 96 : index
    %swap3A_477 = tpu.vector_load %arg11[%swap3A_475, %swap3A_476] {strides = array<i32>} : memref<9x256xf32, #tpu.memory_space<vmem>>, vector<16xf32>,
    tpu.vector_store %arg11[%swap3A_475, %swap3A_476], %broadcast_in_dim3A_66 {strides = array<i32>} : memref<9x256xf32, #tpu.memory_space<vmem>>, vector<16xf32>,
    %swap3A_478 = arith.constant 6 : i32
    %swap3A_479 = arith.index_cast %swap3A_478 : i32 to index
    %swap3A_480 = arith.constant 112 : index
    %swap3A_481 = tpu.vector_load %arg11[%swap3A_479, %swap3A_480] {strides = array<i32>} : memref<9x256xf32, #tpu.memory_space<vmem>>, vector<16xf32>,
    tpu.vector_store %arg11[%swap3A_479, %swap3A_480], %broadcast_in_dim3A_66 {strides = array<i32>} : memref<9x256xf32, #tpu.memory_space<vmem>>, vector<16xf32>,
    %swap3A_482 = arith.constant 6 : i32
    %swap3A_483 = arith.index_cast %swap3A_482 : i32 to index
    %swap3A_484 = arith.constant 128 : index
    %swap3A_485 = tpu.vector_load %arg11[%swap3A_483, %swap3A_484] {strides = array<i32>} : memref<9x256xf32, #tpu.memory_space<vmem>>, vector<16xf32>,
    tpu.vector_store %arg11[%swap3A_483, %swap3A_484], %broadcast_in_dim3A_66 {strides = array<i32>} : memref<9x256xf32, #tpu.memory_space<vmem>>, vector<16xf32>,
    %swap3A_486 = arith.constant 6 : i32
    %swap3A_487 = arith.index_cast %swap3A_486 : i32 to index
    %swap3A_488 = arith.constant 144 : index
    %swap3A_489 = tpu.vector_load %arg11[%swap3A_487, %swap3A_488] {strides = array<i32>} : memref<9x256xf32, #tpu.memory_space<vmem>>, vector<16xf32>,
    tpu.vector_store %arg11[%swap3A_487, %swap3A_488], %broadcast_in_dim3A_66 {strides = array<i32>} : memref<9x256xf32, #tpu.memory_space<vmem>>, vector<16xf32>,
    %swap3A_490 = arith.constant 6 : i32
    %swap3A_491 = arith.index_cast %swap3A_490 : i32 to index
    %swap3A_492 = arith.constant 160 : index
    %swap3A_493 = tpu.vector_load %arg11[%swap3A_491, %swap3A_492] {strides = array<i32>} : memref<9x256xf32, #tpu.memory_space<vmem>>, vector<16xf32>,
    tpu.vector_store %arg11[%swap3A_491, %swap3A_492], %broadcast_in_dim3A_66 {strides = array<i32>} : memref<9x256xf32, #tpu.memory_space<vmem>>, vector<16xf32>,
    %swap3A_494 = arith.constant 6 : i32
    %swap3A_495 = arith.index_cast %swap3A_494 : i32 to index
    %swap3A_496 = arith.constant 176 : index
    %swap3A_497 = tpu.vector_load %arg11[%swap3A_495, %swap3A_496] {strides = array<i32>} : memref<9x256xf32, #tpu.memory_space<vmem>>, vector<16xf32>,
    tpu.vector_store %arg11[%swap3A_495, %swap3A_496], %broadcast_in_dim3A_66 {strides = array<i32>} : memref<9x256xf32, #tpu.memory_space<vmem>>, vector<16xf32>,
    %swap3A_498 = arith.constant 6 : i32
    %swap3A_499 = arith.index_cast %swap3A_498 : i32 to index
    %swap3A_500 = arith.constant 192 : index
    %swap3A_501 = tpu.vector_load %arg11[%swap3A_499, %swap3A_500] {strides = array<i32>} : memref<9x256xf32, #tpu.memory_space<vmem>>, vector<16xf32>,
    tpu.vector_store %arg11[%swap3A_499, %swap3A_500], %broadcast_in_dim3A_66 {strides = array<i32>} : memref<9x256xf32, #tpu.memory_space<vmem>>, vector<16xf32>,
    %swap3A_502 = arith.constant 6 : i32
    %swap3A_503 = arith.index_cast %swap3A_502 : i32 to index
    %swap3A_504 = arith.constant 208 : index
    %swap3A_505 = tpu.vector_load %arg11[%swap3A_503, %swap3A_504] {strides = array<i32>} : memref<9x256xf32, #tpu.memory_space<vmem>>, vector<16xf32>,
    tpu.vector_store %arg11[%swap3A_503, %swap3A_504], %broadcast_in_dim3A_66 {strides = array<i32>} : memref<9x256xf32, #tpu.memory_space<vmem>>, vector<16xf32>,
    %swap3A_506 = arith.constant 6 : i32
    %swap3A_507 = arith.index_cast %swap3A_506 : i32 to index
    %swap3A_508 = arith.constant 224 : index
    %swap3A_509 = tpu.vector_load %arg11[%swap3A_507, %swap3A_508] {strides = array<i32>} : memref<9x256xf32, #tpu.memory_space<vmem>>, vector<16xf32>,
    tpu.vector_store %arg11[%swap3A_507, %swap3A_508], %broadcast_in_dim3A_66 {strides = array<i32>} : memref<9x256xf32, #tpu.memory_space<vmem>>, vector<16xf32>,
    %swap3A_510 = arith.constant 6 : i32
    %swap3A_511 = arith.index_cast %swap3A_510 : i32 to index
    %swap3A_512 = arith.constant 240 : index
    %swap3A_513 = tpu.vector_load %arg11[%swap3A_511, %swap3A_512] {strides = array<i32>} : memref<9x256xf32, #tpu.memory_space<vmem>>, vector<16xf32>,
    tpu.vector_store %arg11[%swap3A_511, %swap3A_512], %broadcast_in_dim3A_66 {strides = array<i32>} : memref<9x256xf32, #tpu.memory_space<vmem>>, vector<16xf32>,
    %swap3A_514 = arith.constant 7 : i32
    %swap3A_515 = arith.index_cast %swap3A_514 : i32 to index
    %swap3A_516 = arith.constant 0 : index
    %swap3A_517 = tpu.vector_load %arg11[%swap3A_515, %swap3A_516] {strides = array<i32>} : memref<9x256xf32, #tpu.memory_space<vmem>>, vector<16xf32>,
    tpu.vector_store %arg11[%swap3A_515, %swap3A_516], %broadcast_in_dim3A_66 {strides = array<i32>} : memref<9x256xf32, #tpu.memory_space<vmem>>, vector<16xf32>,
    %swap3A_518 = arith.constant 7 : i32
    %swap3A_519 = arith.index_cast %swap3A_518 : i32 to index
    %swap3A_520 = arith.constant 16 : index
    %swap3A_521 = tpu.vector_load %arg11[%swap3A_519, %swap3A_520] {strides = array<i32>} : memref<9x256xf32, #tpu.memory_space<vmem>>, vector<16xf32>,
    tpu.vector_store %arg11[%swap3A_519, %swap3A_520], %broadcast_in_dim3A_66 {strides = array<i32>} : memref<9x256xf32, #tpu.memory_space<vmem>>, vector<16xf32>,
    %swap3A_522 = arith.constant 7 : i32
    %swap3A_523 = arith.index_cast %swap3A_522 : i32 to index
    %swap3A_524 = arith.constant 32 : index
    %swap3A_525 = tpu.vector_load %arg11[%swap3A_523, %swap3A_524] {strides = array<i32>} : memref<9x256xf32, #tpu.memory_space<vmem>>, vector<16xf32>,
    tpu.vector_store %arg11[%swap3A_523, %swap3A_524], %broadcast_in_dim3A_66 {strides = array<i32>} : memref<9x256xf32, #tpu.memory_space<vmem>>, vector<16xf32>,
    %swap3A_526 = arith.constant 7 : i32
    %swap3A_527 = arith.index_cast %swap3A_526 : i32 to index
    %swap3A_528 = arith.constant 48 : index
    %swap3A_529 = tpu.vector_load %arg11[%swap3A_527, %swap3A_528] {strides = array<i32>} : memref<9x256xf32, #tpu.memory_space<vmem>>, vector<16xf32>,
    tpu.vector_store %arg11[%swap3A_527, %swap3A_528], %broadcast_in_dim3A_66 {strides = array<i32>} : memref<9x256xf32, #tpu.memory_space<vmem>>, vector<16xf32>,
    %swap3A_530 = arith.constant 7 : i32
    %swap3A_531 = arith.index_cast %swap3A_530 : i32 to index
    %swap3A_532 = arith.constant 64 : index
    %swap3A_533 = tpu.vector_load %arg11[%swap3A_531, %swap3A_532] {strides = array<i32>} : memref<9x256xf32, #tpu.memory_space<vmem>>, vector<16xf32>,
    tpu.vector_store %arg11[%swap3A_531, %swap3A_532], %broadcast_in_dim3A_66 {strides = array<i32>} : memref<9x256xf32, #tpu.memory_space<vmem>>, vector<16xf32>,
    %swap3A_534 = arith.constant 7 : i32
    %swap3A_535 = arith.index_cast %swap3A_534 : i32 to index
    %swap3A_536 = arith.constant 80 : index
    %swap3A_537 = tpu.vector_load %arg11[%swap3A_535, %swap3A_536] {strides = array<i32>} : memref<9x256xf32, #tpu.memory_space<vmem>>, vector<16xf32>,
    tpu.vector_store %arg11[%swap3A_535, %swap3A_536], %broadcast_in_dim3A_66 {strides = array<i32>} : memref<9x256xf32, #tpu.memory_space<vmem>>, vector<16xf32>,
    %swap3A_538 = arith.constant 7 : i32
    %swap3A_539 = arith.index_cast %swap3A_538 : i32 to index
    %swap3A_540 = arith.constant 96 : index
    %swap3A_541 = tpu.vector_load %arg11[%swap3A_539, %swap3A_540] {strides = array<i32>} : memref<9x256xf32, #tpu.memory_space<vmem>>, vector<16xf32>,
    tpu.vector_store %arg11[%swap3A_539, %swap3A_540], %broadcast_in_dim3A_66 {strides = array<i32>} : memref<9x256xf32, #tpu.memory_space<vmem>>, vector<16xf32>,
    %swap3A_542 = arith.constant 7 : i32
    %swap3A_543 = arith.index_cast %swap3A_542 : i32 to index
    %swap3A_544 = arith.constant 112 : index
    %swap3A_545 = tpu.vector_load %arg11[%swap3A_543, %swap3A_544] {strides = array<i32>} : memref<9x256xf32, #tpu.memory_space<vmem>>, vector<16xf32>,
    tpu.vector_store %arg11[%swap3A_543, %swap3A_544], %broadcast_in_dim3A_66 {strides = array<i32>} : memref<9x256xf32, #tpu.memory_space<vmem>>, vector<16xf32>,
    %swap3A_546 = arith.constant 7 : i32
    %swap3A_547 = arith.index_cast %swap3A_546 : i32 to index
    %swap3A_548 = arith.constant 128 : index
    %swap3A_549 = tpu.vector_load %arg11[%swap3A_547, %swap3A_548] {strides = array<i32>} : memref<9x256xf32, #tpu.memory_space<vmem>>, vector<16xf32>,
    tpu.vector_store %arg11[%swap3A_547, %swap3A_548], %broadcast_in_dim3A_66 {strides = array<i32>} : memref<9x256xf32, #tpu.memory_space<vmem>>, vector<16xf32>,
    %swap3A_550 = arith.constant 7 : i32
    %swap3A_551 = arith.index_cast %swap3A_550 : i32 to index
    %swap3A_552 = arith.constant 144 : index
    %swap3A_553 = tpu.vector_load %arg11[%swap3A_551, %swap3A_552] {strides = array<i32>} : memref<9x256xf32, #tpu.memory_space<vmem>>, vector<16xf32>,
    tpu.vector_store %arg11[%swap3A_551, %swap3A_552], %broadcast_in_dim3A_66 {strides = array<i32>} : memref<9x256xf32, #tpu.memory_space<vmem>>, vector<16xf32>,
    %swap3A_554 = arith.constant 7 : i32
    %swap3A_555 = arith.index_cast %swap3A_554 : i32 to index
    %swap3A_556 = arith.constant 160 : index
    %swap3A_557 = tpu.vector_load %arg11[%swap3A_555, %swap3A_556] {strides = array<i32>} : memref<9x256xf32, #tpu.memory_space<vmem>>, vector<16xf32>,
    tpu.vector_store %arg11[%swap3A_555, %swap3A_556], %broadcast_in_dim3A_66 {strides = array<i32>} : memref<9x256xf32, #tpu.memory_space<vmem>>, vector<16xf32>,
    %swap3A_558 = arith.constant 7 : i32
    %swap3A_559 = arith.index_cast %swap3A_558 : i32 to index
    %swap3A_560 = arith.constant 176 : index
    %swap3A_561 = tpu.vector_load %arg11[%swap3A_559, %swap3A_560] {strides = array<i32>} : memref<9x256xf32, #tpu.memory_space<vmem>>, vector<16xf32>,
    tpu.vector_store %arg11[%swap3A_559, %swap3A_560], %broadcast_in_dim3A_66 {strides = array<i32>} : memref<9x256xf32, #tpu.memory_space<vmem>>, vector<16xf32>,
    %swap3A_562 = arith.constant 7 : i32
    %swap3A_563 = arith.index_cast %swap3A_562 : i32 to index
    %swap3A_564 = arith.constant 192 : index
    %swap3A_565 = tpu.vector_load %arg11[%swap3A_563, %swap3A_564] {strides = array<i32>} : memref<9x256xf32, #tpu.memory_space<vmem>>, vector<16xf32>,
    tpu.vector_store %arg11[%swap3A_563, %swap3A_564], %broadcast_in_dim3A_66 {strides = array<i32>} : memref<9x256xf32, #tpu.memory_space<vmem>>, vector<16xf32>,
    %swap3A_566 = arith.constant 7 : i32
    %swap3A_567 = arith.index_cast %swap3A_566 : i32 to index
    %swap3A_568 = arith.constant 208 : index
    %swap3A_569 = tpu.vector_load %arg11[%swap3A_567, %swap3A_568] {strides = array<i32>} : memref<9x256xf32, #tpu.memory_space<vmem>>, vector<16xf32>,
    tpu.vector_store %arg11[%swap3A_567, %swap3A_568], %broadcast_in_dim3A_66 {strides = array<i32>} : memref<9x256xf32, #tpu.memory_space<vmem>>, vector<16xf32>,
    %swap3A_570 = arith.constant 7 : i32
    %swap3A_571 = arith.index_cast %swap3A_570 : i32 to index
    %swap3A_572 = arith.constant 224 : index
    %swap3A_573 = tpu.vector_load %arg11[%swap3A_571, %swap3A_572] {strides = array<i32>} : memref<9x256xf32, #tpu.memory_space<vmem>>, vector<16xf32>,
    tpu.vector_store %arg11[%swap3A_571, %swap3A_572], %broadcast_in_dim3A_66 {strides = array<i32>} : memref<9x256xf32, #tpu.memory_space<vmem>>, vector<16xf32>,
    %swap3A_574 = arith.constant 7 : i32
    %swap3A_575 = arith.index_cast %swap3A_574 : i32 to index
    %swap3A_576 = arith.constant 240 : index
    %swap3A_577 = tpu.vector_load %arg11[%swap3A_575, %swap3A_576] {strides = array<i32>} : memref<9x256xf32, #tpu.memory_space<vmem>>, vector<16xf32>,
    tpu.vector_store %arg11[%swap3A_575, %swap3A_576], %broadcast_in_dim3A_66 {strides = array<i32>} : memref<9x256xf32, #tpu.memory_space<vmem>>, vector<16xf32>,
    %swap3A_578 = arith.constant 8 : i32
    %swap3A_579 = arith.index_cast %swap3A_578 : i32 to index
    %swap3A_580 = arith.constant 0 : index
    %swap3A_581 = tpu.vector_load %arg11[%swap3A_579, %swap3A_580] {strides = array<i32>} : memref<9x256xf32, #tpu.memory_space<vmem>>, vector<16xf32>,
    tpu.vector_store %arg11[%swap3A_579, %swap3A_580], %broadcast_in_dim3A_66 {strides = array<i32>} : memref<9x256xf32, #tpu.memory_space<vmem>>, vector<16xf32>,
    %swap3A_582 = arith.constant 8 : i32
    %swap3A_583 = arith.index_cast %swap3A_582 : i32 to index
    %swap3A_584 = arith.constant 16 : index
    %swap3A_585 = tpu.vector_load %arg11[%swap3A_583, %swap3A_584] {strides = array<i32>} : memref<9x256xf32, #tpu.memory_space<vmem>>, vector<16xf32>,
    tpu.vector_store %arg11[%swap3A_583, %swap3A_584], %broadcast_in_dim3A_66 {strides = array<i32>} : memref<9x256xf32, #tpu.memory_space<vmem>>, vector<16xf32>,
    %swap3A_586 = arith.constant 8 : i32
    %swap3A_587 = arith.index_cast %swap3A_586 : i32 to index
    %swap3A_588 = arith.constant 32 : index
    %swap3A_589 = tpu.vector_load %arg11[%swap3A_587, %swap3A_588] {strides = array<i32>} : memref<9x256xf32, #tpu.memory_space<vmem>>, vector<16xf32>,
    tpu.vector_store %arg11[%swap3A_587, %swap3A_588], %broadcast_in_dim3A_66 {strides = array<i32>} : memref<9x256xf32, #tpu.memory_space<vmem>>, vector<16xf32>,
    %swap3A_590 = arith.constant 8 : i32
    %swap3A_591 = arith.index_cast %swap3A_590 : i32 to index
    %swap3A_592 = arith.constant 48 : index
    %swap3A_593 = tpu.vector_load %arg11[%swap3A_591, %swap3A_592] {strides = array<i32>} : memref<9x256xf32, #tpu.memory_space<vmem>>, vector<16xf32>,
    tpu.vector_store %arg11[%swap3A_591, %swap3A_592], %broadcast_in_dim3A_66 {strides = array<i32>} : memref<9x256xf32, #tpu.memory_space<vmem>>, vector<16xf32>,
    %swap3A_594 = arith.constant 8 : i32
    %swap3A_595 = arith.index_cast %swap3A_594 : i32 to index
    %swap3A_596 = arith.constant 64 : index
    %swap3A_597 = tpu.vector_load %arg11[%swap3A_595, %swap3A_596] {strides = array<i32>} : memref<9x256xf32, #tpu.memory_space<vmem>>, vector<16xf32>,
    tpu.vector_store %arg11[%swap3A_595, %swap3A_596], %broadcast_in_dim3A_66 {strides = array<i32>} : memref<9x256xf32, #tpu.memory_space<vmem>>, vector<16xf32>,
    %swap3A_598 = arith.constant 8 : i32
    %swap3A_599 = arith.index_cast %swap3A_598 : i32 to index
    %swap3A_600 = arith.constant 80 : index
    %swap3A_601 = tpu.vector_load %arg11[%swap3A_599, %swap3A_600] {strides = array<i32>} : memref<9x256xf32, #tpu.memory_space<vmem>>, vector<16xf32>,
    tpu.vector_store %arg11[%swap3A_599, %swap3A_600], %broadcast_in_dim3A_66 {strides = array<i32>} : memref<9x256xf32, #tpu.memory_space<vmem>>, vector<16xf32>,
    %swap3A_602 = arith.constant 8 : i32
    %swap3A_603 = arith.index_cast %swap3A_602 : i32 to index
    %swap3A_604 = arith.constant 96 : index
    %swap3A_605 = tpu.vector_load %arg11[%swap3A_603, %swap3A_604] {strides = array<i32>} : memref<9x256xf32, #tpu.memory_space<vmem>>, vector<16xf32>,
    tpu.vector_store %arg11[%swap3A_603, %swap3A_604], %broadcast_in_dim3A_66 {strides = array<i32>} : memref<9x256xf32, #tpu.memory_space<vmem>>, vector<16xf32>,
    %swap3A_606 = arith.constant 8 : i32
    %swap3A_607 = arith.index_cast %swap3A_606 : i32 to index
    %swap3A_608 = arith.constant 112 : index
    %swap3A_609 = tpu.vector_load %arg11[%swap3A_607, %swap3A_608] {strides = array<i32>} : memref<9x256xf32, #tpu.memory_space<vmem>>, vector<16xf32>,
    tpu.vector_store %arg11[%swap3A_607, %swap3A_608], %broadcast_in_dim3A_66 {strides = array<i32>} : memref<9x256xf32, #tpu.memory_space<vmem>>, vector<16xf32>,
    %swap3A_610 = arith.constant 8 : i32
    %swap3A_611 = arith.index_cast %swap3A_610 : i32 to index
    %swap3A_612 = arith.constant 128 : index
    %swap3A_613 = tpu.vector_load %arg11[%swap3A_611, %swap3A_612] {strides = array<i32>} : memref<9x256xf32, #tpu.memory_space<vmem>>, vector<16xf32>,
    tpu.vector_store %arg11[%swap3A_611, %swap3A_612], %broadcast_in_dim3A_66 {strides = array<i32>} : memref<9x256xf32, #tpu.memory_space<vmem>>, vector<16xf32>,
    %swap3A_614 = arith.constant 8 : i32
    %swap3A_615 = arith.index_cast %swap3A_614 : i32 to index
    %swap3A_616 = arith.constant 144 : index
    %swap3A_617 = tpu.vector_load %arg11[%swap3A_615, %swap3A_616] {strides = array<i32>} : memref<9x256xf32, #tpu.memory_space<vmem>>, vector<16xf32>,
    tpu.vector_store %arg11[%swap3A_615, %swap3A_616], %broadcast_in_dim3A_66 {strides = array<i32>} : memref<9x256xf32, #tpu.memory_space<vmem>>, vector<16xf32>,
    %swap3A_618 = arith.constant 8 : i32
    %swap3A_619 = arith.index_cast %swap3A_618 : i32 to index
    %swap3A_620 = arith.constant 160 : index
    %swap3A_621 = tpu.vector_load %arg11[%swap3A_619, %swap3A_620] {strides = array<i32>} : memref<9x256xf32, #tpu.memory_space<vmem>>, vector<16xf32>,
    tpu.vector_store %arg11[%swap3A_619, %swap3A_620], %broadcast_in_dim3A_66 {strides = array<i32>} : memref<9x256xf32, #tpu.memory_space<vmem>>, vector<16xf32>,
    %swap3A_622 = arith.constant 8 : i32
    %swap3A_623 = arith.index_cast %swap3A_622 : i32 to index
    %swap3A_624 = arith.constant 176 : index
    %swap3A_625 = tpu.vector_load %arg11[%swap3A_623, %swap3A_624] {strides = array<i32>} : memref<9x256xf32, #tpu.memory_space<vmem>>, vector<16xf32>,
    tpu.vector_store %arg11[%swap3A_623, %swap3A_624], %broadcast_in_dim3A_66 {strides = array<i32>} : memref<9x256xf32, #tpu.memory_space<vmem>>, vector<16xf32>,
    %swap3A_626 = arith.constant 8 : i32
    %swap3A_627 = arith.index_cast %swap3A_626 : i32 to index
    %swap3A_628 = arith.constant 192 : index
    %swap3A_629 = tpu.vector_load %arg11[%swap3A_627, %swap3A_628] {strides = array<i32>} : memref<9x256xf32, #tpu.memory_space<vmem>>, vector<16xf32>,
    tpu.vector_store %arg11[%swap3A_627, %swap3A_628], %broadcast_in_dim3A_66 {strides = array<i32>} : memref<9x256xf32, #tpu.memory_space<vmem>>, vector<16xf32>,
    %swap3A_630 = arith.constant 8 : i32
    %swap3A_631 = arith.index_cast %swap3A_630 : i32 to index
    %swap3A_632 = arith.constant 208 : index
    %swap3A_633 = tpu.vector_load %arg11[%swap3A_631, %swap3A_632] {strides = array<i32>} : memref<9x256xf32, #tpu.memory_space<vmem>>, vector<16xf32>,
    tpu.vector_store %arg11[%swap3A_631, %swap3A_632], %broadcast_in_dim3A_66 {strides = array<i32>} : memref<9x256xf32, #tpu.memory_space<vmem>>, vector<16xf32>,
    %swap3A_634 = arith.constant 8 : i32
    %swap3A_635 = arith.index_cast %swap3A_634 : i32 to index
    %swap3A_636 = arith.constant 224 : index
    %swap3A_637 = tpu.vector_load %arg11[%swap3A_635, %swap3A_636] {strides = array<i32>} : memref<9x256xf32, #tpu.memory_space<vmem>>, vector<16xf32>,
    tpu.vector_store %arg11[%swap3A_635, %swap3A_636], %broadcast_in_dim3A_66 {strides = array<i32>} : memref<9x256xf32, #tpu.memory_space<vmem>>, vector<16xf32>,
    %swap3A_638 = arith.constant 8 : i32
    %swap3A_639 = arith.index_cast %swap3A_638 : i32 to index
    %swap3A_640 = arith.constant 240 : index
    %swap3A_641 = tpu.vector_load %arg11[%swap3A_639, %swap3A_640] {strides = array<i32>} : memref<9x256xf32, #tpu.memory_space<vmem>>, vector<16xf32>,
    tpu.vector_store %arg11[%swap3A_639, %swap3A_640], %broadcast_in_dim3A_66 {strides = array<i32>} : memref<9x256xf32, #tpu.memory_space<vmem>>, vector<16xf32>,
    %broadcast_in_dim3A_642 = arith.constant 8 : i32
    %broadcast_in_dim3A_643 = vector.broadcast %broadcast_in_dim3A_642 : i32 to vector<16xi32>
    %broadcast_in_dim3A_644 = arith.constant 1.000000e+00 : f32
    %broadcast_in_dim3A_645 = vector.broadcast %broadcast_in_dim3A_644 : f32 to vector<16xf32>
    %get3A = arith.constant 0 : index
    %get3A_646 = tpu.vector_load %arg7[%get3A] {strides = array<i32>} : memref<512xi32, #tpu.memory_space<vmem>>, vector<16xi32>,
    %get3A_647 = arith.constant 0 : index
    %get3A_648 = tpu.vector_load %arg8[%get3A_647] {strides = array<i32>} : memref<512xi32, #tpu.memory_space<vmem>>, vector<16xi32>,
    %ne3A_649 = arith.constant 0 : i32
    %ne3A_650 = vector.broadcast %ne3A_649 : i32 to vector<16xi32>
    %ne3A_651 = arith.cmpi ne, %get3A_648, %ne3A_650 : vector<16xi32>
    %select_n3A_652 = arith.select %ne3A_651, %get3A_646, %broadcast_in_dim3A_643 : vector<16xi1>, vector<16xi32>
    %swap3A_653 = arith.constant 0 : index
    %swap3A_654 = tpu.vector_load %arg9[%swap3A_653] {strides = array<i32>} : memref<512xi32, #tpu.memory_space<vmem>>, vector<16xi32>,
    tpu.vector_store %arg9[%swap3A_653], %select_n3A_652 {strides = array<i32>} : memref<512xi32, #tpu.memory_space<vmem>>, vector<16xi32>,
    %eq3A_655 = arith.constant 0 : i32
    %eq3A_656 = vector.broadcast %eq3A_655 : i32 to vector<16xi32>
    %eq3A_657 = arith.cmpi eq, %select_n3A_652, %eq3A_656 : vector<16xi32>
    %select_n3A_658 = arith.select %eq3A_657, %broadcast_in_dim3A_645, %broadcast_in_dim3A_66 : vector<16xi1>, vector<16xf32>
    %add3A_659 = arith.addf %broadcast_in_dim3A_66, %select_n3A_658 : vector<16xf32>
    %eq3A_660 = arith.constant 1 : i32
    %eq3A_661 = vector.broadcast %eq3A_660 : i32 to vector<16xi32>
    %eq3A_662 = arith.cmpi eq, %select_n3A_652, %eq3A_661 : vector<16xi32>
    %select_n3A_663 = arith.select %eq3A_662, %broadcast_in_dim3A_645, %broadcast_in_dim3A_66 : vector<16xi1>, vector<16xf32>
    %add3A_664 = arith.addf %broadcast_in_dim3A_66, %select_n3A_663 : vector<16xf32>
    %eq3A_665 = arith.constant 2 : i32
    %eq3A_666 = vector.broadcast %eq3A_665 : i32 to vector<16xi32>
    %eq3A_667 = arith.cmpi eq, %select_n3A_652, %eq3A_666 : vector<16xi32>
    %select_n3A_668 = arith.select %eq3A_667, %broadcast_in_dim3A_645, %broadcast_in_dim3A_66 : vector<16xi1>, vector<16xf32>
    %add3A_669 = arith.addf %broadcast_in_dim3A_66, %select_n3A_668 : vector<16xf32>
    %eq3A_670 = arith.constant 3 : i32
    %eq3A_671 = vector.broadcast %eq3A_670 : i32 to vector<16xi32>
    %eq3A_672 = arith.cmpi eq, %select_n3A_652, %eq3A_671 : vector<16xi32>
    %select_n3A_673 = arith.select %eq3A_672, %broadcast_in_dim3A_645, %broadcast_in_dim3A_66 : vector<16xi1>, vector<16xf32>
    %add3A_674 = arith.addf %broadcast_in_dim3A_66, %select_n3A_673 : vector<16xf32>
    %eq3A_675 = arith.constant 4 : i32
    %eq3A_676 = vector.broadcast %eq3A_675 : i32 to vector<16xi32>
    %eq3A_677 = arith.cmpi eq, %select_n3A_652, %eq3A_676 : vector<16xi32>
    %select_n3A_678 = arith.select %eq3A_677, %broadcast_in_dim3A_645, %broadcast_in_dim3A_66 : vector<16xi1>, vector<16xf32>
    %add3A_679 = arith.addf %broadcast_in_dim3A_66, %select_n3A_678 : vector<16xf32>
    %eq3A_680 = arith.constant 5 : i32
    %eq3A_681 = vector.broadcast %eq3A_680 : i32 to vector<16xi32>
    %eq3A_682 = arith.cmpi eq, %select_n3A_652, %eq3A_681 : vector<16xi32>
    %select_n3A_683 = arith.select %eq3A_682, %broadcast_in_dim3A_645, %broadcast_in_dim3A_66 : vector<16xi1>, vector<16xf32>
    %add3A_684 = arith.addf %broadcast_in_dim3A_66, %select_n3A_683 : vector<16xf32>
    %eq3A_685 = arith.constant 6 : i32
    %eq3A_686 = vector.broadcast %eq3A_685 : i32 to vector<16xi32>
    %eq3A_687 = arith.cmpi eq, %select_n3A_652, %eq3A_686 : vector<16xi32>
    %select_n3A_688 = arith.select %eq3A_687, %broadcast_in_dim3A_645, %broadcast_in_dim3A_66 : vector<16xi1>, vector<16xf32>
    %add3A_689 = arith.addf %broadcast_in_dim3A_66, %select_n3A_688 : vector<16xf32>
    %eq3A_690 = arith.constant 7 : i32
    %eq3A_691 = vector.broadcast %eq3A_690 : i32 to vector<16xi32>
    %eq3A_692 = arith.cmpi eq, %select_n3A_652, %eq3A_691 : vector<16xi32>
    %select_n3A_693 = arith.select %eq3A_692, %broadcast_in_dim3A_645, %broadcast_in_dim3A_66 : vector<16xi1>, vector<16xf32>
    %add3A_694 = arith.addf %broadcast_in_dim3A_66, %select_n3A_693 : vector<16xf32>
    %get3A_695 = arith.constant 16 : index
    %get3A_696 = tpu.vector_load %arg7[%get3A_695] {strides = array<i32>} : memref<512xi32, #tpu.memory_space<vmem>>, vector<16xi32>,
    %get3A_697 = arith.constant 16 : index
    %get3A_698 = tpu.vector_load %arg8[%get3A_697] {strides = array<i32>} : memref<512xi32, #tpu.memory_space<vmem>>, vector<16xi32>,
    %ne3A_699 = arith.constant 0 : i32
    %ne3A_700 = vector.broadcast %ne3A_699 : i32 to vector<16xi32>
    %ne3A_701 = arith.cmpi ne, %get3A_698, %ne3A_700 : vector<16xi32>
    %select_n3A_702 = arith.select %ne3A_701, %get3A_696, %broadcast_in_dim3A_643 : vector<16xi1>, vector<16xi32>
    %swap3A_703 = arith.constant 16 : index
    %swap3A_704 = tpu.vector_load %arg9[%swap3A_703] {strides = array<i32>} : memref<512xi32, #tpu.memory_space<vmem>>, vector<16xi32>,
    tpu.vector_store %arg9[%swap3A_703], %select_n3A_702 {strides = array<i32>} : memref<512xi32, #tpu.memory_space<vmem>>, vector<16xi32>,
    %eq3A_705 = arith.constant 0 : i32
    %eq3A_706 = vector.broadcast %eq3A_705 : i32 to vector<16xi32>
    %eq3A_707 = arith.cmpi eq, %select_n3A_702, %eq3A_706 : vector<16xi32>
    %select_n3A_708 = arith.select %eq3A_707, %broadcast_in_dim3A_645, %broadcast_in_dim3A_66 : vector<16xi1>, vector<16xf32>
    %add3A_709 = arith.addf %add3A_659, %select_n3A_708 : vector<16xf32>
    %eq3A_710 = arith.constant 1 : i32
    %eq3A_711 = vector.broadcast %eq3A_710 : i32 to vector<16xi32>
    %eq3A_712 = arith.cmpi eq, %select_n3A_702, %eq3A_711 : vector<16xi32>
    %select_n3A_713 = arith.select %eq3A_712, %broadcast_in_dim3A_645, %broadcast_in_dim3A_66 : vector<16xi1>, vector<16xf32>
    %add3A_714 = arith.addf %add3A_664, %select_n3A_713 : vector<16xf32>
    %eq3A_715 = arith.constant 2 : i32
    %eq3A_716 = vector.broadcast %eq3A_715 : i32 to vector<16xi32>
    %eq3A_717 = arith.cmpi eq, %select_n3A_702, %eq3A_716 : vector<16xi32>
    %select_n3A_718 = arith.select %eq3A_717, %broadcast_in_dim3A_645, %broadcast_in_dim3A_66 : vector<16xi1>, vector<16xf32>
    %add3A_719 = arith.addf %add3A_669, %select_n3A_718 : vector<16xf32>
    %eq3A_720 = arith.constant 3 : i32
    %eq3A_721 = vector.broadcast %eq3A_720 : i32 to vector<16xi32>
    %eq3A_722 = arith.cmpi eq, %select_n3A_702, %eq3A_721 : vector<16xi32>
    %select_n3A_723 = arith.select %eq3A_722, %broadcast_in_dim3A_645, %broadcast_in_dim3A_66 : vector<16xi1>, vector<16xf32>
    %add3A_724 = arith.addf %add3A_674, %select_n3A_723 : vector<16xf32>
    %eq3A_725 = arith.constant 4 : i32
    %eq3A_726 = vector.broadcast %eq3A_725 : i32 to vector<16xi32>
    %eq3A_727 = arith.cmpi eq, %select_n3A_702, %eq3A_726 : vector<16xi32>
    %select_n3A_728 = arith.select %eq3A_727, %broadcast_in_dim3A_645, %broadcast_in_dim3A_66 : vector<16xi1>, vector<16xf32>
    %add3A_729 = arith.addf %add3A_679, %select_n3A_728 : vector<16xf32>
    %eq3A_730 = arith.constant 5 : i32
    %eq3A_731 = vector.broadcast %eq3A_730 : i32 to vector<16xi32>
    %eq3A_732 = arith.cmpi eq, %select_n3A_702, %eq3A_731 : vector<16xi32>
    %select_n3A_733 = arith.select %eq3A_732, %broadcast_in_dim3A_645, %broadcast_in_dim3A_66 : vector<16xi1>, vector<16xf32>
    %add3A_734 = arith.addf %add3A_684, %select_n3A_733 : vector<16xf32>
    %eq3A_735 = arith.constant 6 : i32
    %eq3A_736 = vector.broadcast %eq3A_735 : i32 to vector<16xi32>
    %eq3A_737 = arith.cmpi eq, %select_n3A_702, %eq3A_736 : vector<16xi32>
    %select_n3A_738 = arith.select %eq3A_737, %broadcast_in_dim3A_645, %broadcast_in_dim3A_66 : vector<16xi1>, vector<16xf32>
    %add3A_739 = arith.addf %add3A_689, %select_n3A_738 : vector<16xf32>
    %eq3A_740 = arith.constant 7 : i32
    %eq3A_741 = vector.broadcast %eq3A_740 : i32 to vector<16xi32>
    %eq3A_742 = arith.cmpi eq, %select_n3A_702, %eq3A_741 : vector<16xi32>
    %select_n3A_743 = arith.select %eq3A_742, %broadcast_in_dim3A_645, %broadcast_in_dim3A_66 : vector<16xi1>, vector<16xf32>
    %add3A_744 = arith.addf %add3A_694, %select_n3A_743 : vector<16xf32>
    %get3A_745 = arith.constant 32 : index
    %get3A_746 = tpu.vector_load %arg7[%get3A_745] {strides = array<i32>} : memref<512xi32, #tpu.memory_space<vmem>>, vector<16xi32>,
    %get3A_747 = arith.constant 32 : index
    %get3A_748 = tpu.vector_load %arg8[%get3A_747] {strides = array<i32>} : memref<512xi32, #tpu.memory_space<vmem>>, vector<16xi32>,
    %ne3A_749 = arith.constant 0 : i32
    %ne3A_750 = vector.broadcast %ne3A_749 : i32 to vector<16xi32>
    %ne3A_751 = arith.cmpi ne, %get3A_748, %ne3A_750 : vector<16xi32>
    %select_n3A_752 = arith.select %ne3A_751, %get3A_746, %broadcast_in_dim3A_643 : vector<16xi1>, vector<16xi32>
    %swap3A_753 = arith.constant 32 : index
    %swap3A_754 = tpu.vector_load %arg9[%swap3A_753] {strides = array<i32>} : memref<512xi32, #tpu.memory_space<vmem>>, vector<16xi32>,
    tpu.vector_store %arg9[%swap3A_753], %select_n3A_752 {strides = array<i32>} : memref<512xi32, #tpu.memory_space<vmem>>, vector<16xi32>,
    %eq3A_755 = arith.constant 0 : i32
    %eq3A_756 = vector.broadcast %eq3A_755 : i32 to vector<16xi32>
    %eq3A_757 = arith.cmpi eq, %select_n3A_752, %eq3A_756 : vector<16xi32>
    %select_n3A_758 = arith.select %eq3A_757, %broadcast_in_dim3A_645, %broadcast_in_dim3A_66 : vector<16xi1>, vector<16xf32>
    %add3A_759 = arith.addf %add3A_709, %select_n3A_758 : vector<16xf32>
    %eq3A_760 = arith.constant 1 : i32
    %eq3A_761 = vector.broadcast %eq3A_760 : i32 to vector<16xi32>
    %eq3A_762 = arith.cmpi eq, %select_n3A_752, %eq3A_761 : vector<16xi32>
    %select_n3A_763 = arith.select %eq3A_762, %broadcast_in_dim3A_645, %broadcast_in_dim3A_66 : vector<16xi1>, vector<16xf32>
    %add3A_764 = arith.addf %add3A_714, %select_n3A_763 : vector<16xf32>
    %eq3A_765 = arith.constant 2 : i32
    %eq3A_766 = vector.broadcast %eq3A_765 : i32 to vector<16xi32>
    %eq3A_767 = arith.cmpi eq, %select_n3A_752, %eq3A_766 : vector<16xi32>
    %select_n3A_768 = arith.select %eq3A_767, %broadcast_in_dim3A_645, %broadcast_in_dim3A_66 : vector<16xi1>, vector<16xf32>
    %add3A_769 = arith.addf %add3A_719, %select_n3A_768 : vector<16xf32>
    %eq3A_770 = arith.constant 3 : i32
    %eq3A_771 = vector.broadcast %eq3A_770 : i32 to vector<16xi32>
    %eq3A_772 = arith.cmpi eq, %select_n3A_752, %eq3A_771 : vector<16xi32>
    %select_n3A_773 = arith.select %eq3A_772, %broadcast_in_dim3A_645, %broadcast_in_dim3A_66 : vector<16xi1>, vector<16xf32>
    %add3A_774 = arith.addf %add3A_724, %select_n3A_773 : vector<16xf32>
    %eq3A_775 = arith.constant 4 : i32
    %eq3A_776 = vector.broadcast %eq3A_775 : i32 to vector<16xi32>
    %eq3A_777 = arith.cmpi eq, %select_n3A_752, %eq3A_776 : vector<16xi32>
    %select_n3A_778 = arith.select %eq3A_777, %broadcast_in_dim3A_645, %broadcast_in_dim3A_66 : vector<16xi1>, vector<16xf32>
    %add3A_779 = arith.addf %add3A_729, %select_n3A_778 : vector<16xf32>
    %eq3A_780 = arith.constant 5 : i32
    %eq3A_781 = vector.broadcast %eq3A_780 : i32 to vector<16xi32>
    %eq3A_782 = arith.cmpi eq, %select_n3A_752, %eq3A_781 : vector<16xi32>
    %select_n3A_783 = arith.select %eq3A_782, %broadcast_in_dim3A_645, %broadcast_in_dim3A_66 : vector<16xi1>, vector<16xf32>
    %add3A_784 = arith.addf %add3A_734, %select_n3A_783 : vector<16xf32>
    %eq3A_785 = arith.constant 6 : i32
    %eq3A_786 = vector.broadcast %eq3A_785 : i32 to vector<16xi32>
    %eq3A_787 = arith.cmpi eq, %select_n3A_752, %eq3A_786 : vector<16xi32>
    %select_n3A_788 = arith.select %eq3A_787, %broadcast_in_dim3A_645, %broadcast_in_dim3A_66 : vector<16xi1>, vector<16xf32>
    %add3A_789 = arith.addf %add3A_739, %select_n3A_788 : vector<16xf32>
    %eq3A_790 = arith.constant 7 : i32
    %eq3A_791 = vector.broadcast %eq3A_790 : i32 to vector<16xi32>
    %eq3A_792 = arith.cmpi eq, %select_n3A_752, %eq3A_791 : vector<16xi32>
    %select_n3A_793 = arith.select %eq3A_792, %broadcast_in_dim3A_645, %broadcast_in_dim3A_66 : vector<16xi1>, vector<16xf32>
    %add3A_794 = arith.addf %add3A_744, %select_n3A_793 : vector<16xf32>
    %get3A_795 = arith.constant 48 : index
    %get3A_796 = tpu.vector_load %arg7[%get3A_795] {strides = array<i32>} : memref<512xi32, #tpu.memory_space<vmem>>, vector<16xi32>,
    %get3A_797 = arith.constant 48 : index
    %get3A_798 = tpu.vector_load %arg8[%get3A_797] {strides = array<i32>} : memref<512xi32, #tpu.memory_space<vmem>>, vector<16xi32>,
    %ne3A_799 = arith.constant 0 : i32
    %ne3A_800 = vector.broadcast %ne3A_799 : i32 to vector<16xi32>
    %ne3A_801 = arith.cmpi ne, %get3A_798, %ne3A_800 : vector<16xi32>
    %select_n3A_802 = arith.select %ne3A_801, %get3A_796, %broadcast_in_dim3A_643 : vector<16xi1>, vector<16xi32>
    %swap3A_803 = arith.constant 48 : index
    %swap3A_804 = tpu.vector_load %arg9[%swap3A_803] {strides = array<i32>} : memref<512xi32, #tpu.memory_space<vmem>>, vector<16xi32>,
    tpu.vector_store %arg9[%swap3A_803], %select_n3A_802 {strides = array<i32>} : memref<512xi32, #tpu.memory_space<vmem>>, vector<16xi32>,
    %eq3A_805 = arith.constant 0 : i32
    %eq3A_806 = vector.broadcast %eq3A_805 : i32 to vector<16xi32>
    %eq3A_807 = arith.cmpi eq, %select_n3A_802, %eq3A_806 : vector<16xi32>
    %select_n3A_808 = arith.select %eq3A_807, %broadcast_in_dim3A_645, %broadcast_in_dim3A_66 : vector<16xi1>, vector<16xf32>
    %add3A_809 = arith.addf %add3A_759, %select_n3A_808 : vector<16xf32>
    %eq3A_810 = arith.constant 1 : i32
    %eq3A_811 = vector.broadcast %eq3A_810 : i32 to vector<16xi32>
    %eq3A_812 = arith.cmpi eq, %select_n3A_802, %eq3A_811 : vector<16xi32>
    %select_n3A_813 = arith.select %eq3A_812, %broadcast_in_dim3A_645, %broadcast_in_dim3A_66 : vector<16xi1>, vector<16xf32>
    %add3A_814 = arith.addf %add3A_764, %select_n3A_813 : vector<16xf32>
    %eq3A_815 = arith.constant 2 : i32
    %eq3A_816 = vector.broadcast %eq3A_815 : i32 to vector<16xi32>
    %eq3A_817 = arith.cmpi eq, %select_n3A_802, %eq3A_816 : vector<16xi32>
    %select_n3A_818 = arith.select %eq3A_817, %broadcast_in_dim3A_645, %broadcast_in_dim3A_66 : vector<16xi1>, vector<16xf32>
    %add3A_819 = arith.addf %add3A_769, %select_n3A_818 : vector<16xf32>
    %eq3A_820 = arith.constant 3 : i32
    %eq3A_821 = vector.broadcast %eq3A_820 : i32 to vector<16xi32>
    %eq3A_822 = arith.cmpi eq, %select_n3A_802, %eq3A_821 : vector<16xi32>
    %select_n3A_823 = arith.select %eq3A_822, %broadcast_in_dim3A_645, %broadcast_in_dim3A_66 : vector<16xi1>, vector<16xf32>
    %add3A_824 = arith.addf %add3A_774, %select_n3A_823 : vector<16xf32>
    %eq3A_825 = arith.constant 4 : i32
    %eq3A_826 = vector.broadcast %eq3A_825 : i32 to vector<16xi32>
    %eq3A_827 = arith.cmpi eq, %select_n3A_802, %eq3A_826 : vector<16xi32>
    %select_n3A_828 = arith.select %eq3A_827, %broadcast_in_dim3A_645, %broadcast_in_dim3A_66 : vector<16xi1>, vector<16xf32>
    %add3A_829 = arith.addf %add3A_779, %select_n3A_828 : vector<16xf32>
    %eq3A_830 = arith.constant 5 : i32
    %eq3A_831 = vector.broadcast %eq3A_830 : i32 to vector<16xi32>
    %eq3A_832 = arith.cmpi eq, %select_n3A_802, %eq3A_831 : vector<16xi32>
    %select_n3A_833 = arith.select %eq3A_832, %broadcast_in_dim3A_645, %broadcast_in_dim3A_66 : vector<16xi1>, vector<16xf32>
    %add3A_834 = arith.addf %add3A_784, %select_n3A_833 : vector<16xf32>
    %eq3A_835 = arith.constant 6 : i32
    %eq3A_836 = vector.broadcast %eq3A_835 : i32 to vector<16xi32>
    %eq3A_837 = arith.cmpi eq, %select_n3A_802, %eq3A_836 : vector<16xi32>
    %select_n3A_838 = arith.select %eq3A_837, %broadcast_in_dim3A_645, %broadcast_in_dim3A_66 : vector<16xi1>, vector<16xf32>
    %add3A_839 = arith.addf %add3A_789, %select_n3A_838 : vector<16xf32>
    %eq3A_840 = arith.constant 7 : i32
    %eq3A_841 = vector.broadcast %eq3A_840 : i32 to vector<16xi32>
    %eq3A_842 = arith.cmpi eq, %select_n3A_802, %eq3A_841 : vector<16xi32>
    %select_n3A_843 = arith.select %eq3A_842, %broadcast_in_dim3A_645, %broadcast_in_dim3A_66 : vector<16xi1>, vector<16xf32>
    %add3A_844 = arith.addf %add3A_794, %select_n3A_843 : vector<16xf32>
    %get3A_845 = arith.constant 64 : index
    %get3A_846 = tpu.vector_load %arg7[%get3A_845] {strides = array<i32>} : memref<512xi32, #tpu.memory_space<vmem>>, vector<16xi32>,
    %get3A_847 = arith.constant 64 : index
    %get3A_848 = tpu.vector_load %arg8[%get3A_847] {strides = array<i32>} : memref<512xi32, #tpu.memory_space<vmem>>, vector<16xi32>,
    %ne3A_849 = arith.constant 0 : i32
    %ne3A_850 = vector.broadcast %ne3A_849 : i32 to vector<16xi32>
    %ne3A_851 = arith.cmpi ne, %get3A_848, %ne3A_850 : vector<16xi32>
    %select_n3A_852 = arith.select %ne3A_851, %get3A_846, %broadcast_in_dim3A_643 : vector<16xi1>, vector<16xi32>
    %swap3A_853 = arith.constant 64 : index
    %swap3A_854 = tpu.vector_load %arg9[%swap3A_853] {strides = array<i32>} : memref<512xi32, #tpu.memory_space<vmem>>, vector<16xi32>,
    tpu.vector_store %arg9[%swap3A_853], %select_n3A_852 {strides = array<i32>} : memref<512xi32, #tpu.memory_space<vmem>>, vector<16xi32>,
    %eq3A_855 = arith.constant 0 : i32
    %eq3A_856 = vector.broadcast %eq3A_855 : i32 to vector<16xi32>
    %eq3A_857 = arith.cmpi eq, %select_n3A_852, %eq3A_856 : vector<16xi32>
    %select_n3A_858 = arith.select %eq3A_857, %broadcast_in_dim3A_645, %broadcast_in_dim3A_66 : vector<16xi1>, vector<16xf32>
    %add3A_859 = arith.addf %add3A_809, %select_n3A_858 : vector<16xf32>
    %eq3A_860 = arith.constant 1 : i32
    %eq3A_861 = vector.broadcast %eq3A_860 : i32 to vector<16xi32>
    %eq3A_862 = arith.cmpi eq, %select_n3A_852, %eq3A_861 : vector<16xi32>
    %select_n3A_863 = arith.select %eq3A_862, %broadcast_in_dim3A_645, %broadcast_in_dim3A_66 : vector<16xi1>, vector<16xf32>
    %add3A_864 = arith.addf %add3A_814, %select_n3A_863 : vector<16xf32>
    %eq3A_865 = arith.constant 2 : i32
    %eq3A_866 = vector.broadcast %eq3A_865 : i32 to vector<16xi32>
    %eq3A_867 = arith.cmpi eq, %select_n3A_852, %eq3A_866 : vector<16xi32>
    %select_n3A_868 = arith.select %eq3A_867, %broadcast_in_dim3A_645, %broadcast_in_dim3A_66 : vector<16xi1>, vector<16xf32>
    %add3A_869 = arith.addf %add3A_819, %select_n3A_868 : vector<16xf32>
    %eq3A_870 = arith.constant 3 : i32
    %eq3A_871 = vector.broadcast %eq3A_870 : i32 to vector<16xi32>
    %eq3A_872 = arith.cmpi eq, %select_n3A_852, %eq3A_871 : vector<16xi32>
    %select_n3A_873 = arith.select %eq3A_872, %broadcast_in_dim3A_645, %broadcast_in_dim3A_66 : vector<16xi1>, vector<16xf32>
    %add3A_874 = arith.addf %add3A_824, %select_n3A_873 : vector<16xf32>
    %eq3A_875 = arith.constant 4 : i32
    %eq3A_876 = vector.broadcast %eq3A_875 : i32 to vector<16xi32>
    %eq3A_877 = arith.cmpi eq, %select_n3A_852, %eq3A_876 : vector<16xi32>
    %select_n3A_878 = arith.select %eq3A_877, %broadcast_in_dim3A_645, %broadcast_in_dim3A_66 : vector<16xi1>, vector<16xf32>
    %add3A_879 = arith.addf %add3A_829, %select_n3A_878 : vector<16xf32>
    %eq3A_880 = arith.constant 5 : i32
    %eq3A_881 = vector.broadcast %eq3A_880 : i32 to vector<16xi32>
    %eq3A_882 = arith.cmpi eq, %select_n3A_852, %eq3A_881 : vector<16xi32>
    %select_n3A_883 = arith.select %eq3A_882, %broadcast_in_dim3A_645, %broadcast_in_dim3A_66 : vector<16xi1>, vector<16xf32>
    %add3A_884 = arith.addf %add3A_834, %select_n3A_883 : vector<16xf32>
    %eq3A_885 = arith.constant 6 : i32
    %eq3A_886 = vector.broadcast %eq3A_885 : i32 to vector<16xi32>
    %eq3A_887 = arith.cmpi eq, %select_n3A_852, %eq3A_886 : vector<16xi32>
    %select_n3A_888 = arith.select %eq3A_887, %broadcast_in_dim3A_645, %broadcast_in_dim3A_66 : vector<16xi1>, vector<16xf32>
    %add3A_889 = arith.addf %add3A_839, %select_n3A_888 : vector<16xf32>
    %eq3A_890 = arith.constant 7 : i32
    %eq3A_891 = vector.broadcast %eq3A_890 : i32 to vector<16xi32>
    %eq3A_892 = arith.cmpi eq, %select_n3A_852, %eq3A_891 : vector<16xi32>
    %select_n3A_893 = arith.select %eq3A_892, %broadcast_in_dim3A_645, %broadcast_in_dim3A_66 : vector<16xi1>, vector<16xf32>
    %add3A_894 = arith.addf %add3A_844, %select_n3A_893 : vector<16xf32>
    %get3A_895 = arith.constant 80 : index
    %get3A_896 = tpu.vector_load %arg7[%get3A_895] {strides = array<i32>} : memref<512xi32, #tpu.memory_space<vmem>>, vector<16xi32>,
    %get3A_897 = arith.constant 80 : index
    %get3A_898 = tpu.vector_load %arg8[%get3A_897] {strides = array<i32>} : memref<512xi32, #tpu.memory_space<vmem>>, vector<16xi32>,
    %ne3A_899 = arith.constant 0 : i32
    %ne3A_900 = vector.broadcast %ne3A_899 : i32 to vector<16xi32>
    %ne3A_901 = arith.cmpi ne, %get3A_898, %ne3A_900 : vector<16xi32>
    %select_n3A_902 = arith.select %ne3A_901, %get3A_896, %broadcast_in_dim3A_643 : vector<16xi1>, vector<16xi32>
    %swap3A_903 = arith.constant 80 : index
    %swap3A_904 = tpu.vector_load %arg9[%swap3A_903] {strides = array<i32>} : memref<512xi32, #tpu.memory_space<vmem>>, vector<16xi32>,
    tpu.vector_store %arg9[%swap3A_903], %select_n3A_902 {strides = array<i32>} : memref<512xi32, #tpu.memory_space<vmem>>, vector<16xi32>,
    %eq3A_905 = arith.constant 0 : i32
    %eq3A_906 = vector.broadcast %eq3A_905 : i32 to vector<16xi32>
    %eq3A_907 = arith.cmpi eq, %select_n3A_902, %eq3A_906 : vector<16xi32>
    %select_n3A_908 = arith.select %eq3A_907, %broadcast_in_dim3A_645, %broadcast_in_dim3A_66 : vector<16xi1>, vector<16xf32>
    %add3A_909 = arith.addf %add3A_859, %select_n3A_908 : vector<16xf32>
    %eq3A_910 = arith.constant 1 : i32
    %eq3A_911 = vector.broadcast %eq3A_910 : i32 to vector<16xi32>
    %eq3A_912 = arith.cmpi eq, %select_n3A_902, %eq3A_911 : vector<16xi32>
    %select_n3A_913 = arith.select %eq3A_912, %broadcast_in_dim3A_645, %broadcast_in_dim3A_66 : vector<16xi1>, vector<16xf32>
    %add3A_914 = arith.addf %add3A_864, %select_n3A_913 : vector<16xf32>
    %eq3A_915 = arith.constant 2 : i32
    %eq3A_916 = vector.broadcast %eq3A_915 : i32 to vector<16xi32>
    %eq3A_917 = arith.cmpi eq, %select_n3A_902, %eq3A_916 : vector<16xi32>
    %select_n3A_918 = arith.select %eq3A_917, %broadcast_in_dim3A_645, %broadcast_in_dim3A_66 : vector<16xi1>, vector<16xf32>
    %add3A_919 = arith.addf %add3A_869, %select_n3A_918 : vector<16xf32>
    %eq3A_920 = arith.constant 3 : i32
    %eq3A_921 = vector.broadcast %eq3A_920 : i32 to vector<16xi32>
    %eq3A_922 = arith.cmpi eq, %select_n3A_902, %eq3A_921 : vector<16xi32>
    %select_n3A_923 = arith.select %eq3A_922, %broadcast_in_dim3A_645, %broadcast_in_dim3A_66 : vector<16xi1>, vector<16xf32>
    %add3A_924 = arith.addf %add3A_874, %select_n3A_923 : vector<16xf32>
    %eq3A_925 = arith.constant 4 : i32
    %eq3A_926 = vector.broadcast %eq3A_925 : i32 to vector<16xi32>
    %eq3A_927 = arith.cmpi eq, %select_n3A_902, %eq3A_926 : vector<16xi32>
    %select_n3A_928 = arith.select %eq3A_927, %broadcast_in_dim3A_645, %broadcast_in_dim3A_66 : vector<16xi1>, vector<16xf32>
    %add3A_929 = arith.addf %add3A_879, %select_n3A_928 : vector<16xf32>
    %eq3A_930 = arith.constant 5 : i32
    %eq3A_931 = vector.broadcast %eq3A_930 : i32 to vector<16xi32>
    %eq3A_932 = arith.cmpi eq, %select_n3A_902, %eq3A_931 : vector<16xi32>
    %select_n3A_933 = arith.select %eq3A_932, %broadcast_in_dim3A_645, %broadcast_in_dim3A_66 : vector<16xi1>, vector<16xf32>
    %add3A_934 = arith.addf %add3A_884, %select_n3A_933 : vector<16xf32>
    %eq3A_935 = arith.constant 6 : i32
    %eq3A_936 = vector.broadcast %eq3A_935 : i32 to vector<16xi32>
    %eq3A_937 = arith.cmpi eq, %select_n3A_902, %eq3A_936 : vector<16xi32>
    %select_n3A_938 = arith.select %eq3A_937, %broadcast_in_dim3A_645, %broadcast_in_dim3A_66 : vector<16xi1>, vector<16xf32>
    %add3A_939 = arith.addf %add3A_889, %select_n3A_938 : vector<16xf32>
    %eq3A_940 = arith.constant 7 : i32
    %eq3A_941 = vector.broadcast %eq3A_940 : i32 to vector<16xi32>
    %eq3A_942 = arith.cmpi eq, %select_n3A_902, %eq3A_941 : vector<16xi32>
    %select_n3A_943 = arith.select %eq3A_942, %broadcast_in_dim3A_645, %broadcast_in_dim3A_66 : vector<16xi1>, vector<16xf32>
    %add3A_944 = arith.addf %add3A_894, %select_n3A_943 : vector<16xf32>
    %get3A_945 = arith.constant 96 : index
    %get3A_946 = tpu.vector_load %arg7[%get3A_945] {strides = array<i32>} : memref<512xi32, #tpu.memory_space<vmem>>, vector<16xi32>,
    %get3A_947 = arith.constant 96 : index
    %get3A_948 = tpu.vector_load %arg8[%get3A_947] {strides = array<i32>} : memref<512xi32, #tpu.memory_space<vmem>>, vector<16xi32>,
    %ne3A_949 = arith.constant 0 : i32
    %ne3A_950 = vector.broadcast %ne3A_949 : i32 to vector<16xi32>
    %ne3A_951 = arith.cmpi ne, %get3A_948, %ne3A_950 : vector<16xi32>
    %select_n3A_952 = arith.select %ne3A_951, %get3A_946, %broadcast_in_dim3A_643 : vector<16xi1>, vector<16xi32>
    %swap3A_953 = arith.constant 96 : index
    %swap3A_954 = tpu.vector_load %arg9[%swap3A_953] {strides = array<i32>} : memref<512xi32, #tpu.memory_space<vmem>>, vector<16xi32>,
    tpu.vector_store %arg9[%swap3A_953], %select_n3A_952 {strides = array<i32>} : memref<512xi32, #tpu.memory_space<vmem>>, vector<16xi32>,
    %eq3A_955 = arith.constant 0 : i32
    %eq3A_956 = vector.broadcast %eq3A_955 : i32 to vector<16xi32>
    %eq3A_957 = arith.cmpi eq, %select_n3A_952, %eq3A_956 : vector<16xi32>
    %select_n3A_958 = arith.select %eq3A_957, %broadcast_in_dim3A_645, %broadcast_in_dim3A_66 : vector<16xi1>, vector<16xf32>
    %add3A_959 = arith.addf %add3A_909, %select_n3A_958 : vector<16xf32>
    %eq3A_960 = arith.constant 1 : i32
    %eq3A_961 = vector.broadcast %eq3A_960 : i32 to vector<16xi32>
    %eq3A_962 = arith.cmpi eq, %select_n3A_952, %eq3A_961 : vector<16xi32>
    %select_n3A_963 = arith.select %eq3A_962, %broadcast_in_dim3A_645, %broadcast_in_dim3A_66 : vector<16xi1>, vector<16xf32>
    %add3A_964 = arith.addf %add3A_914, %select_n3A_963 : vector<16xf32>
    %eq3A_965 = arith.constant 2 : i32
    %eq3A_966 = vector.broadcast %eq3A_965 : i32 to vector<16xi32>
    %eq3A_967 = arith.cmpi eq, %select_n3A_952, %eq3A_966 : vector<16xi32>
    %select_n3A_968 = arith.select %eq3A_967, %broadcast_in_dim3A_645, %broadcast_in_dim3A_66 : vector<16xi1>, vector<16xf32>
    %add3A_969 = arith.addf %add3A_919, %select_n3A_968 : vector<16xf32>
    %eq3A_970 = arith.constant 3 : i32
    %eq3A_971 = vector.broadcast %eq3A_970 : i32 to vector<16xi32>
    %eq3A_972 = arith.cmpi eq, %select_n3A_952, %eq3A_971 : vector<16xi32>
    %select_n3A_973 = arith.select %eq3A_972, %broadcast_in_dim3A_645, %broadcast_in_dim3A_66 : vector<16xi1>, vector<16xf32>
    %add3A_974 = arith.addf %add3A_924, %select_n3A_973 : vector<16xf32>
    %eq3A_975 = arith.constant 4 : i32
    %eq3A_976 = vector.broadcast %eq3A_975 : i32 to vector<16xi32>
    %eq3A_977 = arith.cmpi eq, %select_n3A_952, %eq3A_976 : vector<16xi32>
    %select_n3A_978 = arith.select %eq3A_977, %broadcast_in_dim3A_645, %broadcast_in_dim3A_66 : vector<16xi1>, vector<16xf32>
    %add3A_979 = arith.addf %add3A_929, %select_n3A_978 : vector<16xf32>
    %eq3A_980 = arith.constant 5 : i32
    %eq3A_981 = vector.broadcast %eq3A_980 : i32 to vector<16xi32>
    %eq3A_982 = arith.cmpi eq, %select_n3A_952, %eq3A_981 : vector<16xi32>
    %select_n3A_983 = arith.select %eq3A_982, %broadcast_in_dim3A_645, %broadcast_in_dim3A_66 : vector<16xi1>, vector<16xf32>
    %add3A_984 = arith.addf %add3A_934, %select_n3A_983 : vector<16xf32>
    %eq3A_985 = arith.constant 6 : i32
    %eq3A_986 = vector.broadcast %eq3A_985 : i32 to vector<16xi32>
    %eq3A_987 = arith.cmpi eq, %select_n3A_952, %eq3A_986 : vector<16xi32>
    %select_n3A_988 = arith.select %eq3A_987, %broadcast_in_dim3A_645, %broadcast_in_dim3A_66 : vector<16xi1>, vector<16xf32>
    %add3A_989 = arith.addf %add3A_939, %select_n3A_988 : vector<16xf32>
    %eq3A_990 = arith.constant 7 : i32
    %eq3A_991 = vector.broadcast %eq3A_990 : i32 to vector<16xi32>
    %eq3A_992 = arith.cmpi eq, %select_n3A_952, %eq3A_991 : vector<16xi32>
    %select_n3A_993 = arith.select %eq3A_992, %broadcast_in_dim3A_645, %broadcast_in_dim3A_66 : vector<16xi1>, vector<16xf32>
    %add3A_994 = arith.addf %add3A_944, %select_n3A_993 : vector<16xf32>
    %get3A_995 = arith.constant 112 : index
    %get3A_996 = tpu.vector_load %arg7[%get3A_995] {strides = array<i32>} : memref<512xi32, #tpu.memory_space<vmem>>, vector<16xi32>,
    %get3A_997 = arith.constant 112 : index
    %get3A_998 = tpu.vector_load %arg8[%get3A_997] {strides = array<i32>} : memref<512xi32, #tpu.memory_space<vmem>>, vector<16xi32>,
    %ne3A_999 = arith.constant 0 : i32
    %ne3A_1000 = vector.broadcast %ne3A_999 : i32 to vector<16xi32>
    %ne3A_1001 = arith.cmpi ne, %get3A_998, %ne3A_1000 : vector<16xi32>
    %select_n3A_1002 = arith.select %ne3A_1001, %get3A_996, %broadcast_in_dim3A_643 : vector<16xi1>, vector<16xi32>
    %swap3A_1003 = arith.constant 112 : index
    %swap3A_1004 = tpu.vector_load %arg9[%swap3A_1003] {strides = array<i32>} : memref<512xi32, #tpu.memory_space<vmem>>, vector<16xi32>,
    tpu.vector_store %arg9[%swap3A_1003], %select_n3A_1002 {strides = array<i32>} : memref<512xi32, #tpu.memory_space<vmem>>, vector<16xi32>,
    %eq3A_1005 = arith.constant 0 : i32
    %eq3A_1006 = vector.broadcast %eq3A_1005 : i32 to vector<16xi32>
    %eq3A_1007 = arith.cmpi eq, %select_n3A_1002, %eq3A_1006 : vector<16xi32>
    %select_n3A_1008 = arith.select %eq3A_1007, %broadcast_in_dim3A_645, %broadcast_in_dim3A_66 : vector<16xi1>, vector<16xf32>
    %add3A_1009 = arith.addf %add3A_959, %select_n3A_1008 : vector<16xf32>
    %eq3A_1010 = arith.constant 1 : i32
    %eq3A_1011 = vector.broadcast %eq3A_1010 : i32 to vector<16xi32>
    %eq3A_1012 = arith.cmpi eq, %select_n3A_1002, %eq3A_1011 : vector<16xi32>
    %select_n3A_1013 = arith.select %eq3A_1012, %broadcast_in_dim3A_645, %broadcast_in_dim3A_66 : vector<16xi1>, vector<16xf32>
    %add3A_1014 = arith.addf %add3A_964, %select_n3A_1013 : vector<16xf32>
    %eq3A_1015 = arith.constant 2 : i32
    %eq3A_1016 = vector.broadcast %eq3A_1015 : i32 to vector<16xi32>
    %eq3A_1017 = arith.cmpi eq, %select_n3A_1002, %eq3A_1016 : vector<16xi32>
    %select_n3A_1018 = arith.select %eq3A_1017, %broadcast_in_dim3A_645, %broadcast_in_dim3A_66 : vector<16xi1>, vector<16xf32>
    %add3A_1019 = arith.addf %add3A_969, %select_n3A_1018 : vector<16xf32>
    %eq3A_1020 = arith.constant 3 : i32
    %eq3A_1021 = vector.broadcast %eq3A_1020 : i32 to vector<16xi32>
    %eq3A_1022 = arith.cmpi eq, %select_n3A_1002, %eq3A_1021 : vector<16xi32>
    %select_n3A_1023 = arith.select %eq3A_1022, %broadcast_in_dim3A_645, %broadcast_in_dim3A_66 : vector<16xi1>, vector<16xf32>
    %add3A_1024 = arith.addf %add3A_974, %select_n3A_1023 : vector<16xf32>
    %eq3A_1025 = arith.constant 4 : i32
    %eq3A_1026 = vector.broadcast %eq3A_1025 : i32 to vector<16xi32>
    %eq3A_1027 = arith.cmpi eq, %select_n3A_1002, %eq3A_1026 : vector<16xi32>
    %select_n3A_1028 = arith.select %eq3A_1027, %broadcast_in_dim3A_645, %broadcast_in_dim3A_66 : vector<16xi1>, vector<16xf32>
    %add3A_1029 = arith.addf %add3A_979, %select_n3A_1028 : vector<16xf32>
    %eq3A_1030 = arith.constant 5 : i32
    %eq3A_1031 = vector.broadcast %eq3A_1030 : i32 to vector<16xi32>
    %eq3A_1032 = arith.cmpi eq, %select_n3A_1002, %eq3A_1031 : vector<16xi32>
    %select_n3A_1033 = arith.select %eq3A_1032, %broadcast_in_dim3A_645, %broadcast_in_dim3A_66 : vector<16xi1>, vector<16xf32>
    %add3A_1034 = arith.addf %add3A_984, %select_n3A_1033 : vector<16xf32>
    %eq3A_1035 = arith.constant 6 : i32
    %eq3A_1036 = vector.broadcast %eq3A_1035 : i32 to vector<16xi32>
    %eq3A_1037 = arith.cmpi eq, %select_n3A_1002, %eq3A_1036 : vector<16xi32>
    %select_n3A_1038 = arith.select %eq3A_1037, %broadcast_in_dim3A_645, %broadcast_in_dim3A_66 : vector<16xi1>, vector<16xf32>
    %add3A_1039 = arith.addf %add3A_989, %select_n3A_1038 : vector<16xf32>
    %eq3A_1040 = arith.constant 7 : i32
    %eq3A_1041 = vector.broadcast %eq3A_1040 : i32 to vector<16xi32>
    %eq3A_1042 = arith.cmpi eq, %select_n3A_1002, %eq3A_1041 : vector<16xi32>
    %select_n3A_1043 = arith.select %eq3A_1042, %broadcast_in_dim3A_645, %broadcast_in_dim3A_66 : vector<16xi1>, vector<16xf32>
    %add3A_1044 = arith.addf %add3A_994, %select_n3A_1043 : vector<16xf32>
    %get3A_1045 = arith.constant 128 : index
    %get3A_1046 = tpu.vector_load %arg7[%get3A_1045] {strides = array<i32>} : memref<512xi32, #tpu.memory_space<vmem>>, vector<16xi32>,
    %get3A_1047 = arith.constant 128 : index
    %get3A_1048 = tpu.vector_load %arg8[%get3A_1047] {strides = array<i32>} : memref<512xi32, #tpu.memory_space<vmem>>, vector<16xi32>,
    %ne3A_1049 = arith.constant 0 : i32
    %ne3A_1050 = vector.broadcast %ne3A_1049 : i32 to vector<16xi32>
    %ne3A_1051 = arith.cmpi ne, %get3A_1048, %ne3A_1050 : vector<16xi32>
    %select_n3A_1052 = arith.select %ne3A_1051, %get3A_1046, %broadcast_in_dim3A_643 : vector<16xi1>, vector<16xi32>
    %swap3A_1053 = arith.constant 128 : index
    %swap3A_1054 = tpu.vector_load %arg9[%swap3A_1053] {strides = array<i32>} : memref<512xi32, #tpu.memory_space<vmem>>, vector<16xi32>,
    tpu.vector_store %arg9[%swap3A_1053], %select_n3A_1052 {strides = array<i32>} : memref<512xi32, #tpu.memory_space<vmem>>, vector<16xi32>,
    %eq3A_1055 = arith.constant 0 : i32
    %eq3A_1056 = vector.broadcast %eq3A_1055 : i32 to vector<16xi32>
    %eq3A_1057 = arith.cmpi eq, %select_n3A_1052, %eq3A_1056 : vector<16xi32>
    %select_n3A_1058 = arith.select %eq3A_1057, %broadcast_in_dim3A_645, %broadcast_in_dim3A_66 : vector<16xi1>, vector<16xf32>
    %add3A_1059 = arith.addf %add3A_1009, %select_n3A_1058 : vector<16xf32>
    %eq3A_1060 = arith.constant 1 : i32
    %eq3A_1061 = vector.broadcast %eq3A_1060 : i32 to vector<16xi32>
    %eq3A_1062 = arith.cmpi eq, %select_n3A_1052, %eq3A_1061 : vector<16xi32>
    %select_n3A_1063 = arith.select %eq3A_1062, %broadcast_in_dim3A_645, %broadcast_in_dim3A_66 : vector<16xi1>, vector<16xf32>
    %add3A_1064 = arith.addf %add3A_1014, %select_n3A_1063 : vector<16xf32>
    %eq3A_1065 = arith.constant 2 : i32
    %eq3A_1066 = vector.broadcast %eq3A_1065 : i32 to vector<16xi32>
    %eq3A_1067 = arith.cmpi eq, %select_n3A_1052, %eq3A_1066 : vector<16xi32>
    %select_n3A_1068 = arith.select %eq3A_1067, %broadcast_in_dim3A_645, %broadcast_in_dim3A_66 : vector<16xi1>, vector<16xf32>
    %add3A_1069 = arith.addf %add3A_1019, %select_n3A_1068 : vector<16xf32>
    %eq3A_1070 = arith.constant 3 : i32
    %eq3A_1071 = vector.broadcast %eq3A_1070 : i32 to vector<16xi32>
    %eq3A_1072 = arith.cmpi eq, %select_n3A_1052, %eq3A_1071 : vector<16xi32>
    %select_n3A_1073 = arith.select %eq3A_1072, %broadcast_in_dim3A_645, %broadcast_in_dim3A_66 : vector<16xi1>, vector<16xf32>
    %add3A_1074 = arith.addf %add3A_1024, %select_n3A_1073 : vector<16xf32>
    %eq3A_1075 = arith.constant 4 : i32
    %eq3A_1076 = vector.broadcast %eq3A_1075 : i32 to vector<16xi32>
    %eq3A_1077 = arith.cmpi eq, %select_n3A_1052, %eq3A_1076 : vector<16xi32>
    %select_n3A_1078 = arith.select %eq3A_1077, %broadcast_in_dim3A_645, %broadcast_in_dim3A_66 : vector<16xi1>, vector<16xf32>
    %add3A_1079 = arith.addf %add3A_1029, %select_n3A_1078 : vector<16xf32>
    %eq3A_1080 = arith.constant 5 : i32
    %eq3A_1081 = vector.broadcast %eq3A_1080 : i32 to vector<16xi32>
    %eq3A_1082 = arith.cmpi eq, %select_n3A_1052, %eq3A_1081 : vector<16xi32>
    %select_n3A_1083 = arith.select %eq3A_1082, %broadcast_in_dim3A_645, %broadcast_in_dim3A_66 : vector<16xi1>, vector<16xf32>
    %add3A_1084 = arith.addf %add3A_1034, %select_n3A_1083 : vector<16xf32>
    %eq3A_1085 = arith.constant 6 : i32
    %eq3A_1086 = vector.broadcast %eq3A_1085 : i32 to vector<16xi32>
    %eq3A_1087 = arith.cmpi eq, %select_n3A_1052, %eq3A_1086 : vector<16xi32>
    %select_n3A_1088 = arith.select %eq3A_1087, %broadcast_in_dim3A_645, %broadcast_in_dim3A_66 : vector<16xi1>, vector<16xf32>
    %add3A_1089 = arith.addf %add3A_1039, %select_n3A_1088 : vector<16xf32>
    %eq3A_1090 = arith.constant 7 : i32
    %eq3A_1091 = vector.broadcast %eq3A_1090 : i32 to vector<16xi32>
    %eq3A_1092 = arith.cmpi eq, %select_n3A_1052, %eq3A_1091 : vector<16xi32>
    %select_n3A_1093 = arith.select %eq3A_1092, %broadcast_in_dim3A_645, %broadcast_in_dim3A_66 : vector<16xi1>, vector<16xf32>
    %add3A_1094 = arith.addf %add3A_1044, %select_n3A_1093 : vector<16xf32>
    %get3A_1095 = arith.constant 144 : index
    %get3A_1096 = tpu.vector_load %arg7[%get3A_1095] {strides = array<i32>} : memref<512xi32, #tpu.memory_space<vmem>>, vector<16xi32>,
    %get3A_1097 = arith.constant 144 : index
    %get3A_1098 = tpu.vector_load %arg8[%get3A_1097] {strides = array<i32>} : memref<512xi32, #tpu.memory_space<vmem>>, vector<16xi32>,
    %ne3A_1099 = arith.constant 0 : i32
    %ne3A_1100 = vector.broadcast %ne3A_1099 : i32 to vector<16xi32>
    %ne3A_1101 = arith.cmpi ne, %get3A_1098, %ne3A_1100 : vector<16xi32>
    %select_n3A_1102 = arith.select %ne3A_1101, %get3A_1096, %broadcast_in_dim3A_643 : vector<16xi1>, vector<16xi32>
    %swap3A_1103 = arith.constant 144 : index
    %swap3A_1104 = tpu.vector_load %arg9[%swap3A_1103] {strides = array<i32>} : memref<512xi32, #tpu.memory_space<vmem>>, vector<16xi32>,
    tpu.vector_store %arg9[%swap3A_1103], %select_n3A_1102 {strides = array<i32>} : memref<512xi32, #tpu.memory_space<vmem>>, vector<16xi32>,
    %eq3A_1105 = arith.constant 0 : i32
    %eq3A_1106 = vector.broadcast %eq3A_1105 : i32 to vector<16xi32>
    %eq3A_1107 = arith.cmpi eq, %select_n3A_1102, %eq3A_1106 : vector<16xi32>
    %select_n3A_1108 = arith.select %eq3A_1107, %broadcast_in_dim3A_645, %broadcast_in_dim3A_66 : vector<16xi1>, vector<16xf32>
    %add3A_1109 = arith.addf %add3A_1059, %select_n3A_1108 : vector<16xf32>
    %eq3A_1110 = arith.constant 1 : i32
    %eq3A_1111 = vector.broadcast %eq3A_1110 : i32 to vector<16xi32>
    %eq3A_1112 = arith.cmpi eq, %select_n3A_1102, %eq3A_1111 : vector<16xi32>
    %select_n3A_1113 = arith.select %eq3A_1112, %broadcast_in_dim3A_645, %broadcast_in_dim3A_66 : vector<16xi1>, vector<16xf32>
    %add3A_1114 = arith.addf %add3A_1064, %select_n3A_1113 : vector<16xf32>
    %eq3A_1115 = arith.constant 2 : i32
    %eq3A_1116 = vector.broadcast %eq3A_1115 : i32 to vector<16xi32>
    %eq3A_1117 = arith.cmpi eq, %select_n3A_1102, %eq3A_1116 : vector<16xi32>
    %select_n3A_1118 = arith.select %eq3A_1117, %broadcast_in_dim3A_645, %broadcast_in_dim3A_66 : vector<16xi1>, vector<16xf32>
    %add3A_1119 = arith.addf %add3A_1069, %select_n3A_1118 : vector<16xf32>
    %eq3A_1120 = arith.constant 3 : i32
    %eq3A_1121 = vector.broadcast %eq3A_1120 : i32 to vector<16xi32>
    %eq3A_1122 = arith.cmpi eq, %select_n3A_1102, %eq3A_1121 : vector<16xi32>
    %select_n3A_1123 = arith.select %eq3A_1122, %broadcast_in_dim3A_645, %broadcast_in_dim3A_66 : vector<16xi1>, vector<16xf32>
    %add3A_1124 = arith.addf %add3A_1074, %select_n3A_1123 : vector<16xf32>
    %eq3A_1125 = arith.constant 4 : i32
    %eq3A_1126 = vector.broadcast %eq3A_1125 : i32 to vector<16xi32>
    %eq3A_1127 = arith.cmpi eq, %select_n3A_1102, %eq3A_1126 : vector<16xi32>
    %select_n3A_1128 = arith.select %eq3A_1127, %broadcast_in_dim3A_645, %broadcast_in_dim3A_66 : vector<16xi1>, vector<16xf32>
    %add3A_1129 = arith.addf %add3A_1079, %select_n3A_1128 : vector<16xf32>
    %eq3A_1130 = arith.constant 5 : i32
    %eq3A_1131 = vector.broadcast %eq3A_1130 : i32 to vector<16xi32>
    %eq3A_1132 = arith.cmpi eq, %select_n3A_1102, %eq3A_1131 : vector<16xi32>
    %select_n3A_1133 = arith.select %eq3A_1132, %broadcast_in_dim3A_645, %broadcast_in_dim3A_66 : vector<16xi1>, vector<16xf32>
    %add3A_1134 = arith.addf %add3A_1084, %select_n3A_1133 : vector<16xf32>
    %eq3A_1135 = arith.constant 6 : i32
    %eq3A_1136 = vector.broadcast %eq3A_1135 : i32 to vector<16xi32>
    %eq3A_1137 = arith.cmpi eq, %select_n3A_1102, %eq3A_1136 : vector<16xi32>
    %select_n3A_1138 = arith.select %eq3A_1137, %broadcast_in_dim3A_645, %broadcast_in_dim3A_66 : vector<16xi1>, vector<16xf32>
    %add3A_1139 = arith.addf %add3A_1089, %select_n3A_1138 : vector<16xf32>
    %eq3A_1140 = arith.constant 7 : i32
    %eq3A_1141 = vector.broadcast %eq3A_1140 : i32 to vector<16xi32>
    %eq3A_1142 = arith.cmpi eq, %select_n3A_1102, %eq3A_1141 : vector<16xi32>
    %select_n3A_1143 = arith.select %eq3A_1142, %broadcast_in_dim3A_645, %broadcast_in_dim3A_66 : vector<16xi1>, vector<16xf32>
    %add3A_1144 = arith.addf %add3A_1094, %select_n3A_1143 : vector<16xf32>
    %get3A_1145 = arith.constant 160 : index
    %get3A_1146 = tpu.vector_load %arg7[%get3A_1145] {strides = array<i32>} : memref<512xi32, #tpu.memory_space<vmem>>, vector<16xi32>,
    %get3A_1147 = arith.constant 160 : index
    %get3A_1148 = tpu.vector_load %arg8[%get3A_1147] {strides = array<i32>} : memref<512xi32, #tpu.memory_space<vmem>>, vector<16xi32>,
    %ne3A_1149 = arith.constant 0 : i32
    %ne3A_1150 = vector.broadcast %ne3A_1149 : i32 to vector<16xi32>
    %ne3A_1151 = arith.cmpi ne, %get3A_1148, %ne3A_1150 : vector<16xi32>
    %select_n3A_1152 = arith.select %ne3A_1151, %get3A_1146, %broadcast_in_dim3A_643 : vector<16xi1>, vector<16xi32>
    %swap3A_1153 = arith.constant 160 : index
    %swap3A_1154 = tpu.vector_load %arg9[%swap3A_1153] {strides = array<i32>} : memref<512xi32, #tpu.memory_space<vmem>>, vector<16xi32>,
    tpu.vector_store %arg9[%swap3A_1153], %select_n3A_1152 {strides = array<i32>} : memref<512xi32, #tpu.memory_space<vmem>>, vector<16xi32>,
    %eq3A_1155 = arith.constant 0 : i32
    %eq3A_1156 = vector.broadcast %eq3A_1155 : i32 to vector<16xi32>
    %eq3A_1157 = arith.cmpi eq, %select_n3A_1152, %eq3A_1156 : vector<16xi32>
    %select_n3A_1158 = arith.select %eq3A_1157, %broadcast_in_dim3A_645, %broadcast_in_dim3A_66 : vector<16xi1>, vector<16xf32>
    %add3A_1159 = arith.addf %add3A_1109, %select_n3A_1158 : vector<16xf32>
    %eq3A_1160 = arith.constant 1 : i32
    %eq3A_1161 = vector.broadcast %eq3A_1160 : i32 to vector<16xi32>
    %eq3A_1162 = arith.cmpi eq, %select_n3A_1152, %eq3A_1161 : vector<16xi32>
    %select_n3A_1163 = arith.select %eq3A_1162, %broadcast_in_dim3A_645, %broadcast_in_dim3A_66 : vector<16xi1>, vector<16xf32>
    %add3A_1164 = arith.addf %add3A_1114, %select_n3A_1163 : vector<16xf32>
    %eq3A_1165 = arith.constant 2 : i32
    %eq3A_1166 = vector.broadcast %eq3A_1165 : i32 to vector<16xi32>
    %eq3A_1167 = arith.cmpi eq, %select_n3A_1152, %eq3A_1166 : vector<16xi32>
    %select_n3A_1168 = arith.select %eq3A_1167, %broadcast_in_dim3A_645, %broadcast_in_dim3A_66 : vector<16xi1>, vector<16xf32>
    %add3A_1169 = arith.addf %add3A_1119, %select_n3A_1168 : vector<16xf32>
    %eq3A_1170 = arith.constant 3 : i32
    %eq3A_1171 = vector.broadcast %eq3A_1170 : i32 to vector<16xi32>
    %eq3A_1172 = arith.cmpi eq, %select_n3A_1152, %eq3A_1171 : vector<16xi32>
    %select_n3A_1173 = arith.select %eq3A_1172, %broadcast_in_dim3A_645, %broadcast_in_dim3A_66 : vector<16xi1>, vector<16xf32>
    %add3A_1174 = arith.addf %add3A_1124, %select_n3A_1173 : vector<16xf32>
    %eq3A_1175 = arith.constant 4 : i32
    %eq3A_1176 = vector.broadcast %eq3A_1175 : i32 to vector<16xi32>
    %eq3A_1177 = arith.cmpi eq, %select_n3A_1152, %eq3A_1176 : vector<16xi32>
    %select_n3A_1178 = arith.select %eq3A_1177, %broadcast_in_dim3A_645, %broadcast_in_dim3A_66 : vector<16xi1>, vector<16xf32>
    %add3A_1179 = arith.addf %add3A_1129, %select_n3A_1178 : vector<16xf32>
    %eq3A_1180 = arith.constant 5 : i32
    %eq3A_1181 = vector.broadcast %eq3A_1180 : i32 to vector<16xi32>
    %eq3A_1182 = arith.cmpi eq, %select_n3A_1152, %eq3A_1181 : vector<16xi32>
    %select_n3A_1183 = arith.select %eq3A_1182, %broadcast_in_dim3A_645, %broadcast_in_dim3A_66 : vector<16xi1>, vector<16xf32>
    %add3A_1184 = arith.addf %add3A_1134, %select_n3A_1183 : vector<16xf32>
    %eq3A_1185 = arith.constant 6 : i32
    %eq3A_1186 = vector.broadcast %eq3A_1185 : i32 to vector<16xi32>
    %eq3A_1187 = arith.cmpi eq, %select_n3A_1152, %eq3A_1186 : vector<16xi32>
    %select_n3A_1188 = arith.select %eq3A_1187, %broadcast_in_dim3A_645, %broadcast_in_dim3A_66 : vector<16xi1>, vector<16xf32>
    %add3A_1189 = arith.addf %add3A_1139, %select_n3A_1188 : vector<16xf32>
    %eq3A_1190 = arith.constant 7 : i32
    %eq3A_1191 = vector.broadcast %eq3A_1190 : i32 to vector<16xi32>
    %eq3A_1192 = arith.cmpi eq, %select_n3A_1152, %eq3A_1191 : vector<16xi32>
    %select_n3A_1193 = arith.select %eq3A_1192, %broadcast_in_dim3A_645, %broadcast_in_dim3A_66 : vector<16xi1>, vector<16xf32>
    %add3A_1194 = arith.addf %add3A_1144, %select_n3A_1193 : vector<16xf32>
    %get3A_1195 = arith.constant 176 : index
    %get3A_1196 = tpu.vector_load %arg7[%get3A_1195] {strides = array<i32>} : memref<512xi32, #tpu.memory_space<vmem>>, vector<16xi32>,
    %get3A_1197 = arith.constant 176 : index
    %get3A_1198 = tpu.vector_load %arg8[%get3A_1197] {strides = array<i32>} : memref<512xi32, #tpu.memory_space<vmem>>, vector<16xi32>,
    %ne3A_1199 = arith.constant 0 : i32
    %ne3A_1200 = vector.broadcast %ne3A_1199 : i32 to vector<16xi32>
    %ne3A_1201 = arith.cmpi ne, %get3A_1198, %ne3A_1200 : vector<16xi32>
    %select_n3A_1202 = arith.select %ne3A_1201, %get3A_1196, %broadcast_in_dim3A_643 : vector<16xi1>, vector<16xi32>
    %swap3A_1203 = arith.constant 176 : index
    %swap3A_1204 = tpu.vector_load %arg9[%swap3A_1203] {strides = array<i32>} : memref<512xi32, #tpu.memory_space<vmem>>, vector<16xi32>,
    tpu.vector_store %arg9[%swap3A_1203], %select_n3A_1202 {strides = array<i32>} : memref<512xi32, #tpu.memory_space<vmem>>, vector<16xi32>,
    %eq3A_1205 = arith.constant 0 : i32
    %eq3A_1206 = vector.broadcast %eq3A_1205 : i32 to vector<16xi32>
    %eq3A_1207 = arith.cmpi eq, %select_n3A_1202, %eq3A_1206 : vector<16xi32>
    %select_n3A_1208 = arith.select %eq3A_1207, %broadcast_in_dim3A_645, %broadcast_in_dim3A_66 : vector<16xi1>, vector<16xf32>
    %add3A_1209 = arith.addf %add3A_1159, %select_n3A_1208 : vector<16xf32>
    %eq3A_1210 = arith.constant 1 : i32
    %eq3A_1211 = vector.broadcast %eq3A_1210 : i32 to vector<16xi32>
    %eq3A_1212 = arith.cmpi eq, %select_n3A_1202, %eq3A_1211 : vector<16xi32>
    %select_n3A_1213 = arith.select %eq3A_1212, %broadcast_in_dim3A_645, %broadcast_in_dim3A_66 : vector<16xi1>, vector<16xf32>
    %add3A_1214 = arith.addf %add3A_1164, %select_n3A_1213 : vector<16xf32>
    %eq3A_1215 = arith.constant 2 : i32
    %eq3A_1216 = vector.broadcast %eq3A_1215 : i32 to vector<16xi32>
    %eq3A_1217 = arith.cmpi eq, %select_n3A_1202, %eq3A_1216 : vector<16xi32>
    %select_n3A_1218 = arith.select %eq3A_1217, %broadcast_in_dim3A_645, %broadcast_in_dim3A_66 : vector<16xi1>, vector<16xf32>
    %add3A_1219 = arith.addf %add3A_1169, %select_n3A_1218 : vector<16xf32>
    %eq3A_1220 = arith.constant 3 : i32
    %eq3A_1221 = vector.broadcast %eq3A_1220 : i32 to vector<16xi32>
    %eq3A_1222 = arith.cmpi eq, %select_n3A_1202, %eq3A_1221 : vector<16xi32>
    %select_n3A_1223 = arith.select %eq3A_1222, %broadcast_in_dim3A_645, %broadcast_in_dim3A_66 : vector<16xi1>, vector<16xf32>
    %add3A_1224 = arith.addf %add3A_1174, %select_n3A_1223 : vector<16xf32>
    %eq3A_1225 = arith.constant 4 : i32
    %eq3A_1226 = vector.broadcast %eq3A_1225 : i32 to vector<16xi32>
    %eq3A_1227 = arith.cmpi eq, %select_n3A_1202, %eq3A_1226 : vector<16xi32>
    %select_n3A_1228 = arith.select %eq3A_1227, %broadcast_in_dim3A_645, %broadcast_in_dim3A_66 : vector<16xi1>, vector<16xf32>
    %add3A_1229 = arith.addf %add3A_1179, %select_n3A_1228 : vector<16xf32>
    %eq3A_1230 = arith.constant 5 : i32
    %eq3A_1231 = vector.broadcast %eq3A_1230 : i32 to vector<16xi32>
    %eq3A_1232 = arith.cmpi eq, %select_n3A_1202, %eq3A_1231 : vector<16xi32>
    %select_n3A_1233 = arith.select %eq3A_1232, %broadcast_in_dim3A_645, %broadcast_in_dim3A_66 : vector<16xi1>, vector<16xf32>
    %add3A_1234 = arith.addf %add3A_1184, %select_n3A_1233 : vector<16xf32>
    %eq3A_1235 = arith.constant 6 : i32
    %eq3A_1236 = vector.broadcast %eq3A_1235 : i32 to vector<16xi32>
    %eq3A_1237 = arith.cmpi eq, %select_n3A_1202, %eq3A_1236 : vector<16xi32>
    %select_n3A_1238 = arith.select %eq3A_1237, %broadcast_in_dim3A_645, %broadcast_in_dim3A_66 : vector<16xi1>, vector<16xf32>
    %add3A_1239 = arith.addf %add3A_1189, %select_n3A_1238 : vector<16xf32>
    %eq3A_1240 = arith.constant 7 : i32
    %eq3A_1241 = vector.broadcast %eq3A_1240 : i32 to vector<16xi32>
    %eq3A_1242 = arith.cmpi eq, %select_n3A_1202, %eq3A_1241 : vector<16xi32>
    %select_n3A_1243 = arith.select %eq3A_1242, %broadcast_in_dim3A_645, %broadcast_in_dim3A_66 : vector<16xi1>, vector<16xf32>
    %add3A_1244 = arith.addf %add3A_1194, %select_n3A_1243 : vector<16xf32>
    %get3A_1245 = arith.constant 192 : index
    %get3A_1246 = tpu.vector_load %arg7[%get3A_1245] {strides = array<i32>} : memref<512xi32, #tpu.memory_space<vmem>>, vector<16xi32>,
    %get3A_1247 = arith.constant 192 : index
    %get3A_1248 = tpu.vector_load %arg8[%get3A_1247] {strides = array<i32>} : memref<512xi32, #tpu.memory_space<vmem>>, vector<16xi32>,
    %ne3A_1249 = arith.constant 0 : i32
    %ne3A_1250 = vector.broadcast %ne3A_1249 : i32 to vector<16xi32>
    %ne3A_1251 = arith.cmpi ne, %get3A_1248, %ne3A_1250 : vector<16xi32>
    %select_n3A_1252 = arith.select %ne3A_1251, %get3A_1246, %broadcast_in_dim3A_643 : vector<16xi1>, vector<16xi32>
    %swap3A_1253 = arith.constant 192 : index
    %swap3A_1254 = tpu.vector_load %arg9[%swap3A_1253] {strides = array<i32>} : memref<512xi32, #tpu.memory_space<vmem>>, vector<16xi32>,
    tpu.vector_store %arg9[%swap3A_1253], %select_n3A_1252 {strides = array<i32>} : memref<512xi32, #tpu.memory_space<vmem>>, vector<16xi32>,
    %eq3A_1255 = arith.constant 0 : i32
    %eq3A_1256 = vector.broadcast %eq3A_1255 : i32 to vector<16xi32>
    %eq3A_1257 = arith.cmpi eq, %select_n3A_1252, %eq3A_1256 : vector<16xi32>
    %select_n3A_1258 = arith.select %eq3A_1257, %broadcast_in_dim3A_645, %broadcast_in_dim3A_66 : vector<16xi1>, vector<16xf32>
    %add3A_1259 = arith.addf %add3A_1209, %select_n3A_1258 : vector<16xf32>
    %eq3A_1260 = arith.constant 1 : i32
    %eq3A_1261 = vector.broadcast %eq3A_1260 : i32 to vector<16xi32>
    %eq3A_1262 = arith.cmpi eq, %select_n3A_1252, %eq3A_1261 : vector<16xi32>
    %select_n3A_1263 = arith.select %eq3A_1262, %broadcast_in_dim3A_645, %broadcast_in_dim3A_66 : vector<16xi1>, vector<16xf32>
    %add3A_1264 = arith.addf %add3A_1214, %select_n3A_1263 : vector<16xf32>
    %eq3A_1265 = arith.constant 2 : i32
    %eq3A_1266 = vector.broadcast %eq3A_1265 : i32 to vector<16xi32>
    %eq3A_1267 = arith.cmpi eq, %select_n3A_1252, %eq3A_1266 : vector<16xi32>
    %select_n3A_1268 = arith.select %eq3A_1267, %broadcast_in_dim3A_645, %broadcast_in_dim3A_66 : vector<16xi1>, vector<16xf32>
    %add3A_1269 = arith.addf %add3A_1219, %select_n3A_1268 : vector<16xf32>
    %eq3A_1270 = arith.constant 3 : i32
    %eq3A_1271 = vector.broadcast %eq3A_1270 : i32 to vector<16xi32>
    %eq3A_1272 = arith.cmpi eq, %select_n3A_1252, %eq3A_1271 : vector<16xi32>
    %select_n3A_1273 = arith.select %eq3A_1272, %broadcast_in_dim3A_645, %broadcast_in_dim3A_66 : vector<16xi1>, vector<16xf32>
    %add3A_1274 = arith.addf %add3A_1224, %select_n3A_1273 : vector<16xf32>
    %eq3A_1275 = arith.constant 4 : i32
    %eq3A_1276 = vector.broadcast %eq3A_1275 : i32 to vector<16xi32>
    %eq3A_1277 = arith.cmpi eq, %select_n3A_1252, %eq3A_1276 : vector<16xi32>
    %select_n3A_1278 = arith.select %eq3A_1277, %broadcast_in_dim3A_645, %broadcast_in_dim3A_66 : vector<16xi1>, vector<16xf32>
    %add3A_1279 = arith.addf %add3A_1229, %select_n3A_1278 : vector<16xf32>
    %eq3A_1280 = arith.constant 5 : i32
    %eq3A_1281 = vector.broadcast %eq3A_1280 : i32 to vector<16xi32>
    %eq3A_1282 = arith.cmpi eq, %select_n3A_1252, %eq3A_1281 : vector<16xi32>
    %select_n3A_1283 = arith.select %eq3A_1282, %broadcast_in_dim3A_645, %broadcast_in_dim3A_66 : vector<16xi1>, vector<16xf32>
    %add3A_1284 = arith.addf %add3A_1234, %select_n3A_1283 : vector<16xf32>
    %eq3A_1285 = arith.constant 6 : i32
    %eq3A_1286 = vector.broadcast %eq3A_1285 : i32 to vector<16xi32>
    %eq3A_1287 = arith.cmpi eq, %select_n3A_1252, %eq3A_1286 : vector<16xi32>
    %select_n3A_1288 = arith.select %eq3A_1287, %broadcast_in_dim3A_645, %broadcast_in_dim3A_66 : vector<16xi1>, vector<16xf32>
    %add3A_1289 = arith.addf %add3A_1239, %select_n3A_1288 : vector<16xf32>
    %eq3A_1290 = arith.constant 7 : i32
    %eq3A_1291 = vector.broadcast %eq3A_1290 : i32 to vector<16xi32>
    %eq3A_1292 = arith.cmpi eq, %select_n3A_1252, %eq3A_1291 : vector<16xi32>
    %select_n3A_1293 = arith.select %eq3A_1292, %broadcast_in_dim3A_645, %broadcast_in_dim3A_66 : vector<16xi1>, vector<16xf32>
    %add3A_1294 = arith.addf %add3A_1244, %select_n3A_1293 : vector<16xf32>
    %get3A_1295 = arith.constant 208 : index
    %get3A_1296 = tpu.vector_load %arg7[%get3A_1295] {strides = array<i32>} : memref<512xi32, #tpu.memory_space<vmem>>, vector<16xi32>,
    %get3A_1297 = arith.constant 208 : index
    %get3A_1298 = tpu.vector_load %arg8[%get3A_1297] {strides = array<i32>} : memref<512xi32, #tpu.memory_space<vmem>>, vector<16xi32>,
    %ne3A_1299 = arith.constant 0 : i32
    %ne3A_1300 = vector.broadcast %ne3A_1299 : i32 to vector<16xi32>
    %ne3A_1301 = arith.cmpi ne, %get3A_1298, %ne3A_1300 : vector<16xi32>
    %select_n3A_1302 = arith.select %ne3A_1301, %get3A_1296, %broadcast_in_dim3A_643 : vector<16xi1>, vector<16xi32>
    %swap3A_1303 = arith.constant 208 : index
    %swap3A_1304 = tpu.vector_load %arg9[%swap3A_1303] {strides = array<i32>} : memref<512xi32, #tpu.memory_space<vmem>>, vector<16xi32>,
    tpu.vector_store %arg9[%swap3A_1303], %select_n3A_1302 {strides = array<i32>} : memref<512xi32, #tpu.memory_space<vmem>>, vector<16xi32>,
    %eq3A_1305 = arith.constant 0 : i32
    %eq3A_1306 = vector.broadcast %eq3A_1305 : i32 to vector<16xi32>
    %eq3A_1307 = arith.cmpi eq, %select_n3A_1302, %eq3A_1306 : vector<16xi32>
    %select_n3A_1308 = arith.select %eq3A_1307, %broadcast_in_dim3A_645, %broadcast_in_dim3A_66 : vector<16xi1>, vector<16xf32>
    %add3A_1309 = arith.addf %add3A_1259, %select_n3A_1308 : vector<16xf32>
    %eq3A_1310 = arith.constant 1 : i32
    %eq3A_1311 = vector.broadcast %eq3A_1310 : i32 to vector<16xi32>
    %eq3A_1312 = arith.cmpi eq, %select_n3A_1302, %eq3A_1311 : vector<16xi32>
    %select_n3A_1313 = arith.select %eq3A_1312, %broadcast_in_dim3A_645, %broadcast_in_dim3A_66 : vector<16xi1>, vector<16xf32>
    %add3A_1314 = arith.addf %add3A_1264, %select_n3A_1313 : vector<16xf32>
    %eq3A_1315 = arith.constant 2 : i32
    %eq3A_1316 = vector.broadcast %eq3A_1315 : i32 to vector<16xi32>
    %eq3A_1317 = arith.cmpi eq, %select_n3A_1302, %eq3A_1316 : vector<16xi32>
    %select_n3A_1318 = arith.select %eq3A_1317, %broadcast_in_dim3A_645, %broadcast_in_dim3A_66 : vector<16xi1>, vector<16xf32>
    %add3A_1319 = arith.addf %add3A_1269, %select_n3A_1318 : vector<16xf32>
    %eq3A_1320 = arith.constant 3 : i32
    %eq3A_1321 = vector.broadcast %eq3A_1320 : i32 to vector<16xi32>
    %eq3A_1322 = arith.cmpi eq, %select_n3A_1302, %eq3A_1321 : vector<16xi32>
    %select_n3A_1323 = arith.select %eq3A_1322, %broadcast_in_dim3A_645, %broadcast_in_dim3A_66 : vector<16xi1>, vector<16xf32>
    %add3A_1324 = arith.addf %add3A_1274, %select_n3A_1323 : vector<16xf32>
    %eq3A_1325 = arith.constant 4 : i32
    %eq3A_1326 = vector.broadcast %eq3A_1325 : i32 to vector<16xi32>
    %eq3A_1327 = arith.cmpi eq, %select_n3A_1302, %eq3A_1326 : vector<16xi32>
    %select_n3A_1328 = arith.select %eq3A_1327, %broadcast_in_dim3A_645, %broadcast_in_dim3A_66 : vector<16xi1>, vector<16xf32>
    %add3A_1329 = arith.addf %add3A_1279, %select_n3A_1328 : vector<16xf32>
    %eq3A_1330 = arith.constant 5 : i32
    %eq3A_1331 = vector.broadcast %eq3A_1330 : i32 to vector<16xi32>
    %eq3A_1332 = arith.cmpi eq, %select_n3A_1302, %eq3A_1331 : vector<16xi32>
    %select_n3A_1333 = arith.select %eq3A_1332, %broadcast_in_dim3A_645, %broadcast_in_dim3A_66 : vector<16xi1>, vector<16xf32>
    %add3A_1334 = arith.addf %add3A_1284, %select_n3A_1333 : vector<16xf32>
    %eq3A_1335 = arith.constant 6 : i32
    %eq3A_1336 = vector.broadcast %eq3A_1335 : i32 to vector<16xi32>
    %eq3A_1337 = arith.cmpi eq, %select_n3A_1302, %eq3A_1336 : vector<16xi32>
    %select_n3A_1338 = arith.select %eq3A_1337, %broadcast_in_dim3A_645, %broadcast_in_dim3A_66 : vector<16xi1>, vector<16xf32>
    %add3A_1339 = arith.addf %add3A_1289, %select_n3A_1338 : vector<16xf32>
    %eq3A_1340 = arith.constant 7 : i32
    %eq3A_1341 = vector.broadcast %eq3A_1340 : i32 to vector<16xi32>
    %eq3A_1342 = arith.cmpi eq, %select_n3A_1302, %eq3A_1341 : vector<16xi32>
    %select_n3A_1343 = arith.select %eq3A_1342, %broadcast_in_dim3A_645, %broadcast_in_dim3A_66 : vector<16xi1>, vector<16xf32>
    %add3A_1344 = arith.addf %add3A_1294, %select_n3A_1343 : vector<16xf32>
    %get3A_1345 = arith.constant 224 : index
    %get3A_1346 = tpu.vector_load %arg7[%get3A_1345] {strides = array<i32>} : memref<512xi32, #tpu.memory_space<vmem>>, vector<16xi32>,
    %get3A_1347 = arith.constant 224 : index
    %get3A_1348 = tpu.vector_load %arg8[%get3A_1347] {strides = array<i32>} : memref<512xi32, #tpu.memory_space<vmem>>, vector<16xi32>,
    %ne3A_1349 = arith.constant 0 : i32
    %ne3A_1350 = vector.broadcast %ne3A_1349 : i32 to vector<16xi32>
    %ne3A_1351 = arith.cmpi ne, %get3A_1348, %ne3A_1350 : vector<16xi32>
    %select_n3A_1352 = arith.select %ne3A_1351, %get3A_1346, %broadcast_in_dim3A_643 : vector<16xi1>, vector<16xi32>
    %swap3A_1353 = arith.constant 224 : index
    %swap3A_1354 = tpu.vector_load %arg9[%swap3A_1353] {strides = array<i32>} : memref<512xi32, #tpu.memory_space<vmem>>, vector<16xi32>,
    tpu.vector_store %arg9[%swap3A_1353], %select_n3A_1352 {strides = array<i32>} : memref<512xi32, #tpu.memory_space<vmem>>, vector<16xi32>,
    %eq3A_1355 = arith.constant 0 : i32
    %eq3A_1356 = vector.broadcast %eq3A_1355 : i32 to vector<16xi32>
    %eq3A_1357 = arith.cmpi eq, %select_n3A_1352, %eq3A_1356 : vector<16xi32>
    %select_n3A_1358 = arith.select %eq3A_1357, %broadcast_in_dim3A_645, %broadcast_in_dim3A_66 : vector<16xi1>, vector<16xf32>
    %add3A_1359 = arith.addf %add3A_1309, %select_n3A_1358 : vector<16xf32>
    %eq3A_1360 = arith.constant 1 : i32
    %eq3A_1361 = vector.broadcast %eq3A_1360 : i32 to vector<16xi32>
    %eq3A_1362 = arith.cmpi eq, %select_n3A_1352, %eq3A_1361 : vector<16xi32>
    %select_n3A_1363 = arith.select %eq3A_1362, %broadcast_in_dim3A_645, %broadcast_in_dim3A_66 : vector<16xi1>, vector<16xf32>
    %add3A_1364 = arith.addf %add3A_1314, %select_n3A_1363 : vector<16xf32>
    %eq3A_1365 = arith.constant 2 : i32
    %eq3A_1366 = vector.broadcast %eq3A_1365 : i32 to vector<16xi32>
    %eq3A_1367 = arith.cmpi eq, %select_n3A_1352, %eq3A_1366 : vector<16xi32>
    %select_n3A_1368 = arith.select %eq3A_1367, %broadcast_in_dim3A_645, %broadcast_in_dim3A_66 : vector<16xi1>, vector<16xf32>
    %add3A_1369 = arith.addf %add3A_1319, %select_n3A_1368 : vector<16xf32>
    %eq3A_1370 = arith.constant 3 : i32
    %eq3A_1371 = vector.broadcast %eq3A_1370 : i32 to vector<16xi32>
    %eq3A_1372 = arith.cmpi eq, %select_n3A_1352, %eq3A_1371 : vector<16xi32>
    %select_n3A_1373 = arith.select %eq3A_1372, %broadcast_in_dim3A_645, %broadcast_in_dim3A_66 : vector<16xi1>, vector<16xf32>
    %add3A_1374 = arith.addf %add3A_1324, %select_n3A_1373 : vector<16xf32>
    %eq3A_1375 = arith.constant 4 : i32
    %eq3A_1376 = vector.broadcast %eq3A_1375 : i32 to vector<16xi32>
    %eq3A_1377 = arith.cmpi eq, %select_n3A_1352, %eq3A_1376 : vector<16xi32>
    %select_n3A_1378 = arith.select %eq3A_1377, %broadcast_in_dim3A_645, %broadcast_in_dim3A_66 : vector<16xi1>, vector<16xf32>
    %add3A_1379 = arith.addf %add3A_1329, %select_n3A_1378 : vector<16xf32>
    %eq3A_1380 = arith.constant 5 : i32
    %eq3A_1381 = vector.broadcast %eq3A_1380 : i32 to vector<16xi32>
    %eq3A_1382 = arith.cmpi eq, %select_n3A_1352, %eq3A_1381 : vector<16xi32>
    %select_n3A_1383 = arith.select %eq3A_1382, %broadcast_in_dim3A_645, %broadcast_in_dim3A_66 : vector<16xi1>, vector<16xf32>
    %add3A_1384 = arith.addf %add3A_1334, %select_n3A_1383 : vector<16xf32>
    %eq3A_1385 = arith.constant 6 : i32
    %eq3A_1386 = vector.broadcast %eq3A_1385 : i32 to vector<16xi32>
    %eq3A_1387 = arith.cmpi eq, %select_n3A_1352, %eq3A_1386 : vector<16xi32>
    %select_n3A_1388 = arith.select %eq3A_1387, %broadcast_in_dim3A_645, %broadcast_in_dim3A_66 : vector<16xi1>, vector<16xf32>
    %add3A_1389 = arith.addf %add3A_1339, %select_n3A_1388 : vector<16xf32>
    %eq3A_1390 = arith.constant 7 : i32
    %eq3A_1391 = vector.broadcast %eq3A_1390 : i32 to vector<16xi32>
    %eq3A_1392 = arith.cmpi eq, %select_n3A_1352, %eq3A_1391 : vector<16xi32>
    %select_n3A_1393 = arith.select %eq3A_1392, %broadcast_in_dim3A_645, %broadcast_in_dim3A_66 : vector<16xi1>, vector<16xf32>
    %add3A_1394 = arith.addf %add3A_1344, %select_n3A_1393 : vector<16xf32>
    %get3A_1395 = arith.constant 240 : index
    %get3A_1396 = tpu.vector_load %arg7[%get3A_1395] {strides = array<i32>} : memref<512xi32, #tpu.memory_space<vmem>>, vector<16xi32>,
    %get3A_1397 = arith.constant 240 : index
    %get3A_1398 = tpu.vector_load %arg8[%get3A_1397] {strides = array<i32>} : memref<512xi32, #tpu.memory_space<vmem>>, vector<16xi32>,
    %ne3A_1399 = arith.constant 0 : i32
    %ne3A_1400 = vector.broadcast %ne3A_1399 : i32 to vector<16xi32>
    %ne3A_1401 = arith.cmpi ne, %get3A_1398, %ne3A_1400 : vector<16xi32>
    %select_n3A_1402 = arith.select %ne3A_1401, %get3A_1396, %broadcast_in_dim3A_643 : vector<16xi1>, vector<16xi32>
    %swap3A_1403 = arith.constant 240 : index
    %swap3A_1404 = tpu.vector_load %arg9[%swap3A_1403] {strides = array<i32>} : memref<512xi32, #tpu.memory_space<vmem>>, vector<16xi32>,
    tpu.vector_store %arg9[%swap3A_1403], %select_n3A_1402 {strides = array<i32>} : memref<512xi32, #tpu.memory_space<vmem>>, vector<16xi32>,
    %eq3A_1405 = arith.constant 0 : i32
    %eq3A_1406 = vector.broadcast %eq3A_1405 : i32 to vector<16xi32>
    %eq3A_1407 = arith.cmpi eq, %select_n3A_1402, %eq3A_1406 : vector<16xi32>
    %select_n3A_1408 = arith.select %eq3A_1407, %broadcast_in_dim3A_645, %broadcast_in_dim3A_66 : vector<16xi1>, vector<16xf32>
    %add3A_1409 = arith.addf %add3A_1359, %select_n3A_1408 : vector<16xf32>
    %eq3A_1410 = arith.constant 1 : i32
    %eq3A_1411 = vector.broadcast %eq3A_1410 : i32 to vector<16xi32>
    %eq3A_1412 = arith.cmpi eq, %select_n3A_1402, %eq3A_1411 : vector<16xi32>
    %select_n3A_1413 = arith.select %eq3A_1412, %broadcast_in_dim3A_645, %broadcast_in_dim3A_66 : vector<16xi1>, vector<16xf32>
    %add3A_1414 = arith.addf %add3A_1364, %select_n3A_1413 : vector<16xf32>
    %eq3A_1415 = arith.constant 2 : i32
    %eq3A_1416 = vector.broadcast %eq3A_1415 : i32 to vector<16xi32>
    %eq3A_1417 = arith.cmpi eq, %select_n3A_1402, %eq3A_1416 : vector<16xi32>
    %select_n3A_1418 = arith.select %eq3A_1417, %broadcast_in_dim3A_645, %broadcast_in_dim3A_66 : vector<16xi1>, vector<16xf32>
    %add3A_1419 = arith.addf %add3A_1369, %select_n3A_1418 : vector<16xf32>
    %eq3A_1420 = arith.constant 3 : i32
    %eq3A_1421 = vector.broadcast %eq3A_1420 : i32 to vector<16xi32>
    %eq3A_1422 = arith.cmpi eq, %select_n3A_1402, %eq3A_1421 : vector<16xi32>
    %select_n3A_1423 = arith.select %eq3A_1422, %broadcast_in_dim3A_645, %broadcast_in_dim3A_66 : vector<16xi1>, vector<16xf32>
    %add3A_1424 = arith.addf %add3A_1374, %select_n3A_1423 : vector<16xf32>
    %eq3A_1425 = arith.constant 4 : i32
    %eq3A_1426 = vector.broadcast %eq3A_1425 : i32 to vector<16xi32>
    %eq3A_1427 = arith.cmpi eq, %select_n3A_1402, %eq3A_1426 : vector<16xi32>
    %select_n3A_1428 = arith.select %eq3A_1427, %broadcast_in_dim3A_645, %broadcast_in_dim3A_66 : vector<16xi1>, vector<16xf32>
    %add3A_1429 = arith.addf %add3A_1379, %select_n3A_1428 : vector<16xf32>
    %eq3A_1430 = arith.constant 5 : i32
    %eq3A_1431 = vector.broadcast %eq3A_1430 : i32 to vector<16xi32>
    %eq3A_1432 = arith.cmpi eq, %select_n3A_1402, %eq3A_1431 : vector<16xi32>
    %select_n3A_1433 = arith.select %eq3A_1432, %broadcast_in_dim3A_645, %broadcast_in_dim3A_66 : vector<16xi1>, vector<16xf32>
    %add3A_1434 = arith.addf %add3A_1384, %select_n3A_1433 : vector<16xf32>
    %eq3A_1435 = arith.constant 6 : i32
    %eq3A_1436 = vector.broadcast %eq3A_1435 : i32 to vector<16xi32>
    %eq3A_1437 = arith.cmpi eq, %select_n3A_1402, %eq3A_1436 : vector<16xi32>
    %select_n3A_1438 = arith.select %eq3A_1437, %broadcast_in_dim3A_645, %broadcast_in_dim3A_66 : vector<16xi1>, vector<16xf32>
    %add3A_1439 = arith.addf %add3A_1389, %select_n3A_1438 : vector<16xf32>
    %eq3A_1440 = arith.constant 7 : i32
    %eq3A_1441 = vector.broadcast %eq3A_1440 : i32 to vector<16xi32>
    %eq3A_1442 = arith.cmpi eq, %select_n3A_1402, %eq3A_1441 : vector<16xi32>
    %select_n3A_1443 = arith.select %eq3A_1442, %broadcast_in_dim3A_645, %broadcast_in_dim3A_66 : vector<16xi1>, vector<16xf32>
    %add3A_1444 = arith.addf %add3A_1394, %select_n3A_1443 : vector<16xf32>
    %get3A_1445 = arith.constant 256 : index
    %get3A_1446 = tpu.vector_load %arg7[%get3A_1445] {strides = array<i32>} : memref<512xi32, #tpu.memory_space<vmem>>, vector<16xi32>,
    %get3A_1447 = arith.constant 256 : index
    %get3A_1448 = tpu.vector_load %arg8[%get3A_1447] {strides = array<i32>} : memref<512xi32, #tpu.memory_space<vmem>>, vector<16xi32>,
    %ne3A_1449 = arith.constant 0 : i32
    %ne3A_1450 = vector.broadcast %ne3A_1449 : i32 to vector<16xi32>
    %ne3A_1451 = arith.cmpi ne, %get3A_1448, %ne3A_1450 : vector<16xi32>
    %select_n3A_1452 = arith.select %ne3A_1451, %get3A_1446, %broadcast_in_dim3A_643 : vector<16xi1>, vector<16xi32>
    %swap3A_1453 = arith.constant 256 : index
    %swap3A_1454 = tpu.vector_load %arg9[%swap3A_1453] {strides = array<i32>} : memref<512xi32, #tpu.memory_space<vmem>>, vector<16xi32>,
    tpu.vector_store %arg9[%swap3A_1453], %select_n3A_1452 {strides = array<i32>} : memref<512xi32, #tpu.memory_space<vmem>>, vector<16xi32>,
    %eq3A_1455 = arith.constant 0 : i32
    %eq3A_1456 = vector.broadcast %eq3A_1455 : i32 to vector<16xi32>
    %eq3A_1457 = arith.cmpi eq, %select_n3A_1452, %eq3A_1456 : vector<16xi32>
    %select_n3A_1458 = arith.select %eq3A_1457, %broadcast_in_dim3A_645, %broadcast_in_dim3A_66 : vector<16xi1>, vector<16xf32>
    %add3A_1459 = arith.addf %add3A_1409, %select_n3A_1458 : vector<16xf32>
    %eq3A_1460 = arith.constant 1 : i32
    %eq3A_1461 = vector.broadcast %eq3A_1460 : i32 to vector<16xi32>
    %eq3A_1462 = arith.cmpi eq, %select_n3A_1452, %eq3A_1461 : vector<16xi32>
    %select_n3A_1463 = arith.select %eq3A_1462, %broadcast_in_dim3A_645, %broadcast_in_dim3A_66 : vector<16xi1>, vector<16xf32>
    %add3A_1464 = arith.addf %add3A_1414, %select_n3A_1463 : vector<16xf32>
    %eq3A_1465 = arith.constant 2 : i32
    %eq3A_1466 = vector.broadcast %eq3A_1465 : i32 to vector<16xi32>
    %eq3A_1467 = arith.cmpi eq, %select_n3A_1452, %eq3A_1466 : vector<16xi32>
    %select_n3A_1468 = arith.select %eq3A_1467, %broadcast_in_dim3A_645, %broadcast_in_dim3A_66 : vector<16xi1>, vector<16xf32>
    %add3A_1469 = arith.addf %add3A_1419, %select_n3A_1468 : vector<16xf32>
    %eq3A_1470 = arith.constant 3 : i32
    %eq3A_1471 = vector.broadcast %eq3A_1470 : i32 to vector<16xi32>
    %eq3A_1472 = arith.cmpi eq, %select_n3A_1452, %eq3A_1471 : vector<16xi32>
    %select_n3A_1473 = arith.select %eq3A_1472, %broadcast_in_dim3A_645, %broadcast_in_dim3A_66 : vector<16xi1>, vector<16xf32>
    %add3A_1474 = arith.addf %add3A_1424, %select_n3A_1473 : vector<16xf32>
    %eq3A_1475 = arith.constant 4 : i32
    %eq3A_1476 = vector.broadcast %eq3A_1475 : i32 to vector<16xi32>
    %eq3A_1477 = arith.cmpi eq, %select_n3A_1452, %eq3A_1476 : vector<16xi32>
    %select_n3A_1478 = arith.select %eq3A_1477, %broadcast_in_dim3A_645, %broadcast_in_dim3A_66 : vector<16xi1>, vector<16xf32>
    %add3A_1479 = arith.addf %add3A_1429, %select_n3A_1478 : vector<16xf32>
    %eq3A_1480 = arith.constant 5 : i32
    %eq3A_1481 = vector.broadcast %eq3A_1480 : i32 to vector<16xi32>
    %eq3A_1482 = arith.cmpi eq, %select_n3A_1452, %eq3A_1481 : vector<16xi32>
    %select_n3A_1483 = arith.select %eq3A_1482, %broadcast_in_dim3A_645, %broadcast_in_dim3A_66 : vector<16xi1>, vector<16xf32>
    %add3A_1484 = arith.addf %add3A_1434, %select_n3A_1483 : vector<16xf32>
    %eq3A_1485 = arith.constant 6 : i32
    %eq3A_1486 = vector.broadcast %eq3A_1485 : i32 to vector<16xi32>
    %eq3A_1487 = arith.cmpi eq, %select_n3A_1452, %eq3A_1486 : vector<16xi32>
    %select_n3A_1488 = arith.select %eq3A_1487, %broadcast_in_dim3A_645, %broadcast_in_dim3A_66 : vector<16xi1>, vector<16xf32>
    %add3A_1489 = arith.addf %add3A_1439, %select_n3A_1488 : vector<16xf32>
    %eq3A_1490 = arith.constant 7 : i32
    %eq3A_1491 = vector.broadcast %eq3A_1490 : i32 to vector<16xi32>
    %eq3A_1492 = arith.cmpi eq, %select_n3A_1452, %eq3A_1491 : vector<16xi32>
    %select_n3A_1493 = arith.select %eq3A_1492, %broadcast_in_dim3A_645, %broadcast_in_dim3A_66 : vector<16xi1>, vector<16xf32>
    %add3A_1494 = arith.addf %add3A_1444, %select_n3A_1493 : vector<16xf32>
    %get3A_1495 = arith.constant 272 : index
    %get3A_1496 = tpu.vector_load %arg7[%get3A_1495] {strides = array<i32>} : memref<512xi32, #tpu.memory_space<vmem>>, vector<16xi32>,
    %get3A_1497 = arith.constant 272 : index
    %get3A_1498 = tpu.vector_load %arg8[%get3A_1497] {strides = array<i32>} : memref<512xi32, #tpu.memory_space<vmem>>, vector<16xi32>,
    %ne3A_1499 = arith.constant 0 : i32
    %ne3A_1500 = vector.broadcast %ne3A_1499 : i32 to vector<16xi32>
    %ne3A_1501 = arith.cmpi ne, %get3A_1498, %ne3A_1500 : vector<16xi32>
    %select_n3A_1502 = arith.select %ne3A_1501, %get3A_1496, %broadcast_in_dim3A_643 : vector<16xi1>, vector<16xi32>
    %swap3A_1503 = arith.constant 272 : index
    %swap3A_1504 = tpu.vector_load %arg9[%swap3A_1503] {strides = array<i32>} : memref<512xi32, #tpu.memory_space<vmem>>, vector<16xi32>,
    tpu.vector_store %arg9[%swap3A_1503], %select_n3A_1502 {strides = array<i32>} : memref<512xi32, #tpu.memory_space<vmem>>, vector<16xi32>,
    %eq3A_1505 = arith.constant 0 : i32
    %eq3A_1506 = vector.broadcast %eq3A_1505 : i32 to vector<16xi32>
    %eq3A_1507 = arith.cmpi eq, %select_n3A_1502, %eq3A_1506 : vector<16xi32>
    %select_n3A_1508 = arith.select %eq3A_1507, %broadcast_in_dim3A_645, %broadcast_in_dim3A_66 : vector<16xi1>, vector<16xf32>
    %add3A_1509 = arith.addf %add3A_1459, %select_n3A_1508 : vector<16xf32>
    %eq3A_1510 = arith.constant 1 : i32
    %eq3A_1511 = vector.broadcast %eq3A_1510 : i32 to vector<16xi32>
    %eq3A_1512 = arith.cmpi eq, %select_n3A_1502, %eq3A_1511 : vector<16xi32>
    %select_n3A_1513 = arith.select %eq3A_1512, %broadcast_in_dim3A_645, %broadcast_in_dim3A_66 : vector<16xi1>, vector<16xf32>
    %add3A_1514 = arith.addf %add3A_1464, %select_n3A_1513 : vector<16xf32>
    %eq3A_1515 = arith.constant 2 : i32
    %eq3A_1516 = vector.broadcast %eq3A_1515 : i32 to vector<16xi32>
    %eq3A_1517 = arith.cmpi eq, %select_n3A_1502, %eq3A_1516 : vector<16xi32>
    %select_n3A_1518 = arith.select %eq3A_1517, %broadcast_in_dim3A_645, %broadcast_in_dim3A_66 : vector<16xi1>, vector<16xf32>
    %add3A_1519 = arith.addf %add3A_1469, %select_n3A_1518 : vector<16xf32>
    %eq3A_1520 = arith.constant 3 : i32
    %eq3A_1521 = vector.broadcast %eq3A_1520 : i32 to vector<16xi32>
    %eq3A_1522 = arith.cmpi eq, %select_n3A_1502, %eq3A_1521 : vector<16xi32>
    %select_n3A_1523 = arith.select %eq3A_1522, %broadcast_in_dim3A_645, %broadcast_in_dim3A_66 : vector<16xi1>, vector<16xf32>
    %add3A_1524 = arith.addf %add3A_1474, %select_n3A_1523 : vector<16xf32>
    %eq3A_1525 = arith.constant 4 : i32
    %eq3A_1526 = vector.broadcast %eq3A_1525 : i32 to vector<16xi32>
    %eq3A_1527 = arith.cmpi eq, %select_n3A_1502, %eq3A_1526 : vector<16xi32>
    %select_n3A_1528 = arith.select %eq3A_1527, %broadcast_in_dim3A_645, %broadcast_in_dim3A_66 : vector<16xi1>, vector<16xf32>
    %add3A_1529 = arith.addf %add3A_1479, %select_n3A_1528 : vector<16xf32>
    %eq3A_1530 = arith.constant 5 : i32
    %eq3A_1531 = vector.broadcast %eq3A_1530 : i32 to vector<16xi32>
    %eq3A_1532 = arith.cmpi eq, %select_n3A_1502, %eq3A_1531 : vector<16xi32>
    %select_n3A_1533 = arith.select %eq3A_1532, %broadcast_in_dim3A_645, %broadcast_in_dim3A_66 : vector<16xi1>, vector<16xf32>
    %add3A_1534 = arith.addf %add3A_1484, %select_n3A_1533 : vector<16xf32>
    %eq3A_1535 = arith.constant 6 : i32
    %eq3A_1536 = vector.broadcast %eq3A_1535 : i32 to vector<16xi32>
    %eq3A_1537 = arith.cmpi eq, %select_n3A_1502, %eq3A_1536 : vector<16xi32>
    %select_n3A_1538 = arith.select %eq3A_1537, %broadcast_in_dim3A_645, %broadcast_in_dim3A_66 : vector<16xi1>, vector<16xf32>
    %add3A_1539 = arith.addf %add3A_1489, %select_n3A_1538 : vector<16xf32>
    %eq3A_1540 = arith.constant 7 : i32
    %eq3A_1541 = vector.broadcast %eq3A_1540 : i32 to vector<16xi32>
    %eq3A_1542 = arith.cmpi eq, %select_n3A_1502, %eq3A_1541 : vector<16xi32>
    %select_n3A_1543 = arith.select %eq3A_1542, %broadcast_in_dim3A_645, %broadcast_in_dim3A_66 : vector<16xi1>, vector<16xf32>
    %add3A_1544 = arith.addf %add3A_1494, %select_n3A_1543 : vector<16xf32>
    %get3A_1545 = arith.constant 288 : index
    %get3A_1546 = tpu.vector_load %arg7[%get3A_1545] {strides = array<i32>} : memref<512xi32, #tpu.memory_space<vmem>>, vector<16xi32>,
    %get3A_1547 = arith.constant 288 : index
    %get3A_1548 = tpu.vector_load %arg8[%get3A_1547] {strides = array<i32>} : memref<512xi32, #tpu.memory_space<vmem>>, vector<16xi32>,
    %ne3A_1549 = arith.constant 0 : i32
    %ne3A_1550 = vector.broadcast %ne3A_1549 : i32 to vector<16xi32>
    %ne3A_1551 = arith.cmpi ne, %get3A_1548, %ne3A_1550 : vector<16xi32>
    %select_n3A_1552 = arith.select %ne3A_1551, %get3A_1546, %broadcast_in_dim3A_643 : vector<16xi1>, vector<16xi32>
    %swap3A_1553 = arith.constant 288 : index
    %swap3A_1554 = tpu.vector_load %arg9[%swap3A_1553] {strides = array<i32>} : memref<512xi32, #tpu.memory_space<vmem>>, vector<16xi32>,
    tpu.vector_store %arg9[%swap3A_1553], %select_n3A_1552 {strides = array<i32>} : memref<512xi32, #tpu.memory_space<vmem>>, vector<16xi32>,
    %eq3A_1555 = arith.constant 0 : i32
    %eq3A_1556 = vector.broadcast %eq3A_1555 : i32 to vector<16xi32>
    %eq3A_1557 = arith.cmpi eq, %select_n3A_1552, %eq3A_1556 : vector<16xi32>
    %select_n3A_1558 = arith.select %eq3A_1557, %broadcast_in_dim3A_645, %broadcast_in_dim3A_66 : vector<16xi1>, vector<16xf32>
    %add3A_1559 = arith.addf %add3A_1509, %select_n3A_1558 : vector<16xf32>
    %eq3A_1560 = arith.constant 1 : i32
    %eq3A_1561 = vector.broadcast %eq3A_1560 : i32 to vector<16xi32>
    %eq3A_1562 = arith.cmpi eq, %select_n3A_1552, %eq3A_1561 : vector<16xi32>
    %select_n3A_1563 = arith.select %eq3A_1562, %broadcast_in_dim3A_645, %broadcast_in_dim3A_66 : vector<16xi1>, vector<16xf32>
    %add3A_1564 = arith.addf %add3A_1514, %select_n3A_1563 : vector<16xf32>
    %eq3A_1565 = arith.constant 2 : i32
    %eq3A_1566 = vector.broadcast %eq3A_1565 : i32 to vector<16xi32>
    %eq3A_1567 = arith.cmpi eq, %select_n3A_1552, %eq3A_1566 : vector<16xi32>
    %select_n3A_1568 = arith.select %eq3A_1567, %broadcast_in_dim3A_645, %broadcast_in_dim3A_66 : vector<16xi1>, vector<16xf32>
    %add3A_1569 = arith.addf %add3A_1519, %select_n3A_1568 : vector<16xf32>
    %eq3A_1570 = arith.constant 3 : i32
    %eq3A_1571 = vector.broadcast %eq3A_1570 : i32 to vector<16xi32>
    %eq3A_1572 = arith.cmpi eq, %select_n3A_1552, %eq3A_1571 : vector<16xi32>
    %select_n3A_1573 = arith.select %eq3A_1572, %broadcast_in_dim3A_645, %broadcast_in_dim3A_66 : vector<16xi1>, vector<16xf32>
    %add3A_1574 = arith.addf %add3A_1524, %select_n3A_1573 : vector<16xf32>
    %eq3A_1575 = arith.constant 4 : i32
    %eq3A_1576 = vector.broadcast %eq3A_1575 : i32 to vector<16xi32>
    %eq3A_1577 = arith.cmpi eq, %select_n3A_1552, %eq3A_1576 : vector<16xi32>
    %select_n3A_1578 = arith.select %eq3A_1577, %broadcast_in_dim3A_645, %broadcast_in_dim3A_66 : vector<16xi1>, vector<16xf32>
    %add3A_1579 = arith.addf %add3A_1529, %select_n3A_1578 : vector<16xf32>
    %eq3A_1580 = arith.constant 5 : i32
    %eq3A_1581 = vector.broadcast %eq3A_1580 : i32 to vector<16xi32>
    %eq3A_1582 = arith.cmpi eq, %select_n3A_1552, %eq3A_1581 : vector<16xi32>
    %select_n3A_1583 = arith.select %eq3A_1582, %broadcast_in_dim3A_645, %broadcast_in_dim3A_66 : vector<16xi1>, vector<16xf32>
    %add3A_1584 = arith.addf %add3A_1534, %select_n3A_1583 : vector<16xf32>
    %eq3A_1585 = arith.constant 6 : i32
    %eq3A_1586 = vector.broadcast %eq3A_1585 : i32 to vector<16xi32>
    %eq3A_1587 = arith.cmpi eq, %select_n3A_1552, %eq3A_1586 : vector<16xi32>
    %select_n3A_1588 = arith.select %eq3A_1587, %broadcast_in_dim3A_645, %broadcast_in_dim3A_66 : vector<16xi1>, vector<16xf32>
    %add3A_1589 = arith.addf %add3A_1539, %select_n3A_1588 : vector<16xf32>
    %eq3A_1590 = arith.constant 7 : i32
    %eq3A_1591 = vector.broadcast %eq3A_1590 : i32 to vector<16xi32>
    %eq3A_1592 = arith.cmpi eq, %select_n3A_1552, %eq3A_1591 : vector<16xi32>
    %select_n3A_1593 = arith.select %eq3A_1592, %broadcast_in_dim3A_645, %broadcast_in_dim3A_66 : vector<16xi1>, vector<16xf32>
    %add3A_1594 = arith.addf %add3A_1544, %select_n3A_1593 : vector<16xf32>
    %get3A_1595 = arith.constant 304 : index
    %get3A_1596 = tpu.vector_load %arg7[%get3A_1595] {strides = array<i32>} : memref<512xi32, #tpu.memory_space<vmem>>, vector<16xi32>,
    %get3A_1597 = arith.constant 304 : index
    %get3A_1598 = tpu.vector_load %arg8[%get3A_1597] {strides = array<i32>} : memref<512xi32, #tpu.memory_space<vmem>>, vector<16xi32>,
    %ne3A_1599 = arith.constant 0 : i32
    %ne3A_1600 = vector.broadcast %ne3A_1599 : i32 to vector<16xi32>
    %ne3A_1601 = arith.cmpi ne, %get3A_1598, %ne3A_1600 : vector<16xi32>
    %select_n3A_1602 = arith.select %ne3A_1601, %get3A_1596, %broadcast_in_dim3A_643 : vector<16xi1>, vector<16xi32>
    %swap3A_1603 = arith.constant 304 : index
    %swap3A_1604 = tpu.vector_load %arg9[%swap3A_1603] {strides = array<i32>} : memref<512xi32, #tpu.memory_space<vmem>>, vector<16xi32>,
    tpu.vector_store %arg9[%swap3A_1603], %select_n3A_1602 {strides = array<i32>} : memref<512xi32, #tpu.memory_space<vmem>>, vector<16xi32>,
    %eq3A_1605 = arith.constant 0 : i32
    %eq3A_1606 = vector.broadcast %eq3A_1605 : i32 to vector<16xi32>
    %eq3A_1607 = arith.cmpi eq, %select_n3A_1602, %eq3A_1606 : vector<16xi32>
    %select_n3A_1608 = arith.select %eq3A_1607, %broadcast_in_dim3A_645, %broadcast_in_dim3A_66 : vector<16xi1>, vector<16xf32>
    %add3A_1609 = arith.addf %add3A_1559, %select_n3A_1608 : vector<16xf32>
    %eq3A_1610 = arith.constant 1 : i32
    %eq3A_1611 = vector.broadcast %eq3A_1610 : i32 to vector<16xi32>
    %eq3A_1612 = arith.cmpi eq, %select_n3A_1602, %eq3A_1611 : vector<16xi32>
    %select_n3A_1613 = arith.select %eq3A_1612, %broadcast_in_dim3A_645, %broadcast_in_dim3A_66 : vector<16xi1>, vector<16xf32>
    %add3A_1614 = arith.addf %add3A_1564, %select_n3A_1613 : vector<16xf32>
    %eq3A_1615 = arith.constant 2 : i32
    %eq3A_1616 = vector.broadcast %eq3A_1615 : i32 to vector<16xi32>
    %eq3A_1617 = arith.cmpi eq, %select_n3A_1602, %eq3A_1616 : vector<16xi32>
    %select_n3A_1618 = arith.select %eq3A_1617, %broadcast_in_dim3A_645, %broadcast_in_dim3A_66 : vector<16xi1>, vector<16xf32>
    %add3A_1619 = arith.addf %add3A_1569, %select_n3A_1618 : vector<16xf32>
    %eq3A_1620 = arith.constant 3 : i32
    %eq3A_1621 = vector.broadcast %eq3A_1620 : i32 to vector<16xi32>
    %eq3A_1622 = arith.cmpi eq, %select_n3A_1602, %eq3A_1621 : vector<16xi32>
    %select_n3A_1623 = arith.select %eq3A_1622, %broadcast_in_dim3A_645, %broadcast_in_dim3A_66 : vector<16xi1>, vector<16xf32>
    %add3A_1624 = arith.addf %add3A_1574, %select_n3A_1623 : vector<16xf32>
    %eq3A_1625 = arith.constant 4 : i32
    %eq3A_1626 = vector.broadcast %eq3A_1625 : i32 to vector<16xi32>
    %eq3A_1627 = arith.cmpi eq, %select_n3A_1602, %eq3A_1626 : vector<16xi32>
    %select_n3A_1628 = arith.select %eq3A_1627, %broadcast_in_dim3A_645, %broadcast_in_dim3A_66 : vector<16xi1>, vector<16xf32>
    %add3A_1629 = arith.addf %add3A_1579, %select_n3A_1628 : vector<16xf32>
    %eq3A_1630 = arith.constant 5 : i32
    %eq3A_1631 = vector.broadcast %eq3A_1630 : i32 to vector<16xi32>
    %eq3A_1632 = arith.cmpi eq, %select_n3A_1602, %eq3A_1631 : vector<16xi32>
    %select_n3A_1633 = arith.select %eq3A_1632, %broadcast_in_dim3A_645, %broadcast_in_dim3A_66 : vector<16xi1>, vector<16xf32>
    %add3A_1634 = arith.addf %add3A_1584, %select_n3A_1633 : vector<16xf32>
    %eq3A_1635 = arith.constant 6 : i32
    %eq3A_1636 = vector.broadcast %eq3A_1635 : i32 to vector<16xi32>
    %eq3A_1637 = arith.cmpi eq, %select_n3A_1602, %eq3A_1636 : vector<16xi32>
    %select_n3A_1638 = arith.select %eq3A_1637, %broadcast_in_dim3A_645, %broadcast_in_dim3A_66 : vector<16xi1>, vector<16xf32>
    %add3A_1639 = arith.addf %add3A_1589, %select_n3A_1638 : vector<16xf32>
    %eq3A_1640 = arith.constant 7 : i32
    %eq3A_1641 = vector.broadcast %eq3A_1640 : i32 to vector<16xi32>
    %eq3A_1642 = arith.cmpi eq, %select_n3A_1602, %eq3A_1641 : vector<16xi32>
    %select_n3A_1643 = arith.select %eq3A_1642, %broadcast_in_dim3A_645, %broadcast_in_dim3A_66 : vector<16xi1>, vector<16xf32>
    %add3A_1644 = arith.addf %add3A_1594, %select_n3A_1643 : vector<16xf32>
    %get3A_1645 = arith.constant 320 : index
    %get3A_1646 = tpu.vector_load %arg7[%get3A_1645] {strides = array<i32>} : memref<512xi32, #tpu.memory_space<vmem>>, vector<16xi32>,
    %get3A_1647 = arith.constant 320 : index
    %get3A_1648 = tpu.vector_load %arg8[%get3A_1647] {strides = array<i32>} : memref<512xi32, #tpu.memory_space<vmem>>, vector<16xi32>,
    %ne3A_1649 = arith.constant 0 : i32
    %ne3A_1650 = vector.broadcast %ne3A_1649 : i32 to vector<16xi32>
    %ne3A_1651 = arith.cmpi ne, %get3A_1648, %ne3A_1650 : vector<16xi32>
    %select_n3A_1652 = arith.select %ne3A_1651, %get3A_1646, %broadcast_in_dim3A_643 : vector<16xi1>, vector<16xi32>
    %swap3A_1653 = arith.constant 320 : index
    %swap3A_1654 = tpu.vector_load %arg9[%swap3A_1653] {strides = array<i32>} : memref<512xi32, #tpu.memory_space<vmem>>, vector<16xi32>,
    tpu.vector_store %arg9[%swap3A_1653], %select_n3A_1652 {strides = array<i32>} : memref<512xi32, #tpu.memory_space<vmem>>, vector<16xi32>,
    %eq3A_1655 = arith.constant 0 : i32
    %eq3A_1656 = vector.broadcast %eq3A_1655 : i32 to vector<16xi32>
    %eq3A_1657 = arith.cmpi eq, %select_n3A_1652, %eq3A_1656 : vector<16xi32>
    %select_n3A_1658 = arith.select %eq3A_1657, %broadcast_in_dim3A_645, %broadcast_in_dim3A_66 : vector<16xi1>, vector<16xf32>
    %add3A_1659 = arith.addf %add3A_1609, %select_n3A_1658 : vector<16xf32>
    %eq3A_1660 = arith.constant 1 : i32
    %eq3A_1661 = vector.broadcast %eq3A_1660 : i32 to vector<16xi32>
    %eq3A_1662 = arith.cmpi eq, %select_n3A_1652, %eq3A_1661 : vector<16xi32>
    %select_n3A_1663 = arith.select %eq3A_1662, %broadcast_in_dim3A_645, %broadcast_in_dim3A_66 : vector<16xi1>, vector<16xf32>
    %add3A_1664 = arith.addf %add3A_1614, %select_n3A_1663 : vector<16xf32>
    %eq3A_1665 = arith.constant 2 : i32
    %eq3A_1666 = vector.broadcast %eq3A_1665 : i32 to vector<16xi32>
    %eq3A_1667 = arith.cmpi eq, %select_n3A_1652, %eq3A_1666 : vector<16xi32>
    %select_n3A_1668 = arith.select %eq3A_1667, %broadcast_in_dim3A_645, %broadcast_in_dim3A_66 : vector<16xi1>, vector<16xf32>
    %add3A_1669 = arith.addf %add3A_1619, %select_n3A_1668 : vector<16xf32>
    %eq3A_1670 = arith.constant 3 : i32
    %eq3A_1671 = vector.broadcast %eq3A_1670 : i32 to vector<16xi32>
    %eq3A_1672 = arith.cmpi eq, %select_n3A_1652, %eq3A_1671 : vector<16xi32>
    %select_n3A_1673 = arith.select %eq3A_1672, %broadcast_in_dim3A_645, %broadcast_in_dim3A_66 : vector<16xi1>, vector<16xf32>
    %add3A_1674 = arith.addf %add3A_1624, %select_n3A_1673 : vector<16xf32>
    %eq3A_1675 = arith.constant 4 : i32
    %eq3A_1676 = vector.broadcast %eq3A_1675 : i32 to vector<16xi32>
    %eq3A_1677 = arith.cmpi eq, %select_n3A_1652, %eq3A_1676 : vector<16xi32>
    %select_n3A_1678 = arith.select %eq3A_1677, %broadcast_in_dim3A_645, %broadcast_in_dim3A_66 : vector<16xi1>, vector<16xf32>
    %add3A_1679 = arith.addf %add3A_1629, %select_n3A_1678 : vector<16xf32>
    %eq3A_1680 = arith.constant 5 : i32
    %eq3A_1681 = vector.broadcast %eq3A_1680 : i32 to vector<16xi32>
    %eq3A_1682 = arith.cmpi eq, %select_n3A_1652, %eq3A_1681 : vector<16xi32>
    %select_n3A_1683 = arith.select %eq3A_1682, %broadcast_in_dim3A_645, %broadcast_in_dim3A_66 : vector<16xi1>, vector<16xf32>
    %add3A_1684 = arith.addf %add3A_1634, %select_n3A_1683 : vector<16xf32>
    %eq3A_1685 = arith.constant 6 : i32
    %eq3A_1686 = vector.broadcast %eq3A_1685 : i32 to vector<16xi32>
    %eq3A_1687 = arith.cmpi eq, %select_n3A_1652, %eq3A_1686 : vector<16xi32>
    %select_n3A_1688 = arith.select %eq3A_1687, %broadcast_in_dim3A_645, %broadcast_in_dim3A_66 : vector<16xi1>, vector<16xf32>
    %add3A_1689 = arith.addf %add3A_1639, %select_n3A_1688 : vector<16xf32>
    %eq3A_1690 = arith.constant 7 : i32
    %eq3A_1691 = vector.broadcast %eq3A_1690 : i32 to vector<16xi32>
    %eq3A_1692 = arith.cmpi eq, %select_n3A_1652, %eq3A_1691 : vector<16xi32>
    %select_n3A_1693 = arith.select %eq3A_1692, %broadcast_in_dim3A_645, %broadcast_in_dim3A_66 : vector<16xi1>, vector<16xf32>
    %add3A_1694 = arith.addf %add3A_1644, %select_n3A_1693 : vector<16xf32>
    %get3A_1695 = arith.constant 336 : index
    %get3A_1696 = tpu.vector_load %arg7[%get3A_1695] {strides = array<i32>} : memref<512xi32, #tpu.memory_space<vmem>>, vector<16xi32>,
    %get3A_1697 = arith.constant 336 : index
    %get3A_1698 = tpu.vector_load %arg8[%get3A_1697] {strides = array<i32>} : memref<512xi32, #tpu.memory_space<vmem>>, vector<16xi32>,
    %ne3A_1699 = arith.constant 0 : i32
    %ne3A_1700 = vector.broadcast %ne3A_1699 : i32 to vector<16xi32>
    %ne3A_1701 = arith.cmpi ne, %get3A_1698, %ne3A_1700 : vector<16xi32>
    %select_n3A_1702 = arith.select %ne3A_1701, %get3A_1696, %broadcast_in_dim3A_643 : vector<16xi1>, vector<16xi32>
    %swap3A_1703 = arith.constant 336 : index
    %swap3A_1704 = tpu.vector_load %arg9[%swap3A_1703] {strides = array<i32>} : memref<512xi32, #tpu.memory_space<vmem>>, vector<16xi32>,
    tpu.vector_store %arg9[%swap3A_1703], %select_n3A_1702 {strides = array<i32>} : memref<512xi32, #tpu.memory_space<vmem>>, vector<16xi32>,
    %eq3A_1705 = arith.constant 0 : i32
    %eq3A_1706 = vector.broadcast %eq3A_1705 : i32 to vector<16xi32>
    %eq3A_1707 = arith.cmpi eq, %select_n3A_1702, %eq3A_1706 : vector<16xi32>
    %select_n3A_1708 = arith.select %eq3A_1707, %broadcast_in_dim3A_645, %broadcast_in_dim3A_66 : vector<16xi1>, vector<16xf32>
    %add3A_1709 = arith.addf %add3A_1659, %select_n3A_1708 : vector<16xf32>
    %eq3A_1710 = arith.constant 1 : i32
    %eq3A_1711 = vector.broadcast %eq3A_1710 : i32 to vector<16xi32>
    %eq3A_1712 = arith.cmpi eq, %select_n3A_1702, %eq3A_1711 : vector<16xi32>
    %select_n3A_1713 = arith.select %eq3A_1712, %broadcast_in_dim3A_645, %broadcast_in_dim3A_66 : vector<16xi1>, vector<16xf32>
    %add3A_1714 = arith.addf %add3A_1664, %select_n3A_1713 : vector<16xf32>
    %eq3A_1715 = arith.constant 2 : i32
    %eq3A_1716 = vector.broadcast %eq3A_1715 : i32 to vector<16xi32>
    %eq3A_1717 = arith.cmpi eq, %select_n3A_1702, %eq3A_1716 : vector<16xi32>
    %select_n3A_1718 = arith.select %eq3A_1717, %broadcast_in_dim3A_645, %broadcast_in_dim3A_66 : vector<16xi1>, vector<16xf32>
    %add3A_1719 = arith.addf %add3A_1669, %select_n3A_1718 : vector<16xf32>
    %eq3A_1720 = arith.constant 3 : i32
    %eq3A_1721 = vector.broadcast %eq3A_1720 : i32 to vector<16xi32>
    %eq3A_1722 = arith.cmpi eq, %select_n3A_1702, %eq3A_1721 : vector<16xi32>
    %select_n3A_1723 = arith.select %eq3A_1722, %broadcast_in_dim3A_645, %broadcast_in_dim3A_66 : vector<16xi1>, vector<16xf32>
    %add3A_1724 = arith.addf %add3A_1674, %select_n3A_1723 : vector<16xf32>
    %eq3A_1725 = arith.constant 4 : i32
    %eq3A_1726 = vector.broadcast %eq3A_1725 : i32 to vector<16xi32>
    %eq3A_1727 = arith.cmpi eq, %select_n3A_1702, %eq3A_1726 : vector<16xi32>
    %select_n3A_1728 = arith.select %eq3A_1727, %broadcast_in_dim3A_645, %broadcast_in_dim3A_66 : vector<16xi1>, vector<16xf32>
    %add3A_1729 = arith.addf %add3A_1679, %select_n3A_1728 : vector<16xf32>
    %eq3A_1730 = arith.constant 5 : i32
    %eq3A_1731 = vector.broadcast %eq3A_1730 : i32 to vector<16xi32>
    %eq3A_1732 = arith.cmpi eq, %select_n3A_1702, %eq3A_1731 : vector<16xi32>
    %select_n3A_1733 = arith.select %eq3A_1732, %broadcast_in_dim3A_645, %broadcast_in_dim3A_66 : vector<16xi1>, vector<16xf32>
    %add3A_1734 = arith.addf %add3A_1684, %select_n3A_1733 : vector<16xf32>
    %eq3A_1735 = arith.constant 6 : i32
    %eq3A_1736 = vector.broadcast %eq3A_1735 : i32 to vector<16xi32>
    %eq3A_1737 = arith.cmpi eq, %select_n3A_1702, %eq3A_1736 : vector<16xi32>
    %select_n3A_1738 = arith.select %eq3A_1737, %broadcast_in_dim3A_645, %broadcast_in_dim3A_66 : vector<16xi1>, vector<16xf32>
    %add3A_1739 = arith.addf %add3A_1689, %select_n3A_1738 : vector<16xf32>
    %eq3A_1740 = arith.constant 7 : i32
    %eq3A_1741 = vector.broadcast %eq3A_1740 : i32 to vector<16xi32>
    %eq3A_1742 = arith.cmpi eq, %select_n3A_1702, %eq3A_1741 : vector<16xi32>
    %select_n3A_1743 = arith.select %eq3A_1742, %broadcast_in_dim3A_645, %broadcast_in_dim3A_66 : vector<16xi1>, vector<16xf32>
    %add3A_1744 = arith.addf %add3A_1694, %select_n3A_1743 : vector<16xf32>
    %get3A_1745 = arith.constant 352 : index
    %get3A_1746 = tpu.vector_load %arg7[%get3A_1745] {strides = array<i32>} : memref<512xi32, #tpu.memory_space<vmem>>, vector<16xi32>,
    %get3A_1747 = arith.constant 352 : index
    %get3A_1748 = tpu.vector_load %arg8[%get3A_1747] {strides = array<i32>} : memref<512xi32, #tpu.memory_space<vmem>>, vector<16xi32>,
    %ne3A_1749 = arith.constant 0 : i32
    %ne3A_1750 = vector.broadcast %ne3A_1749 : i32 to vector<16xi32>
    %ne3A_1751 = arith.cmpi ne, %get3A_1748, %ne3A_1750 : vector<16xi32>
    %select_n3A_1752 = arith.select %ne3A_1751, %get3A_1746, %broadcast_in_dim3A_643 : vector<16xi1>, vector<16xi32>
    %swap3A_1753 = arith.constant 352 : index
    %swap3A_1754 = tpu.vector_load %arg9[%swap3A_1753] {strides = array<i32>} : memref<512xi32, #tpu.memory_space<vmem>>, vector<16xi32>,
    tpu.vector_store %arg9[%swap3A_1753], %select_n3A_1752 {strides = array<i32>} : memref<512xi32, #tpu.memory_space<vmem>>, vector<16xi32>,
    %eq3A_1755 = arith.constant 0 : i32
    %eq3A_1756 = vector.broadcast %eq3A_1755 : i32 to vector<16xi32>
    %eq3A_1757 = arith.cmpi eq, %select_n3A_1752, %eq3A_1756 : vector<16xi32>
    %select_n3A_1758 = arith.select %eq3A_1757, %broadcast_in_dim3A_645, %broadcast_in_dim3A_66 : vector<16xi1>, vector<16xf32>
    %add3A_1759 = arith.addf %add3A_1709, %select_n3A_1758 : vector<16xf32>
    %eq3A_1760 = arith.constant 1 : i32
    %eq3A_1761 = vector.broadcast %eq3A_1760 : i32 to vector<16xi32>
    %eq3A_1762 = arith.cmpi eq, %select_n3A_1752, %eq3A_1761 : vector<16xi32>
    %select_n3A_1763 = arith.select %eq3A_1762, %broadcast_in_dim3A_645, %broadcast_in_dim3A_66 : vector<16xi1>, vector<16xf32>
    %add3A_1764 = arith.addf %add3A_1714, %select_n3A_1763 : vector<16xf32>
    %eq3A_1765 = arith.constant 2 : i32
    %eq3A_1766 = vector.broadcast %eq3A_1765 : i32 to vector<16xi32>
    %eq3A_1767 = arith.cmpi eq, %select_n3A_1752, %eq3A_1766 : vector<16xi32>
    %select_n3A_1768 = arith.select %eq3A_1767, %broadcast_in_dim3A_645, %broadcast_in_dim3A_66 : vector<16xi1>, vector<16xf32>
    %add3A_1769 = arith.addf %add3A_1719, %select_n3A_1768 : vector<16xf32>
    %eq3A_1770 = arith.constant 3 : i32
    %eq3A_1771 = vector.broadcast %eq3A_1770 : i32 to vector<16xi32>
    %eq3A_1772 = arith.cmpi eq, %select_n3A_1752, %eq3A_1771 : vector<16xi32>
    %select_n3A_1773 = arith.select %eq3A_1772, %broadcast_in_dim3A_645, %broadcast_in_dim3A_66 : vector<16xi1>, vector<16xf32>
    %add3A_1774 = arith.addf %add3A_1724, %select_n3A_1773 : vector<16xf32>
    %eq3A_1775 = arith.constant 4 : i32
    %eq3A_1776 = vector.broadcast %eq3A_1775 : i32 to vector<16xi32>
    %eq3A_1777 = arith.cmpi eq, %select_n3A_1752, %eq3A_1776 : vector<16xi32>
    %select_n3A_1778 = arith.select %eq3A_1777, %broadcast_in_dim3A_645, %broadcast_in_dim3A_66 : vector<16xi1>, vector<16xf32>
    %add3A_1779 = arith.addf %add3A_1729, %select_n3A_1778 : vector<16xf32>
    %eq3A_1780 = arith.constant 5 : i32
    %eq3A_1781 = vector.broadcast %eq3A_1780 : i32 to vector<16xi32>
    %eq3A_1782 = arith.cmpi eq, %select_n3A_1752, %eq3A_1781 : vector<16xi32>
    %select_n3A_1783 = arith.select %eq3A_1782, %broadcast_in_dim3A_645, %broadcast_in_dim3A_66 : vector<16xi1>, vector<16xf32>
    %add3A_1784 = arith.addf %add3A_1734, %select_n3A_1783 : vector<16xf32>
    %eq3A_1785 = arith.constant 6 : i32
    %eq3A_1786 = vector.broadcast %eq3A_1785 : i32 to vector<16xi32>
    %eq3A_1787 = arith.cmpi eq, %select_n3A_1752, %eq3A_1786 : vector<16xi32>
    %select_n3A_1788 = arith.select %eq3A_1787, %broadcast_in_dim3A_645, %broadcast_in_dim3A_66 : vector<16xi1>, vector<16xf32>
    %add3A_1789 = arith.addf %add3A_1739, %select_n3A_1788 : vector<16xf32>
    %eq3A_1790 = arith.constant 7 : i32
    %eq3A_1791 = vector.broadcast %eq3A_1790 : i32 to vector<16xi32>
    %eq3A_1792 = arith.cmpi eq, %select_n3A_1752, %eq3A_1791 : vector<16xi32>
    %select_n3A_1793 = arith.select %eq3A_1792, %broadcast_in_dim3A_645, %broadcast_in_dim3A_66 : vector<16xi1>, vector<16xf32>
    %add3A_1794 = arith.addf %add3A_1744, %select_n3A_1793 : vector<16xf32>
    %get3A_1795 = arith.constant 368 : index
    %get3A_1796 = tpu.vector_load %arg7[%get3A_1795] {strides = array<i32>} : memref<512xi32, #tpu.memory_space<vmem>>, vector<16xi32>,
    %get3A_1797 = arith.constant 368 : index
    %get3A_1798 = tpu.vector_load %arg8[%get3A_1797] {strides = array<i32>} : memref<512xi32, #tpu.memory_space<vmem>>, vector<16xi32>,
    %ne3A_1799 = arith.constant 0 : i32
    %ne3A_1800 = vector.broadcast %ne3A_1799 : i32 to vector<16xi32>
    %ne3A_1801 = arith.cmpi ne, %get3A_1798, %ne3A_1800 : vector<16xi32>
    %select_n3A_1802 = arith.select %ne3A_1801, %get3A_1796, %broadcast_in_dim3A_643 : vector<16xi1>, vector<16xi32>
    %swap3A_1803 = arith.constant 368 : index
    %swap3A_1804 = tpu.vector_load %arg9[%swap3A_1803] {strides = array<i32>} : memref<512xi32, #tpu.memory_space<vmem>>, vector<16xi32>,
    tpu.vector_store %arg9[%swap3A_1803], %select_n3A_1802 {strides = array<i32>} : memref<512xi32, #tpu.memory_space<vmem>>, vector<16xi32>,
    %eq3A_1805 = arith.constant 0 : i32
    %eq3A_1806 = vector.broadcast %eq3A_1805 : i32 to vector<16xi32>
    %eq3A_1807 = arith.cmpi eq, %select_n3A_1802, %eq3A_1806 : vector<16xi32>
    %select_n3A_1808 = arith.select %eq3A_1807, %broadcast_in_dim3A_645, %broadcast_in_dim3A_66 : vector<16xi1>, vector<16xf32>
    %add3A_1809 = arith.addf %add3A_1759, %select_n3A_1808 : vector<16xf32>
    %eq3A_1810 = arith.constant 1 : i32
    %eq3A_1811 = vector.broadcast %eq3A_1810 : i32 to vector<16xi32>
    %eq3A_1812 = arith.cmpi eq, %select_n3A_1802, %eq3A_1811 : vector<16xi32>
    %select_n3A_1813 = arith.select %eq3A_1812, %broadcast_in_dim3A_645, %broadcast_in_dim3A_66 : vector<16xi1>, vector<16xf32>
    %add3A_1814 = arith.addf %add3A_1764, %select_n3A_1813 : vector<16xf32>
    %eq3A_1815 = arith.constant 2 : i32
    %eq3A_1816 = vector.broadcast %eq3A_1815 : i32 to vector<16xi32>
    %eq3A_1817 = arith.cmpi eq, %select_n3A_1802, %eq3A_1816 : vector<16xi32>
    %select_n3A_1818 = arith.select %eq3A_1817, %broadcast_in_dim3A_645, %broadcast_in_dim3A_66 : vector<16xi1>, vector<16xf32>
    %add3A_1819 = arith.addf %add3A_1769, %select_n3A_1818 : vector<16xf32>
    %eq3A_1820 = arith.constant 3 : i32
    %eq3A_1821 = vector.broadcast %eq3A_1820 : i32 to vector<16xi32>
    %eq3A_1822 = arith.cmpi eq, %select_n3A_1802, %eq3A_1821 : vector<16xi32>
    %select_n3A_1823 = arith.select %eq3A_1822, %broadcast_in_dim3A_645, %broadcast_in_dim3A_66 : vector<16xi1>, vector<16xf32>
    %add3A_1824 = arith.addf %add3A_1774, %select_n3A_1823 : vector<16xf32>
    %eq3A_1825 = arith.constant 4 : i32
    %eq3A_1826 = vector.broadcast %eq3A_1825 : i32 to vector<16xi32>
    %eq3A_1827 = arith.cmpi eq, %select_n3A_1802, %eq3A_1826 : vector<16xi32>
    %select_n3A_1828 = arith.select %eq3A_1827, %broadcast_in_dim3A_645, %broadcast_in_dim3A_66 : vector<16xi1>, vector<16xf32>
    %add3A_1829 = arith.addf %add3A_1779, %select_n3A_1828 : vector<16xf32>
    %eq3A_1830 = arith.constant 5 : i32
    %eq3A_1831 = vector.broadcast %eq3A_1830 : i32 to vector<16xi32>
    %eq3A_1832 = arith.cmpi eq, %select_n3A_1802, %eq3A_1831 : vector<16xi32>
    %select_n3A_1833 = arith.select %eq3A_1832, %broadcast_in_dim3A_645, %broadcast_in_dim3A_66 : vector<16xi1>, vector<16xf32>
    %add3A_1834 = arith.addf %add3A_1784, %select_n3A_1833 : vector<16xf32>
    %eq3A_1835 = arith.constant 6 : i32
    %eq3A_1836 = vector.broadcast %eq3A_1835 : i32 to vector<16xi32>
    %eq3A_1837 = arith.cmpi eq, %select_n3A_1802, %eq3A_1836 : vector<16xi32>
    %select_n3A_1838 = arith.select %eq3A_1837, %broadcast_in_dim3A_645, %broadcast_in_dim3A_66 : vector<16xi1>, vector<16xf32>
    %add3A_1839 = arith.addf %add3A_1789, %select_n3A_1838 : vector<16xf32>
    %eq3A_1840 = arith.constant 7 : i32
    %eq3A_1841 = vector.broadcast %eq3A_1840 : i32 to vector<16xi32>
    %eq3A_1842 = arith.cmpi eq, %select_n3A_1802, %eq3A_1841 : vector<16xi32>
    %select_n3A_1843 = arith.select %eq3A_1842, %broadcast_in_dim3A_645, %broadcast_in_dim3A_66 : vector<16xi1>, vector<16xf32>
    %add3A_1844 = arith.addf %add3A_1794, %select_n3A_1843 : vector<16xf32>
    %get3A_1845 = arith.constant 384 : index
    %get3A_1846 = tpu.vector_load %arg7[%get3A_1845] {strides = array<i32>} : memref<512xi32, #tpu.memory_space<vmem>>, vector<16xi32>,
    %get3A_1847 = arith.constant 384 : index
    %get3A_1848 = tpu.vector_load %arg8[%get3A_1847] {strides = array<i32>} : memref<512xi32, #tpu.memory_space<vmem>>, vector<16xi32>,
    %ne3A_1849 = arith.constant 0 : i32
    %ne3A_1850 = vector.broadcast %ne3A_1849 : i32 to vector<16xi32>
    %ne3A_1851 = arith.cmpi ne, %get3A_1848, %ne3A_1850 : vector<16xi32>
    %select_n3A_1852 = arith.select %ne3A_1851, %get3A_1846, %broadcast_in_dim3A_643 : vector<16xi1>, vector<16xi32>
    %swap3A_1853 = arith.constant 384 : index
    %swap3A_1854 = tpu.vector_load %arg9[%swap3A_1853] {strides = array<i32>} : memref<512xi32, #tpu.memory_space<vmem>>, vector<16xi32>,
    tpu.vector_store %arg9[%swap3A_1853], %select_n3A_1852 {strides = array<i32>} : memref<512xi32, #tpu.memory_space<vmem>>, vector<16xi32>,
    %eq3A_1855 = arith.constant 0 : i32
    %eq3A_1856 = vector.broadcast %eq3A_1855 : i32 to vector<16xi32>
    %eq3A_1857 = arith.cmpi eq, %select_n3A_1852, %eq3A_1856 : vector<16xi32>
    %select_n3A_1858 = arith.select %eq3A_1857, %broadcast_in_dim3A_645, %broadcast_in_dim3A_66 : vector<16xi1>, vector<16xf32>
    %add3A_1859 = arith.addf %add3A_1809, %select_n3A_1858 : vector<16xf32>
    %eq3A_1860 = arith.constant 1 : i32
    %eq3A_1861 = vector.broadcast %eq3A_1860 : i32 to vector<16xi32>
    %eq3A_1862 = arith.cmpi eq, %select_n3A_1852, %eq3A_1861 : vector<16xi32>
    %select_n3A_1863 = arith.select %eq3A_1862, %broadcast_in_dim3A_645, %broadcast_in_dim3A_66 : vector<16xi1>, vector<16xf32>
    %add3A_1864 = arith.addf %add3A_1814, %select_n3A_1863 : vector<16xf32>
    %eq3A_1865 = arith.constant 2 : i32
    %eq3A_1866 = vector.broadcast %eq3A_1865 : i32 to vector<16xi32>
    %eq3A_1867 = arith.cmpi eq, %select_n3A_1852, %eq3A_1866 : vector<16xi32>
    %select_n3A_1868 = arith.select %eq3A_1867, %broadcast_in_dim3A_645, %broadcast_in_dim3A_66 : vector<16xi1>, vector<16xf32>
    %add3A_1869 = arith.addf %add3A_1819, %select_n3A_1868 : vector<16xf32>
    %eq3A_1870 = arith.constant 3 : i32
    %eq3A_1871 = vector.broadcast %eq3A_1870 : i32 to vector<16xi32>
    %eq3A_1872 = arith.cmpi eq, %select_n3A_1852, %eq3A_1871 : vector<16xi32>
    %select_n3A_1873 = arith.select %eq3A_1872, %broadcast_in_dim3A_645, %broadcast_in_dim3A_66 : vector<16xi1>, vector<16xf32>
    %add3A_1874 = arith.addf %add3A_1824, %select_n3A_1873 : vector<16xf32>
    %eq3A_1875 = arith.constant 4 : i32
    %eq3A_1876 = vector.broadcast %eq3A_1875 : i32 to vector<16xi32>
    %eq3A_1877 = arith.cmpi eq, %select_n3A_1852, %eq3A_1876 : vector<16xi32>
    %select_n3A_1878 = arith.select %eq3A_1877, %broadcast_in_dim3A_645, %broadcast_in_dim3A_66 : vector<16xi1>, vector<16xf32>
    %add3A_1879 = arith.addf %add3A_1829, %select_n3A_1878 : vector<16xf32>
    %eq3A_1880 = arith.constant 5 : i32
    %eq3A_1881 = vector.broadcast %eq3A_1880 : i32 to vector<16xi32>
    %eq3A_1882 = arith.cmpi eq, %select_n3A_1852, %eq3A_1881 : vector<16xi32>
    %select_n3A_1883 = arith.select %eq3A_1882, %broadcast_in_dim3A_645, %broadcast_in_dim3A_66 : vector<16xi1>, vector<16xf32>
    %add3A_1884 = arith.addf %add3A_1834, %select_n3A_1883 : vector<16xf32>
    %eq3A_1885 = arith.constant 6 : i32
    %eq3A_1886 = vector.broadcast %eq3A_1885 : i32 to vector<16xi32>
    %eq3A_1887 = arith.cmpi eq, %select_n3A_1852, %eq3A_1886 : vector<16xi32>
    %select_n3A_1888 = arith.select %eq3A_1887, %broadcast_in_dim3A_645, %broadcast_in_dim3A_66 : vector<16xi1>, vector<16xf32>
    %add3A_1889 = arith.addf %add3A_1839, %select_n3A_1888 : vector<16xf32>
    %eq3A_1890 = arith.constant 7 : i32
    %eq3A_1891 = vector.broadcast %eq3A_1890 : i32 to vector<16xi32>
    %eq3A_1892 = arith.cmpi eq, %select_n3A_1852, %eq3A_1891 : vector<16xi32>
    %select_n3A_1893 = arith.select %eq3A_1892, %broadcast_in_dim3A_645, %broadcast_in_dim3A_66 : vector<16xi1>, vector<16xf32>
    %add3A_1894 = arith.addf %add3A_1844, %select_n3A_1893 : vector<16xf32>
    %get3A_1895 = arith.constant 400 : index
    %get3A_1896 = tpu.vector_load %arg7[%get3A_1895] {strides = array<i32>} : memref<512xi32, #tpu.memory_space<vmem>>, vector<16xi32>,
    %get3A_1897 = arith.constant 400 : index
    %get3A_1898 = tpu.vector_load %arg8[%get3A_1897] {strides = array<i32>} : memref<512xi32, #tpu.memory_space<vmem>>, vector<16xi32>,
    %ne3A_1899 = arith.constant 0 : i32
    %ne3A_1900 = vector.broadcast %ne3A_1899 : i32 to vector<16xi32>
    %ne3A_1901 = arith.cmpi ne, %get3A_1898, %ne3A_1900 : vector<16xi32>
    %select_n3A_1902 = arith.select %ne3A_1901, %get3A_1896, %broadcast_in_dim3A_643 : vector<16xi1>, vector<16xi32>
    %swap3A_1903 = arith.constant 400 : index
    %swap3A_1904 = tpu.vector_load %arg9[%swap3A_1903] {strides = array<i32>} : memref<512xi32, #tpu.memory_space<vmem>>, vector<16xi32>,
    tpu.vector_store %arg9[%swap3A_1903], %select_n3A_1902 {strides = array<i32>} : memref<512xi32, #tpu.memory_space<vmem>>, vector<16xi32>,
    %eq3A_1905 = arith.constant 0 : i32
    %eq3A_1906 = vector.broadcast %eq3A_1905 : i32 to vector<16xi32>
    %eq3A_1907 = arith.cmpi eq, %select_n3A_1902, %eq3A_1906 : vector<16xi32>
    %select_n3A_1908 = arith.select %eq3A_1907, %broadcast_in_dim3A_645, %broadcast_in_dim3A_66 : vector<16xi1>, vector<16xf32>
    %add3A_1909 = arith.addf %add3A_1859, %select_n3A_1908 : vector<16xf32>
    %eq3A_1910 = arith.constant 1 : i32
    %eq3A_1911 = vector.broadcast %eq3A_1910 : i32 to vector<16xi32>
    %eq3A_1912 = arith.cmpi eq, %select_n3A_1902, %eq3A_1911 : vector<16xi32>
    %select_n3A_1913 = arith.select %eq3A_1912, %broadcast_in_dim3A_645, %broadcast_in_dim3A_66 : vector<16xi1>, vector<16xf32>
    %add3A_1914 = arith.addf %add3A_1864, %select_n3A_1913 : vector<16xf32>
    %eq3A_1915 = arith.constant 2 : i32
    %eq3A_1916 = vector.broadcast %eq3A_1915 : i32 to vector<16xi32>
    %eq3A_1917 = arith.cmpi eq, %select_n3A_1902, %eq3A_1916 : vector<16xi32>
    %select_n3A_1918 = arith.select %eq3A_1917, %broadcast_in_dim3A_645, %broadcast_in_dim3A_66 : vector<16xi1>, vector<16xf32>
    %add3A_1919 = arith.addf %add3A_1869, %select_n3A_1918 : vector<16xf32>
    %eq3A_1920 = arith.constant 3 : i32
    %eq3A_1921 = vector.broadcast %eq3A_1920 : i32 to vector<16xi32>
    %eq3A_1922 = arith.cmpi eq, %select_n3A_1902, %eq3A_1921 : vector<16xi32>
    %select_n3A_1923 = arith.select %eq3A_1922, %broadcast_in_dim3A_645, %broadcast_in_dim3A_66 : vector<16xi1>, vector<16xf32>
    %add3A_1924 = arith.addf %add3A_1874, %select_n3A_1923 : vector<16xf32>
    %eq3A_1925 = arith.constant 4 : i32
    %eq3A_1926 = vector.broadcast %eq3A_1925 : i32 to vector<16xi32>
    %eq3A_1927 = arith.cmpi eq, %select_n3A_1902, %eq3A_1926 : vector<16xi32>
    %select_n3A_1928 = arith.select %eq3A_1927, %broadcast_in_dim3A_645, %broadcast_in_dim3A_66 : vector<16xi1>, vector<16xf32>
    %add3A_1929 = arith.addf %add3A_1879, %select_n3A_1928 : vector<16xf32>
    %eq3A_1930 = arith.constant 5 : i32
    %eq3A_1931 = vector.broadcast %eq3A_1930 : i32 to vector<16xi32>
    %eq3A_1932 = arith.cmpi eq, %select_n3A_1902, %eq3A_1931 : vector<16xi32>
    %select_n3A_1933 = arith.select %eq3A_1932, %broadcast_in_dim3A_645, %broadcast_in_dim3A_66 : vector<16xi1>, vector<16xf32>
    %add3A_1934 = arith.addf %add3A_1884, %select_n3A_1933 : vector<16xf32>
    %eq3A_1935 = arith.constant 6 : i32
    %eq3A_1936 = vector.broadcast %eq3A_1935 : i32 to vector<16xi32>
    %eq3A_1937 = arith.cmpi eq, %select_n3A_1902, %eq3A_1936 : vector<16xi32>
    %select_n3A_1938 = arith.select %eq3A_1937, %broadcast_in_dim3A_645, %broadcast_in_dim3A_66 : vector<16xi1>, vector<16xf32>
    %add3A_1939 = arith.addf %add3A_1889, %select_n3A_1938 : vector<16xf32>
    %eq3A_1940 = arith.constant 7 : i32
    %eq3A_1941 = vector.broadcast %eq3A_1940 : i32 to vector<16xi32>
    %eq3A_1942 = arith.cmpi eq, %select_n3A_1902, %eq3A_1941 : vector<16xi32>
    %select_n3A_1943 = arith.select %eq3A_1942, %broadcast_in_dim3A_645, %broadcast_in_dim3A_66 : vector<16xi1>, vector<16xf32>
    %add3A_1944 = arith.addf %add3A_1894, %select_n3A_1943 : vector<16xf32>
    %get3A_1945 = arith.constant 416 : index
    %get3A_1946 = tpu.vector_load %arg7[%get3A_1945] {strides = array<i32>} : memref<512xi32, #tpu.memory_space<vmem>>, vector<16xi32>,
    %get3A_1947 = arith.constant 416 : index
    %get3A_1948 = tpu.vector_load %arg8[%get3A_1947] {strides = array<i32>} : memref<512xi32, #tpu.memory_space<vmem>>, vector<16xi32>,
    %ne3A_1949 = arith.constant 0 : i32
    %ne3A_1950 = vector.broadcast %ne3A_1949 : i32 to vector<16xi32>
    %ne3A_1951 = arith.cmpi ne, %get3A_1948, %ne3A_1950 : vector<16xi32>
    %select_n3A_1952 = arith.select %ne3A_1951, %get3A_1946, %broadcast_in_dim3A_643 : vector<16xi1>, vector<16xi32>
    %swap3A_1953 = arith.constant 416 : index
    %swap3A_1954 = tpu.vector_load %arg9[%swap3A_1953] {strides = array<i32>} : memref<512xi32, #tpu.memory_space<vmem>>, vector<16xi32>,
    tpu.vector_store %arg9[%swap3A_1953], %select_n3A_1952 {strides = array<i32>} : memref<512xi32, #tpu.memory_space<vmem>>, vector<16xi32>,
    %eq3A_1955 = arith.constant 0 : i32
    %eq3A_1956 = vector.broadcast %eq3A_1955 : i32 to vector<16xi32>
    %eq3A_1957 = arith.cmpi eq, %select_n3A_1952, %eq3A_1956 : vector<16xi32>
    %select_n3A_1958 = arith.select %eq3A_1957, %broadcast_in_dim3A_645, %broadcast_in_dim3A_66 : vector<16xi1>, vector<16xf32>
    %add3A_1959 = arith.addf %add3A_1909, %select_n3A_1958 : vector<16xf32>
    %eq3A_1960 = arith.constant 1 : i32
    %eq3A_1961 = vector.broadcast %eq3A_1960 : i32 to vector<16xi32>
    %eq3A_1962 = arith.cmpi eq, %select_n3A_1952, %eq3A_1961 : vector<16xi32>
    %select_n3A_1963 = arith.select %eq3A_1962, %broadcast_in_dim3A_645, %broadcast_in_dim3A_66 : vector<16xi1>, vector<16xf32>
    %add3A_1964 = arith.addf %add3A_1914, %select_n3A_1963 : vector<16xf32>
    %eq3A_1965 = arith.constant 2 : i32
    %eq3A_1966 = vector.broadcast %eq3A_1965 : i32 to vector<16xi32>
    %eq3A_1967 = arith.cmpi eq, %select_n3A_1952, %eq3A_1966 : vector<16xi32>
    %select_n3A_1968 = arith.select %eq3A_1967, %broadcast_in_dim3A_645, %broadcast_in_dim3A_66 : vector<16xi1>, vector<16xf32>
    %add3A_1969 = arith.addf %add3A_1919, %select_n3A_1968 : vector<16xf32>
    %eq3A_1970 = arith.constant 3 : i32
    %eq3A_1971 = vector.broadcast %eq3A_1970 : i32 to vector<16xi32>
    %eq3A_1972 = arith.cmpi eq, %select_n3A_1952, %eq3A_1971 : vector<16xi32>
    %select_n3A_1973 = arith.select %eq3A_1972, %broadcast_in_dim3A_645, %broadcast_in_dim3A_66 : vector<16xi1>, vector<16xf32>
    %add3A_1974 = arith.addf %add3A_1924, %select_n3A_1973 : vector<16xf32>
    %eq3A_1975 = arith.constant 4 : i32
    %eq3A_1976 = vector.broadcast %eq3A_1975 : i32 to vector<16xi32>
    %eq3A_1977 = arith.cmpi eq, %select_n3A_1952, %eq3A_1976 : vector<16xi32>
    %select_n3A_1978 = arith.select %eq3A_1977, %broadcast_in_dim3A_645, %broadcast_in_dim3A_66 : vector<16xi1>, vector<16xf32>
    %add3A_1979 = arith.addf %add3A_1929, %select_n3A_1978 : vector<16xf32>
    %eq3A_1980 = arith.constant 5 : i32
    %eq3A_1981 = vector.broadcast %eq3A_1980 : i32 to vector<16xi32>
    %eq3A_1982 = arith.cmpi eq, %select_n3A_1952, %eq3A_1981 : vector<16xi32>
    %select_n3A_1983 = arith.select %eq3A_1982, %broadcast_in_dim3A_645, %broadcast_in_dim3A_66 : vector<16xi1>, vector<16xf32>
    %add3A_1984 = arith.addf %add3A_1934, %select_n3A_1983 : vector<16xf32>
    %eq3A_1985 = arith.constant 6 : i32
    %eq3A_1986 = vector.broadcast %eq3A_1985 : i32 to vector<16xi32>
    %eq3A_1987 = arith.cmpi eq, %select_n3A_1952, %eq3A_1986 : vector<16xi32>
    %select_n3A_1988 = arith.select %eq3A_1987, %broadcast_in_dim3A_645, %broadcast_in_dim3A_66 : vector<16xi1>, vector<16xf32>
    %add3A_1989 = arith.addf %add3A_1939, %select_n3A_1988 : vector<16xf32>
    %eq3A_1990 = arith.constant 7 : i32
    %eq3A_1991 = vector.broadcast %eq3A_1990 : i32 to vector<16xi32>
    %eq3A_1992 = arith.cmpi eq, %select_n3A_1952, %eq3A_1991 : vector<16xi32>
    %select_n3A_1993 = arith.select %eq3A_1992, %broadcast_in_dim3A_645, %broadcast_in_dim3A_66 : vector<16xi1>, vector<16xf32>
    %add3A_1994 = arith.addf %add3A_1944, %select_n3A_1993 : vector<16xf32>
    %get3A_1995 = arith.constant 432 : index
    %get3A_1996 = tpu.vector_load %arg7[%get3A_1995] {strides = array<i32>} : memref<512xi32, #tpu.memory_space<vmem>>, vector<16xi32>,
    %get3A_1997 = arith.constant 432 : index
    %get3A_1998 = tpu.vector_load %arg8[%get3A_1997] {strides = array<i32>} : memref<512xi32, #tpu.memory_space<vmem>>, vector<16xi32>,
    %ne3A_1999 = arith.constant 0 : i32
    %ne3A_2000 = vector.broadcast %ne3A_1999 : i32 to vector<16xi32>
    %ne3A_2001 = arith.cmpi ne, %get3A_1998, %ne3A_2000 : vector<16xi32>
    %select_n3A_2002 = arith.select %ne3A_2001, %get3A_1996, %broadcast_in_dim3A_643 : vector<16xi1>, vector<16xi32>
    %swap3A_2003 = arith.constant 432 : index
    %swap3A_2004 = tpu.vector_load %arg9[%swap3A_2003] {strides = array<i32>} : memref<512xi32, #tpu.memory_space<vmem>>, vector<16xi32>,
    tpu.vector_store %arg9[%swap3A_2003], %select_n3A_2002 {strides = array<i32>} : memref<512xi32, #tpu.memory_space<vmem>>, vector<16xi32>,
    %eq3A_2005 = arith.constant 0 : i32
    %eq3A_2006 = vector.broadcast %eq3A_2005 : i32 to vector<16xi32>
    %eq3A_2007 = arith.cmpi eq, %select_n3A_2002, %eq3A_2006 : vector<16xi32>
    %select_n3A_2008 = arith.select %eq3A_2007, %broadcast_in_dim3A_645, %broadcast_in_dim3A_66 : vector<16xi1>, vector<16xf32>
    %add3A_2009 = arith.addf %add3A_1959, %select_n3A_2008 : vector<16xf32>
    %eq3A_2010 = arith.constant 1 : i32
    %eq3A_2011 = vector.broadcast %eq3A_2010 : i32 to vector<16xi32>
    %eq3A_2012 = arith.cmpi eq, %select_n3A_2002, %eq3A_2011 : vector<16xi32>
    %select_n3A_2013 = arith.select %eq3A_2012, %broadcast_in_dim3A_645, %broadcast_in_dim3A_66 : vector<16xi1>, vector<16xf32>
    %add3A_2014 = arith.addf %add3A_1964, %select_n3A_2013 : vector<16xf32>
    %eq3A_2015 = arith.constant 2 : i32
    %eq3A_2016 = vector.broadcast %eq3A_2015 : i32 to vector<16xi32>
    %eq3A_2017 = arith.cmpi eq, %select_n3A_2002, %eq3A_2016 : vector<16xi32>
    %select_n3A_2018 = arith.select %eq3A_2017, %broadcast_in_dim3A_645, %broadcast_in_dim3A_66 : vector<16xi1>, vector<16xf32>
    %add3A_2019 = arith.addf %add3A_1969, %select_n3A_2018 : vector<16xf32>
    %eq3A_2020 = arith.constant 3 : i32
    %eq3A_2021 = vector.broadcast %eq3A_2020 : i32 to vector<16xi32>
    %eq3A_2022 = arith.cmpi eq, %select_n3A_2002, %eq3A_2021 : vector<16xi32>
    %select_n3A_2023 = arith.select %eq3A_2022, %broadcast_in_dim3A_645, %broadcast_in_dim3A_66 : vector<16xi1>, vector<16xf32>
    %add3A_2024 = arith.addf %add3A_1974, %select_n3A_2023 : vector<16xf32>
    %eq3A_2025 = arith.constant 4 : i32
    %eq3A_2026 = vector.broadcast %eq3A_2025 : i32 to vector<16xi32>
    %eq3A_2027 = arith.cmpi eq, %select_n3A_2002, %eq3A_2026 : vector<16xi32>
    %select_n3A_2028 = arith.select %eq3A_2027, %broadcast_in_dim3A_645, %broadcast_in_dim3A_66 : vector<16xi1>, vector<16xf32>
    %add3A_2029 = arith.addf %add3A_1979, %select_n3A_2028 : vector<16xf32>
    %eq3A_2030 = arith.constant 5 : i32
    %eq3A_2031 = vector.broadcast %eq3A_2030 : i32 to vector<16xi32>
    %eq3A_2032 = arith.cmpi eq, %select_n3A_2002, %eq3A_2031 : vector<16xi32>
    %select_n3A_2033 = arith.select %eq3A_2032, %broadcast_in_dim3A_645, %broadcast_in_dim3A_66 : vector<16xi1>, vector<16xf32>
    %add3A_2034 = arith.addf %add3A_1984, %select_n3A_2033 : vector<16xf32>
    %eq3A_2035 = arith.constant 6 : i32
    %eq3A_2036 = vector.broadcast %eq3A_2035 : i32 to vector<16xi32>
    %eq3A_2037 = arith.cmpi eq, %select_n3A_2002, %eq3A_2036 : vector<16xi32>
    %select_n3A_2038 = arith.select %eq3A_2037, %broadcast_in_dim3A_645, %broadcast_in_dim3A_66 : vector<16xi1>, vector<16xf32>
    %add3A_2039 = arith.addf %add3A_1989, %select_n3A_2038 : vector<16xf32>
    %eq3A_2040 = arith.constant 7 : i32
    %eq3A_2041 = vector.broadcast %eq3A_2040 : i32 to vector<16xi32>
    %eq3A_2042 = arith.cmpi eq, %select_n3A_2002, %eq3A_2041 : vector<16xi32>
    %select_n3A_2043 = arith.select %eq3A_2042, %broadcast_in_dim3A_645, %broadcast_in_dim3A_66 : vector<16xi1>, vector<16xf32>
    %add3A_2044 = arith.addf %add3A_1994, %select_n3A_2043 : vector<16xf32>
    %get3A_2045 = arith.constant 448 : index
    %get3A_2046 = tpu.vector_load %arg7[%get3A_2045] {strides = array<i32>} : memref<512xi32, #tpu.memory_space<vmem>>, vector<16xi32>,
    %get3A_2047 = arith.constant 448 : index
    %get3A_2048 = tpu.vector_load %arg8[%get3A_2047] {strides = array<i32>} : memref<512xi32, #tpu.memory_space<vmem>>, vector<16xi32>,
    %ne3A_2049 = arith.constant 0 : i32
    %ne3A_2050 = vector.broadcast %ne3A_2049 : i32 to vector<16xi32>
    %ne3A_2051 = arith.cmpi ne, %get3A_2048, %ne3A_2050 : vector<16xi32>
    %select_n3A_2052 = arith.select %ne3A_2051, %get3A_2046, %broadcast_in_dim3A_643 : vector<16xi1>, vector<16xi32>
    %swap3A_2053 = arith.constant 448 : index
    %swap3A_2054 = tpu.vector_load %arg9[%swap3A_2053] {strides = array<i32>} : memref<512xi32, #tpu.memory_space<vmem>>, vector<16xi32>,
    tpu.vector_store %arg9[%swap3A_2053], %select_n3A_2052 {strides = array<i32>} : memref<512xi32, #tpu.memory_space<vmem>>, vector<16xi32>,
    %eq3A_2055 = arith.constant 0 : i32
    %eq3A_2056 = vector.broadcast %eq3A_2055 : i32 to vector<16xi32>
    %eq3A_2057 = arith.cmpi eq, %select_n3A_2052, %eq3A_2056 : vector<16xi32>
    %select_n3A_2058 = arith.select %eq3A_2057, %broadcast_in_dim3A_645, %broadcast_in_dim3A_66 : vector<16xi1>, vector<16xf32>
    %add3A_2059 = arith.addf %add3A_2009, %select_n3A_2058 : vector<16xf32>
    %eq3A_2060 = arith.constant 1 : i32
    %eq3A_2061 = vector.broadcast %eq3A_2060 : i32 to vector<16xi32>
    %eq3A_2062 = arith.cmpi eq, %select_n3A_2052, %eq3A_2061 : vector<16xi32>
    %select_n3A_2063 = arith.select %eq3A_2062, %broadcast_in_dim3A_645, %broadcast_in_dim3A_66 : vector<16xi1>, vector<16xf32>
    %add3A_2064 = arith.addf %add3A_2014, %select_n3A_2063 : vector<16xf32>
    %eq3A_2065 = arith.constant 2 : i32
    %eq3A_2066 = vector.broadcast %eq3A_2065 : i32 to vector<16xi32>
    %eq3A_2067 = arith.cmpi eq, %select_n3A_2052, %eq3A_2066 : vector<16xi32>
    %select_n3A_2068 = arith.select %eq3A_2067, %broadcast_in_dim3A_645, %broadcast_in_dim3A_66 : vector<16xi1>, vector<16xf32>
    %add3A_2069 = arith.addf %add3A_2019, %select_n3A_2068 : vector<16xf32>
    %eq3A_2070 = arith.constant 3 : i32
    %eq3A_2071 = vector.broadcast %eq3A_2070 : i32 to vector<16xi32>
    %eq3A_2072 = arith.cmpi eq, %select_n3A_2052, %eq3A_2071 : vector<16xi32>
    %select_n3A_2073 = arith.select %eq3A_2072, %broadcast_in_dim3A_645, %broadcast_in_dim3A_66 : vector<16xi1>, vector<16xf32>
    %add3A_2074 = arith.addf %add3A_2024, %select_n3A_2073 : vector<16xf32>
    %eq3A_2075 = arith.constant 4 : i32
    %eq3A_2076 = vector.broadcast %eq3A_2075 : i32 to vector<16xi32>
    %eq3A_2077 = arith.cmpi eq, %select_n3A_2052, %eq3A_2076 : vector<16xi32>
    %select_n3A_2078 = arith.select %eq3A_2077, %broadcast_in_dim3A_645, %broadcast_in_dim3A_66 : vector<16xi1>, vector<16xf32>
    %add3A_2079 = arith.addf %add3A_2029, %select_n3A_2078 : vector<16xf32>
    %eq3A_2080 = arith.constant 5 : i32
    %eq3A_2081 = vector.broadcast %eq3A_2080 : i32 to vector<16xi32>
    %eq3A_2082 = arith.cmpi eq, %select_n3A_2052, %eq3A_2081 : vector<16xi32>
    %select_n3A_2083 = arith.select %eq3A_2082, %broadcast_in_dim3A_645, %broadcast_in_dim3A_66 : vector<16xi1>, vector<16xf32>
    %add3A_2084 = arith.addf %add3A_2034, %select_n3A_2083 : vector<16xf32>
    %eq3A_2085 = arith.constant 6 : i32
    %eq3A_2086 = vector.broadcast %eq3A_2085 : i32 to vector<16xi32>
    %eq3A_2087 = arith.cmpi eq, %select_n3A_2052, %eq3A_2086 : vector<16xi32>
    %select_n3A_2088 = arith.select %eq3A_2087, %broadcast_in_dim3A_645, %broadcast_in_dim3A_66 : vector<16xi1>, vector<16xf32>
    %add3A_2089 = arith.addf %add3A_2039, %select_n3A_2088 : vector<16xf32>
    %eq3A_2090 = arith.constant 7 : i32
    %eq3A_2091 = vector.broadcast %eq3A_2090 : i32 to vector<16xi32>
    %eq3A_2092 = arith.cmpi eq, %select_n3A_2052, %eq3A_2091 : vector<16xi32>
    %select_n3A_2093 = arith.select %eq3A_2092, %broadcast_in_dim3A_645, %broadcast_in_dim3A_66 : vector<16xi1>, vector<16xf32>
    %add3A_2094 = arith.addf %add3A_2044, %select_n3A_2093 : vector<16xf32>
    %get3A_2095 = arith.constant 464 : index
    %get3A_2096 = tpu.vector_load %arg7[%get3A_2095] {strides = array<i32>} : memref<512xi32, #tpu.memory_space<vmem>>, vector<16xi32>,
    %get3A_2097 = arith.constant 464 : index
    %get3A_2098 = tpu.vector_load %arg8[%get3A_2097] {strides = array<i32>} : memref<512xi32, #tpu.memory_space<vmem>>, vector<16xi32>,
    %ne3A_2099 = arith.constant 0 : i32
    %ne3A_2100 = vector.broadcast %ne3A_2099 : i32 to vector<16xi32>
    %ne3A_2101 = arith.cmpi ne, %get3A_2098, %ne3A_2100 : vector<16xi32>
    %select_n3A_2102 = arith.select %ne3A_2101, %get3A_2096, %broadcast_in_dim3A_643 : vector<16xi1>, vector<16xi32>
    %swap3A_2103 = arith.constant 464 : index
    %swap3A_2104 = tpu.vector_load %arg9[%swap3A_2103] {strides = array<i32>} : memref<512xi32, #tpu.memory_space<vmem>>, vector<16xi32>,
    tpu.vector_store %arg9[%swap3A_2103], %select_n3A_2102 {strides = array<i32>} : memref<512xi32, #tpu.memory_space<vmem>>, vector<16xi32>,
    %eq3A_2105 = arith.constant 0 : i32
    %eq3A_2106 = vector.broadcast %eq3A_2105 : i32 to vector<16xi32>
    %eq3A_2107 = arith.cmpi eq, %select_n3A_2102, %eq3A_2106 : vector<16xi32>
    %select_n3A_2108 = arith.select %eq3A_2107, %broadcast_in_dim3A_645, %broadcast_in_dim3A_66 : vector<16xi1>, vector<16xf32>
    %add3A_2109 = arith.addf %add3A_2059, %select_n3A_2108 : vector<16xf32>
    %eq3A_2110 = arith.constant 1 : i32
    %eq3A_2111 = vector.broadcast %eq3A_2110 : i32 to vector<16xi32>
    %eq3A_2112 = arith.cmpi eq, %select_n3A_2102, %eq3A_2111 : vector<16xi32>
    %select_n3A_2113 = arith.select %eq3A_2112, %broadcast_in_dim3A_645, %broadcast_in_dim3A_66 : vector<16xi1>, vector<16xf32>
    %add3A_2114 = arith.addf %add3A_2064, %select_n3A_2113 : vector<16xf32>
    %eq3A_2115 = arith.constant 2 : i32
    %eq3A_2116 = vector.broadcast %eq3A_2115 : i32 to vector<16xi32>
    %eq3A_2117 = arith.cmpi eq, %select_n3A_2102, %eq3A_2116 : vector<16xi32>
    %select_n3A_2118 = arith.select %eq3A_2117, %broadcast_in_dim3A_645, %broadcast_in_dim3A_66 : vector<16xi1>, vector<16xf32>
    %add3A_2119 = arith.addf %add3A_2069, %select_n3A_2118 : vector<16xf32>
    %eq3A_2120 = arith.constant 3 : i32
    %eq3A_2121 = vector.broadcast %eq3A_2120 : i32 to vector<16xi32>
    %eq3A_2122 = arith.cmpi eq, %select_n3A_2102, %eq3A_2121 : vector<16xi32>
    %select_n3A_2123 = arith.select %eq3A_2122, %broadcast_in_dim3A_645, %broadcast_in_dim3A_66 : vector<16xi1>, vector<16xf32>
    %add3A_2124 = arith.addf %add3A_2074, %select_n3A_2123 : vector<16xf32>
    %eq3A_2125 = arith.constant 4 : i32
    %eq3A_2126 = vector.broadcast %eq3A_2125 : i32 to vector<16xi32>
    %eq3A_2127 = arith.cmpi eq, %select_n3A_2102, %eq3A_2126 : vector<16xi32>
    %select_n3A_2128 = arith.select %eq3A_2127, %broadcast_in_dim3A_645, %broadcast_in_dim3A_66 : vector<16xi1>, vector<16xf32>
    %add3A_2129 = arith.addf %add3A_2079, %select_n3A_2128 : vector<16xf32>
    %eq3A_2130 = arith.constant 5 : i32
    %eq3A_2131 = vector.broadcast %eq3A_2130 : i32 to vector<16xi32>
    %eq3A_2132 = arith.cmpi eq, %select_n3A_2102, %eq3A_2131 : vector<16xi32>
    %select_n3A_2133 = arith.select %eq3A_2132, %broadcast_in_dim3A_645, %broadcast_in_dim3A_66 : vector<16xi1>, vector<16xf32>
    %add3A_2134 = arith.addf %add3A_2084, %select_n3A_2133 : vector<16xf32>
    %eq3A_2135 = arith.constant 6 : i32
    %eq3A_2136 = vector.broadcast %eq3A_2135 : i32 to vector<16xi32>
    %eq3A_2137 = arith.cmpi eq, %select_n3A_2102, %eq3A_2136 : vector<16xi32>
    %select_n3A_2138 = arith.select %eq3A_2137, %broadcast_in_dim3A_645, %broadcast_in_dim3A_66 : vector<16xi1>, vector<16xf32>
    %add3A_2139 = arith.addf %add3A_2089, %select_n3A_2138 : vector<16xf32>
    %eq3A_2140 = arith.constant 7 : i32
    %eq3A_2141 = vector.broadcast %eq3A_2140 : i32 to vector<16xi32>
    %eq3A_2142 = arith.cmpi eq, %select_n3A_2102, %eq3A_2141 : vector<16xi32>
    %select_n3A_2143 = arith.select %eq3A_2142, %broadcast_in_dim3A_645, %broadcast_in_dim3A_66 : vector<16xi1>, vector<16xf32>
    %add3A_2144 = arith.addf %add3A_2094, %select_n3A_2143 : vector<16xf32>
    %get3A_2145 = arith.constant 480 : index
    %get3A_2146 = tpu.vector_load %arg7[%get3A_2145] {strides = array<i32>} : memref<512xi32, #tpu.memory_space<vmem>>, vector<16xi32>,
    %get3A_2147 = arith.constant 480 : index
    %get3A_2148 = tpu.vector_load %arg8[%get3A_2147] {strides = array<i32>} : memref<512xi32, #tpu.memory_space<vmem>>, vector<16xi32>,
    %ne3A_2149 = arith.constant 0 : i32
    %ne3A_2150 = vector.broadcast %ne3A_2149 : i32 to vector<16xi32>
    %ne3A_2151 = arith.cmpi ne, %get3A_2148, %ne3A_2150 : vector<16xi32>
    %select_n3A_2152 = arith.select %ne3A_2151, %get3A_2146, %broadcast_in_dim3A_643 : vector<16xi1>, vector<16xi32>
    %swap3A_2153 = arith.constant 480 : index
    %swap3A_2154 = tpu.vector_load %arg9[%swap3A_2153] {strides = array<i32>} : memref<512xi32, #tpu.memory_space<vmem>>, vector<16xi32>,
    tpu.vector_store %arg9[%swap3A_2153], %select_n3A_2152 {strides = array<i32>} : memref<512xi32, #tpu.memory_space<vmem>>, vector<16xi32>,
    %eq3A_2155 = arith.constant 0 : i32
    %eq3A_2156 = vector.broadcast %eq3A_2155 : i32 to vector<16xi32>
    %eq3A_2157 = arith.cmpi eq, %select_n3A_2152, %eq3A_2156 : vector<16xi32>
    %select_n3A_2158 = arith.select %eq3A_2157, %broadcast_in_dim3A_645, %broadcast_in_dim3A_66 : vector<16xi1>, vector<16xf32>
    %add3A_2159 = arith.addf %add3A_2109, %select_n3A_2158 : vector<16xf32>
    %eq3A_2160 = arith.constant 1 : i32
    %eq3A_2161 = vector.broadcast %eq3A_2160 : i32 to vector<16xi32>
    %eq3A_2162 = arith.cmpi eq, %select_n3A_2152, %eq3A_2161 : vector<16xi32>
    %select_n3A_2163 = arith.select %eq3A_2162, %broadcast_in_dim3A_645, %broadcast_in_dim3A_66 : vector<16xi1>, vector<16xf32>
    %add3A_2164 = arith.addf %add3A_2114, %select_n3A_2163 : vector<16xf32>
    %eq3A_2165 = arith.constant 2 : i32
    %eq3A_2166 = vector.broadcast %eq3A_2165 : i32 to vector<16xi32>
    %eq3A_2167 = arith.cmpi eq, %select_n3A_2152, %eq3A_2166 : vector<16xi32>
    %select_n3A_2168 = arith.select %eq3A_2167, %broadcast_in_dim3A_645, %broadcast_in_dim3A_66 : vector<16xi1>, vector<16xf32>
    %add3A_2169 = arith.addf %add3A_2119, %select_n3A_2168 : vector<16xf32>
    %eq3A_2170 = arith.constant 3 : i32
    %eq3A_2171 = vector.broadcast %eq3A_2170 : i32 to vector<16xi32>
    %eq3A_2172 = arith.cmpi eq, %select_n3A_2152, %eq3A_2171 : vector<16xi32>
    %select_n3A_2173 = arith.select %eq3A_2172, %broadcast_in_dim3A_645, %broadcast_in_dim3A_66 : vector<16xi1>, vector<16xf32>
    %add3A_2174 = arith.addf %add3A_2124, %select_n3A_2173 : vector<16xf32>
    %eq3A_2175 = arith.constant 4 : i32
    %eq3A_2176 = vector.broadcast %eq3A_2175 : i32 to vector<16xi32>
    %eq3A_2177 = arith.cmpi eq, %select_n3A_2152, %eq3A_2176 : vector<16xi32>
    %select_n3A_2178 = arith.select %eq3A_2177, %broadcast_in_dim3A_645, %broadcast_in_dim3A_66 : vector<16xi1>, vector<16xf32>
    %add3A_2179 = arith.addf %add3A_2129, %select_n3A_2178 : vector<16xf32>
    %eq3A_2180 = arith.constant 5 : i32
    %eq3A_2181 = vector.broadcast %eq3A_2180 : i32 to vector<16xi32>
    %eq3A_2182 = arith.cmpi eq, %select_n3A_2152, %eq3A_2181 : vector<16xi32>
    %select_n3A_2183 = arith.select %eq3A_2182, %broadcast_in_dim3A_645, %broadcast_in_dim3A_66 : vector<16xi1>, vector<16xf32>
    %add3A_2184 = arith.addf %add3A_2134, %select_n3A_2183 : vector<16xf32>
    %eq3A_2185 = arith.constant 6 : i32
    %eq3A_2186 = vector.broadcast %eq3A_2185 : i32 to vector<16xi32>
    %eq3A_2187 = arith.cmpi eq, %select_n3A_2152, %eq3A_2186 : vector<16xi32>
    %select_n3A_2188 = arith.select %eq3A_2187, %broadcast_in_dim3A_645, %broadcast_in_dim3A_66 : vector<16xi1>, vector<16xf32>
    %add3A_2189 = arith.addf %add3A_2139, %select_n3A_2188 : vector<16xf32>
    %eq3A_2190 = arith.constant 7 : i32
    %eq3A_2191 = vector.broadcast %eq3A_2190 : i32 to vector<16xi32>
    %eq3A_2192 = arith.cmpi eq, %select_n3A_2152, %eq3A_2191 : vector<16xi32>
    %select_n3A_2193 = arith.select %eq3A_2192, %broadcast_in_dim3A_645, %broadcast_in_dim3A_66 : vector<16xi1>, vector<16xf32>
    %add3A_2194 = arith.addf %add3A_2144, %select_n3A_2193 : vector<16xf32>
    %get3A_2195 = arith.constant 496 : index
    %get3A_2196 = tpu.vector_load %arg7[%get3A_2195] {strides = array<i32>} : memref<512xi32, #tpu.memory_space<vmem>>, vector<16xi32>,
    %get3A_2197 = arith.constant 496 : index
    %get3A_2198 = tpu.vector_load %arg8[%get3A_2197] {strides = array<i32>} : memref<512xi32, #tpu.memory_space<vmem>>, vector<16xi32>,
    %ne3A_2199 = arith.constant 0 : i32
    %ne3A_2200 = vector.broadcast %ne3A_2199 : i32 to vector<16xi32>
    %ne3A_2201 = arith.cmpi ne, %get3A_2198, %ne3A_2200 : vector<16xi32>
    %select_n3A_2202 = arith.select %ne3A_2201, %get3A_2196, %broadcast_in_dim3A_643 : vector<16xi1>, vector<16xi32>
    %swap3A_2203 = arith.constant 496 : index
    %swap3A_2204 = tpu.vector_load %arg9[%swap3A_2203] {strides = array<i32>} : memref<512xi32, #tpu.memory_space<vmem>>, vector<16xi32>,
    tpu.vector_store %arg9[%swap3A_2203], %select_n3A_2202 {strides = array<i32>} : memref<512xi32, #tpu.memory_space<vmem>>, vector<16xi32>,
    %eq3A_2205 = arith.constant 0 : i32
    %eq3A_2206 = vector.broadcast %eq3A_2205 : i32 to vector<16xi32>
    %eq3A_2207 = arith.cmpi eq, %select_n3A_2202, %eq3A_2206 : vector<16xi32>
    %select_n3A_2208 = arith.select %eq3A_2207, %broadcast_in_dim3A_645, %broadcast_in_dim3A_66 : vector<16xi1>, vector<16xf32>
    %add3A_2209 = arith.addf %add3A_2159, %select_n3A_2208 : vector<16xf32>
    %eq3A_2210 = arith.constant 1 : i32
    %eq3A_2211 = vector.broadcast %eq3A_2210 : i32 to vector<16xi32>
    %eq3A_2212 = arith.cmpi eq, %select_n3A_2202, %eq3A_2211 : vector<16xi32>
    %select_n3A_2213 = arith.select %eq3A_2212, %broadcast_in_dim3A_645, %broadcast_in_dim3A_66 : vector<16xi1>, vector<16xf32>
    %add3A_2214 = arith.addf %add3A_2164, %select_n3A_2213 : vector<16xf32>
    %eq3A_2215 = arith.constant 2 : i32
    %eq3A_2216 = vector.broadcast %eq3A_2215 : i32 to vector<16xi32>
    %eq3A_2217 = arith.cmpi eq, %select_n3A_2202, %eq3A_2216 : vector<16xi32>
    %select_n3A_2218 = arith.select %eq3A_2217, %broadcast_in_dim3A_645, %broadcast_in_dim3A_66 : vector<16xi1>, vector<16xf32>
    %add3A_2219 = arith.addf %add3A_2169, %select_n3A_2218 : vector<16xf32>
    %eq3A_2220 = arith.constant 3 : i32
    %eq3A_2221 = vector.broadcast %eq3A_2220 : i32 to vector<16xi32>
    %eq3A_2222 = arith.cmpi eq, %select_n3A_2202, %eq3A_2221 : vector<16xi32>
    %select_n3A_2223 = arith.select %eq3A_2222, %broadcast_in_dim3A_645, %broadcast_in_dim3A_66 : vector<16xi1>, vector<16xf32>
    %add3A_2224 = arith.addf %add3A_2174, %select_n3A_2223 : vector<16xf32>
    %eq3A_2225 = arith.constant 4 : i32
    %eq3A_2226 = vector.broadcast %eq3A_2225 : i32 to vector<16xi32>
    %eq3A_2227 = arith.cmpi eq, %select_n3A_2202, %eq3A_2226 : vector<16xi32>
    %select_n3A_2228 = arith.select %eq3A_2227, %broadcast_in_dim3A_645, %broadcast_in_dim3A_66 : vector<16xi1>, vector<16xf32>
    %add3A_2229 = arith.addf %add3A_2179, %select_n3A_2228 : vector<16xf32>
    %eq3A_2230 = arith.constant 5 : i32
    %eq3A_2231 = vector.broadcast %eq3A_2230 : i32 to vector<16xi32>
    %eq3A_2232 = arith.cmpi eq, %select_n3A_2202, %eq3A_2231 : vector<16xi32>
    %select_n3A_2233 = arith.select %eq3A_2232, %broadcast_in_dim3A_645, %broadcast_in_dim3A_66 : vector<16xi1>, vector<16xf32>
    %add3A_2234 = arith.addf %add3A_2184, %select_n3A_2233 : vector<16xf32>
    %eq3A_2235 = arith.constant 6 : i32
    %eq3A_2236 = vector.broadcast %eq3A_2235 : i32 to vector<16xi32>
    %eq3A_2237 = arith.cmpi eq, %select_n3A_2202, %eq3A_2236 : vector<16xi32>
    %select_n3A_2238 = arith.select %eq3A_2237, %broadcast_in_dim3A_645, %broadcast_in_dim3A_66 : vector<16xi1>, vector<16xf32>
    %add3A_2239 = arith.addf %add3A_2189, %select_n3A_2238 : vector<16xf32>
    %eq3A_2240 = arith.constant 7 : i32
    %eq3A_2241 = vector.broadcast %eq3A_2240 : i32 to vector<16xi32>
    %eq3A_2242 = arith.cmpi eq, %select_n3A_2202, %eq3A_2241 : vector<16xi32>
    %select_n3A_2243 = arith.select %eq3A_2242, %broadcast_in_dim3A_645, %broadcast_in_dim3A_66 : vector<16xi1>, vector<16xf32>
    %add3A_2244 = arith.addf %add3A_2194, %select_n3A_2243 : vector<16xf32>
    %iota3A = tpu.iota {dimensions = array<i32: 0>} : vector<16xi32>
    %broadcast_in_dim3A_2245 = arith.constant 255 : i32
    %broadcast_in_dim3A_2246 = vector.broadcast %broadcast_in_dim3A_2245 : i32 to vector<16xi32>
    %dma_wait3A = arith.constant 0 : i32
    %dma_wait3A_2247 = arith.constant 0 : i32
    %dma_wait3A_2248 = arith.constant 0 : i32
    %dma_wait3A_2249 = tpu.memref_slice %arg10[%dma_wait3A, %dma_wait3A_2247, %dma_wait3A_2248] : memref<2x128x256xf32, #tpu.memory_space<vmem>> -> memref<1x128x256xf32, #tpu.memory_space<vmem>>
    %dma_wait3A_2250 = tpu.memref_squeeze %dma_wait3A_2249 : memref<1x128x256xf32, #tpu.memory_space<vmem>> -> memref<128x256xf32, #tpu.memory_space<vmem>>
    %dma_wait3A_2251 = arith.constant 0 : i32
    %dma_wait3A_2252 = tpu.memref_slice %arg2[%select_n3A, %add3A_34, %dma_wait3A_2251] : memref<16x4096x256xf32, #tpu.memory_space<hbm>> -> memref<1x128x256xf32, #tpu.memory_space<hbm>>
    %dma_wait3A_2253 = tpu.memref_squeeze %dma_wait3A_2252 : memref<1x128x256xf32, #tpu.memory_space<hbm>> -> memref<128x256xf32, #tpu.memory_space<hbm>>
    %dma_wait3A_2254 = arith.constant 0 : i32
    %dma_wait3A_2255 = arith.constant 0 : i32
    %dma_wait3A_2256 = tpu.memref_slice %arg10[%dma_wait3A, %dma_wait3A_2254, %dma_wait3A_2255] : memref<2x128x256xf32, #tpu.memory_space<vmem>> -> memref<1x128x256xf32, #tpu.memory_space<vmem>>
    %dma_wait3A_2257 = tpu.memref_squeeze %dma_wait3A_2256 : memref<1x128x256xf32, #tpu.memory_space<vmem>> -> memref<128x256xf32, #tpu.memory_space<vmem>>
    %dma_wait3A_2258 = arith.constant 0 : i32
    %dma_wait3A_2259 = tpu.memref_slice %arg2[%select_n3A, %add3A_34, %dma_wait3A_2258] : memref<16x4096x256xf32, #tpu.memory_space<hbm>> -> memref<1x128x256xf32, #tpu.memory_space<hbm>>
    %dma_wait3A_2260 = tpu.memref_squeeze %dma_wait3A_2259 : memref<1x128x256xf32, #tpu.memory_space<hbm>> -> memref<128x256xf32, #tpu.memory_space<hbm>>
    tpu.wait_dma2 semaphore(%arg13 : memref<!tpu.dma_semaphore, #tpu.memory_space<semaphore_mem>>) src(%dma_wait3A_2260 : memref<128x256xf32, #tpu.memory_space<hbm>>) dst(%dma_wait3A_2257 : memref<128x256xf32, #tpu.memory_space<vmem>>)
    %add3A_2261 = arith.constant 0 : i32
    %add3A_2262 = vector.broadcast %add3A_2261 : i32 to vector<16xi32>
    %add3A_2263 = arith.addi %iota3A, %add3A_2262 : vector<16xi32>
    %add3A_2264 = arith.constant 16 : i32
    %add3A_2265 = vector.broadcast %add3A_2264 : i32 to vector<16xi32>
    %add3A_2266 = arith.addi %iota3A, %add3A_2265 : vector<16xi32>
    %add3A_2267 = arith.constant 32 : i32
    %add3A_2268 = vector.broadcast %add3A_2267 : i32 to vector<16xi32>
    %add3A_2269 = arith.addi %iota3A, %add3A_2268 : vector<16xi32>
    %add3A_2270 = arith.constant 48 : i32
    %add3A_2271 = vector.broadcast %add3A_2270 : i32 to vector<16xi32>
    %add3A_2272 = arith.addi %iota3A, %add3A_2271 : vector<16xi32>
    %add3A_2273 = arith.constant 64 : i32
    %add3A_2274 = vector.broadcast %add3A_2273 : i32 to vector<16xi32>
    %add3A_2275 = arith.addi %iota3A, %add3A_2274 : vector<16xi32>
    %add3A_2276 = arith.constant 80 : i32
    %add3A_2277 = vector.broadcast %add3A_2276 : i32 to vector<16xi32>
    %add3A_2278 = arith.addi %iota3A, %add3A_2277 : vector<16xi32>
    %add3A_2279 = arith.constant 96 : i32
    %add3A_2280 = vector.broadcast %add3A_2279 : i32 to vector<16xi32>
    %add3A_2281 = arith.addi %iota3A, %add3A_2280 : vector<16xi32>
    %add3A_2282 = arith.constant 112 : i32
    %add3A_2283 = vector.broadcast %add3A_2282 : i32 to vector<16xi32>
    %add3A_2284 = arith.addi %iota3A, %add3A_2283 : vector<16xi32>
    %get3A_2285 = arith.constant 0 : index
    %get3A_2286 = tpu.vector_load %arg9[%get3A_2285] {strides = array<i32>} : memref<512xi32, #tpu.memory_space<vmem>>, vector<16xi32>,
    %get3A_2287 = arith.constant 16 : index
    %get3A_2288 = tpu.vector_load %arg9[%get3A_2287] {strides = array<i32>} : memref<512xi32, #tpu.memory_space<vmem>>, vector<16xi32>,
    %get3A_2289 = arith.constant 32 : index
    %get3A_2290 = tpu.vector_load %arg9[%get3A_2289] {strides = array<i32>} : memref<512xi32, #tpu.memory_space<vmem>>, vector<16xi32>,
    %get3A_2291 = arith.constant 48 : index
    %get3A_2292 = tpu.vector_load %arg9[%get3A_2291] {strides = array<i32>} : memref<512xi32, #tpu.memory_space<vmem>>, vector<16xi32>,
    %get3A_2293 = arith.constant 64 : index
    %get3A_2294 = tpu.vector_load %arg9[%get3A_2293] {strides = array<i32>} : memref<512xi32, #tpu.memory_space<vmem>>, vector<16xi32>,
    %get3A_2295 = arith.constant 80 : index
    %get3A_2296 = tpu.vector_load %arg9[%get3A_2295] {strides = array<i32>} : memref<512xi32, #tpu.memory_space<vmem>>, vector<16xi32>,
    %get3A_2297 = arith.constant 96 : index
    %get3A_2298 = tpu.vector_load %arg9[%get3A_2297] {strides = array<i32>} : memref<512xi32, #tpu.memory_space<vmem>>, vector<16xi32>,
    %get3A_2299 = arith.constant 112 : index
    %get3A_2300 = tpu.vector_load %arg9[%get3A_2299] {strides = array<i32>} : memref<512xi32, #tpu.memory_space<vmem>>, vector<16xi32>,
    %scan3A = arith.constant 0 : i32
    %scan3A_2301 = arith.constant 0 : i32
    %scan3A_2302 = arith.constant 256 : i32
    %scan3A_2303 = arith.addi %scan3A_2301, %scan3A_2302 : i32
    %scan3A_2304 = arith.constant 2 : i32
    %scan3A_2305 = scf.for %scan3A_2563 = %scan3A_2301 to %scan3A_2303 step %scan3A_2304 iter_args(%scan3A_2564 = %iota3A) -> (vector<16xi32>)  : i32 {
      %gather3A = arith.constant 0 : i32
      %gather3A_2565 = arith.constant 0 : i32
      %gather3A_2566 = tpu.memref_slice %arg10[%scan3A, %gather3A, %gather3A_2565] : memref<2x128x256xf32, #tpu.memory_space<vmem>> -> memref<1x128x256xf32, #tpu.memory_space<vmem>>
      %gather3A_2567 = tpu.memref_squeeze %gather3A_2566 : memref<1x128x256xf32, #tpu.memory_space<vmem>> -> memref<128x256xf32, #tpu.memory_space<vmem>>
      %gather3A_2568 = tpu.vector_load_idx %gather3A_2567[%add3A_2263, %scan3A_2564] : memref<128x256xf32, #tpu.memory_space<vmem>>[vector<16xi32>, vector<16xi32>], vector<16xf32>,
      %gather3A_2569 = arith.constant 0 : i32
      %gather3A_2570 = arith.constant 0 : i32
      %gather3A_2571 = tpu.memref_slice %arg10[%scan3A, %gather3A_2569, %gather3A_2570] : memref<2x128x256xf32, #tpu.memory_space<vmem>> -> memref<1x128x256xf32, #tpu.memory_space<vmem>>
      %gather3A_2572 = tpu.memref_squeeze %gather3A_2571 : memref<1x128x256xf32, #tpu.memory_space<vmem>> -> memref<128x256xf32, #tpu.memory_space<vmem>>
      %gather3A_2573 = tpu.vector_load_idx %gather3A_2572[%add3A_2266, %scan3A_2564] : memref<128x256xf32, #tpu.memory_space<vmem>>[vector<16xi32>, vector<16xi32>], vector<16xf32>,
      %gather3A_2574 = arith.constant 0 : i32
      %gather3A_2575 = arith.constant 0 : i32
      %gather3A_2576 = tpu.memref_slice %arg10[%scan3A, %gather3A_2574, %gather3A_2575] : memref<2x128x256xf32, #tpu.memory_space<vmem>> -> memref<1x128x256xf32, #tpu.memory_space<vmem>>
      %gather3A_2577 = tpu.memref_squeeze %gather3A_2576 : memref<1x128x256xf32, #tpu.memory_space<vmem>> -> memref<128x256xf32, #tpu.memory_space<vmem>>
      %gather3A_2578 = tpu.vector_load_idx %gather3A_2577[%add3A_2269, %scan3A_2564] : memref<128x256xf32, #tpu.memory_space<vmem>>[vector<16xi32>, vector<16xi32>], vector<16xf32>,
      %gather3A_2579 = arith.constant 0 : i32
      %gather3A_2580 = arith.constant 0 : i32
      %gather3A_2581 = tpu.memref_slice %arg10[%scan3A, %gather3A_2579, %gather3A_2580] : memref<2x128x256xf32, #tpu.memory_space<vmem>> -> memref<1x128x256xf32, #tpu.memory_space<vmem>>
      %gather3A_2582 = tpu.memref_squeeze %gather3A_2581 : memref<1x128x256xf32, #tpu.memory_space<vmem>> -> memref<128x256xf32, #tpu.memory_space<vmem>>
      %gather3A_2583 = tpu.vector_load_idx %gather3A_2582[%add3A_2272, %scan3A_2564] : memref<128x256xf32, #tpu.memory_space<vmem>>[vector<16xi32>, vector<16xi32>], vector<16xf32>,
      %gather3A_2584 = arith.constant 0 : i32
      %gather3A_2585 = arith.constant 0 : i32
      %gather3A_2586 = tpu.memref_slice %arg10[%scan3A, %gather3A_2584, %gather3A_2585] : memref<2x128x256xf32, #tpu.memory_space<vmem>> -> memref<1x128x256xf32, #tpu.memory_space<vmem>>
      %gather3A_2587 = tpu.memref_squeeze %gather3A_2586 : memref<1x128x256xf32, #tpu.memory_space<vmem>> -> memref<128x256xf32, #tpu.memory_space<vmem>>
      %gather3A_2588 = tpu.vector_load_idx %gather3A_2587[%add3A_2275, %scan3A_2564] : memref<128x256xf32, #tpu.memory_space<vmem>>[vector<16xi32>, vector<16xi32>], vector<16xf32>,
      %gather3A_2589 = arith.constant 0 : i32
      %gather3A_2590 = arith.constant 0 : i32
      %gather3A_2591 = tpu.memref_slice %arg10[%scan3A, %gather3A_2589, %gather3A_2590] : memref<2x128x256xf32, #tpu.memory_space<vmem>> -> memref<1x128x256xf32, #tpu.memory_space<vmem>>
      %gather3A_2592 = tpu.memref_squeeze %gather3A_2591 : memref<1x128x256xf32, #tpu.memory_space<vmem>> -> memref<128x256xf32, #tpu.memory_space<vmem>>
      %gather3A_2593 = tpu.vector_load_idx %gather3A_2592[%add3A_2278, %scan3A_2564] : memref<128x256xf32, #tpu.memory_space<vmem>>[vector<16xi32>, vector<16xi32>], vector<16xf32>,
      %gather3A_2594 = arith.constant 0 : i32
      %gather3A_2595 = arith.constant 0 : i32
      %gather3A_2596 = tpu.memref_slice %arg10[%scan3A, %gather3A_2594, %gather3A_2595] : memref<2x128x256xf32, #tpu.memory_space<vmem>> -> memref<1x128x256xf32, #tpu.memory_space<vmem>>
      %gather3A_2597 = tpu.memref_squeeze %gather3A_2596 : memref<1x128x256xf32, #tpu.memory_space<vmem>> -> memref<128x256xf32, #tpu.memory_space<vmem>>
      %gather3A_2598 = tpu.vector_load_idx %gather3A_2597[%add3A_2281, %scan3A_2564] : memref<128x256xf32, #tpu.memory_space<vmem>>[vector<16xi32>, vector<16xi32>], vector<16xf32>,
      %gather3A_2599 = arith.constant 0 : i32
      %gather3A_2600 = arith.constant 0 : i32
      %gather3A_2601 = tpu.memref_slice %arg10[%scan3A, %gather3A_2599, %gather3A_2600] : memref<2x128x256xf32, #tpu.memory_space<vmem>> -> memref<1x128x256xf32, #tpu.memory_space<vmem>>
      %gather3A_2602 = tpu.memref_squeeze %gather3A_2601 : memref<1x128x256xf32, #tpu.memory_space<vmem>> -> memref<128x256xf32, #tpu.memory_space<vmem>>
      %gather3A_2603 = tpu.vector_load_idx %gather3A_2602[%add3A_2284, %scan3A_2564] : memref<128x256xf32, #tpu.memory_space<vmem>>[vector<16xi32>, vector<16xi32>], vector<16xf32>,
      tpu.vector_store_idx %arg11[%get3A_2286, %scan3A_2564], %gather3A_2568 {add = true} : memref<9x256xf32, #tpu.memory_space<vmem>>[vector<16xi32>, vector<16xi32>], vector<16xf32>,
      tpu.vector_store_idx %arg11[%get3A_2288, %scan3A_2564], %gather3A_2573 {add = true} : memref<9x256xf32, #tpu.memory_space<vmem>>[vector<16xi32>, vector<16xi32>], vector<16xf32>,
      tpu.vector_store_idx %arg11[%get3A_2290, %scan3A_2564], %gather3A_2578 {add = true} : memref<9x256xf32, #tpu.memory_space<vmem>>[vector<16xi32>, vector<16xi32>], vector<16xf32>,
      tpu.vector_store_idx %arg11[%get3A_2292, %scan3A_2564], %gather3A_2583 {add = true} : memref<9x256xf32, #tpu.memory_space<vmem>>[vector<16xi32>, vector<16xi32>], vector<16xf32>,
      tpu.vector_store_idx %arg11[%get3A_2294, %scan3A_2564], %gather3A_2588 {add = true} : memref<9x256xf32, #tpu.memory_space<vmem>>[vector<16xi32>, vector<16xi32>], vector<16xf32>,
      tpu.vector_store_idx %arg11[%get3A_2296, %scan3A_2564], %gather3A_2593 {add = true} : memref<9x256xf32, #tpu.memory_space<vmem>>[vector<16xi32>, vector<16xi32>], vector<16xf32>,
      tpu.vector_store_idx %arg11[%get3A_2298, %scan3A_2564], %gather3A_2598 {add = true} : memref<9x256xf32, #tpu.memory_space<vmem>>[vector<16xi32>, vector<16xi32>], vector<16xf32>,
      tpu.vector_store_idx %arg11[%get3A_2300, %scan3A_2564], %gather3A_2603 {add = true} : memref<9x256xf32, #tpu.memory_space<vmem>>[vector<16xi32>, vector<16xi32>], vector<16xf32>,
      %add3A_2604 = arith.constant 1 : i32
      %add3A_2605 = vector.broadcast %add3A_2604 : i32 to vector<16xi32>
      %add3A_2606 = arith.addi %scan3A_2564, %add3A_2605 : vector<16xi32>
      %and3A_2607 = arith.andi %add3A_2606, %broadcast_in_dim3A_2246 : vector<16xi32>
      %scan3A_2608 = arith.constant 1 : i32
      %scan3A_2609 = arith.addi %scan3A_2563, %scan3A_2608 : i32
      %gather3A_2610 = arith.constant 0 : i32
      %gather3A_2611 = arith.constant 0 : i32
      %gather3A_2612 = tpu.memref_slice %arg10[%scan3A, %gather3A_2610, %gather3A_2611] : memref<2x128x256xf32, #tpu.memory_space<vmem>> -> memref<1x128x256xf32, #tpu.memory_space<vmem>>
      %gather3A_2613 = tpu.memref_squeeze %gather3A_2612 : memref<1x128x256xf32, #tpu.memory_space<vmem>> -> memref<128x256xf32, #tpu.memory_space<vmem>>
      %gather3A_2614 = tpu.vector_load_idx %gather3A_2613[%add3A_2263, %and3A_2607] : memref<128x256xf32, #tpu.memory_space<vmem>>[vector<16xi32>, vector<16xi32>], vector<16xf32>,
      %gather3A_2615 = arith.constant 0 : i32
      %gather3A_2616 = arith.constant 0 : i32
      %gather3A_2617 = tpu.memref_slice %arg10[%scan3A, %gather3A_2615, %gather3A_2616] : memref<2x128x256xf32, #tpu.memory_space<vmem>> -> memref<1x128x256xf32, #tpu.memory_space<vmem>>
      %gather3A_2618 = tpu.memref_squeeze %gather3A_2617 : memref<1x128x256xf32, #tpu.memory_space<vmem>> -> memref<128x256xf32, #tpu.memory_space<vmem>>
      %gather3A_2619 = tpu.vector_load_idx %gather3A_2618[%add3A_2266, %and3A_2607] : memref<128x256xf32, #tpu.memory_space<vmem>>[vector<16xi32>, vector<16xi32>], vector<16xf32>,
      %gather3A_2620 = arith.constant 0 : i32
      %gather3A_2621 = arith.constant 0 : i32
      %gather3A_2622 = tpu.memref_slice %arg10[%scan3A, %gather3A_2620, %gather3A_2621] : memref<2x128x256xf32, #tpu.memory_space<vmem>> -> memref<1x128x256xf32, #tpu.memory_space<vmem>>
      %gather3A_2623 = tpu.memref_squeeze %gather3A_2622 : memref<1x128x256xf32, #tpu.memory_space<vmem>> -> memref<128x256xf32, #tpu.memory_space<vmem>>
      %gather3A_2624 = tpu.vector_load_idx %gather3A_2623[%add3A_2269, %and3A_2607] : memref<128x256xf32, #tpu.memory_space<vmem>>[vector<16xi32>, vector<16xi32>], vector<16xf32>,
      %gather3A_2625 = arith.constant 0 : i32
      %gather3A_2626 = arith.constant 0 : i32
      %gather3A_2627 = tpu.memref_slice %arg10[%scan3A, %gather3A_2625, %gather3A_2626] : memref<2x128x256xf32, #tpu.memory_space<vmem>> -> memref<1x128x256xf32, #tpu.memory_space<vmem>>
      %gather3A_2628 = tpu.memref_squeeze %gather3A_2627 : memref<1x128x256xf32, #tpu.memory_space<vmem>> -> memref<128x256xf32, #tpu.memory_space<vmem>>
      %gather3A_2629 = tpu.vector_load_idx %gather3A_2628[%add3A_2272, %and3A_2607] : memref<128x256xf32, #tpu.memory_space<vmem>>[vector<16xi32>, vector<16xi32>], vector<16xf32>,
      %gather3A_2630 = arith.constant 0 : i32
      %gather3A_2631 = arith.constant 0 : i32
      %gather3A_2632 = tpu.memref_slice %arg10[%scan3A, %gather3A_2630, %gather3A_2631] : memref<2x128x256xf32, #tpu.memory_space<vmem>> -> memref<1x128x256xf32, #tpu.memory_space<vmem>>
      %gather3A_2633 = tpu.memref_squeeze %gather3A_2632 : memref<1x128x256xf32, #tpu.memory_space<vmem>> -> memref<128x256xf32, #tpu.memory_space<vmem>>
      %gather3A_2634 = tpu.vector_load_idx %gather3A_2633[%add3A_2275, %and3A_2607] : memref<128x256xf32, #tpu.memory_space<vmem>>[vector<16xi32>, vector<16xi32>], vector<16xf32>,
      %gather3A_2635 = arith.constant 0 : i32
      %gather3A_2636 = arith.constant 0 : i32
      %gather3A_2637 = tpu.memref_slice %arg10[%scan3A, %gather3A_2635, %gather3A_2636] : memref<2x128x256xf32, #tpu.memory_space<vmem>> -> memref<1x128x256xf32, #tpu.memory_space<vmem>>
      %gather3A_2638 = tpu.memref_squeeze %gather3A_2637 : memref<1x128x256xf32, #tpu.memory_space<vmem>> -> memref<128x256xf32, #tpu.memory_space<vmem>>
      %gather3A_2639 = tpu.vector_load_idx %gather3A_2638[%add3A_2278, %and3A_2607] : memref<128x256xf32, #tpu.memory_space<vmem>>[vector<16xi32>, vector<16xi32>], vector<16xf32>,
      %gather3A_2640 = arith.constant 0 : i32
      %gather3A_2641 = arith.constant 0 : i32
      %gather3A_2642 = tpu.memref_slice %arg10[%scan3A, %gather3A_2640, %gather3A_2641] : memref<2x128x256xf32, #tpu.memory_space<vmem>> -> memref<1x128x256xf32, #tpu.memory_space<vmem>>
      %gather3A_2643 = tpu.memref_squeeze %gather3A_2642 : memref<1x128x256xf32, #tpu.memory_space<vmem>> -> memref<128x256xf32, #tpu.memory_space<vmem>>
      %gather3A_2644 = tpu.vector_load_idx %gather3A_2643[%add3A_2281, %and3A_2607] : memref<128x256xf32, #tpu.memory_space<vmem>>[vector<16xi32>, vector<16xi32>], vector<16xf32>,
      %gather3A_2645 = arith.constant 0 : i32
      %gather3A_2646 = arith.constant 0 : i32
      %gather3A_2647 = tpu.memref_slice %arg10[%scan3A, %gather3A_2645, %gather3A_2646] : memref<2x128x256xf32, #tpu.memory_space<vmem>> -> memref<1x128x256xf32, #tpu.memory_space<vmem>>
      %gather3A_2648 = tpu.memref_squeeze %gather3A_2647 : memref<1x128x256xf32, #tpu.memory_space<vmem>> -> memref<128x256xf32, #tpu.memory_space<vmem>>
      %gather3A_2649 = tpu.vector_load_idx %gather3A_2648[%add3A_2284, %and3A_2607] : memref<128x256xf32, #tpu.memory_space<vmem>>[vector<16xi32>, vector<16xi32>], vector<16xf32>,
      tpu.vector_store_idx %arg11[%get3A_2286, %and3A_2607], %gather3A_2614 {add = true} : memref<9x256xf32, #tpu.memory_space<vmem>>[vector<16xi32>, vector<16xi32>], vector<16xf32>,
      tpu.vector_store_idx %arg11[%get3A_2288, %and3A_2607], %gather3A_2619 {add = true} : memref<9x256xf32, #tpu.memory_space<vmem>>[vector<16xi32>, vector<16xi32>], vector<16xf32>,
      tpu.vector_store_idx %arg11[%get3A_2290, %and3A_2607], %gather3A_2624 {add = true} : memref<9x256xf32, #tpu.memory_space<vmem>>[vector<16xi32>, vector<16xi32>], vector<16xf32>,
      tpu.vector_store_idx %arg11[%get3A_2292, %and3A_2607], %gather3A_2629 {add = true} : memref<9x256xf32, #tpu.memory_space<vmem>>[vector<16xi32>, vector<16xi32>], vector<16xf32>,
      tpu.vector_store_idx %arg11[%get3A_2294, %and3A_2607], %gather3A_2634 {add = true} : memref<9x256xf32, #tpu.memory_space<vmem>>[vector<16xi32>, vector<16xi32>], vector<16xf32>,
      tpu.vector_store_idx %arg11[%get3A_2296, %and3A_2607], %gather3A_2639 {add = true} : memref<9x256xf32, #tpu.memory_space<vmem>>[vector<16xi32>, vector<16xi32>], vector<16xf32>,
      tpu.vector_store_idx %arg11[%get3A_2298, %and3A_2607], %gather3A_2644 {add = true} : memref<9x256xf32, #tpu.memory_space<vmem>>[vector<16xi32>, vector<16xi32>], vector<16xf32>,
      tpu.vector_store_idx %arg11[%get3A_2300, %and3A_2607], %gather3A_2649 {add = true} : memref<9x256xf32, #tpu.memory_space<vmem>>[vector<16xi32>, vector<16xi32>], vector<16xf32>,
      %add3A_2650 = arith.constant 1 : i32
      %add3A_2651 = vector.broadcast %add3A_2650 : i32 to vector<16xi32>
      %add3A_2652 = arith.addi %and3A_2607, %add3A_2651 : vector<16xi32>
      %and3A_2653 = arith.andi %add3A_2652, %broadcast_in_dim3A_2246 : vector<16xi32>
      scf.yield %and3A_2653 : vector<16xi32>
    }
    %scan3A_2306 = arith.constant 256 : i32
    %add3A_2307 = arith.constant 256 : i32
    %add3A_2308 = arith.addi %mul3A_32, %add3A_2307 : i32
    %dma_start3A_2309 = arith.constant 0 : i32
    %dma_start3A_2310 = arith.constant 0 : i32
    %dma_start3A_2311 = arith.constant 0 : i32
    %dma_start3A_2312 = tpu.memref_slice %arg10[%dma_start3A_2309, %dma_start3A_2310, %dma_start3A_2311] : memref<2x128x256xf32, #tpu.memory_space<vmem>> -> memref<1x128x256xf32, #tpu.memory_space<vmem>>
    %dma_start3A_2313 = tpu.memref_squeeze %dma_start3A_2312 : memref<1x128x256xf32, #tpu.memory_space<vmem>> -> memref<128x256xf32, #tpu.memory_space<vmem>>
    %dma_start3A_2314 = arith.constant 0 : i32
    %dma_start3A_2315 = tpu.memref_slice %arg2[%select_n3A, %add3A_2308, %dma_start3A_2314] : memref<16x4096x256xf32, #tpu.memory_space<hbm>> -> memref<1x128x256xf32, #tpu.memory_space<hbm>>
    %dma_start3A_2316 = tpu.memref_squeeze %dma_start3A_2315 : memref<1x128x256xf32, #tpu.memory_space<hbm>> -> memref<128x256xf32, #tpu.memory_space<hbm>>
    %dma_start3A_2317 = arith.constant 0 : i32
    %dma_start3A_2318 = arith.constant 0 : i32
    %dma_start3A_2319 = tpu.memref_slice %arg10[%dma_start3A_2309, %dma_start3A_2317, %dma_start3A_2318] : memref<2x128x256xf32, #tpu.memory_space<vmem>> -> memref<1x128x256xf32, #tpu.memory_space<vmem>>
    %dma_start3A_2320 = tpu.memref_squeeze %dma_start3A_2319 : memref<1x128x256xf32, #tpu.memory_space<vmem>> -> memref<128x256xf32, #tpu.memory_space<vmem>>
    %dma_start3A_2321 = arith.constant 0 : i32
    %dma_start3A_2322 = tpu.memref_slice %arg2[%select_n3A, %add3A_2308, %dma_start3A_2321] : memref<16x4096x256xf32, #tpu.memory_space<hbm>> -> memref<1x128x256xf32, #tpu.memory_space<hbm>>
    %dma_start3A_2323 = tpu.memref_squeeze %dma_start3A_2322 : memref<1x128x256xf32, #tpu.memory_space<hbm>> -> memref<128x256xf32, #tpu.memory_space<hbm>>
    tpu.enqueue_dma source(%dma_start3A_2323 : memref<128x256xf32, #tpu.memory_space<hbm>>) target(%dma_start3A_2320 : memref<128x256xf32, #tpu.memory_space<vmem>>) target_semaphore(%arg13 : memref<!tpu.dma_semaphore, #tpu.memory_space<semaphore_mem>>)
    %dma_wait3A_2324 = arith.constant 1 : i32
    %dma_wait3A_2325 = arith.constant 0 : i32
    %dma_wait3A_2326 = arith.constant 0 : i32
    %dma_wait3A_2327 = tpu.memref_slice %arg10[%dma_wait3A_2324, %dma_wait3A_2325, %dma_wait3A_2326] : memref<2x128x256xf32, #tpu.memory_space<vmem>> -> memref<1x128x256xf32, #tpu.memory_space<vmem>>
    %dma_wait3A_2328 = tpu.memref_squeeze %dma_wait3A_2327 : memref<1x128x256xf32, #tpu.memory_space<vmem>> -> memref<128x256xf32, #tpu.memory_space<vmem>>
    %dma_wait3A_2329 = arith.constant 0 : i32
    %dma_wait3A_2330 = tpu.memref_slice %arg2[%select_n3A, %add3A_50, %dma_wait3A_2329] : memref<16x4096x256xf32, #tpu.memory_space<hbm>> -> memref<1x128x256xf32, #tpu.memory_space<hbm>>
    %dma_wait3A_2331 = tpu.memref_squeeze %dma_wait3A_2330 : memref<1x128x256xf32, #tpu.memory_space<hbm>> -> memref<128x256xf32, #tpu.memory_space<hbm>>
    %dma_wait3A_2332 = arith.constant 0 : i32
    %dma_wait3A_2333 = arith.constant 0 : i32
    %dma_wait3A_2334 = tpu.memref_slice %arg10[%dma_wait3A_2324, %dma_wait3A_2332, %dma_wait3A_2333] : memref<2x128x256xf32, #tpu.memory_space<vmem>> -> memref<1x128x256xf32, #tpu.memory_space<vmem>>
    %dma_wait3A_2335 = tpu.memref_squeeze %dma_wait3A_2334 : memref<1x128x256xf32, #tpu.memory_space<vmem>> -> memref<128x256xf32, #tpu.memory_space<vmem>>
    %dma_wait3A_2336 = arith.constant 0 : i32
    %dma_wait3A_2337 = tpu.memref_slice %arg2[%select_n3A, %add3A_50, %dma_wait3A_2336] : memref<16x4096x256xf32, #tpu.memory_space<hbm>> -> memref<1x128x256xf32, #tpu.memory_space<hbm>>
    %dma_wait3A_2338 = tpu.memref_squeeze %dma_wait3A_2337 : memref<1x128x256xf32, #tpu.memory_space<hbm>> -> memref<128x256xf32, #tpu.memory_space<hbm>>
    tpu.wait_dma2 semaphore(%arg14 : memref<!tpu.dma_semaphore, #tpu.memory_space<semaphore_mem>>) src(%dma_wait3A_2338 : memref<128x256xf32, #tpu.memory_space<hbm>>) dst(%dma_wait3A_2335 : memref<128x256xf32, #tpu.memory_space<vmem>>)
    %add3A_2339 = arith.constant 0 : i32
    %add3A_2340 = vector.broadcast %add3A_2339 : i32 to vector<16xi32>
    %add3A_2341 = arith.addi %iota3A, %add3A_2340 : vector<16xi32>
    %add3A_2342 = arith.constant 16 : i32
    %add3A_2343 = vector.broadcast %add3A_2342 : i32 to vector<16xi32>
    %add3A_2344 = arith.addi %iota3A, %add3A_2343 : vector<16xi32>
    %add3A_2345 = arith.constant 32 : i32
    %add3A_2346 = vector.broadcast %add3A_2345 : i32 to vector<16xi32>
    %add3A_2347 = arith.addi %iota3A, %add3A_2346 : vector<16xi32>
    %add3A_2348 = arith.constant 48 : i32
    %add3A_2349 = vector.broadcast %add3A_2348 : i32 to vector<16xi32>
    %add3A_2350 = arith.addi %iota3A, %add3A_2349 : vector<16xi32>
    %add3A_2351 = arith.constant 64 : i32
    %add3A_2352 = vector.broadcast %add3A_2351 : i32 to vector<16xi32>
    %add3A_2353 = arith.addi %iota3A, %add3A_2352 : vector<16xi32>
    %add3A_2354 = arith.constant 80 : i32
    %add3A_2355 = vector.broadcast %add3A_2354 : i32 to vector<16xi32>
    %add3A_2356 = arith.addi %iota3A, %add3A_2355 : vector<16xi32>
    %add3A_2357 = arith.constant 96 : i32
    %add3A_2358 = vector.broadcast %add3A_2357 : i32 to vector<16xi32>
    %add3A_2359 = arith.addi %iota3A, %add3A_2358 : vector<16xi32>
    %add3A_2360 = arith.constant 112 : i32
    %add3A_2361 = vector.broadcast %add3A_2360 : i32 to vector<16xi32>
    %add3A_2362 = arith.addi %iota3A, %add3A_2361 : vector<16xi32>
    %get3A_2363 = arith.constant 128 : index
    %get3A_2364 = tpu.vector_load %arg9[%get3A_2363] {strides = array<i32>} : memref<512xi32, #tpu.memory_space<vmem>>, vector<16xi32>,
    %get3A_2365 = arith.constant 144 : index
    %get3A_2366 = tpu.vector_load %arg9[%get3A_2365] {strides = array<i32>} : memref<512xi32, #tpu.memory_space<vmem>>, vector<16xi32>,
    %get3A_2367 = arith.constant 160 : index
    %get3A_2368 = tpu.vector_load %arg9[%get3A_2367] {strides = array<i32>} : memref<512xi32, #tpu.memory_space<vmem>>, vector<16xi32>,
    %get3A_2369 = arith.constant 176 : index
    %get3A_2370 = tpu.vector_load %arg9[%get3A_2369] {strides = array<i32>} : memref<512xi32, #tpu.memory_space<vmem>>, vector<16xi32>,
    %get3A_2371 = arith.constant 192 : index
    %get3A_2372 = tpu.vector_load %arg9[%get3A_2371] {strides = array<i32>} : memref<512xi32, #tpu.memory_space<vmem>>, vector<16xi32>,
    %get3A_2373 = arith.constant 208 : index
    %get3A_2374 = tpu.vector_load %arg9[%get3A_2373] {strides = array<i32>} : memref<512xi32, #tpu.memory_space<vmem>>, vector<16xi32>,
    %get3A_2375 = arith.constant 224 : index
    %get3A_2376 = tpu.vector_load %arg9[%get3A_2375] {strides = array<i32>} : memref<512xi32, #tpu.memory_space<vmem>>, vector<16xi32>,
    %get3A_2377 = arith.constant 240 : index
    %get3A_2378 = tpu.vector_load %arg9[%get3A_2377] {strides = array<i32>} : memref<512xi32, #tpu.memory_space<vmem>>, vector<16xi32>,
    %scan3A_2379 = arith.constant 1 : i32
    %scan3A_2380 = arith.constant 0 : i32
    %scan3A_2381 = arith.constant 256 : i32
    %scan3A_2382 = arith.addi %scan3A_2380, %scan3A_2381 : i32
    %scan3A_2383 = arith.constant 2 : i32
    %scan3A_2384 = scf.for %scan3A_2563 = %scan3A_2380 to %scan3A_2382 step %scan3A_2383 iter_args(%scan3A_2564 = %iota3A) -> (vector<16xi32>)  : i32 {
      %gather3A = arith.constant 0 : i32
      %gather3A_2565 = arith.constant 0 : i32
      %gather3A_2566 = tpu.memref_slice %arg10[%scan3A_2379, %gather3A, %gather3A_2565] : memref<2x128x256xf32, #tpu.memory_space<vmem>> -> memref<1x128x256xf32, #tpu.memory_space<vmem>>
      %gather3A_2567 = tpu.memref_squeeze %gather3A_2566 : memref<1x128x256xf32, #tpu.memory_space<vmem>> -> memref<128x256xf32, #tpu.memory_space<vmem>>
      %gather3A_2568 = tpu.vector_load_idx %gather3A_2567[%add3A_2341, %scan3A_2564] : memref<128x256xf32, #tpu.memory_space<vmem>>[vector<16xi32>, vector<16xi32>], vector<16xf32>,
      %gather3A_2569 = arith.constant 0 : i32
      %gather3A_2570 = arith.constant 0 : i32
      %gather3A_2571 = tpu.memref_slice %arg10[%scan3A_2379, %gather3A_2569, %gather3A_2570] : memref<2x128x256xf32, #tpu.memory_space<vmem>> -> memref<1x128x256xf32, #tpu.memory_space<vmem>>
      %gather3A_2572 = tpu.memref_squeeze %gather3A_2571 : memref<1x128x256xf32, #tpu.memory_space<vmem>> -> memref<128x256xf32, #tpu.memory_space<vmem>>
      %gather3A_2573 = tpu.vector_load_idx %gather3A_2572[%add3A_2344, %scan3A_2564] : memref<128x256xf32, #tpu.memory_space<vmem>>[vector<16xi32>, vector<16xi32>], vector<16xf32>,
      %gather3A_2574 = arith.constant 0 : i32
      %gather3A_2575 = arith.constant 0 : i32
      %gather3A_2576 = tpu.memref_slice %arg10[%scan3A_2379, %gather3A_2574, %gather3A_2575] : memref<2x128x256xf32, #tpu.memory_space<vmem>> -> memref<1x128x256xf32, #tpu.memory_space<vmem>>
      %gather3A_2577 = tpu.memref_squeeze %gather3A_2576 : memref<1x128x256xf32, #tpu.memory_space<vmem>> -> memref<128x256xf32, #tpu.memory_space<vmem>>
      %gather3A_2578 = tpu.vector_load_idx %gather3A_2577[%add3A_2347, %scan3A_2564] : memref<128x256xf32, #tpu.memory_space<vmem>>[vector<16xi32>, vector<16xi32>], vector<16xf32>,
      %gather3A_2579 = arith.constant 0 : i32
      %gather3A_2580 = arith.constant 0 : i32
      %gather3A_2581 = tpu.memref_slice %arg10[%scan3A_2379, %gather3A_2579, %gather3A_2580] : memref<2x128x256xf32, #tpu.memory_space<vmem>> -> memref<1x128x256xf32, #tpu.memory_space<vmem>>
      %gather3A_2582 = tpu.memref_squeeze %gather3A_2581 : memref<1x128x256xf32, #tpu.memory_space<vmem>> -> memref<128x256xf32, #tpu.memory_space<vmem>>
      %gather3A_2583 = tpu.vector_load_idx %gather3A_2582[%add3A_2350, %scan3A_2564] : memref<128x256xf32, #tpu.memory_space<vmem>>[vector<16xi32>, vector<16xi32>], vector<16xf32>,
      %gather3A_2584 = arith.constant 0 : i32
      %gather3A_2585 = arith.constant 0 : i32
      %gather3A_2586 = tpu.memref_slice %arg10[%scan3A_2379, %gather3A_2584, %gather3A_2585] : memref<2x128x256xf32, #tpu.memory_space<vmem>> -> memref<1x128x256xf32, #tpu.memory_space<vmem>>
      %gather3A_2587 = tpu.memref_squeeze %gather3A_2586 : memref<1x128x256xf32, #tpu.memory_space<vmem>> -> memref<128x256xf32, #tpu.memory_space<vmem>>
      %gather3A_2588 = tpu.vector_load_idx %gather3A_2587[%add3A_2353, %scan3A_2564] : memref<128x256xf32, #tpu.memory_space<vmem>>[vector<16xi32>, vector<16xi32>], vector<16xf32>,
      %gather3A_2589 = arith.constant 0 : i32
      %gather3A_2590 = arith.constant 0 : i32
      %gather3A_2591 = tpu.memref_slice %arg10[%scan3A_2379, %gather3A_2589, %gather3A_2590] : memref<2x128x256xf32, #tpu.memory_space<vmem>> -> memref<1x128x256xf32, #tpu.memory_space<vmem>>
      %gather3A_2592 = tpu.memref_squeeze %gather3A_2591 : memref<1x128x256xf32, #tpu.memory_space<vmem>> -> memref<128x256xf32, #tpu.memory_space<vmem>>
      %gather3A_2593 = tpu.vector_load_idx %gather3A_2592[%add3A_2356, %scan3A_2564] : memref<128x256xf32, #tpu.memory_space<vmem>>[vector<16xi32>, vector<16xi32>], vector<16xf32>,
      %gather3A_2594 = arith.constant 0 : i32
      %gather3A_2595 = arith.constant 0 : i32
      %gather3A_2596 = tpu.memref_slice %arg10[%scan3A_2379, %gather3A_2594, %gather3A_2595] : memref<2x128x256xf32, #tpu.memory_space<vmem>> -> memref<1x128x256xf32, #tpu.memory_space<vmem>>
      %gather3A_2597 = tpu.memref_squeeze %gather3A_2596 : memref<1x128x256xf32, #tpu.memory_space<vmem>> -> memref<128x256xf32, #tpu.memory_space<vmem>>
      %gather3A_2598 = tpu.vector_load_idx %gather3A_2597[%add3A_2359, %scan3A_2564] : memref<128x256xf32, #tpu.memory_space<vmem>>[vector<16xi32>, vector<16xi32>], vector<16xf32>,
      %gather3A_2599 = arith.constant 0 : i32
      %gather3A_2600 = arith.constant 0 : i32
      %gather3A_2601 = tpu.memref_slice %arg10[%scan3A_2379, %gather3A_2599, %gather3A_2600] : memref<2x128x256xf32, #tpu.memory_space<vmem>> -> memref<1x128x256xf32, #tpu.memory_space<vmem>>
      %gather3A_2602 = tpu.memref_squeeze %gather3A_2601 : memref<1x128x256xf32, #tpu.memory_space<vmem>> -> memref<128x256xf32, #tpu.memory_space<vmem>>
      %gather3A_2603 = tpu.vector_load_idx %gather3A_2602[%add3A_2362, %scan3A_2564] : memref<128x256xf32, #tpu.memory_space<vmem>>[vector<16xi32>, vector<16xi32>], vector<16xf32>,
      tpu.vector_store_idx %arg11[%get3A_2364, %scan3A_2564], %gather3A_2568 {add = true} : memref<9x256xf32, #tpu.memory_space<vmem>>[vector<16xi32>, vector<16xi32>], vector<16xf32>,
      tpu.vector_store_idx %arg11[%get3A_2366, %scan3A_2564], %gather3A_2573 {add = true} : memref<9x256xf32, #tpu.memory_space<vmem>>[vector<16xi32>, vector<16xi32>], vector<16xf32>,
      tpu.vector_store_idx %arg11[%get3A_2368, %scan3A_2564], %gather3A_2578 {add = true} : memref<9x256xf32, #tpu.memory_space<vmem>>[vector<16xi32>, vector<16xi32>], vector<16xf32>,
      tpu.vector_store_idx %arg11[%get3A_2370, %scan3A_2564], %gather3A_2583 {add = true} : memref<9x256xf32, #tpu.memory_space<vmem>>[vector<16xi32>, vector<16xi32>], vector<16xf32>,
      tpu.vector_store_idx %arg11[%get3A_2372, %scan3A_2564], %gather3A_2588 {add = true} : memref<9x256xf32, #tpu.memory_space<vmem>>[vector<16xi32>, vector<16xi32>], vector<16xf32>,
      tpu.vector_store_idx %arg11[%get3A_2374, %scan3A_2564], %gather3A_2593 {add = true} : memref<9x256xf32, #tpu.memory_space<vmem>>[vector<16xi32>, vector<16xi32>], vector<16xf32>,
      tpu.vector_store_idx %arg11[%get3A_2376, %scan3A_2564], %gather3A_2598 {add = true} : memref<9x256xf32, #tpu.memory_space<vmem>>[vector<16xi32>, vector<16xi32>], vector<16xf32>,
      tpu.vector_store_idx %arg11[%get3A_2378, %scan3A_2564], %gather3A_2603 {add = true} : memref<9x256xf32, #tpu.memory_space<vmem>>[vector<16xi32>, vector<16xi32>], vector<16xf32>,
      %add3A_2604 = arith.constant 1 : i32
      %add3A_2605 = vector.broadcast %add3A_2604 : i32 to vector<16xi32>
      %add3A_2606 = arith.addi %scan3A_2564, %add3A_2605 : vector<16xi32>
      %and3A_2607 = arith.andi %add3A_2606, %broadcast_in_dim3A_2246 : vector<16xi32>
      %scan3A_2608 = arith.constant 1 : i32
      %scan3A_2609 = arith.addi %scan3A_2563, %scan3A_2608 : i32
      %gather3A_2610 = arith.constant 0 : i32
      %gather3A_2611 = arith.constant 0 : i32
      %gather3A_2612 = tpu.memref_slice %arg10[%scan3A_2379, %gather3A_2610, %gather3A_2611] : memref<2x128x256xf32, #tpu.memory_space<vmem>> -> memref<1x128x256xf32, #tpu.memory_space<vmem>>
      %gather3A_2613 = tpu.memref_squeeze %gather3A_2612 : memref<1x128x256xf32, #tpu.memory_space<vmem>> -> memref<128x256xf32, #tpu.memory_space<vmem>>
      %gather3A_2614 = tpu.vector_load_idx %gather3A_2613[%add3A_2341, %and3A_2607] : memref<128x256xf32, #tpu.memory_space<vmem>>[vector<16xi32>, vector<16xi32>], vector<16xf32>,
      %gather3A_2615 = arith.constant 0 : i32
      %gather3A_2616 = arith.constant 0 : i32
      %gather3A_2617 = tpu.memref_slice %arg10[%scan3A_2379, %gather3A_2615, %gather3A_2616] : memref<2x128x256xf32, #tpu.memory_space<vmem>> -> memref<1x128x256xf32, #tpu.memory_space<vmem>>
      %gather3A_2618 = tpu.memref_squeeze %gather3A_2617 : memref<1x128x256xf32, #tpu.memory_space<vmem>> -> memref<128x256xf32, #tpu.memory_space<vmem>>
      %gather3A_2619 = tpu.vector_load_idx %gather3A_2618[%add3A_2344, %and3A_2607] : memref<128x256xf32, #tpu.memory_space<vmem>>[vector<16xi32>, vector<16xi32>], vector<16xf32>,
      %gather3A_2620 = arith.constant 0 : i32
      %gather3A_2621 = arith.constant 0 : i32
      %gather3A_2622 = tpu.memref_slice %arg10[%scan3A_2379, %gather3A_2620, %gather3A_2621] : memref<2x128x256xf32, #tpu.memory_space<vmem>> -> memref<1x128x256xf32, #tpu.memory_space<vmem>>
      %gather3A_2623 = tpu.memref_squeeze %gather3A_2622 : memref<1x128x256xf32, #tpu.memory_space<vmem>> -> memref<128x256xf32, #tpu.memory_space<vmem>>
      %gather3A_2624 = tpu.vector_load_idx %gather3A_2623[%add3A_2347, %and3A_2607] : memref<128x256xf32, #tpu.memory_space<vmem>>[vector<16xi32>, vector<16xi32>], vector<16xf32>,
      %gather3A_2625 = arith.constant 0 : i32
      %gather3A_2626 = arith.constant 0 : i32
      %gather3A_2627 = tpu.memref_slice %arg10[%scan3A_2379, %gather3A_2625, %gather3A_2626] : memref<2x128x256xf32, #tpu.memory_space<vmem>> -> memref<1x128x256xf32, #tpu.memory_space<vmem>>
      %gather3A_2628 = tpu.memref_squeeze %gather3A_2627 : memref<1x128x256xf32, #tpu.memory_space<vmem>> -> memref<128x256xf32, #tpu.memory_space<vmem>>
      %gather3A_2629 = tpu.vector_load_idx %gather3A_2628[%add3A_2350, %and3A_2607] : memref<128x256xf32, #tpu.memory_space<vmem>>[vector<16xi32>, vector<16xi32>], vector<16xf32>,
      %gather3A_2630 = arith.constant 0 : i32
      %gather3A_2631 = arith.constant 0 : i32
      %gather3A_2632 = tpu.memref_slice %arg10[%scan3A_2379, %gather3A_2630, %gather3A_2631] : memref<2x128x256xf32, #tpu.memory_space<vmem>> -> memref<1x128x256xf32, #tpu.memory_space<vmem>>
      %gather3A_2633 = tpu.memref_squeeze %gather3A_2632 : memref<1x128x256xf32, #tpu.memory_space<vmem>> -> memref<128x256xf32, #tpu.memory_space<vmem>>
      %gather3A_2634 = tpu.vector_load_idx %gather3A_2633[%add3A_2353, %and3A_2607] : memref<128x256xf32, #tpu.memory_space<vmem>>[vector<16xi32>, vector<16xi32>], vector<16xf32>,
      %gather3A_2635 = arith.constant 0 : i32
      %gather3A_2636 = arith.constant 0 : i32
      %gather3A_2637 = tpu.memref_slice %arg10[%scan3A_2379, %gather3A_2635, %gather3A_2636] : memref<2x128x256xf32, #tpu.memory_space<vmem>> -> memref<1x128x256xf32, #tpu.memory_space<vmem>>
      %gather3A_2638 = tpu.memref_squeeze %gather3A_2637 : memref<1x128x256xf32, #tpu.memory_space<vmem>> -> memref<128x256xf32, #tpu.memory_space<vmem>>
      %gather3A_2639 = tpu.vector_load_idx %gather3A_2638[%add3A_2356, %and3A_2607] : memref<128x256xf32, #tpu.memory_space<vmem>>[vector<16xi32>, vector<16xi32>], vector<16xf32>,
      %gather3A_2640 = arith.constant 0 : i32
      %gather3A_2641 = arith.constant 0 : i32
      %gather3A_2642 = tpu.memref_slice %arg10[%scan3A_2379, %gather3A_2640, %gather3A_2641] : memref<2x128x256xf32, #tpu.memory_space<vmem>> -> memref<1x128x256xf32, #tpu.memory_space<vmem>>
      %gather3A_2643 = tpu.memref_squeeze %gather3A_2642 : memref<1x128x256xf32, #tpu.memory_space<vmem>> -> memref<128x256xf32, #tpu.memory_space<vmem>>
      %gather3A_2644 = tpu.vector_load_idx %gather3A_2643[%add3A_2359, %and3A_2607] : memref<128x256xf32, #tpu.memory_space<vmem>>[vector<16xi32>, vector<16xi32>], vector<16xf32>,
      %gather3A_2645 = arith.constant 0 : i32
      %gather3A_2646 = arith.constant 0 : i32
      %gather3A_2647 = tpu.memref_slice %arg10[%scan3A_2379, %gather3A_2645, %gather3A_2646] : memref<2x128x256xf32, #tpu.memory_space<vmem>> -> memref<1x128x256xf32, #tpu.memory_space<vmem>>
      %gather3A_2648 = tpu.memref_squeeze %gather3A_2647 : memref<1x128x256xf32, #tpu.memory_space<vmem>> -> memref<128x256xf32, #tpu.memory_space<vmem>>
      %gather3A_2649 = tpu.vector_load_idx %gather3A_2648[%add3A_2362, %and3A_2607] : memref<128x256xf32, #tpu.memory_space<vmem>>[vector<16xi32>, vector<16xi32>], vector<16xf32>,
      tpu.vector_store_idx %arg11[%get3A_2364, %and3A_2607], %gather3A_2614 {add = true} : memref<9x256xf32, #tpu.memory_space<vmem>>[vector<16xi32>, vector<16xi32>], vector<16xf32>,
      tpu.vector_store_idx %arg11[%get3A_2366, %and3A_2607], %gather3A_2619 {add = true} : memref<9x256xf32, #tpu.memory_space<vmem>>[vector<16xi32>, vector<16xi32>], vector<16xf32>,
      tpu.vector_store_idx %arg11[%get3A_2368, %and3A_2607], %gather3A_2624 {add = true} : memref<9x256xf32, #tpu.memory_space<vmem>>[vector<16xi32>, vector<16xi32>], vector<16xf32>,
      tpu.vector_store_idx %arg11[%get3A_2370, %and3A_2607], %gather3A_2629 {add = true} : memref<9x256xf32, #tpu.memory_space<vmem>>[vector<16xi32>, vector<16xi32>], vector<16xf32>,
      tpu.vector_store_idx %arg11[%get3A_2372, %and3A_2607], %gather3A_2634 {add = true} : memref<9x256xf32, #tpu.memory_space<vmem>>[vector<16xi32>, vector<16xi32>], vector<16xf32>,
      tpu.vector_store_idx %arg11[%get3A_2374, %and3A_2607], %gather3A_2639 {add = true} : memref<9x256xf32, #tpu.memory_space<vmem>>[vector<16xi32>, vector<16xi32>], vector<16xf32>,
      tpu.vector_store_idx %arg11[%get3A_2376, %and3A_2607], %gather3A_2644 {add = true} : memref<9x256xf32, #tpu.memory_space<vmem>>[vector<16xi32>, vector<16xi32>], vector<16xf32>,
      tpu.vector_store_idx %arg11[%get3A_2378, %and3A_2607], %gather3A_2649 {add = true} : memref<9x256xf32, #tpu.memory_space<vmem>>[vector<16xi32>, vector<16xi32>], vector<16xf32>,
      %add3A_2650 = arith.constant 1 : i32
      %add3A_2651 = vector.broadcast %add3A_2650 : i32 to vector<16xi32>
      %add3A_2652 = arith.addi %and3A_2607, %add3A_2651 : vector<16xi32>
      %and3A_2653 = arith.andi %add3A_2652, %broadcast_in_dim3A_2246 : vector<16xi32>
      scf.yield %and3A_2653 : vector<16xi32>
    }
    %scan3A_2385 = arith.constant 256 : i32
    %add3A_2386 = arith.constant 384 : i32
    %add3A_2387 = arith.addi %mul3A_32, %add3A_2386 : i32
    %dma_start3A_2388 = arith.constant 1 : i32
    %dma_start3A_2389 = arith.constant 0 : i32
    %dma_start3A_2390 = arith.constant 0 : i32
    %dma_start3A_2391 = tpu.memref_slice %arg10[%dma_start3A_2388, %dma_start3A_2389, %dma_start3A_2390] : memref<2x128x256xf32, #tpu.memory_space<vmem>> -> memref<1x128x256xf32, #tpu.memory_space<vmem>>
    %dma_start3A_2392 = tpu.memref_squeeze %dma_start3A_2391 : memref<1x128x256xf32, #tpu.memory_space<vmem>> -> memref<128x256xf32, #tpu.memory_space<vmem>>
    %dma_start3A_2393 = arith.constant 0 : i32
    %dma_start3A_2394 = tpu.memref_slice %arg2[%select_n3A, %add3A_2387, %dma_start3A_2393] : memref<16x4096x256xf32, #tpu.memory_space<hbm>> -> memref<1x128x256xf32, #tpu.memory_space<hbm>>
    %dma_start3A_2395 = tpu.memref_squeeze %dma_start3A_2394 : memref<1x128x256xf32, #tpu.memory_space<hbm>> -> memref<128x256xf32, #tpu.memory_space<hbm>>
    %dma_start3A_2396 = arith.constant 0 : i32
    %dma_start3A_2397 = arith.constant 0 : i32
    %dma_start3A_2398 = tpu.memref_slice %arg10[%dma_start3A_2388, %dma_start3A_2396, %dma_start3A_2397] : memref<2x128x256xf32, #tpu.memory_space<vmem>> -> memref<1x128x256xf32, #tpu.memory_space<vmem>>
    %dma_start3A_2399 = tpu.memref_squeeze %dma_start3A_2398 : memref<1x128x256xf32, #tpu.memory_space<vmem>> -> memref<128x256xf32, #tpu.memory_space<vmem>>
    %dma_start3A_2400 = arith.constant 0 : i32
    %dma_start3A_2401 = tpu.memref_slice %arg2[%select_n3A, %add3A_2387, %dma_start3A_2400] : memref<16x4096x256xf32, #tpu.memory_space<hbm>> -> memref<1x128x256xf32, #tpu.memory_space<hbm>>
    %dma_start3A_2402 = tpu.memref_squeeze %dma_start3A_2401 : memref<1x128x256xf32, #tpu.memory_space<hbm>> -> memref<128x256xf32, #tpu.memory_space<hbm>>
    tpu.enqueue_dma source(%dma_start3A_2402 : memref<128x256xf32, #tpu.memory_space<hbm>>) target(%dma_start3A_2399 : memref<128x256xf32, #tpu.memory_space<vmem>>) target_semaphore(%arg14 : memref<!tpu.dma_semaphore, #tpu.memory_space<semaphore_mem>>)
    %dma_wait3A_2403 = arith.constant 0 : i32
    %dma_wait3A_2404 = arith.constant 0 : i32
    %dma_wait3A_2405 = arith.constant 0 : i32
    %dma_wait3A_2406 = tpu.memref_slice %arg10[%dma_wait3A_2403, %dma_wait3A_2404, %dma_wait3A_2405] : memref<2x128x256xf32, #tpu.memory_space<vmem>> -> memref<1x128x256xf32, #tpu.memory_space<vmem>>
    %dma_wait3A_2407 = tpu.memref_squeeze %dma_wait3A_2406 : memref<1x128x256xf32, #tpu.memory_space<vmem>> -> memref<128x256xf32, #tpu.memory_space<vmem>>
    %dma_wait3A_2408 = arith.constant 0 : i32
    %dma_wait3A_2409 = tpu.memref_slice %arg2[%select_n3A, %add3A_2308, %dma_wait3A_2408] : memref<16x4096x256xf32, #tpu.memory_space<hbm>> -> memref<1x128x256xf32, #tpu.memory_space<hbm>>
    %dma_wait3A_2410 = tpu.memref_squeeze %dma_wait3A_2409 : memref<1x128x256xf32, #tpu.memory_space<hbm>> -> memref<128x256xf32, #tpu.memory_space<hbm>>
    %dma_wait3A_2411 = arith.constant 0 : i32
    %dma_wait3A_2412 = arith.constant 0 : i32
    %dma_wait3A_2413 = tpu.memref_slice %arg10[%dma_wait3A_2403, %dma_wait3A_2411, %dma_wait3A_2412] : memref<2x128x256xf32, #tpu.memory_space<vmem>> -> memref<1x128x256xf32, #tpu.memory_space<vmem>>
    %dma_wait3A_2414 = tpu.memref_squeeze %dma_wait3A_2413 : memref<1x128x256xf32, #tpu.memory_space<vmem>> -> memref<128x256xf32, #tpu.memory_space<vmem>>
    %dma_wait3A_2415 = arith.constant 0 : i32
    %dma_wait3A_2416 = tpu.memref_slice %arg2[%select_n3A, %add3A_2308, %dma_wait3A_2415] : memref<16x4096x256xf32, #tpu.memory_space<hbm>> -> memref<1x128x256xf32, #tpu.memory_space<hbm>>
    %dma_wait3A_2417 = tpu.memref_squeeze %dma_wait3A_2416 : memref<1x128x256xf32, #tpu.memory_space<hbm>> -> memref<128x256xf32, #tpu.memory_space<hbm>>
    tpu.wait_dma2 semaphore(%arg13 : memref<!tpu.dma_semaphore, #tpu.memory_space<semaphore_mem>>) src(%dma_wait3A_2417 : memref<128x256xf32, #tpu.memory_space<hbm>>) dst(%dma_wait3A_2414 : memref<128x256xf32, #tpu.memory_space<vmem>>)
    %add3A_2418 = arith.constant 0 : i32
    %add3A_2419 = vector.broadcast %add3A_2418 : i32 to vector<16xi32>
    %add3A_2420 = arith.addi %iota3A, %add3A_2419 : vector<16xi32>
    %add3A_2421 = arith.constant 16 : i32
    %add3A_2422 = vector.broadcast %add3A_2421 : i32 to vector<16xi32>
    %add3A_2423 = arith.addi %iota3A, %add3A_2422 : vector<16xi32>
    %add3A_2424 = arith.constant 32 : i32
    %add3A_2425 = vector.broadcast %add3A_2424 : i32 to vector<16xi32>
    %add3A_2426 = arith.addi %iota3A, %add3A_2425 : vector<16xi32>
    %add3A_2427 = arith.constant 48 : i32
    %add3A_2428 = vector.broadcast %add3A_2427 : i32 to vector<16xi32>
    %add3A_2429 = arith.addi %iota3A, %add3A_2428 : vector<16xi32>
    %add3A_2430 = arith.constant 64 : i32
    %add3A_2431 = vector.broadcast %add3A_2430 : i32 to vector<16xi32>
    %add3A_2432 = arith.addi %iota3A, %add3A_2431 : vector<16xi32>
    %add3A_2433 = arith.constant 80 : i32
    %add3A_2434 = vector.broadcast %add3A_2433 : i32 to vector<16xi32>
    %add3A_2435 = arith.addi %iota3A, %add3A_2434 : vector<16xi32>
    %add3A_2436 = arith.constant 96 : i32
    %add3A_2437 = vector.broadcast %add3A_2436 : i32 to vector<16xi32>
    %add3A_2438 = arith.addi %iota3A, %add3A_2437 : vector<16xi32>
    %add3A_2439 = arith.constant 112 : i32
    %add3A_2440 = vector.broadcast %add3A_2439 : i32 to vector<16xi32>
    %add3A_2441 = arith.addi %iota3A, %add3A_2440 : vector<16xi32>
    %get3A_2442 = arith.constant 256 : index
    %get3A_2443 = tpu.vector_load %arg9[%get3A_2442] {strides = array<i32>} : memref<512xi32, #tpu.memory_space<vmem>>, vector<16xi32>,
    %get3A_2444 = arith.constant 272 : index
    %get3A_2445 = tpu.vector_load %arg9[%get3A_2444] {strides = array<i32>} : memref<512xi32, #tpu.memory_space<vmem>>, vector<16xi32>,
    %get3A_2446 = arith.constant 288 : index
    %get3A_2447 = tpu.vector_load %arg9[%get3A_2446] {strides = array<i32>} : memref<512xi32, #tpu.memory_space<vmem>>, vector<16xi32>,
    %get3A_2448 = arith.constant 304 : index
    %get3A_2449 = tpu.vector_load %arg9[%get3A_2448] {strides = array<i32>} : memref<512xi32, #tpu.memory_space<vmem>>, vector<16xi32>,
    %get3A_2450 = arith.constant 320 : index
    %get3A_2451 = tpu.vector_load %arg9[%get3A_2450] {strides = array<i32>} : memref<512xi32, #tpu.memory_space<vmem>>, vector<16xi32>,
    %get3A_2452 = arith.constant 336 : index
    %get3A_2453 = tpu.vector_load %arg9[%get3A_2452] {strides = array<i32>} : memref<512xi32, #tpu.memory_space<vmem>>, vector<16xi32>,
    %get3A_2454 = arith.constant 352 : index
    %get3A_2455 = tpu.vector_load %arg9[%get3A_2454] {strides = array<i32>} : memref<512xi32, #tpu.memory_space<vmem>>, vector<16xi32>,
    %get3A_2456 = arith.constant 368 : index
    %get3A_2457 = tpu.vector_load %arg9[%get3A_2456] {strides = array<i32>} : memref<512xi32, #tpu.memory_space<vmem>>, vector<16xi32>,
    %scan3A_2458 = arith.constant 0 : i32
    %scan3A_2459 = arith.constant 0 : i32
    %scan3A_2460 = arith.constant 256 : i32
    %scan3A_2461 = arith.addi %scan3A_2459, %scan3A_2460 : i32
    %scan3A_2462 = arith.constant 2 : i32
    %scan3A_2463 = scf.for %scan3A_2563 = %scan3A_2459 to %scan3A_2461 step %scan3A_2462 iter_args(%scan3A_2564 = %iota3A) -> (vector<16xi32>)  : i32 {
      %gather3A = arith.constant 0 : i32
      %gather3A_2565 = arith.constant 0 : i32
      %gather3A_2566 = tpu.memref_slice %arg10[%scan3A_2458, %gather3A, %gather3A_2565] : memref<2x128x256xf32, #tpu.memory_space<vmem>> -> memref<1x128x256xf32, #tpu.memory_space<vmem>>
      %gather3A_2567 = tpu.memref_squeeze %gather3A_2566 : memref<1x128x256xf32, #tpu.memory_space<vmem>> -> memref<128x256xf32, #tpu.memory_space<vmem>>
      %gather3A_2568 = tpu.vector_load_idx %gather3A_2567[%add3A_2420, %scan3A_2564] : memref<128x256xf32, #tpu.memory_space<vmem>>[vector<16xi32>, vector<16xi32>], vector<16xf32>,
      %gather3A_2569 = arith.constant 0 : i32
      %gather3A_2570 = arith.constant 0 : i32
      %gather3A_2571 = tpu.memref_slice %arg10[%scan3A_2458, %gather3A_2569, %gather3A_2570] : memref<2x128x256xf32, #tpu.memory_space<vmem>> -> memref<1x128x256xf32, #tpu.memory_space<vmem>>
      %gather3A_2572 = tpu.memref_squeeze %gather3A_2571 : memref<1x128x256xf32, #tpu.memory_space<vmem>> -> memref<128x256xf32, #tpu.memory_space<vmem>>
      %gather3A_2573 = tpu.vector_load_idx %gather3A_2572[%add3A_2423, %scan3A_2564] : memref<128x256xf32, #tpu.memory_space<vmem>>[vector<16xi32>, vector<16xi32>], vector<16xf32>,
      %gather3A_2574 = arith.constant 0 : i32
      %gather3A_2575 = arith.constant 0 : i32
      %gather3A_2576 = tpu.memref_slice %arg10[%scan3A_2458, %gather3A_2574, %gather3A_2575] : memref<2x128x256xf32, #tpu.memory_space<vmem>> -> memref<1x128x256xf32, #tpu.memory_space<vmem>>
      %gather3A_2577 = tpu.memref_squeeze %gather3A_2576 : memref<1x128x256xf32, #tpu.memory_space<vmem>> -> memref<128x256xf32, #tpu.memory_space<vmem>>
      %gather3A_2578 = tpu.vector_load_idx %gather3A_2577[%add3A_2426, %scan3A_2564] : memref<128x256xf32, #tpu.memory_space<vmem>>[vector<16xi32>, vector<16xi32>], vector<16xf32>,
      %gather3A_2579 = arith.constant 0 : i32
      %gather3A_2580 = arith.constant 0 : i32
      %gather3A_2581 = tpu.memref_slice %arg10[%scan3A_2458, %gather3A_2579, %gather3A_2580] : memref<2x128x256xf32, #tpu.memory_space<vmem>> -> memref<1x128x256xf32, #tpu.memory_space<vmem>>
      %gather3A_2582 = tpu.memref_squeeze %gather3A_2581 : memref<1x128x256xf32, #tpu.memory_space<vmem>> -> memref<128x256xf32, #tpu.memory_space<vmem>>
      %gather3A_2583 = tpu.vector_load_idx %gather3A_2582[%add3A_2429, %scan3A_2564] : memref<128x256xf32, #tpu.memory_space<vmem>>[vector<16xi32>, vector<16xi32>], vector<16xf32>,
      %gather3A_2584 = arith.constant 0 : i32
      %gather3A_2585 = arith.constant 0 : i32
      %gather3A_2586 = tpu.memref_slice %arg10[%scan3A_2458, %gather3A_2584, %gather3A_2585] : memref<2x128x256xf32, #tpu.memory_space<vmem>> -> memref<1x128x256xf32, #tpu.memory_space<vmem>>
      %gather3A_2587 = tpu.memref_squeeze %gather3A_2586 : memref<1x128x256xf32, #tpu.memory_space<vmem>> -> memref<128x256xf32, #tpu.memory_space<vmem>>
      %gather3A_2588 = tpu.vector_load_idx %gather3A_2587[%add3A_2432, %scan3A_2564] : memref<128x256xf32, #tpu.memory_space<vmem>>[vector<16xi32>, vector<16xi32>], vector<16xf32>,
      %gather3A_2589 = arith.constant 0 : i32
      %gather3A_2590 = arith.constant 0 : i32
      %gather3A_2591 = tpu.memref_slice %arg10[%scan3A_2458, %gather3A_2589, %gather3A_2590] : memref<2x128x256xf32, #tpu.memory_space<vmem>> -> memref<1x128x256xf32, #tpu.memory_space<vmem>>
      %gather3A_2592 = tpu.memref_squeeze %gather3A_2591 : memref<1x128x256xf32, #tpu.memory_space<vmem>> -> memref<128x256xf32, #tpu.memory_space<vmem>>
      %gather3A_2593 = tpu.vector_load_idx %gather3A_2592[%add3A_2435, %scan3A_2564] : memref<128x256xf32, #tpu.memory_space<vmem>>[vector<16xi32>, vector<16xi32>], vector<16xf32>,
      %gather3A_2594 = arith.constant 0 : i32
      %gather3A_2595 = arith.constant 0 : i32
      %gather3A_2596 = tpu.memref_slice %arg10[%scan3A_2458, %gather3A_2594, %gather3A_2595] : memref<2x128x256xf32, #tpu.memory_space<vmem>> -> memref<1x128x256xf32, #tpu.memory_space<vmem>>
      %gather3A_2597 = tpu.memref_squeeze %gather3A_2596 : memref<1x128x256xf32, #tpu.memory_space<vmem>> -> memref<128x256xf32, #tpu.memory_space<vmem>>
      %gather3A_2598 = tpu.vector_load_idx %gather3A_2597[%add3A_2438, %scan3A_2564] : memref<128x256xf32, #tpu.memory_space<vmem>>[vector<16xi32>, vector<16xi32>], vector<16xf32>,
      %gather3A_2599 = arith.constant 0 : i32
      %gather3A_2600 = arith.constant 0 : i32
      %gather3A_2601 = tpu.memref_slice %arg10[%scan3A_2458, %gather3A_2599, %gather3A_2600] : memref<2x128x256xf32, #tpu.memory_space<vmem>> -> memref<1x128x256xf32, #tpu.memory_space<vmem>>
      %gather3A_2602 = tpu.memref_squeeze %gather3A_2601 : memref<1x128x256xf32, #tpu.memory_space<vmem>> -> memref<128x256xf32, #tpu.memory_space<vmem>>
      %gather3A_2603 = tpu.vector_load_idx %gather3A_2602[%add3A_2441, %scan3A_2564] : memref<128x256xf32, #tpu.memory_space<vmem>>[vector<16xi32>, vector<16xi32>], vector<16xf32>,
      tpu.vector_store_idx %arg11[%get3A_2443, %scan3A_2564], %gather3A_2568 {add = true} : memref<9x256xf32, #tpu.memory_space<vmem>>[vector<16xi32>, vector<16xi32>], vector<16xf32>,
      tpu.vector_store_idx %arg11[%get3A_2445, %scan3A_2564], %gather3A_2573 {add = true} : memref<9x256xf32, #tpu.memory_space<vmem>>[vector<16xi32>, vector<16xi32>], vector<16xf32>,
      tpu.vector_store_idx %arg11[%get3A_2447, %scan3A_2564], %gather3A_2578 {add = true} : memref<9x256xf32, #tpu.memory_space<vmem>>[vector<16xi32>, vector<16xi32>], vector<16xf32>,
      tpu.vector_store_idx %arg11[%get3A_2449, %scan3A_2564], %gather3A_2583 {add = true} : memref<9x256xf32, #tpu.memory_space<vmem>>[vector<16xi32>, vector<16xi32>], vector<16xf32>,
      tpu.vector_store_idx %arg11[%get3A_2451, %scan3A_2564], %gather3A_2588 {add = true} : memref<9x256xf32, #tpu.memory_space<vmem>>[vector<16xi32>, vector<16xi32>], vector<16xf32>,
      tpu.vector_store_idx %arg11[%get3A_2453, %scan3A_2564], %gather3A_2593 {add = true} : memref<9x256xf32, #tpu.memory_space<vmem>>[vector<16xi32>, vector<16xi32>], vector<16xf32>,
      tpu.vector_store_idx %arg11[%get3A_2455, %scan3A_2564], %gather3A_2598 {add = true} : memref<9x256xf32, #tpu.memory_space<vmem>>[vector<16xi32>, vector<16xi32>], vector<16xf32>,
      tpu.vector_store_idx %arg11[%get3A_2457, %scan3A_2564], %gather3A_2603 {add = true} : memref<9x256xf32, #tpu.memory_space<vmem>>[vector<16xi32>, vector<16xi32>], vector<16xf32>,
      %add3A_2604 = arith.constant 1 : i32
      %add3A_2605 = vector.broadcast %add3A_2604 : i32 to vector<16xi32>
      %add3A_2606 = arith.addi %scan3A_2564, %add3A_2605 : vector<16xi32>
      %and3A_2607 = arith.andi %add3A_2606, %broadcast_in_dim3A_2246 : vector<16xi32>
      %scan3A_2608 = arith.constant 1 : i32
      %scan3A_2609 = arith.addi %scan3A_2563, %scan3A_2608 : i32
      %gather3A_2610 = arith.constant 0 : i32
      %gather3A_2611 = arith.constant 0 : i32
      %gather3A_2612 = tpu.memref_slice %arg10[%scan3A_2458, %gather3A_2610, %gather3A_2611] : memref<2x128x256xf32, #tpu.memory_space<vmem>> -> memref<1x128x256xf32, #tpu.memory_space<vmem>>
      %gather3A_2613 = tpu.memref_squeeze %gather3A_2612 : memref<1x128x256xf32, #tpu.memory_space<vmem>> -> memref<128x256xf32, #tpu.memory_space<vmem>>
      %gather3A_2614 = tpu.vector_load_idx %gather3A_2613[%add3A_2420, %and3A_2607] : memref<128x256xf32, #tpu.memory_space<vmem>>[vector<16xi32>, vector<16xi32>], vector<16xf32>,
      %gather3A_2615 = arith.constant 0 : i32
      %gather3A_2616 = arith.constant 0 : i32
      %gather3A_2617 = tpu.memref_slice %arg10[%scan3A_2458, %gather3A_2615, %gather3A_2616] : memref<2x128x256xf32, #tpu.memory_space<vmem>> -> memref<1x128x256xf32, #tpu.memory_space<vmem>>
      %gather3A_2618 = tpu.memref_squeeze %gather3A_2617 : memref<1x128x256xf32, #tpu.memory_space<vmem>> -> memref<128x256xf32, #tpu.memory_space<vmem>>
      %gather3A_2619 = tpu.vector_load_idx %gather3A_2618[%add3A_2423, %and3A_2607] : memref<128x256xf32, #tpu.memory_space<vmem>>[vector<16xi32>, vector<16xi32>], vector<16xf32>,
      %gather3A_2620 = arith.constant 0 : i32
      %gather3A_2621 = arith.constant 0 : i32
      %gather3A_2622 = tpu.memref_slice %arg10[%scan3A_2458, %gather3A_2620, %gather3A_2621] : memref<2x128x256xf32, #tpu.memory_space<vmem>> -> memref<1x128x256xf32, #tpu.memory_space<vmem>>
      %gather3A_2623 = tpu.memref_squeeze %gather3A_2622 : memref<1x128x256xf32, #tpu.memory_space<vmem>> -> memref<128x256xf32, #tpu.memory_space<vmem>>
      %gather3A_2624 = tpu.vector_load_idx %gather3A_2623[%add3A_2426, %and3A_2607] : memref<128x256xf32, #tpu.memory_space<vmem>>[vector<16xi32>, vector<16xi32>], vector<16xf32>,
      %gather3A_2625 = arith.constant 0 : i32
      %gather3A_2626 = arith.constant 0 : i32
      %gather3A_2627 = tpu.memref_slice %arg10[%scan3A_2458, %gather3A_2625, %gather3A_2626] : memref<2x128x256xf32, #tpu.memory_space<vmem>> -> memref<1x128x256xf32, #tpu.memory_space<vmem>>
      %gather3A_2628 = tpu.memref_squeeze %gather3A_2627 : memref<1x128x256xf32, #tpu.memory_space<vmem>> -> memref<128x256xf32, #tpu.memory_space<vmem>>
      %gather3A_2629 = tpu.vector_load_idx %gather3A_2628[%add3A_2429, %and3A_2607] : memref<128x256xf32, #tpu.memory_space<vmem>>[vector<16xi32>, vector<16xi32>], vector<16xf32>,
      %gather3A_2630 = arith.constant 0 : i32
      %gather3A_2631 = arith.constant 0 : i32
      %gather3A_2632 = tpu.memref_slice %arg10[%scan3A_2458, %gather3A_2630, %gather3A_2631] : memref<2x128x256xf32, #tpu.memory_space<vmem>> -> memref<1x128x256xf32, #tpu.memory_space<vmem>>
      %gather3A_2633 = tpu.memref_squeeze %gather3A_2632 : memref<1x128x256xf32, #tpu.memory_space<vmem>> -> memref<128x256xf32, #tpu.memory_space<vmem>>
      %gather3A_2634 = tpu.vector_load_idx %gather3A_2633[%add3A_2432, %and3A_2607] : memref<128x256xf32, #tpu.memory_space<vmem>>[vector<16xi32>, vector<16xi32>], vector<16xf32>,
      %gather3A_2635 = arith.constant 0 : i32
      %gather3A_2636 = arith.constant 0 : i32
      %gather3A_2637 = tpu.memref_slice %arg10[%scan3A_2458, %gather3A_2635, %gather3A_2636] : memref<2x128x256xf32, #tpu.memory_space<vmem>> -> memref<1x128x256xf32, #tpu.memory_space<vmem>>
      %gather3A_2638 = tpu.memref_squeeze %gather3A_2637 : memref<1x128x256xf32, #tpu.memory_space<vmem>> -> memref<128x256xf32, #tpu.memory_space<vmem>>
      %gather3A_2639 = tpu.vector_load_idx %gather3A_2638[%add3A_2435, %and3A_2607] : memref<128x256xf32, #tpu.memory_space<vmem>>[vector<16xi32>, vector<16xi32>], vector<16xf32>,
      %gather3A_2640 = arith.constant 0 : i32
      %gather3A_2641 = arith.constant 0 : i32
      %gather3A_2642 = tpu.memref_slice %arg10[%scan3A_2458, %gather3A_2640, %gather3A_2641] : memref<2x128x256xf32, #tpu.memory_space<vmem>> -> memref<1x128x256xf32, #tpu.memory_space<vmem>>
      %gather3A_2643 = tpu.memref_squeeze %gather3A_2642 : memref<1x128x256xf32, #tpu.memory_space<vmem>> -> memref<128x256xf32, #tpu.memory_space<vmem>>
      %gather3A_2644 = tpu.vector_load_idx %gather3A_2643[%add3A_2438, %and3A_2607] : memref<128x256xf32, #tpu.memory_space<vmem>>[vector<16xi32>, vector<16xi32>], vector<16xf32>,
      %gather3A_2645 = arith.constant 0 : i32
      %gather3A_2646 = arith.constant 0 : i32
      %gather3A_2647 = tpu.memref_slice %arg10[%scan3A_2458, %gather3A_2645, %gather3A_2646] : memref<2x128x256xf32, #tpu.memory_space<vmem>> -> memref<1x128x256xf32, #tpu.memory_space<vmem>>
      %gather3A_2648 = tpu.memref_squeeze %gather3A_2647 : memref<1x128x256xf32, #tpu.memory_space<vmem>> -> memref<128x256xf32, #tpu.memory_space<vmem>>
      %gather3A_2649 = tpu.vector_load_idx %gather3A_2648[%add3A_2441, %and3A_2607] : memref<128x256xf32, #tpu.memory_space<vmem>>[vector<16xi32>, vector<16xi32>], vector<16xf32>,
      tpu.vector_store_idx %arg11[%get3A_2443, %and3A_2607], %gather3A_2614 {add = true} : memref<9x256xf32, #tpu.memory_space<vmem>>[vector<16xi32>, vector<16xi32>], vector<16xf32>,
      tpu.vector_store_idx %arg11[%get3A_2445, %and3A_2607], %gather3A_2619 {add = true} : memref<9x256xf32, #tpu.memory_space<vmem>>[vector<16xi32>, vector<16xi32>], vector<16xf32>,
      tpu.vector_store_idx %arg11[%get3A_2447, %and3A_2607], %gather3A_2624 {add = true} : memref<9x256xf32, #tpu.memory_space<vmem>>[vector<16xi32>, vector<16xi32>], vector<16xf32>,
      tpu.vector_store_idx %arg11[%get3A_2449, %and3A_2607], %gather3A_2629 {add = true} : memref<9x256xf32, #tpu.memory_space<vmem>>[vector<16xi32>, vector<16xi32>], vector<16xf32>,
      tpu.vector_store_idx %arg11[%get3A_2451, %and3A_2607], %gather3A_2634 {add = true} : memref<9x256xf32, #tpu.memory_space<vmem>>[vector<16xi32>, vector<16xi32>], vector<16xf32>,
      tpu.vector_store_idx %arg11[%get3A_2453, %and3A_2607], %gather3A_2639 {add = true} : memref<9x256xf32, #tpu.memory_space<vmem>>[vector<16xi32>, vector<16xi32>], vector<16xf32>,
      tpu.vector_store_idx %arg11[%get3A_2455, %and3A_2607], %gather3A_2644 {add = true} : memref<9x256xf32, #tpu.memory_space<vmem>>[vector<16xi32>, vector<16xi32>], vector<16xf32>,
      tpu.vector_store_idx %arg11[%get3A_2457, %and3A_2607], %gather3A_2649 {add = true} : memref<9x256xf32, #tpu.memory_space<vmem>>[vector<16xi32>, vector<16xi32>], vector<16xf32>,
      %add3A_2650 = arith.constant 1 : i32
      %add3A_2651 = vector.broadcast %add3A_2650 : i32 to vector<16xi32>
      %add3A_2652 = arith.addi %and3A_2607, %add3A_2651 : vector<16xi32>
      %and3A_2653 = arith.andi %add3A_2652, %broadcast_in_dim3A_2246 : vector<16xi32>
      scf.yield %and3A_2653 : vector<16xi32>
    }
    %scan3A_2464 = arith.constant 256 : i32
    %dma_wait3A_2465 = arith.constant 1 : i32
    %dma_wait3A_2466 = arith.constant 0 : i32
    %dma_wait3A_2467 = arith.constant 0 : i32
    %dma_wait3A_2468 = tpu.memref_slice %arg10[%dma_wait3A_2465, %dma_wait3A_2466, %dma_wait3A_2467] : memref<2x128x256xf32, #tpu.memory_space<vmem>> -> memref<1x128x256xf32, #tpu.memory_space<vmem>>
    %dma_wait3A_2469 = tpu.memref_squeeze %dma_wait3A_2468 : memref<1x128x256xf32, #tpu.memory_space<vmem>> -> memref<128x256xf32, #tpu.memory_space<vmem>>
    %dma_wait3A_2470 = arith.constant 0 : i32
    %dma_wait3A_2471 = tpu.memref_slice %arg2[%select_n3A, %add3A_2387, %dma_wait3A_2470] : memref<16x4096x256xf32, #tpu.memory_space<hbm>> -> memref<1x128x256xf32, #tpu.memory_space<hbm>>
    %dma_wait3A_2472 = tpu.memref_squeeze %dma_wait3A_2471 : memref<1x128x256xf32, #tpu.memory_space<hbm>> -> memref<128x256xf32, #tpu.memory_space<hbm>>
    %dma_wait3A_2473 = arith.constant 0 : i32
    %dma_wait3A_2474 = arith.constant 0 : i32
    %dma_wait3A_2475 = tpu.memref_slice %arg10[%dma_wait3A_2465, %dma_wait3A_2473, %dma_wait3A_2474] : memref<2x128x256xf32, #tpu.memory_space<vmem>> -> memref<1x128x256xf32, #tpu.memory_space<vmem>>
    %dma_wait3A_2476 = tpu.memref_squeeze %dma_wait3A_2475 : memref<1x128x256xf32, #tpu.memory_space<vmem>> -> memref<128x256xf32, #tpu.memory_space<vmem>>
    %dma_wait3A_2477 = arith.constant 0 : i32
    %dma_wait3A_2478 = tpu.memref_slice %arg2[%select_n3A, %add3A_2387, %dma_wait3A_2477] : memref<16x4096x256xf32, #tpu.memory_space<hbm>> -> memref<1x128x256xf32, #tpu.memory_space<hbm>>
    %dma_wait3A_2479 = tpu.memref_squeeze %dma_wait3A_2478 : memref<1x128x256xf32, #tpu.memory_space<hbm>> -> memref<128x256xf32, #tpu.memory_space<hbm>>
    tpu.wait_dma2 semaphore(%arg14 : memref<!tpu.dma_semaphore, #tpu.memory_space<semaphore_mem>>) src(%dma_wait3A_2479 : memref<128x256xf32, #tpu.memory_space<hbm>>) dst(%dma_wait3A_2476 : memref<128x256xf32, #tpu.memory_space<vmem>>)
    %add3A_2480 = arith.constant 0 : i32
    %add3A_2481 = vector.broadcast %add3A_2480 : i32 to vector<16xi32>
    %add3A_2482 = arith.addi %iota3A, %add3A_2481 : vector<16xi32>
    %add3A_2483 = arith.constant 16 : i32
    %add3A_2484 = vector.broadcast %add3A_2483 : i32 to vector<16xi32>
    %add3A_2485 = arith.addi %iota3A, %add3A_2484 : vector<16xi32>
    %add3A_2486 = arith.constant 32 : i32
    %add3A_2487 = vector.broadcast %add3A_2486 : i32 to vector<16xi32>
    %add3A_2488 = arith.addi %iota3A, %add3A_2487 : vector<16xi32>
    %add3A_2489 = arith.constant 48 : i32
    %add3A_2490 = vector.broadcast %add3A_2489 : i32 to vector<16xi32>
    %add3A_2491 = arith.addi %iota3A, %add3A_2490 : vector<16xi32>
    %add3A_2492 = arith.constant 64 : i32
    %add3A_2493 = vector.broadcast %add3A_2492 : i32 to vector<16xi32>
    %add3A_2494 = arith.addi %iota3A, %add3A_2493 : vector<16xi32>
    %add3A_2495 = arith.constant 80 : i32
    %add3A_2496 = vector.broadcast %add3A_2495 : i32 to vector<16xi32>
    %add3A_2497 = arith.addi %iota3A, %add3A_2496 : vector<16xi32>
    %add3A_2498 = arith.constant 96 : i32
    %add3A_2499 = vector.broadcast %add3A_2498 : i32 to vector<16xi32>
    %add3A_2500 = arith.addi %iota3A, %add3A_2499 : vector<16xi32>
    %add3A_2501 = arith.constant 112 : i32
    %add3A_2502 = vector.broadcast %add3A_2501 : i32 to vector<16xi32>
    %add3A_2503 = arith.addi %iota3A, %add3A_2502 : vector<16xi32>
    %get3A_2504 = arith.constant 384 : index
    %get3A_2505 = tpu.vector_load %arg9[%get3A_2504] {strides = array<i32>} : memref<512xi32, #tpu.memory_space<vmem>>, vector<16xi32>,
    %get3A_2506 = arith.constant 400 : index
    %get3A_2507 = tpu.vector_load %arg9[%get3A_2506] {strides = array<i32>} : memref<512xi32, #tpu.memory_space<vmem>>, vector<16xi32>,
    %get3A_2508 = arith.constant 416 : index
    %get3A_2509 = tpu.vector_load %arg9[%get3A_2508] {strides = array<i32>} : memref<512xi32, #tpu.memory_space<vmem>>, vector<16xi32>,
    %get3A_2510 = arith.constant 432 : index
    %get3A_2511 = tpu.vector_load %arg9[%get3A_2510] {strides = array<i32>} : memref<512xi32, #tpu.memory_space<vmem>>, vector<16xi32>,
    %get3A_2512 = arith.constant 448 : index
    %get3A_2513 = tpu.vector_load %arg9[%get3A_2512] {strides = array<i32>} : memref<512xi32, #tpu.memory_space<vmem>>, vector<16xi32>,
    %get3A_2514 = arith.constant 464 : index
    %get3A_2515 = tpu.vector_load %arg9[%get3A_2514] {strides = array<i32>} : memref<512xi32, #tpu.memory_space<vmem>>, vector<16xi32>,
    %get3A_2516 = arith.constant 480 : index
    %get3A_2517 = tpu.vector_load %arg9[%get3A_2516] {strides = array<i32>} : memref<512xi32, #tpu.memory_space<vmem>>, vector<16xi32>,
    %get3A_2518 = arith.constant 496 : index
    %get3A_2519 = tpu.vector_load %arg9[%get3A_2518] {strides = array<i32>} : memref<512xi32, #tpu.memory_space<vmem>>, vector<16xi32>,
    %scan3A_2520 = arith.constant 1 : i32
    %scan3A_2521 = arith.constant 0 : i32
    %scan3A_2522 = arith.constant 256 : i32
    %scan3A_2523 = arith.addi %scan3A_2521, %scan3A_2522 : i32
    %scan3A_2524 = arith.constant 2 : i32
    %scan3A_2525 = scf.for %scan3A_2563 = %scan3A_2521 to %scan3A_2523 step %scan3A_2524 iter_args(%scan3A_2564 = %iota3A) -> (vector<16xi32>)  : i32 {
      %gather3A = arith.constant 0 : i32
      %gather3A_2565 = arith.constant 0 : i32
      %gather3A_2566 = tpu.memref_slice %arg10[%scan3A_2520, %gather3A, %gather3A_2565] : memref<2x128x256xf32, #tpu.memory_space<vmem>> -> memref<1x128x256xf32, #tpu.memory_space<vmem>>
      %gather3A_2567 = tpu.memref_squeeze %gather3A_2566 : memref<1x128x256xf32, #tpu.memory_space<vmem>> -> memref<128x256xf32, #tpu.memory_space<vmem>>
      %gather3A_2568 = tpu.vector_load_idx %gather3A_2567[%add3A_2482, %scan3A_2564] : memref<128x256xf32, #tpu.memory_space<vmem>>[vector<16xi32>, vector<16xi32>], vector<16xf32>,
      %gather3A_2569 = arith.constant 0 : i32
      %gather3A_2570 = arith.constant 0 : i32
      %gather3A_2571 = tpu.memref_slice %arg10[%scan3A_2520, %gather3A_2569, %gather3A_2570] : memref<2x128x256xf32, #tpu.memory_space<vmem>> -> memref<1x128x256xf32, #tpu.memory_space<vmem>>
      %gather3A_2572 = tpu.memref_squeeze %gather3A_2571 : memref<1x128x256xf32, #tpu.memory_space<vmem>> -> memref<128x256xf32, #tpu.memory_space<vmem>>
      %gather3A_2573 = tpu.vector_load_idx %gather3A_2572[%add3A_2485, %scan3A_2564] : memref<128x256xf32, #tpu.memory_space<vmem>>[vector<16xi32>, vector<16xi32>], vector<16xf32>,
      %gather3A_2574 = arith.constant 0 : i32
      %gather3A_2575 = arith.constant 0 : i32
      %gather3A_2576 = tpu.memref_slice %arg10[%scan3A_2520, %gather3A_2574, %gather3A_2575] : memref<2x128x256xf32, #tpu.memory_space<vmem>> -> memref<1x128x256xf32, #tpu.memory_space<vmem>>
      %gather3A_2577 = tpu.memref_squeeze %gather3A_2576 : memref<1x128x256xf32, #tpu.memory_space<vmem>> -> memref<128x256xf32, #tpu.memory_space<vmem>>
      %gather3A_2578 = tpu.vector_load_idx %gather3A_2577[%add3A_2488, %scan3A_2564] : memref<128x256xf32, #tpu.memory_space<vmem>>[vector<16xi32>, vector<16xi32>], vector<16xf32>,
      %gather3A_2579 = arith.constant 0 : i32
      %gather3A_2580 = arith.constant 0 : i32
      %gather3A_2581 = tpu.memref_slice %arg10[%scan3A_2520, %gather3A_2579, %gather3A_2580] : memref<2x128x256xf32, #tpu.memory_space<vmem>> -> memref<1x128x256xf32, #tpu.memory_space<vmem>>
      %gather3A_2582 = tpu.memref_squeeze %gather3A_2581 : memref<1x128x256xf32, #tpu.memory_space<vmem>> -> memref<128x256xf32, #tpu.memory_space<vmem>>
      %gather3A_2583 = tpu.vector_load_idx %gather3A_2582[%add3A_2491, %scan3A_2564] : memref<128x256xf32, #tpu.memory_space<vmem>>[vector<16xi32>, vector<16xi32>], vector<16xf32>,
      %gather3A_2584 = arith.constant 0 : i32
      %gather3A_2585 = arith.constant 0 : i32
      %gather3A_2586 = tpu.memref_slice %arg10[%scan3A_2520, %gather3A_2584, %gather3A_2585] : memref<2x128x256xf32, #tpu.memory_space<vmem>> -> memref<1x128x256xf32, #tpu.memory_space<vmem>>
      %gather3A_2587 = tpu.memref_squeeze %gather3A_2586 : memref<1x128x256xf32, #tpu.memory_space<vmem>> -> memref<128x256xf32, #tpu.memory_space<vmem>>
      %gather3A_2588 = tpu.vector_load_idx %gather3A_2587[%add3A_2494, %scan3A_2564] : memref<128x256xf32, #tpu.memory_space<vmem>>[vector<16xi32>, vector<16xi32>], vector<16xf32>,
      %gather3A_2589 = arith.constant 0 : i32
      %gather3A_2590 = arith.constant 0 : i32
      %gather3A_2591 = tpu.memref_slice %arg10[%scan3A_2520, %gather3A_2589, %gather3A_2590] : memref<2x128x256xf32, #tpu.memory_space<vmem>> -> memref<1x128x256xf32, #tpu.memory_space<vmem>>
      %gather3A_2592 = tpu.memref_squeeze %gather3A_2591 : memref<1x128x256xf32, #tpu.memory_space<vmem>> -> memref<128x256xf32, #tpu.memory_space<vmem>>
      %gather3A_2593 = tpu.vector_load_idx %gather3A_2592[%add3A_2497, %scan3A_2564] : memref<128x256xf32, #tpu.memory_space<vmem>>[vector<16xi32>, vector<16xi32>], vector<16xf32>,
      %gather3A_2594 = arith.constant 0 : i32
      %gather3A_2595 = arith.constant 0 : i32
      %gather3A_2596 = tpu.memref_slice %arg10[%scan3A_2520, %gather3A_2594, %gather3A_2595] : memref<2x128x256xf32, #tpu.memory_space<vmem>> -> memref<1x128x256xf32, #tpu.memory_space<vmem>>
      %gather3A_2597 = tpu.memref_squeeze %gather3A_2596 : memref<1x128x256xf32, #tpu.memory_space<vmem>> -> memref<128x256xf32, #tpu.memory_space<vmem>>
      %gather3A_2598 = tpu.vector_load_idx %gather3A_2597[%add3A_2500, %scan3A_2564] : memref<128x256xf32, #tpu.memory_space<vmem>>[vector<16xi32>, vector<16xi32>], vector<16xf32>,
      %gather3A_2599 = arith.constant 0 : i32
      %gather3A_2600 = arith.constant 0 : i32
      %gather3A_2601 = tpu.memref_slice %arg10[%scan3A_2520, %gather3A_2599, %gather3A_2600] : memref<2x128x256xf32, #tpu.memory_space<vmem>> -> memref<1x128x256xf32, #tpu.memory_space<vmem>>
      %gather3A_2602 = tpu.memref_squeeze %gather3A_2601 : memref<1x128x256xf32, #tpu.memory_space<vmem>> -> memref<128x256xf32, #tpu.memory_space<vmem>>
      %gather3A_2603 = tpu.vector_load_idx %gather3A_2602[%add3A_2503, %scan3A_2564] : memref<128x256xf32, #tpu.memory_space<vmem>>[vector<16xi32>, vector<16xi32>], vector<16xf32>,
      tpu.vector_store_idx %arg11[%get3A_2505, %scan3A_2564], %gather3A_2568 {add = true} : memref<9x256xf32, #tpu.memory_space<vmem>>[vector<16xi32>, vector<16xi32>], vector<16xf32>,
      tpu.vector_store_idx %arg11[%get3A_2507, %scan3A_2564], %gather3A_2573 {add = true} : memref<9x256xf32, #tpu.memory_space<vmem>>[vector<16xi32>, vector<16xi32>], vector<16xf32>,
      tpu.vector_store_idx %arg11[%get3A_2509, %scan3A_2564], %gather3A_2578 {add = true} : memref<9x256xf32, #tpu.memory_space<vmem>>[vector<16xi32>, vector<16xi32>], vector<16xf32>,
      tpu.vector_store_idx %arg11[%get3A_2511, %scan3A_2564], %gather3A_2583 {add = true} : memref<9x256xf32, #tpu.memory_space<vmem>>[vector<16xi32>, vector<16xi32>], vector<16xf32>,
      tpu.vector_store_idx %arg11[%get3A_2513, %scan3A_2564], %gather3A_2588 {add = true} : memref<9x256xf32, #tpu.memory_space<vmem>>[vector<16xi32>, vector<16xi32>], vector<16xf32>,
      tpu.vector_store_idx %arg11[%get3A_2515, %scan3A_2564], %gather3A_2593 {add = true} : memref<9x256xf32, #tpu.memory_space<vmem>>[vector<16xi32>, vector<16xi32>], vector<16xf32>,
      tpu.vector_store_idx %arg11[%get3A_2517, %scan3A_2564], %gather3A_2598 {add = true} : memref<9x256xf32, #tpu.memory_space<vmem>>[vector<16xi32>, vector<16xi32>], vector<16xf32>,
      tpu.vector_store_idx %arg11[%get3A_2519, %scan3A_2564], %gather3A_2603 {add = true} : memref<9x256xf32, #tpu.memory_space<vmem>>[vector<16xi32>, vector<16xi32>], vector<16xf32>,
      %add3A_2604 = arith.constant 1 : i32
      %add3A_2605 = vector.broadcast %add3A_2604 : i32 to vector<16xi32>
      %add3A_2606 = arith.addi %scan3A_2564, %add3A_2605 : vector<16xi32>
      %and3A_2607 = arith.andi %add3A_2606, %broadcast_in_dim3A_2246 : vector<16xi32>
      %scan3A_2608 = arith.constant 1 : i32
      %scan3A_2609 = arith.addi %scan3A_2563, %scan3A_2608 : i32
      %gather3A_2610 = arith.constant 0 : i32
      %gather3A_2611 = arith.constant 0 : i32
      %gather3A_2612 = tpu.memref_slice %arg10[%scan3A_2520, %gather3A_2610, %gather3A_2611] : memref<2x128x256xf32, #tpu.memory_space<vmem>> -> memref<1x128x256xf32, #tpu.memory_space<vmem>>
      %gather3A_2613 = tpu.memref_squeeze %gather3A_2612 : memref<1x128x256xf32, #tpu.memory_space<vmem>> -> memref<128x256xf32, #tpu.memory_space<vmem>>
      %gather3A_2614 = tpu.vector_load_idx %gather3A_2613[%add3A_2482, %and3A_2607] : memref<128x256xf32, #tpu.memory_space<vmem>>[vector<16xi32>, vector<16xi32>], vector<16xf32>,
      %gather3A_2615 = arith.constant 0 : i32
      %gather3A_2616 = arith.constant 0 : i32
      %gather3A_2617 = tpu.memref_slice %arg10[%scan3A_2520, %gather3A_2615, %gather3A_2616] : memref<2x128x256xf32, #tpu.memory_space<vmem>> -> memref<1x128x256xf32, #tpu.memory_space<vmem>>
      %gather3A_2618 = tpu.memref_squeeze %gather3A_2617 : memref<1x128x256xf32, #tpu.memory_space<vmem>> -> memref<128x256xf32, #tpu.memory_space<vmem>>
      %gather3A_2619 = tpu.vector_load_idx %gather3A_2618[%add3A_2485, %and3A_2607] : memref<128x256xf32, #tpu.memory_space<vmem>>[vector<16xi32>, vector<16xi32>], vector<16xf32>,
      %gather3A_2620 = arith.constant 0 : i32
      %gather3A_2621 = arith.constant 0 : i32
      %gather3A_2622 = tpu.memref_slice %arg10[%scan3A_2520, %gather3A_2620, %gather3A_2621] : memref<2x128x256xf32, #tpu.memory_space<vmem>> -> memref<1x128x256xf32, #tpu.memory_space<vmem>>
      %gather3A_2623 = tpu.memref_squeeze %gather3A_2622 : memref<1x128x256xf32, #tpu.memory_space<vmem>> -> memref<128x256xf32, #tpu.memory_space<vmem>>
      %gather3A_2624 = tpu.vector_load_idx %gather3A_2623[%add3A_2488, %and3A_2607] : memref<128x256xf32, #tpu.memory_space<vmem>>[vector<16xi32>, vector<16xi32>], vector<16xf32>,
      %gather3A_2625 = arith.constant 0 : i32
      %gather3A_2626 = arith.constant 0 : i32
      %gather3A_2627 = tpu.memref_slice %arg10[%scan3A_2520, %gather3A_2625, %gather3A_2626] : memref<2x128x256xf32, #tpu.memory_space<vmem>> -> memref<1x128x256xf32, #tpu.memory_space<vmem>>
      %gather3A_2628 = tpu.memref_squeeze %gather3A_2627 : memref<1x128x256xf32, #tpu.memory_space<vmem>> -> memref<128x256xf32, #tpu.memory_space<vmem>>
      %gather3A_2629 = tpu.vector_load_idx %gather3A_2628[%add3A_2491, %and3A_2607] : memref<128x256xf32, #tpu.memory_space<vmem>>[vector<16xi32>, vector<16xi32>], vector<16xf32>,
      %gather3A_2630 = arith.constant 0 : i32
      %gather3A_2631 = arith.constant 0 : i32
      %gather3A_2632 = tpu.memref_slice %arg10[%scan3A_2520, %gather3A_2630, %gather3A_2631] : memref<2x128x256xf32, #tpu.memory_space<vmem>> -> memref<1x128x256xf32, #tpu.memory_space<vmem>>
      %gather3A_2633 = tpu.memref_squeeze %gather3A_2632 : memref<1x128x256xf32, #tpu.memory_space<vmem>> -> memref<128x256xf32, #tpu.memory_space<vmem>>
      %gather3A_2634 = tpu.vector_load_idx %gather3A_2633[%add3A_2494, %and3A_2607] : memref<128x256xf32, #tpu.memory_space<vmem>>[vector<16xi32>, vector<16xi32>], vector<16xf32>,
      %gather3A_2635 = arith.constant 0 : i32
      %gather3A_2636 = arith.constant 0 : i32
      %gather3A_2637 = tpu.memref_slice %arg10[%scan3A_2520, %gather3A_2635, %gather3A_2636] : memref<2x128x256xf32, #tpu.memory_space<vmem>> -> memref<1x128x256xf32, #tpu.memory_space<vmem>>
      %gather3A_2638 = tpu.memref_squeeze %gather3A_2637 : memref<1x128x256xf32, #tpu.memory_space<vmem>> -> memref<128x256xf32, #tpu.memory_space<vmem>>
      %gather3A_2639 = tpu.vector_load_idx %gather3A_2638[%add3A_2497, %and3A_2607] : memref<128x256xf32, #tpu.memory_space<vmem>>[vector<16xi32>, vector<16xi32>], vector<16xf32>,
      %gather3A_2640 = arith.constant 0 : i32
      %gather3A_2641 = arith.constant 0 : i32
      %gather3A_2642 = tpu.memref_slice %arg10[%scan3A_2520, %gather3A_2640, %gather3A_2641] : memref<2x128x256xf32, #tpu.memory_space<vmem>> -> memref<1x128x256xf32, #tpu.memory_space<vmem>>
      %gather3A_2643 = tpu.memref_squeeze %gather3A_2642 : memref<1x128x256xf32, #tpu.memory_space<vmem>> -> memref<128x256xf32, #tpu.memory_space<vmem>>
      %gather3A_2644 = tpu.vector_load_idx %gather3A_2643[%add3A_2500, %and3A_2607] : memref<128x256xf32, #tpu.memory_space<vmem>>[vector<16xi32>, vector<16xi32>], vector<16xf32>,
      %gather3A_2645 = arith.constant 0 : i32
      %gather3A_2646 = arith.constant 0 : i32
      %gather3A_2647 = tpu.memref_slice %arg10[%scan3A_2520, %gather3A_2645, %gather3A_2646] : memref<2x128x256xf32, #tpu.memory_space<vmem>> -> memref<1x128x256xf32, #tpu.memory_space<vmem>>
      %gather3A_2648 = tpu.memref_squeeze %gather3A_2647 : memref<1x128x256xf32, #tpu.memory_space<vmem>> -> memref<128x256xf32, #tpu.memory_space<vmem>>
      %gather3A_2649 = tpu.vector_load_idx %gather3A_2648[%add3A_2503, %and3A_2607] : memref<128x256xf32, #tpu.memory_space<vmem>>[vector<16xi32>, vector<16xi32>], vector<16xf32>,
      tpu.vector_store_idx %arg11[%get3A_2505, %and3A_2607], %gather3A_2614 {add = true} : memref<9x256xf32, #tpu.memory_space<vmem>>[vector<16xi32>, vector<16xi32>], vector<16xf32>,
      tpu.vector_store_idx %arg11[%get3A_2507, %and3A_2607], %gather3A_2619 {add = true} : memref<9x256xf32, #tpu.memory_space<vmem>>[vector<16xi32>, vector<16xi32>], vector<16xf32>,
      tpu.vector_store_idx %arg11[%get3A_2509, %and3A_2607], %gather3A_2624 {add = true} : memref<9x256xf32, #tpu.memory_space<vmem>>[vector<16xi32>, vector<16xi32>], vector<16xf32>,
      tpu.vector_store_idx %arg11[%get3A_2511, %and3A_2607], %gather3A_2629 {add = true} : memref<9x256xf32, #tpu.memory_space<vmem>>[vector<16xi32>, vector<16xi32>], vector<16xf32>,
      tpu.vector_store_idx %arg11[%get3A_2513, %and3A_2607], %gather3A_2634 {add = true} : memref<9x256xf32, #tpu.memory_space<vmem>>[vector<16xi32>, vector<16xi32>], vector<16xf32>,
      tpu.vector_store_idx %arg11[%get3A_2515, %and3A_2607], %gather3A_2639 {add = true} : memref<9x256xf32, #tpu.memory_space<vmem>>[vector<16xi32>, vector<16xi32>], vector<16xf32>,
      tpu.vector_store_idx %arg11[%get3A_2517, %and3A_2607], %gather3A_2644 {add = true} : memref<9x256xf32, #tpu.memory_space<vmem>>[vector<16xi32>, vector<16xi32>], vector<16xf32>,
      tpu.vector_store_idx %arg11[%get3A_2519, %and3A_2607], %gather3A_2649 {add = true} : memref<9x256xf32, #tpu.memory_space<vmem>>[vector<16xi32>, vector<16xi32>], vector<16xf32>,
      %add3A_2650 = arith.constant 1 : i32
      %add3A_2651 = vector.broadcast %add3A_2650 : i32 to vector<16xi32>
      %add3A_2652 = arith.addi %and3A_2607, %add3A_2651 : vector<16xi32>
      %and3A_2653 = arith.andi %add3A_2652, %broadcast_in_dim3A_2246 : vector<16xi32>
      scf.yield %and3A_2653 : vector<16xi32>
    }
    %scan3A_2526 = arith.constant 256 : i32
    %swap3A_2527 = arith.constant 0 : i32
    %swap3A_2528 = arith.index_cast %swap3A_2527 : i32 to index
    %swap3A_2529 = arith.constant 0 : index
    %swap3A_2530 = tpu.vector_load %arg12[%swap3A_2528, %swap3A_2529] {strides = array<i32>} : memref<8x16xf32, #tpu.memory_space<vmem>>, vector<16xf32>,
    tpu.vector_store %arg12[%swap3A_2528, %swap3A_2529], %add3A_2209 {strides = array<i32>} : memref<8x16xf32, #tpu.memory_space<vmem>>, vector<16xf32>,
    %swap3A_2531 = arith.constant 1 : i32
    %swap3A_2532 = arith.index_cast %swap3A_2531 : i32 to index
    %swap3A_2533 = arith.constant 0 : index
    %swap3A_2534 = tpu.vector_load %arg12[%swap3A_2532, %swap3A_2533] {strides = array<i32>} : memref<8x16xf32, #tpu.memory_space<vmem>>, vector<16xf32>,
    tpu.vector_store %arg12[%swap3A_2532, %swap3A_2533], %add3A_2214 {strides = array<i32>} : memref<8x16xf32, #tpu.memory_space<vmem>>, vector<16xf32>,
    %swap3A_2535 = arith.constant 2 : i32
    %swap3A_2536 = arith.index_cast %swap3A_2535 : i32 to index
    %swap3A_2537 = arith.constant 0 : index
    %swap3A_2538 = tpu.vector_load %arg12[%swap3A_2536, %swap3A_2537] {strides = array<i32>} : memref<8x16xf32, #tpu.memory_space<vmem>>, vector<16xf32>,
    tpu.vector_store %arg12[%swap3A_2536, %swap3A_2537], %add3A_2219 {strides = array<i32>} : memref<8x16xf32, #tpu.memory_space<vmem>>, vector<16xf32>,
    %swap3A_2539 = arith.constant 3 : i32
    %swap3A_2540 = arith.index_cast %swap3A_2539 : i32 to index
    %swap3A_2541 = arith.constant 0 : index
    %swap3A_2542 = tpu.vector_load %arg12[%swap3A_2540, %swap3A_2541] {strides = array<i32>} : memref<8x16xf32, #tpu.memory_space<vmem>>, vector<16xf32>,
    tpu.vector_store %arg12[%swap3A_2540, %swap3A_2541], %add3A_2224 {strides = array<i32>} : memref<8x16xf32, #tpu.memory_space<vmem>>, vector<16xf32>,
    %swap3A_2543 = arith.constant 4 : i32
    %swap3A_2544 = arith.index_cast %swap3A_2543 : i32 to index
    %swap3A_2545 = arith.constant 0 : index
    %swap3A_2546 = tpu.vector_load %arg12[%swap3A_2544, %swap3A_2545] {strides = array<i32>} : memref<8x16xf32, #tpu.memory_space<vmem>>, vector<16xf32>,
    tpu.vector_store %arg12[%swap3A_2544, %swap3A_2545], %add3A_2229 {strides = array<i32>} : memref<8x16xf32, #tpu.memory_space<vmem>>, vector<16xf32>,
    %swap3A_2547 = arith.constant 5 : i32
    %swap3A_2548 = arith.index_cast %swap3A_2547 : i32 to index
    %swap3A_2549 = arith.constant 0 : index
    %swap3A_2550 = tpu.vector_load %arg12[%swap3A_2548, %swap3A_2549] {strides = array<i32>} : memref<8x16xf32, #tpu.memory_space<vmem>>, vector<16xf32>,
    tpu.vector_store %arg12[%swap3A_2548, %swap3A_2549], %add3A_2234 {strides = array<i32>} : memref<8x16xf32, #tpu.memory_space<vmem>>, vector<16xf32>,
    %swap3A_2551 = arith.constant 6 : i32
    %swap3A_2552 = arith.index_cast %swap3A_2551 : i32 to index
    %swap3A_2553 = arith.constant 0 : index
    %swap3A_2554 = tpu.vector_load %arg12[%swap3A_2552, %swap3A_2553] {strides = array<i32>} : memref<8x16xf32, #tpu.memory_space<vmem>>, vector<16xf32>,
    tpu.vector_store %arg12[%swap3A_2552, %swap3A_2553], %add3A_2239 {strides = array<i32>} : memref<8x16xf32, #tpu.memory_space<vmem>>, vector<16xf32>,
    %swap3A_2555 = arith.constant 7 : i32
    %swap3A_2556 = arith.index_cast %swap3A_2555 : i32 to index
    %swap3A_2557 = arith.constant 0 : index
    %swap3A_2558 = tpu.vector_load %arg12[%swap3A_2556, %swap3A_2557] {strides = array<i32>} : memref<8x16xf32, #tpu.memory_space<vmem>>, vector<16xf32>,
    tpu.vector_store %arg12[%swap3A_2556, %swap3A_2557], %add3A_2244 {strides = array<i32>} : memref<8x16xf32, #tpu.memory_space<vmem>>, vector<16xf32>,
    %mul3A_2559 = arith.constant 8 : i32
    %mul3A_2560 = arith.muli %select_n3A, %mul3A_2559 : i32
    "tpu.region"() ({
      %run_scoped3A = tpu.sem_alloc : memref<!tpu.dma_semaphore, #tpu.memory_space<semaphore_mem>>
      %dma_start3A_2563 = arith.constant 0 : i32
      %dma_start3A_2564 = arith.constant 0 : i32
      %dma_start3A_2565 = tpu.memref_slice %arg11[%dma_start3A_2563, %dma_start3A_2564] : memref<9x256xf32, #tpu.memory_space<vmem>> -> memref<8x256xf32, #tpu.memory_space<vmem>>
      %dma_start3A_2566 = arith.constant 0 : i32
      %dma_start3A_2567 = tpu.memref_slice %arg5[%select_n3A_30, %mul3A_2560, %dma_start3A_2566] : memref<8x32x256xf32, #tpu.memory_space<hbm>> -> memref<1x8x256xf32, #tpu.memory_space<hbm>>
      %dma_start3A_2568 = tpu.memref_squeeze %dma_start3A_2567 : memref<1x8x256xf32, #tpu.memory_space<hbm>> -> memref<8x256xf32, #tpu.memory_space<hbm>>
      %dma_start3A_2569 = arith.constant 0 : i32
      %dma_start3A_2570 = tpu.memref_slice %arg5[%select_n3A_30, %mul3A_2560, %dma_start3A_2569] : memref<8x32x256xf32, #tpu.memory_space<hbm>> -> memref<1x8x256xf32, #tpu.memory_space<hbm>>
      %dma_start3A_2571 = tpu.memref_squeeze %dma_start3A_2570 : memref<1x8x256xf32, #tpu.memory_space<hbm>> -> memref<8x256xf32, #tpu.memory_space<hbm>>
      %dma_start3A_2572 = arith.constant 0 : i32
      %dma_start3A_2573 = arith.constant 0 : i32
      %dma_start3A_2574 = tpu.memref_slice %arg11[%dma_start3A_2572, %dma_start3A_2573] : memref<9x256xf32, #tpu.memory_space<vmem>> -> memref<8x256xf32, #tpu.memory_space<vmem>>
      tpu.enqueue_dma source(%dma_start3A_2574 : memref<8x256xf32, #tpu.memory_space<vmem>>) target(%dma_start3A_2571 : memref<8x256xf32, #tpu.memory_space<hbm>>) target_semaphore(%run_scoped3A : memref<!tpu.dma_semaphore, #tpu.memory_space<semaphore_mem>>)
      %dma_wait3A_2575 = arith.constant 0 : i32
      %dma_wait3A_2576 = arith.constant 0 : i32
      %dma_wait3A_2577 = tpu.memref_slice %arg11[%dma_wait3A_2575, %dma_wait3A_2576] : memref<9x256xf32, #tpu.memory_space<vmem>> -> memref<8x256xf32, #tpu.memory_space<vmem>>
      %dma_wait3A_2578 = arith.constant 0 : i32
      %dma_wait3A_2579 = tpu.memref_slice %arg5[%select_n3A_30, %mul3A_2560, %dma_wait3A_2578] : memref<8x32x256xf32, #tpu.memory_space<hbm>> -> memref<1x8x256xf32, #tpu.memory_space<hbm>>
      %dma_wait3A_2580 = tpu.memref_squeeze %dma_wait3A_2579 : memref<1x8x256xf32, #tpu.memory_space<hbm>> -> memref<8x256xf32, #tpu.memory_space<hbm>>
      %dma_wait3A_2581 = arith.constant 0 : i32
      %dma_wait3A_2582 = tpu.memref_slice %arg5[%select_n3A_30, %mul3A_2560, %dma_wait3A_2581] : memref<8x32x256xf32, #tpu.memory_space<hbm>> -> memref<1x8x256xf32, #tpu.memory_space<hbm>>
      %dma_wait3A_2583 = tpu.memref_squeeze %dma_wait3A_2582 : memref<1x8x256xf32, #tpu.memory_space<hbm>> -> memref<8x256xf32, #tpu.memory_space<hbm>>
      %dma_wait3A_2584 = arith.constant 0 : i32
      %dma_wait3A_2585 = arith.constant 0 : i32
      %dma_wait3A_2586 = tpu.memref_slice %arg11[%dma_wait3A_2584, %dma_wait3A_2585] : memref<9x256xf32, #tpu.memory_space<vmem>> -> memref<8x256xf32, #tpu.memory_space<vmem>>
      tpu.wait_dma2 semaphore(%run_scoped3A : memref<!tpu.dma_semaphore, #tpu.memory_space<semaphore_mem>>) src(%dma_wait3A_2586 : memref<8x256xf32, #tpu.memory_space<vmem>>) dst(%dma_wait3A_2583 : memref<8x256xf32, #tpu.memory_space<hbm>>)
      tpu.yield
    }) : () -> ()
    %mul3A_2561 = arith.constant 8 : i32
    %mul3A_2562 = arith.muli %select_n3A, %mul3A_2561 : i32
    "tpu.region"() ({
      %run_scoped3A = tpu.sem_alloc : memref<!tpu.dma_semaphore, #tpu.memory_space<semaphore_mem>>
      %dma_start3A_2563 = arith.constant 0 : i32
      %dma_start3A_2564 = tpu.memref_slice %arg6[%select_n3A_30, %mul3A_2562, %dma_start3A_2563] : memref<8x32x16xf32, #tpu.memory_space<hbm>> -> memref<1x8x16xf32, #tpu.memory_space<hbm>>
      %dma_start3A_2565 = tpu.memref_squeeze %dma_start3A_2564 : memref<1x8x16xf32, #tpu.memory_space<hbm>> -> memref<8x16xf32, #tpu.memory_space<hbm>>
      %dma_start3A_2566 = arith.constant 0 : i32
      %dma_start3A_2567 = tpu.memref_slice %arg6[%select_n3A_30, %mul3A_2562, %dma_start3A_2566] : memref<8x32x16xf32, #tpu.memory_space<hbm>> -> memref<1x8x16xf32, #tpu.memory_space<hbm>>
      %dma_start3A_2568 = tpu.memref_squeeze %dma_start3A_2567 : memref<1x8x16xf32, #tpu.memory_space<hbm>> -> memref<8x16xf32, #tpu.memory_space<hbm>>
      tpu.enqueue_dma source(%arg12 : memref<8x16xf32, #tpu.memory_space<vmem>>) target(%dma_start3A_2568 : memref<8x16xf32, #tpu.memory_space<hbm>>) target_semaphore(%run_scoped3A : memref<!tpu.dma_semaphore, #tpu.memory_space<semaphore_mem>>)
      %dma_wait3A_2569 = arith.constant 0 : i32
      %dma_wait3A_2570 = tpu.memref_slice %arg6[%select_n3A_30, %mul3A_2562, %dma_wait3A_2569] : memref<8x32x16xf32, #tpu.memory_space<hbm>> -> memref<1x8x16xf32, #tpu.memory_space<hbm>>
      %dma_wait3A_2571 = tpu.memref_squeeze %dma_wait3A_2570 : memref<1x8x16xf32, #tpu.memory_space<hbm>> -> memref<8x16xf32, #tpu.memory_space<hbm>>
      %dma_wait3A_2572 = arith.constant 0 : i32
      %dma_wait3A_2573 = tpu.memref_slice %arg6[%select_n3A_30, %mul3A_2562, %dma_wait3A_2572] : memref<8x32x16xf32, #tpu.memory_space<hbm>> -> memref<1x8x16xf32, #tpu.memory_space<hbm>>
      %dma_wait3A_2574 = tpu.memref_squeeze %dma_wait3A_2573 : memref<1x8x16xf32, #tpu.memory_space<hbm>> -> memref<8x16xf32, #tpu.memory_space<hbm>>
      tpu.wait_dma2 semaphore(%run_scoped3A : memref<!tpu.dma_semaphore, #tpu.memory_space<semaphore_mem>>) src(%arg12 : memref<8x16xf32, #tpu.memory_space<vmem>>) dst(%dma_wait3A_2574 : memref<8x16xf32, #tpu.memory_space<hbm>>)
      tpu.yield
    }) : () -> ()
    return
  }
}

module attributes {stable_mosaic.version = 14 : i64} {
  func.func @_tc_segment_body(%arg0: i32, %arg1: memref<1x1x4096xi32, #tpu.memory_space<vmem>>, %arg2: memref<1x1x4096xi32, #tpu.memory_space<vmem>>, %arg3: memref<1x4096x256xf32, #tpu.memory_space<vmem>>, %arg4: memref<1x8x256xf32, #tpu.memory_space<vmem>>, %arg5: memref<1x8x1xf32, #tpu.memory_space<vmem>>) attributes {dimension_semantics = [#tpu.dimension_semantics<arbitrary>], iteration_bounds = array<i64: 12>, scalar_prefetch = 0 : i64, scratch_operands = 0 : i64, tpu.core_type = #tpu.core_type<tc>, window_params = [{transform_indices = @transform_0, window_bounds = array<i64: 1, 1, 4096>}, {transform_indices = @transform_1, window_bounds = array<i64: 1, 1, 4096>}, {transform_indices = @transform_2, window_bounds = array<i64: 1, 4096, 256>}, {transform_indices = @transform_3, window_bounds = array<i64: 1, 8, 256>}, {transform_indices = @transform_4, window_bounds = array<i64: 1, 8, 1>}]} {
    %get3A = arith.constant 0 : index
    %get3A_0 = arith.constant 0 : index
    %get3A_1 = arith.constant 0 : index
    %get3A_2 = vector.load %arg1[%get3A, %get3A_0, %get3A_1] : memref<1x1x4096xi32, #tpu.memory_space<vmem>>, vector<1x1x4096xi32>
    %get3A_3 = vector.shape_cast %get3A_2 : vector<1x1x4096xi32> to vector<1x4096xi32>
    %get3A_4 = arith.constant 0 : index
    %get3A_5 = arith.constant 0 : index
    %get3A_6 = arith.constant 0 : index
    %get3A_7 = vector.load %arg2[%get3A_4, %get3A_5, %get3A_6] : memref<1x1x4096xi32, #tpu.memory_space<vmem>>, vector<1x1x4096xi32>
    %get3A_8 = vector.shape_cast %get3A_7 : vector<1x1x4096xi32> to vector<1x4096xi32>
    %iota3A = tpu.iota {dimensions = array<i32: 0>} : vector<8x4096xi32>
    %eq3A = vector.broadcast %get3A_3 : vector<1x4096xi32> to vector<8x4096xi32>
    %eq3A_9 = arith.cmpi eq, %eq3A, %iota3A : vector<8x4096xi32>
    %ne3A = arith.constant 0 : i32
    %ne3A_10 = vector.broadcast %ne3A : i32 to vector<1x4096xi32>
    %ne3A_11 = arith.cmpi ne, %get3A_8, %ne3A_10 : vector<1x4096xi32>
    %and3A = vector.broadcast %ne3A_11 : vector<1x4096xi1> to vector<8x4096xi1>
    %and3A_12 = arith.andi %eq3A_9, %and3A : vector<8x4096xi1>
    %jit3A = arith.constant 1.000000e+00 : f32
    %jit3A_13 = arith.constant 0.000000e+00 : f32
    %broadcast_in_dim3A = vector.broadcast %jit3A : f32 to vector<8x4096xf32>
    %broadcast_in_dim3A_14 = vector.broadcast %jit3A_13 : f32 to vector<8x4096xf32>
    %select_n3A = arith.select %and3A_12, %broadcast_in_dim3A, %broadcast_in_dim3A_14 : vector<8x4096xi1>, vector<8x4096xf32>
    %get3A_15 = arith.constant 0 : index
    %get3A_16 = arith.constant 0 : index
    %get3A_17 = arith.constant 0 : index
    %get3A_18 = vector.load %arg3[%get3A_15, %get3A_16, %get3A_17] : memref<1x4096x256xf32, #tpu.memory_space<vmem>>, vector<1x4096x256xf32>
    %get3A_19 = vector.shape_cast %get3A_18 : vector<1x4096x256xf32> to vector<4096x256xf32>
    %dot_general3A = arith.constant dense<0.000000e+00> : vector<8x256xf32>
    %dot_general3A_20 = tpu.matmul %select_n3A, %get3A_19, %dot_general3A {dimension_numbers = #tpu.dot_dimension_numbers<[1], [0], [0], [1], [0, 0, 1, 1], [], []>, transpose_lhs_hint = false} : vector<8x4096xf32>, vector<4096x256xf32>, vector<8x256xf32> -> vector<8x256xf32>
    %swap3A = arith.constant 0 : index
    %swap3A_21 = arith.constant 0 : index
    %swap3A_22 = arith.constant 0 : index
    %swap3A_23 = vector.load %arg4[%swap3A, %swap3A_21, %swap3A_22] : memref<1x8x256xf32, #tpu.memory_space<vmem>>, vector<1x8x256xf32>
    %swap3A_24 = vector.shape_cast %swap3A_23 : vector<1x8x256xf32> to vector<8x256xf32>
    %swap3A_25 = vector.shape_cast %dot_general3A_20 : vector<8x256xf32> to vector<1x8x256xf32>
    tpu.vector_store %arg4[%swap3A, %swap3A_21, %swap3A_22], %swap3A_25 {strides = array<i32>} : memref<1x8x256xf32, #tpu.memory_space<vmem>>, vector<1x8x256xf32>,
    %reduce_sum3A = arith.constant dense<0.000000e+00> : vector<8xf32>
    %reduce_sum3A_26 = vector.multi_reduction <add>, %select_n3A, %reduce_sum3A [1] : vector<8x4096xf32> to vector<8xf32>
    %broadcast_in_dim3A_27 = vector.shape_cast %reduce_sum3A_26 : vector<8xf32> to vector<8x1xf32>
    %swap3A_28 = arith.constant 0 : index
    %swap3A_29 = arith.constant 0 : index
    %swap3A_30 = arith.constant 0 : index
    %swap3A_31 = vector.load %arg5[%swap3A_28, %swap3A_29, %swap3A_30] : memref<1x8x1xf32, #tpu.memory_space<vmem>>, vector<1x8x1xf32>
    %swap3A_32 = vector.shape_cast %swap3A_31 : vector<1x8x1xf32> to vector<8x1xf32>
    %swap3A_33 = vector.shape_cast %broadcast_in_dim3A_27 : vector<8x1xf32> to vector<1x8x1xf32>
    tpu.vector_store %arg5[%swap3A_28, %swap3A_29, %swap3A_30], %swap3A_33 {strides = array<i32>} : memref<1x8x1xf32, #tpu.memory_space<vmem>>, vector<1x8x1xf32>,
    return
  }
  func.func @transform_0(%arg0: i32) -> (i32, i32, i32) {
    %add3A = arith.constant 4 : i32
    %add3A_0 = arith.addi %arg0, %add3A : i32
    %c0_i32 = arith.constant 0 : i32
    %c0_i32_1 = arith.constant 0 : i32
    %c0_i32_2 = arith.constant 0 : i32
    return %add3A_0, %c0_i32, %c0_i32_1 : i32, i32, i32
  }
  func.func @transform_1(%arg0: i32) -> (i32, i32, i32) {
    %add3A = arith.constant 4 : i32
    %add3A_0 = arith.addi %arg0, %add3A : i32
    %c0_i32 = arith.constant 0 : i32
    %c0_i32_1 = arith.constant 0 : i32
    %c0_i32_2 = arith.constant 0 : i32
    return %add3A_0, %c0_i32, %c0_i32_1 : i32, i32, i32
  }
  func.func @transform_2(%arg0: i32) -> (i32, i32, i32) {
    %add3A = arith.constant 4 : i32
    %add3A_0 = arith.addi %arg0, %add3A : i32
    %c0_i32 = arith.constant 0 : i32
    %c0_i32_1 = arith.constant 0 : i32
    %c0_i32_2 = arith.constant 0 : i32
    return %add3A_0, %c0_i32, %c0_i32_1 : i32, i32, i32
  }
  func.func @transform_3(%arg0: i32) -> (i32, i32, i32) {
    %c0_i32 = arith.constant 0 : i32
    %c0_i32_0 = arith.constant 0 : i32
    %c0_i32_1 = arith.constant 0 : i32
    return %arg0, %c0_i32, %c0_i32_0 : i32, i32, i32
  }
  func.func @transform_4(%arg0: i32) -> (i32, i32, i32) {
    %c0_i32 = arith.constant 0 : i32
    %c0_i32_0 = arith.constant 0 : i32
    %c0_i32_1 = arith.constant 0 : i32
    return %arg0, %c0_i32, %c0_i32_0 : i32, i32, i32
  }
}

module attributes {stable_mosaic.version = 14 : i64} {
  func.func @_head_body(%arg0: memref<8x32x256xf32, #tpu.memory_space<vmem>>, %arg1: memref<8x32x16xf32, #tpu.memory_space<vmem>>, %arg2: memref<96x256xf32, #tpu.memory_space<vmem>>, %arg3: memref<96x1xf32, #tpu.memory_space<vmem>>, %arg4: memref<256x128xf32, #tpu.memory_space<vmem>>, %arg5: memref<1x128xf32, #tpu.memory_space<vmem>>, %arg6: memref<128x14xf32, #tpu.memory_space<vmem>>, %arg7: memref<1x14xf32, #tpu.memory_space<vmem>>, %arg8: memref<256x64xf32, #tpu.memory_space<vmem>>, %arg9: memref<1x64xf32, #tpu.memory_space<vmem>>, %arg10: memref<64x3xf32, #tpu.memory_space<vmem>>, %arg11: memref<1x3xf32, #tpu.memory_space<vmem>>, %arg12: memref<1x7xf32, #tpu.memory_space<vmem>>, %arg13: memref<128x2xf32, #tpu.memory_space<vmem>>, %arg14: memref<128x7xf32, #tpu.memory_space<vmem>>, %arg15: memref<128x7xf32, #tpu.memory_space<vmem>>, %arg16: memref<128x1xf32, #tpu.memory_space<vmem>>, %arg17: memref<128x1xf32, #tpu.memory_space<vmem>>, %arg18: memref<128x1xf32, #tpu.memory_space<vmem>>) attributes {dimension_semantics = [], scalar_prefetch = 0 : i64, scratch_operands = 0 : i64, tpu.core_type = #tpu.core_type<tc>} {
    %get3A = arith.constant 0 : index
    %get3A_0 = arith.constant 0 : index
    %get3A_1 = arith.constant 0 : index
    %get3A_2 = vector.load %arg0[%get3A, %get3A_0, %get3A_1] : memref<8x32x256xf32, #tpu.memory_space<vmem>>, vector<1x32x256xf32>
    %get3A_3 = vector.shape_cast %get3A_2 : vector<1x32x256xf32> to vector<32x256xf32>
    %get3A_4 = arith.constant 0 : index
    %get3A_5 = arith.constant 0 : index
    %get3A_6 = arith.constant 0 : index
    %get3A_7 = vector.load %arg1[%get3A_4, %get3A_5, %get3A_6] : memref<8x32x16xf32, #tpu.memory_space<vmem>>, vector<1x32x16xf32>
    %get3A_8 = vector.shape_cast %get3A_7 : vector<1x32x16xf32> to vector<32x16xf32>
    %get3A_9 = arith.constant 1 : index
    %get3A_10 = arith.constant 0 : index
    %get3A_11 = arith.constant 0 : index
    %get3A_12 = vector.load %arg0[%get3A_9, %get3A_10, %get3A_11] : memref<8x32x256xf32, #tpu.memory_space<vmem>>, vector<1x32x256xf32>
    %get3A_13 = vector.shape_cast %get3A_12 : vector<1x32x256xf32> to vector<32x256xf32>
    %add3A = arith.addf %get3A_3, %get3A_13 : vector<32x256xf32>
    %get3A_14 = arith.constant 1 : index
    %get3A_15 = arith.constant 0 : index
    %get3A_16 = arith.constant 0 : index
    %get3A_17 = vector.load %arg1[%get3A_14, %get3A_15, %get3A_16] : memref<8x32x16xf32, #tpu.memory_space<vmem>>, vector<1x32x16xf32>
    %get3A_18 = vector.shape_cast %get3A_17 : vector<1x32x16xf32> to vector<32x16xf32>
    %add3A_19 = arith.addf %get3A_8, %get3A_18 : vector<32x16xf32>
    %get3A_20 = arith.constant 2 : index
    %get3A_21 = arith.constant 0 : index
    %get3A_22 = arith.constant 0 : index
    %get3A_23 = vector.load %arg0[%get3A_20, %get3A_21, %get3A_22] : memref<8x32x256xf32, #tpu.memory_space<vmem>>, vector<1x32x256xf32>
    %get3A_24 = vector.shape_cast %get3A_23 : vector<1x32x256xf32> to vector<32x256xf32>
    %add3A_25 = arith.addf %add3A, %get3A_24 : vector<32x256xf32>
    %get3A_26 = arith.constant 2 : index
    %get3A_27 = arith.constant 0 : index
    %get3A_28 = arith.constant 0 : index
    %get3A_29 = vector.load %arg1[%get3A_26, %get3A_27, %get3A_28] : memref<8x32x16xf32, #tpu.memory_space<vmem>>, vector<1x32x16xf32>
    %get3A_30 = vector.shape_cast %get3A_29 : vector<1x32x16xf32> to vector<32x16xf32>
    %add3A_31 = arith.addf %add3A_19, %get3A_30 : vector<32x16xf32>
    %get3A_32 = arith.constant 3 : index
    %get3A_33 = arith.constant 0 : index
    %get3A_34 = arith.constant 0 : index
    %get3A_35 = vector.load %arg0[%get3A_32, %get3A_33, %get3A_34] : memref<8x32x256xf32, #tpu.memory_space<vmem>>, vector<1x32x256xf32>
    %get3A_36 = vector.shape_cast %get3A_35 : vector<1x32x256xf32> to vector<32x256xf32>
    %add3A_37 = arith.addf %add3A_25, %get3A_36 : vector<32x256xf32>
    %get3A_38 = arith.constant 3 : index
    %get3A_39 = arith.constant 0 : index
    %get3A_40 = arith.constant 0 : index
    %get3A_41 = vector.load %arg1[%get3A_38, %get3A_39, %get3A_40] : memref<8x32x16xf32, #tpu.memory_space<vmem>>, vector<1x32x16xf32>
    %get3A_42 = vector.shape_cast %get3A_41 : vector<1x32x16xf32> to vector<32x16xf32>
    %add3A_43 = arith.addf %add3A_31, %get3A_42 : vector<32x16xf32>
    %get3A_44 = arith.constant 4 : index
    %get3A_45 = arith.constant 0 : index
    %get3A_46 = arith.constant 0 : index
    %get3A_47 = vector.load %arg0[%get3A_44, %get3A_45, %get3A_46] : memref<8x32x256xf32, #tpu.memory_space<vmem>>, vector<1x32x256xf32>
    %get3A_48 = vector.shape_cast %get3A_47 : vector<1x32x256xf32> to vector<32x256xf32>
    %add3A_49 = arith.addf %add3A_37, %get3A_48 : vector<32x256xf32>
    %get3A_50 = arith.constant 4 : index
    %get3A_51 = arith.constant 0 : index
    %get3A_52 = arith.constant 0 : index
    %get3A_53 = vector.load %arg1[%get3A_50, %get3A_51, %get3A_52] : memref<8x32x16xf32, #tpu.memory_space<vmem>>, vector<1x32x16xf32>
    %get3A_54 = vector.shape_cast %get3A_53 : vector<1x32x16xf32> to vector<32x16xf32>
    %add3A_55 = arith.addf %add3A_43, %get3A_54 : vector<32x16xf32>
    %get3A_56 = arith.constant 5 : index
    %get3A_57 = arith.constant 0 : index
    %get3A_58 = arith.constant 0 : index
    %get3A_59 = vector.load %arg0[%get3A_56, %get3A_57, %get3A_58] : memref<8x32x256xf32, #tpu.memory_space<vmem>>, vector<1x32x256xf32>
    %get3A_60 = vector.shape_cast %get3A_59 : vector<1x32x256xf32> to vector<32x256xf32>
    %add3A_61 = arith.addf %add3A_49, %get3A_60 : vector<32x256xf32>
    %get3A_62 = arith.constant 5 : index
    %get3A_63 = arith.constant 0 : index
    %get3A_64 = arith.constant 0 : index
    %get3A_65 = vector.load %arg1[%get3A_62, %get3A_63, %get3A_64] : memref<8x32x16xf32, #tpu.memory_space<vmem>>, vector<1x32x16xf32>
    %get3A_66 = vector.shape_cast %get3A_65 : vector<1x32x16xf32> to vector<32x16xf32>
    %add3A_67 = arith.addf %add3A_55, %get3A_66 : vector<32x16xf32>
    %get3A_68 = arith.constant 6 : index
    %get3A_69 = arith.constant 0 : index
    %get3A_70 = arith.constant 0 : index
    %get3A_71 = vector.load %arg0[%get3A_68, %get3A_69, %get3A_70] : memref<8x32x256xf32, #tpu.memory_space<vmem>>, vector<1x32x256xf32>
    %get3A_72 = vector.shape_cast %get3A_71 : vector<1x32x256xf32> to vector<32x256xf32>
    %add3A_73 = arith.addf %add3A_61, %get3A_72 : vector<32x256xf32>
    %get3A_74 = arith.constant 6 : index
    %get3A_75 = arith.constant 0 : index
    %get3A_76 = arith.constant 0 : index
    %get3A_77 = vector.load %arg1[%get3A_74, %get3A_75, %get3A_76] : memref<8x32x16xf32, #tpu.memory_space<vmem>>, vector<1x32x16xf32>
    %get3A_78 = vector.shape_cast %get3A_77 : vector<1x32x16xf32> to vector<32x16xf32>
    %add3A_79 = arith.addf %add3A_67, %get3A_78 : vector<32x16xf32>
    %get3A_80 = arith.constant 7 : index
    %get3A_81 = arith.constant 0 : index
    %get3A_82 = arith.constant 0 : index
    %get3A_83 = vector.load %arg0[%get3A_80, %get3A_81, %get3A_82] : memref<8x32x256xf32, #tpu.memory_space<vmem>>, vector<1x32x256xf32>
    %get3A_84 = vector.shape_cast %get3A_83 : vector<1x32x256xf32> to vector<32x256xf32>
    %add3A_85 = arith.addf %add3A_73, %get3A_84 : vector<32x256xf32>
    %get3A_86 = arith.constant 7 : index
    %get3A_87 = arith.constant 0 : index
    %get3A_88 = arith.constant 0 : index
    %get3A_89 = vector.load %arg1[%get3A_86, %get3A_87, %get3A_88] : memref<8x32x16xf32, #tpu.memory_space<vmem>>, vector<1x32x16xf32>
    %get3A_90 = vector.shape_cast %get3A_89 : vector<1x32x16xf32> to vector<32x16xf32>
    %add3A_91 = arith.addf %add3A_79, %get3A_90 : vector<32x16xf32>
    %reduce_sum3A = arith.constant dense<0.000000e+00> : vector<32xf32>
    %reduce_sum3A_92 = vector.multi_reduction <add>, %add3A_91, %reduce_sum3A [1] : vector<32x16xf32> to vector<32xf32>
    %broadcast_in_dim3A = vector.shape_cast %reduce_sum3A_92 : vector<32xf32> to vector<32x1xf32>
    %get3A_93 = arith.constant 0 : index
    %get3A_94 = arith.constant 0 : index
    %get3A_95 = vector.load %arg2[%get3A_93, %get3A_94] : memref<96x256xf32, #tpu.memory_space<vmem>>, vector<96x256xf32>
    %concatenate3A = tpu.concatenate %add3A_85, %get3A_95 in 0 : vector<32x256xf32>, vector<96x256xf32> -> vector<128x256xf32>
    %get3A_96 = arith.constant 0 : index
    %get3A_97 = arith.constant 0 : index
    %get3A_98 = vector.load %arg3[%get3A_96, %get3A_97] : memref<96x1xf32, #tpu.memory_space<vmem>>, vector<96x1xf32>
    %concatenate3A_99 = tpu.concatenate %broadcast_in_dim3A, %get3A_98 in 0 : vector<32x1xf32>, vector<96x1xf32> -> vector<128x1xf32>
    %max3A = arith.constant 1.000000e+00 : f32
    %max3A_100 = vector.broadcast %max3A : f32 to vector<128x1xf32>
    %max3A_101 = arith.maximumf %concatenate3A_99, %max3A_100 : vector<128x1xf32>
    %div3A = vector.broadcast %max3A_101 : vector<128x1xf32> to vector<128x256xf32>
    %div3A_102 = arith.divf %concatenate3A, %div3A : vector<128x256xf32>
    %gt3A = arith.constant 0.000000e+00 : f32
    %gt3A_103 = vector.broadcast %gt3A : f32 to vector<128x1xf32>
    %gt3A_104 = arith.cmpf ogt, %concatenate3A_99, %gt3A_103 : vector<128x1xf32>
    %convert_element_type3A = arith.extui %gt3A_104 : vector<128x1xi1> to vector<128x1xi32>
    %convert_element_type3A_105 = arith.sitofp %convert_element_type3A : vector<128x1xi32> to vector<128x1xf32>
    %get3A_106 = arith.constant 0 : index
    %get3A_107 = arith.constant 0 : index
    %get3A_108 = vector.load %arg4[%get3A_106, %get3A_107] : memref<256x128xf32, #tpu.memory_space<vmem>>, vector<256x128xf32>
    %dot_general3A = arith.constant dense<0.000000e+00> : vector<128x128xf32>
    %dot_general3A_109 = tpu.matmul %div3A_102, %get3A_108, %dot_general3A {dimension_numbers = #tpu.dot_dimension_numbers<[1], [0], [0], [1], [0, 0, 1, 1], [], []>, transpose_lhs_hint = false} : vector<128x256xf32>, vector<256x128xf32>, vector<128x128xf32> -> vector<128x128xf32>
    %get3A_110 = arith.constant 0 : index
    %get3A_111 = arith.constant 0 : index
    %get3A_112 = vector.load %arg5[%get3A_110, %get3A_111] : memref<1x128xf32, #tpu.memory_space<vmem>>, vector<1x128xf32>
    %add3A_113 = vector.broadcast %get3A_112 : vector<1x128xf32> to vector<128x128xf32>
    %add3A_114 = arith.addf %dot_general3A_109, %add3A_113 : vector<128x128xf32>
    %max3A_115 = arith.constant 0.000000e+00 : f32
    %max3A_116 = vector.broadcast %max3A_115 : f32 to vector<128x128xf32>
    %max3A_117 = arith.maximumf %add3A_114, %max3A_116 : vector<128x128xf32>
    %get3A_118 = arith.constant 0 : index
    %get3A_119 = arith.constant 0 : index
    %get3A_120 = vector.load %arg6[%get3A_118, %get3A_119] : memref<128x14xf32, #tpu.memory_space<vmem>>, vector<128x14xf32>
    %dot_general3A_121 = arith.constant dense<0.000000e+00> : vector<128x14xf32>
    %dot_general3A_122 = tpu.matmul %max3A_117, %get3A_120, %dot_general3A_121 {dimension_numbers = #tpu.dot_dimension_numbers<[1], [0], [0], [1], [0, 0, 1, 1], [], []>, transpose_lhs_hint = false} : vector<128x128xf32>, vector<128x14xf32>, vector<128x14xf32> -> vector<128x14xf32>
    %get3A_123 = arith.constant 0 : index
    %get3A_124 = arith.constant 0 : index
    %get3A_125 = vector.load %arg7[%get3A_123, %get3A_124] : memref<1x14xf32, #tpu.memory_space<vmem>>, vector<1x14xf32>
    %add3A_126 = vector.broadcast %get3A_125 : vector<1x14xf32> to vector<128x14xf32>
    %add3A_127 = arith.addf %dot_general3A_122, %add3A_126 : vector<128x14xf32>
    %slice3A = vector.extract_strided_slice %add3A_127 {offsets = [0, 0], sizes = [128, 7], strides = [1, 1]} : vector<128x14xf32> to vector<128x7xf32>
    %slice3A_128 = vector.extract_strided_slice %add3A_127 {offsets = [0, 7], sizes = [128, 7], strides = [1, 1]} : vector<128x14xf32> to vector<128x7xf32>
    %get3A_129 = arith.constant 0 : index
    %get3A_130 = arith.constant 0 : index
    %get3A_131 = vector.load %arg12[%get3A_129, %get3A_130] : memref<1x7xf32, #tpu.memory_space<vmem>>, vector<1x7xf32>
    %get3A_132 = arith.constant 0 : index
    %get3A_133 = arith.constant 0 : index
    %get3A_134 = vector.load %arg8[%get3A_132, %get3A_133] : memref<256x64xf32, #tpu.memory_space<vmem>>, vector<256x64xf32>
    %dot_general3A_135 = arith.constant dense<0.000000e+00> : vector<128x64xf32>
    %dot_general3A_136 = tpu.matmul %div3A_102, %get3A_134, %dot_general3A_135 {dimension_numbers = #tpu.dot_dimension_numbers<[1], [0], [0], [1], [0, 0, 1, 1], [], []>, transpose_lhs_hint = false} : vector<128x256xf32>, vector<256x64xf32>, vector<128x64xf32> -> vector<128x64xf32>
    %get3A_137 = arith.constant 0 : index
    %get3A_138 = arith.constant 0 : index
    %get3A_139 = vector.load %arg9[%get3A_137, %get3A_138] : memref<1x64xf32, #tpu.memory_space<vmem>>, vector<1x64xf32>
    %add3A_140 = vector.broadcast %get3A_139 : vector<1x64xf32> to vector<128x64xf32>
    %add3A_141 = arith.addf %dot_general3A_136, %add3A_140 : vector<128x64xf32>
    %max3A_142 = arith.constant 0.000000e+00 : f32
    %max3A_143 = vector.broadcast %max3A_142 : f32 to vector<128x64xf32>
    %max3A_144 = arith.maximumf %add3A_141, %max3A_143 : vector<128x64xf32>
    %get3A_145 = arith.constant 0 : index
    %get3A_146 = arith.constant 0 : index
    %get3A_147 = vector.load %arg10[%get3A_145, %get3A_146] : memref<64x3xf32, #tpu.memory_space<vmem>>, vector<64x3xf32>
    %dot_general3A_148 = arith.constant dense<0.000000e+00> : vector<128x3xf32>
    %dot_general3A_149 = tpu.matmul %max3A_144, %get3A_147, %dot_general3A_148 {dimension_numbers = #tpu.dot_dimension_numbers<[1], [0], [0], [1], [0, 0, 1, 1], [], []>, transpose_lhs_hint = false} : vector<128x64xf32>, vector<64x3xf32>, vector<128x3xf32> -> vector<128x3xf32>
    %get3A_150 = arith.constant 0 : index
    %get3A_151 = arith.constant 0 : index
    %get3A_152 = vector.load %arg11[%get3A_150, %get3A_151] : memref<1x3xf32, #tpu.memory_space<vmem>>, vector<1x3xf32>
    %add3A_153 = vector.broadcast %get3A_152 : vector<1x3xf32> to vector<128x3xf32>
    %add3A_154 = arith.addf %dot_general3A_149, %add3A_153 : vector<128x3xf32>
    %reduce_max3A = arith.constant dense<0xFF800000> : vector<128xf32>
    %reduce_max3A_155 = vector.multi_reduction <maximumf>, %slice3A, %reduce_max3A [1] : vector<128x7xf32> to vector<128xf32>
    %broadcast_in_dim3A_156 = vector.shape_cast %reduce_max3A_155 : vector<128xf32> to vector<128x1xf32>
    %sub3A = vector.broadcast %broadcast_in_dim3A_156 : vector<128x1xf32> to vector<128x7xf32>
    %sub3A_157 = arith.subf %slice3A, %sub3A : vector<128x7xf32>
    %exp3A = math.exp %sub3A_157 : vector<128x7xf32>
    %mul3A = vector.broadcast %get3A_131 : vector<1x7xf32> to vector<128x7xf32>
    %mul3A_158 = arith.mulf %exp3A, %mul3A : vector<128x7xf32>
    %reduce_sum3A_159 = arith.constant dense<0.000000e+00> : vector<128xf32>
    %reduce_sum3A_160 = vector.multi_reduction <add>, %mul3A_158, %reduce_sum3A_159 [1] : vector<128x7xf32> to vector<128xf32>
    %broadcast_in_dim3A_161 = vector.shape_cast %reduce_sum3A_160 : vector<128xf32> to vector<128x1xf32>
    %reduce_sum3A_162 = arith.constant dense<0.000000e+00> : vector<128xf32>
    %reduce_sum3A_163 = vector.multi_reduction <add>, %exp3A, %reduce_sum3A_162 [1] : vector<128x7xf32> to vector<128xf32>
    %broadcast_in_dim3A_164 = vector.shape_cast %reduce_sum3A_163 : vector<128xf32> to vector<128x1xf32>
    %div3A_165 = arith.divf %broadcast_in_dim3A_161, %broadcast_in_dim3A_164 : vector<128x1xf32>
    %reduce_max3A_166 = arith.constant dense<0xFF800000> : vector<128xf32>
    %reduce_max3A_167 = vector.multi_reduction <maximumf>, %slice3A_128, %reduce_max3A_166 [1] : vector<128x7xf32> to vector<128xf32>
    %broadcast_in_dim3A_168 = vector.shape_cast %reduce_max3A_167 : vector<128xf32> to vector<128x1xf32>
    %sub3A_169 = vector.broadcast %broadcast_in_dim3A_168 : vector<128x1xf32> to vector<128x7xf32>
    %sub3A_170 = arith.subf %slice3A_128, %sub3A_169 : vector<128x7xf32>
    %exp3A_171 = math.exp %sub3A_170 : vector<128x7xf32>
    %mul3A_172 = vector.broadcast %get3A_131 : vector<1x7xf32> to vector<128x7xf32>
    %mul3A_173 = arith.mulf %exp3A_171, %mul3A_172 : vector<128x7xf32>
    %reduce_sum3A_174 = arith.constant dense<0.000000e+00> : vector<128xf32>
    %reduce_sum3A_175 = vector.multi_reduction <add>, %mul3A_173, %reduce_sum3A_174 [1] : vector<128x7xf32> to vector<128xf32>
    %broadcast_in_dim3A_176 = vector.shape_cast %reduce_sum3A_175 : vector<128xf32> to vector<128x1xf32>
    %reduce_sum3A_177 = arith.constant dense<0.000000e+00> : vector<128xf32>
    %reduce_sum3A_178 = vector.multi_reduction <add>, %exp3A_171, %reduce_sum3A_177 [1] : vector<128x7xf32> to vector<128xf32>
    %broadcast_in_dim3A_179 = vector.shape_cast %reduce_sum3A_178 : vector<128xf32> to vector<128x1xf32>
    %div3A_180 = arith.divf %broadcast_in_dim3A_176, %broadcast_in_dim3A_179 : vector<128x1xf32>
    %concatenate3A_181 = tpu.concatenate %div3A_165, %div3A_180 in 1 : vector<128x1xf32>, vector<128x1xf32> -> vector<128x2xf32>
    %mul3A_182 = vector.broadcast %convert_element_type3A_105 : vector<128x1xf32> to vector<128x2xf32>
    %mul3A_183 = arith.mulf %concatenate3A_181, %mul3A_182 : vector<128x2xf32>
    %swap3A = arith.constant 0 : index
    %swap3A_184 = arith.constant 0 : index
    %swap3A_185 = vector.load %arg13[%swap3A, %swap3A_184] : memref<128x2xf32, #tpu.memory_space<vmem>>, vector<128x2xf32>
    tpu.vector_store %arg13[%swap3A, %swap3A_184], %mul3A_183 {strides = array<i32>} : memref<128x2xf32, #tpu.memory_space<vmem>>, vector<128x2xf32>,
    %swap3A_186 = arith.constant 0 : index
    %swap3A_187 = arith.constant 0 : index
    %swap3A_188 = vector.load %arg14[%swap3A_186, %swap3A_187] : memref<128x7xf32, #tpu.memory_space<vmem>>, vector<128x7xf32>
    tpu.vector_store %arg14[%swap3A_186, %swap3A_187], %slice3A {strides = array<i32>} : memref<128x7xf32, #tpu.memory_space<vmem>>, vector<128x7xf32>,
    %swap3A_189 = arith.constant 0 : index
    %swap3A_190 = arith.constant 0 : index
    %swap3A_191 = vector.load %arg15[%swap3A_189, %swap3A_190] : memref<128x7xf32, #tpu.memory_space<vmem>>, vector<128x7xf32>
    tpu.vector_store %arg15[%swap3A_189, %swap3A_190], %slice3A_128 {strides = array<i32>} : memref<128x7xf32, #tpu.memory_space<vmem>>, vector<128x7xf32>,
    %slice3A_192 = vector.extract_strided_slice %add3A_154 {offsets = [0, 0], sizes = [128, 1], strides = [1, 1]} : vector<128x3xf32> to vector<128x1xf32>
    %neg3A = arith.constant 0.000000e+00 : f32
    %neg3A_193 = vector.broadcast %neg3A : f32 to vector<128x1xf32>
    %neg3A_194 = arith.subf %neg3A_193, %slice3A_192 : vector<128x1xf32>
    %exp3A_195 = math.exp %neg3A_194 : vector<128x1xf32>
    %add3A_196 = arith.constant 1.000000e+00 : f32
    %add3A_197 = vector.broadcast %add3A_196 : f32 to vector<128x1xf32>
    %add3A_198 = arith.addf %add3A_197, %exp3A_195 : vector<128x1xf32>
    %div3A_199 = arith.constant 1.000000e+00 : f32
    %div3A_200 = vector.broadcast %div3A_199 : f32 to vector<128x1xf32>
    %div3A_201 = arith.divf %div3A_200, %add3A_198 : vector<128x1xf32>
    %mul3A_202 = arith.mulf %div3A_201, %convert_element_type3A_105 : vector<128x1xf32>
    %swap3A_203 = arith.constant 0 : index
    %swap3A_204 = arith.constant 0 : index
    %swap3A_205 = vector.load %arg16[%swap3A_203, %swap3A_204] : memref<128x1xf32, #tpu.memory_space<vmem>>, vector<128x1xf32>
    tpu.vector_store %arg16[%swap3A_203, %swap3A_204], %mul3A_202 {strides = array<i32>} : memref<128x1xf32, #tpu.memory_space<vmem>>, vector<128x1xf32>,
    %slice3A_206 = vector.extract_strided_slice %add3A_154 {offsets = [0, 1], sizes = [128, 1], strides = [1, 1]} : vector<128x3xf32> to vector<128x1xf32>
    %neg3A_207 = arith.constant 0.000000e+00 : f32
    %neg3A_208 = vector.broadcast %neg3A_207 : f32 to vector<128x1xf32>
    %neg3A_209 = arith.subf %neg3A_208, %slice3A_206 : vector<128x1xf32>
    %exp3A_210 = math.exp %neg3A_209 : vector<128x1xf32>
    %add3A_211 = arith.constant 1.000000e+00 : f32
    %add3A_212 = vector.broadcast %add3A_211 : f32 to vector<128x1xf32>
    %add3A_213 = arith.addf %add3A_212, %exp3A_210 : vector<128x1xf32>
    %div3A_214 = arith.constant 1.000000e+00 : f32
    %div3A_215 = vector.broadcast %div3A_214 : f32 to vector<128x1xf32>
    %div3A_216 = arith.divf %div3A_215, %add3A_213 : vector<128x1xf32>
    %mul3A_217 = arith.mulf %div3A_216, %convert_element_type3A_105 : vector<128x1xf32>
    %swap3A_218 = arith.constant 0 : index
    %swap3A_219 = arith.constant 0 : index
    %swap3A_220 = vector.load %arg17[%swap3A_218, %swap3A_219] : memref<128x1xf32, #tpu.memory_space<vmem>>, vector<128x1xf32>
    tpu.vector_store %arg17[%swap3A_218, %swap3A_219], %mul3A_217 {strides = array<i32>} : memref<128x1xf32, #tpu.memory_space<vmem>>, vector<128x1xf32>,
    %slice3A_221 = vector.extract_strided_slice %add3A_154 {offsets = [0, 2], sizes = [128, 1], strides = [1, 1]} : vector<128x3xf32> to vector<128x1xf32>
    %mul3A_222 = arith.mulf %slice3A_221, %convert_element_type3A_105 : vector<128x1xf32>
    %swap3A_223 = arith.constant 0 : index
    %swap3A_224 = arith.constant 0 : index
    %swap3A_225 = vector.load %arg18[%swap3A_223, %swap3A_224] : memref<128x1xf32, #tpu.memory_space<vmem>>, vector<128x1xf32>
    tpu.vector_store %arg18[%swap3A_223, %swap3A_224], %mul3A_222 {strides = array<i32>} : memref<128x1xf32, #tpu.memory_space<vmem>>, vector<128x1xf32>,
    return
  }
}

</mosaic_0001>

<sc_bundles>
// kernel: kernel.5.cloned.1.call-start
scs
__scs_entry_jumppad:
0x0: {  	(pc) =	sbr.rel $0x88, $3  }
0x1: {  	(tag) =	ssettag $0x0;
	lr =	simm.s32 $0x1  }
0x2: {  	[smem:$0x3F96] =	sst lr;
	_ =	strace $0xD0000000  }
0x3: {  	_ = 	snop  }
0x4: {  	_ = 	snop  }
0x5: {  	_ = 	snop  }
0x6: {  	_ = 	snop  }
0x7: {  	_ = 	snop  }
__scs_overlays_trampoline_lowered:
0x8: {  	[smem:$0x3FA5] =	sst s0  }
0x9: {  	[smem:$0x3FA6] =	sst s1  }
0xa: {  	[smem:$0x3FA7] =	sst s2  }
0xb: {  	[smem:$0x3FA8] =	sst s3  }
0xc: {  	[smem:$0x3FA9] =	sst s4  }
0xd: {  	[smem:$0x3FAA] =	sst s5  }
0xe: {  	[smem:$0x3FAB] =	sst s6  }
0xf: {  	[smem:$0x3FAC] =	sst s7  }
0x10: {  	[smem:$0x3FAD] =	sst s8  }
0x11: {  	[smem:$0x3FAE] =	sst s9;
	s0 =	simm.s32 @!p0 $0x0  }
0x12: {  	s1 =	sld [smem:$0x3F94];
	s0 =	simm.s32 @p0 $0x1  }
0x13: {  	[smem:$0x3FAF] =	sst s0;
	s0 =	simm.s32 @!p1 $0x0  }
0x14: {  	s2 =	sld [smem:$0x3F93];
	s0 =	simm.s32 @p1 $0x1  }
0x15: {  	[smem:$0x3FB0] =	sst s0;
	s0 =	simm.s32 @!p2 $0x0  }
0x16: {  	s3 =	sld [smem:$0x3FDB];
	s0 =	simm.s32 @p2 $0x1  }
0x17: {  	s4 =	simm.s32 $0x1BF5;
	[smem:$0x3FB2] =	sst s0  }
0x18: {  	s0 =	sld [smem:$0x3F95];
	_ =	swait.ge [sflag:s4], $0x0  }
0x19: {  	s7 =	sld [smem:$0x3F96]  }
0x1a: {  	s8 =	sadd.s32 $0xFFFFE003, lr  }
0x1b: {  	s9 =	sadd.s32 $0xFFFFFEF7, lr;
	s5 =	simm.s32 $0xFFFFFFFF;
	p2 =	slt.u32 s8, $0xFFFFF086  }
0x1c: {  	p1 =	slt.u32 s9, $0xF7A;
	s5 =	simm.s32 @!p2 $0x0  }
0x1d: {  	s5 =	simm.s32 @p1 $0x1;
	p0 =	seq.s32 s7, s2  }
0x1e: {  	s7 =	smul.u32 @!p0 $0xF7A, s2;
	p2 =	seq.s32 @!p0 s5, $0x0  }
0x1f: {  	s9 =	smul.u32 $0xF7A, s1;
	s8 =	simm.s32 @!p0 $0x1BF5;
	p2 =	por !p2, p0  }
0x20: {  	[sflag:s8] =	ssyncset.s32 @!p0 $0xFFFFF086;
	s6 =	sadd.s32 @!p0 s3, s7;
	s7 =	simm.s32 @!p0 $0x108  }
0x21: {  	s3 =	sadd.s32 s3, s9;
	s6 =	sadd.s32 @!p0 $0x88, s6;
	s7 =	simm.s32 @p2 $0x1082  }
0x22: {  	[simem:s7], [sflag:s8] =	dma.local @!p0 [hbm:s6], $0xF7A  }
0x23: {  	s9 =	sor.u32 $0xD0000000, s2;
	s6 =	simm.s32 $0x108;
	_ =	swait.ge @!p0 [sflag:s8], $0x0  }
0x24: {  	s3 =	sadd.s32 $0x88, s3;
	s6 =	simm.s32 @!p1 $0x1082;
	[sflag:s4] =	ssyncset.s32 $0xFFFFF086  }
0x25: {  	[simem:s6], [sflag:s4] =	dma.local [hbm:s3], $0xF7A  }
0x26: {  	[smem:$0x3F96] =	sst s1;
	(tag) =	ssettag s2;
	_ =	strace s9  }
0x27: {  	s1 =	sld [smem:$0x3FA6]  }
0x28: {  	s2 =	sld [smem:$0x3FA7]  }
0x29: {  	s4 =	sld [smem:$0x3FA9]  }
0x2a: {  	p0 =	seq.s32 s5, $0x0;
	s5 =	sld [smem:$0x3FAA]  }
0x2b: {  	s6 =	sld [smem:$0x3FAB]  }
0x2c: {  	s7 =	sld [smem:$0x3FAC]  }
0x2d: {  	s3 =	simm.s32 $0x108;
	s8 =	sld [smem:$0x3FAD]  }
0x2e: {  	s3 =	simm.s32 @!p0 $0x1082;
	s9 =	sld [smem:$0x3FAE]  }
0x2f: {  	lr =	sadd.s32 s0, s3;
	s0 =	sld [smem:$0x3FA5]  }
0x30: {  	s3 =	sld [smem:$0x3FA8]  }
0x31: {  	[smem:$0x3FB1] =	sst s10  }
0x32: {  	s10 =	sld [smem:$0x3FAF];
	_ =	sdelay $0x3  }
0x33: {  	p0 =	seq.s32 s10, $0x1;
	s10 =	sld [smem:$0x3FB1];
	_ =	sdelay $0x3  }
0x34: {  	[smem:$0x3FB1] =	sst s10  }
0x35: {  	s10 =	sld [smem:$0x3FB0];
	_ =	sdelay $0x3  }
0x36: {  	p1 =	seq.s32 s10, $0x1;
	s10 =	sld [smem:$0x3FB1];
	_ =	sdelay $0x3  }
0x37: {  	[smem:$0x3FB1] =	sst s10  }
0x38: {  	s10 =	sld [smem:$0x3FB2]  }
0x39: {  	_ = 	snop;
	(pc) =	sbr.ind lr, $3  }
0x3a: {  	_ = 	snop  }
0x3b: {  	_ = 	snop  }
0x3c: {  	p2 =	seq.s32 s10, $0x1;
	s10 =	sld [smem:$0x3FB1]  }
0x3d: {  	_ =	shalt  }
0x3e: {  	_ =	shalt  }
0x3f: {  	_ =	shalt  }
0x40: {  	_ =	shalt  }
0x41: {  	_ =	shalt  }
0x42: {  	_ =	shalt  }
0x43: {  	_ =	shalt  }
0x44: {  	_ =	shalt  }
0x45: {  	_ =	shalt  }
0x46: {  	_ =	shalt  }
0x47: {  	_ =	shalt  }
0x48: {  	_ =	shalt  }
0x49: {  	_ =	shalt  }
0x4a: {  	_ =	shalt  }
0x4b: {  	_ =	shalt  }
0x4c: {  	_ =	shalt  }
0x4d: {  	_ =	shalt  }
0x4e: {  	_ =	shalt  }
0x4f: {  	_ =	shalt  }
0x50: {  	_ =	shalt  }
0x51: {  	_ =	shalt  }
0x52: {  	_ =	shalt  }
0x53: {  	_ =	shalt  }
0x54: {  	_ =	shalt  }
0x55: {  	_ =	shalt  }
0x56: {  	_ =	shalt  }
0x57: {  	_ =	shalt  }
0x58: {  	_ =	shalt  }
0x59: {  	_ =	shalt  }
0x5a: {  	_ =	shalt  }
0x5b: {  	_ =	shalt  }
0x5c: {  	_ =	shalt  }
0x5d: {  	_ =	shalt  }
0x5e: {  	_ =	shalt  }
0x5f: {  	_ =	shalt  }
0x60: {  	_ =	shalt  }
0x61: {  	_ =	shalt  }
0x62: {  	_ =	shalt  }
0x63: {  	_ =	shalt  }
0x64: {  	_ =	shalt  }
0x65: {  	_ =	shalt  }
0x66: {  	_ =	shalt  }
0x67: {  	_ =	shalt  }
0x68: {  	_ =	shalt  }
0x69: {  	_ =	shalt  }
0x6a: {  	_ =	shalt  }
0x6b: {  	_ =	shalt  }
0x6c: {  	_ =	shalt  }
0x6d: {  	_ =	shalt  }
0x6e: {  	_ =	shalt  }
0x6f: {  	_ =	shalt  }
0x70: {  	_ =	shalt  }
0x71: {  	_ =	shalt  }
0x72: {  	_ =	shalt  }
0x73: {  	_ =	shalt  }
0x74: {  	_ =	shalt  }
0x75: {  	_ =	shalt  }
0x76: {  	_ =	shalt  }
0x77: {  	_ =	shalt  }
0x78: {  	_ =	shalt  }
0x79: {  	_ =	shalt  }
0x7a: {  	_ =	shalt  }
0x7b: {  	_ =	shalt  }
0x7c: {  	_ =	shalt  }
0x7d: {  	_ =	shalt  }
0x7e: {  	_ =	shalt  }
0x7f: {  	_ =	shalt  }
0x80: {  	_ =	shalt  }
0x81: {  	_ =	shalt  }
0x82: {  	_ =	shalt  }
0x83: {  	_ =	shalt  }
0x84: {  	_ =	shalt  }
0x85: {  	_ =	shalt  }
0x86: {  	_ =	shalt  }
0x87: {  	_ =	shalt  }
.Lfunc_end0:
.L_simem_size_0:
called_computation_lowered:
.L_overlay_start_0:
0x88: {  	s2 =	sld [smem:$0x3FD9]  }
0x89: {  	s3 =	sld [smem:$0x3FFE];
	_ =	sdelay $0x1  }
0x8a: {  	s1 =	srdreg.scid  }
0x8b: {  	s0 =	sand.u32 $0x1, s1  }
0x8c: {  	s17 =	sshll.u32 s0, $0xA;
	s2 =	sadd.s32 s3, s2  }
0x8d: {  	s2 =	sadd.s32 s2, s17  }
0x8e: {  	[smem:$0x3FBD] =	sst s2  }
0x8f: {  	_ = 	snop  }
0x90: {  	s2 =	sld [smem:$0x3FC9]  }
0x91: {  	s18 =	sld [smem:$0x3FC8];
	(tm) =	ssettm $0x1  }
0x92: {  	s4 =	sld [smem:$0x3FFB];
	_ =	sdelay $0x3  }
0x93: {  	_ =	strace s4  }
0x94: {  	s4 =	sld [smem:$0x3FFC];
	_ =	sdelay $0x3  }
0x95: {  	_ =	strace s4  }
0x96: {  	s4 =	sld [smem:$0x3FFD];
	_ =	sdelay $0x3  }
0x97: {  	_ =	strace s4  }
0x98: {  	_ =	strace $0x8FFFFFFF  }
0x99: {  	s19 =	sld [smem:$0x3FDB];
	_ =	sdelay $0x1  }
0x9a: {  	s5 =	simm.s32 $_scs_section_size  }
0x9b: {  	s6 =	simm.s32 $_size__tile_overlayer_lowered;
	s7 =	simm.s32 $_tile_overlayer_lowered  }
0x9c: {  	s22 =	simm.s32 $0x1BFF;
	s21 =	sshll.u32 s7, $0x1;
	s4 =	sadd.s32 s5, s19  }
0x9d: {  	s8 =	simm.s32 $0x0;
	s20 =	sshll.u32 s6, $0x1;
	s6 =	sadd.s32 s21, s4  }
0x9e: {  	[timem:s8], [sflag:s22] =	dma.local [hbm:s6], s20  }
0x9f: {  	_ =	swait.ge [sflag:s22], s20  }
0xa0: {  	s5 =	ssub.s32 $0x0, s20;
	[sflag:s22] =	ssyncset.done $0x0  }
0xa1: {  	[sflag:s22] =	ssyncadd.s32 s5;
	_ =	sdelay $0x1  }
0xa2: {  	s23 =	simm.s32 $0x1B8B  }
0xa3: {  	_ =	swait.ge [sflag:s23], $0x1  }
0xa4: {  	[sflag:s23] =	ssyncset.done $0x0  }
0xa5: {  	s25 =	simm.s32 $0x1B8E;
	s24 =	sld [smem:$0x3FFE];
	[sflag:s23] =	ssyncadd.s32 $0xFFFFFFFF  }
0xa6: {  	s26 =	simm.s32 $execute0_lowered;
	[smem:$0x3FD2] =	sst s25  }
0xa7: {  	s6 =	sshll.u32 s26, $0x1;
	_ =	strace $0x80000046;
	[dreg:$0x1] =	wrdreg $0xFFFFFFFF  }
0xa8: {  	s28 =	simm.s32 $_size_execute0_lowered;
	s4 =	sadd.s32 s4, s6;
	[dreg:$0x0] =	wrdreg $0x0  }
0xa9: {  	s6 =	sshll.u32 s28, $0x1;
	[dreg:$0x2] =	wrdreg s4  }
0xaa: {  	[dreg:$0x3] =	wrdreg s6  }
0xab: {  	[dreg:$0x4] =	wrdreg $0xC0  }
0xac: {  	_ =	task [dreg:s8], $0x5FFFF  }
0xad: {  	[dreg:$0x1] =	wrdreg $0xFFFFFFFF  }
0xae: {  	[dreg:$0x0] =	wrdreg $0x60  }
0xaf: {  	[dreg:$0x2] =	wrdreg s2  }
0xb0: {  	[dreg:$0x3] =	wrdreg s18  }
0xb1: {  	[dreg:$0x4] =	wrdreg s24  }
0xb2: {  	[dreg:$0x5] =	wrdreg $0x9  }
0xb3: {  	_ =	task.clear_ibuf [dreg:s8], $0x6FFFF;
	_ =	strace $0x90000046  }
0xb4: {  	s29 =	simm.s32 $0x9;
	_ =	strace $0x80000048  }
0xb5: {  	_ =	swait.ge [sflag:s29], $0x1  }
0xb6: {  	[sflag:s29] =	ssyncadd.s32 $0xFFFFFFFF  }
0xb7: {  	_ =	strace $0x90000048  }
0xb8: {  	_ =	sfence  }
0xb9: {  	s30 =	sld [smem:$0x0];
	_ =	sdelay $0x2  }
0xba: {  	s31 =	sshll.u32 s1, $0xD;
	s1 =	sshrl.u32 s1, $0x2  }
0xbb: {  	s3 =	sand.u32 $0x4000, s31;
	s1 =	sadd.s32 s1, s30  }
0xbc: {  	s0 =	sor.u32 s3, s0;
	s1 =	sshll.u32 s1, $0x11  }
0xbd: {  	s0 =	sor.u32 s1, s0  }
0xbe: {  	s0 =	sadd.s32 $0x8F2B, s0  }
0xbf: {  	[sflag:s0] =	ssyncadd.remote.s32 $0x1  }
0xc0: {  	_ =	sfence.sel $0xFFFF  }
0xc1: {  	[dreg:$0x0] =	wrdreg $0xFFFFFFFF;
	(pc) =	sbr.abs _section_cstart, $3  }
0xc2: {  	[dreg:$0x1] =	wrdreg $0xFFFFFFFF  }
0xc3: {  	_ =	task.clear_ibuf [dreg:s8], $0x2FFFF;
	_ =	strace $0x9FFFFFFF  }
0xc4: {  	(tm) =	ssettm $0x7FFFFFFF  }
0xc5: {  	_ =	shalt  }
tec
execute0_lowered:
.L_overlay_start_1:
0x0: {  	(tag) =	ssettag $0x1  }
0x1: {  	v0 =	vimm.s32 $0xB80;
	vm14 =	vcmask $0x300;
	v1 =	vimm.s32 $0x1B80  }
0x2: {  	vm13 =	vcmask $0x704;
	vm12 =	vcmask $0xB08;
	vm11 =	vcmask $0xF0C  }
0x3: {  	vm10 =	vcmask $0x1310;
	vm9 =	vcmask $0x1714;
	vm8 =	vcmask $0x1B18  }
0x4: {  	vm7 =	vcmask $0x1F1C;
	vm6 =	vcmask $0x2320;
	vm5 =	vcmask $0x2724  }
0x5: {  	vm4 =	vcmask $0x2B28;
	vm3 =	vcmask $0x2F2C;
	vm2 =	vcmask $0x3330  }
0x6: {  	vm1 =	vcmask $0x3734;
	vm0 =	vcmask $0x3B38;
	v4 =	vimm.s32 $0x3B80  }
0x7: {  	v5 =	vimm.s32 $0x4B80;
	v6 =	vimm.s32 $0x5B80;
	v7 =	vimm.s32 $0x6B80  }
0x8: {  	v8 =	vimm.s32 $0x7B80;
	v0 =	vsel vm14, $0x0, v0;
	v1 =	vsel vm14, $0x1000, v1  }
0x9: {  	v4 =	vsel vm14, $0x3000, v4;
	v5 =	vsel vm14, $0x4000, v5;
	v6 =	vsel vm14, $0x5000, v6  }
0xa: {  	v7 =	vsel vm14, $0x6000, v7;
	v8 =	vsel vm14, $0x7000, v8;
	v0 =	vsel vm13, $0x80, v0  }
0xb: {  	v1 =	vsel vm13, $0x1080, v1;
	v4 =	vsel vm13, $0x3080, v4;
	v5 =	vsel vm13, $0x4080, v5  }
0xc: {  	v6 =	vsel vm13, $0x5080, v6;
	v7 =	vsel vm13, $0x6080, v7;
	v8 =	vsel vm13, $0x7080, v8  }
0xd: {  	v0 =	vsel vm12, $0x100, v0;
	v1 =	vsel vm12, $0x1100, v1;
	v4 =	vsel vm12, $0x3100, v4  }
0xe: {  	v5 =	vsel vm12, $0x4100, v5;
	v6 =	vsel vm12, $0x5100, v6;
	v7 =	vsel vm12, $0x6100, v7  }
0xf: {  	v8 =	vsel vm12, $0x7100, v8;
	v0 =	vsel vm11, $0x180, v0;
	v1 =	vsel vm11, $0x1180, v1  }
0x10: {  	v4 =	vsel vm11, $0x3180, v4;
	v5 =	vsel vm11, $0x4180, v5;
	v6 =	vsel vm11, $0x5180, v6  }
0x11: {  	v7 =	vsel vm11, $0x6180, v7;
	v8 =	vsel vm11, $0x7180, v8;
	v0 =	vsel vm10, $0x200, v0  }
0x12: {  	v1 =	vsel vm10, $0x1200, v1;
	v4 =	vsel vm10, $0x3200, v4;
	v5 =	vsel vm10, $0x4200, v5  }
0x13: {  	v6 =	vsel vm10, $0x5200, v6;
	v7 =	vsel vm10, $0x6200, v7;
	v8 =	vsel vm10, $0x7200, v8  }
0x14: {  	v0 =	vsel vm9, $0x280, v0;
	v1 =	vsel vm9, $0x1280, v1;
	v4 =	vsel vm9, $0x3280, v4  }
0x15: {  	v5 =	vsel vm9, $0x4280, v5;
	v6 =	vsel vm9, $0x5280, v6;
	v7 =	vsel vm9, $0x6280, v7  }
0x16: {  	v8 =	vsel vm9, $0x7280, v8;
	v0 =	vsel vm8, $0x300, v0;
	v1 =	vsel vm8, $0x1300, v1  }
0x17: {  	v4 =	vsel vm8, $0x3300, v4;
	v5 =	vsel vm8, $0x4300, v5;
	v6 =	vsel vm8, $0x5300, v6  }
0x18: {  	v7 =	vsel vm8, $0x6300, v7;
	v8 =	vsel vm8, $0x7300, v8;
	v0 =	vsel vm7, $0x380, v0  }
0x19: {  	v1 =	vsel vm7, $0x1380, v1;
	v4 =	vsel vm7, $0x3380, v4;
	v5 =	vsel vm7, $0x4380, v5  }
0x1a: {  	s5 =	rddreg [dreg:$0x0];
	v6 =	vsel vm7, $0x5380, v6;
	v7 =	vsel vm7, $0x6380, v7;
	v8 =	vsel vm7, $0x7380, v8  }
0x1b: {  	s0 =	srdreg.scid;
	s6 =	rddreg [dreg:$0x1];
	v0 =	vsel vm6, $0x800, v0;
	v1 =	vsel vm6, $0x1800, v1;
	v4 =	vsel vm6, $0x3800, v4  }
0x1c: {  	s2 =	simm.s32 $0x1;
	s9 =	rddreg [dreg:$0x2];
	s15 =	simm.s32 $0x80;
	v5 =	vsel vm6, $0x4800, v5;
	v0 =	vsel vm5, $0x880, v0;
	v1 =	vsel vm5, $0x1880, v1  }
0x1d: {  	s16 =	simm.s32 $0x400;
	s17 =	simm.s32 $0x3;
	s4 =	sand.u32 $0x1, s0;
	v6 =	vsel vm6, $0x5800, v6;
	v0 =	vsel vm4, $0x900, v0;
	v1 =	vsel vm4, $0x1900, v1  }
0x1e: {  	s18 =	simm.s32 $0x200;
	s0 =	stileid.u32;
	s1 =	sshll.u32 s4, $0x4;
	v7 =	vsel vm6, $0x6800, v7;
	v0 =	vsel vm3, $0x980, v0;
	v1 =	vsel vm3, $0x1980, v1  }
0x1f: {  	s19 =	simm.s32 $0x10600;
	s7 =	sand.u32 $0x7, s0;
	s1 =	sor.u32 s0, s1;
	v8 =	vsel vm6, $0x7800, v8;
	v0 =	vsel vm2, $0xA00, v0;
	v1 =	vsel vm2, $0x1A00, v1  }
0x20: {  	s20 =	simm.s32 $0x2;
	p1 =	sne.s32 s7, $0x0;
	p0 =	seq.s32 s1, $0x0;
	v4 =	vsel vm5, $0x3880, v4;
	v2 =	vsel vm1, $0xA80, v0;
	v3 =	vsel vm1, $0x1A80, v1  }
0x21: {  	s21 =	simm.s32 $0x11600;
	s22 =	simm.s32 $0x0;
	p0 =	por !p1, !p0;
	v1 =	vsel vm0, $0xB00, v2;
	v2 =	vsel vm0, $0x1B00, v3;
	v3 =	vimm.s32 $0x2B80  }
0x22: {  	s4 =	ssub.s32 $0x2, s4;
	s11 =	sshll.u32 s7, $0xD;
	p0 =	por !p0, !p0;
	v5 =	vsel vm5, $0x4880, v5;
	v6 =	vsel vm5, $0x5880, v6;
	v3 =	vsel vm14, $0x2000, v3  }
0x23: {  	s13 =	sshll.u32 s7, $0xC;
	s1 =	sshrl.u32 s1, $0x3;
	s2 =	simm.s32 @!p0 $0x0;
	v7 =	vsel vm5, $0x6880, v7;
	v8 =	vsel vm5, $0x7880, v8;
	v3 =	vsel vm13, $0x2080, v3  }
0x24: {  	s8 =	ssub.s32 s1, s2;
	s1 =	rddreg [dreg:$0x3];
	s2 =	simm.s32 $0x0;
	v4 =	vsel vm4, $0x3900, v4;
	v5 =	vsel vm4, $0x4900, v5;
	v3 =	vsel vm12, $0x2100, v3  }
0x25: {  	s30 =	sshrl.u32 s4, $0x1;
	s3 =	sand.u32 $0xFFFF8, s8;
	[smem:$0x7FF] =	sst s2;
	v6 =	vsel vm4, $0x5900, v6;
	v7 =	vsel vm4, $0x6900, v7;
	v3 =	vsel vm11, $0x2180, v3  }
0x26: {  	s10 =	sshll.u32 s8, $0x7;
	s12 =	sshll.u32 s8, $0xB;
	s14 =	sshll.u32 s8, $0xA;
	v8 =	vsel vm4, $0x7900, v8;
	v4 =	vsel vm3, $0x3980, v4;
	v3 =	vsel vm10, $0x2200, v3  }
0x27: {  	s8 =	sshll.u32 s8, $0x14;
	s3 =	sor.u32 s7, s3;
	s10 =	sand.u32 $0x380, s10;
	v5 =	vsel vm3, $0x4980, v5;
	v6 =	vsel vm3, $0x5980, v6;
	v3 =	vsel vm9, $0x2280, v3  }
0x28: {  	_ =	strace $0x80000047;
	s11 =	sadd.s32 s11, s12;
	s7 =	sshll.u32 s7, $0x11;
	v7 =	vsel vm3, $0x6980, v7;
	v8 =	vsel vm3, $0x7980, v8;
	v3 =	vsel vm8, $0x2300, v3  }
0x29: {  	s13 =	sadd.s32 s13, s14;
	s14 =	simm.s32 $0x8600;
	s3 =	sshll.u32 s3, $0xC;
	v4 =	vsel vm2, $0x3A00, v4;
	v5 =	vsel vm2, $0x4A00, v5;
	v3 =	vsel vm7, $0x2380, v3  }
0x2a: {  	s11 =	sshrl.u32 s11, $0x3;
	s7 =	sor.u32 s7, s8;
	s29 =	sshrl.u32 s13, $0x3;
	v6 =	vsel vm2, $0x5A00, v6;
	v7 =	vsel vm2, $0x6A00, v7;
	v3 =	vsel vm6, $0x2800, v3  }
0x2b: {  	s13 =	ssub.s32 s4, s30;
	s10 =	sor.u32 s10, s3;
	s3 =	simm.s32 $0x1;
	v8 =	vsel vm2, $0x7A00, v8;
	v0 =	vimm.f32 $0.0e+00;
	v3 =	vsel vm5, $0x2880, v3  }
0x2c: {  	s11 =	sadd.s32 s11, s9;
	s7 =	sshrl.u32 s7, $0x3;
	s31 =	sadd.s32 s29, s9;
	v4 =	vsel vm1, $0x3A80, v4;
	v5 =	vsel vm1, $0x4A80, v5;
	v3 =	vsel vm4, $0x2900, v3  }
0x2d: {  	s12 =	smax.u32 s13, $0x1;
	s10 =	sshrl.u32 s10, $0x3;
	s4 =	sadd.s32 s5, s7;
	v6 =	vsel vm1, $0x5A80, v6;
	v7 =	vsel vm1, $0x6A80, v7;
	v3 =	vsel vm3, $0x2980, v3  }
0x2e: {  	s13 =	simm.s32 $0x600;
	s28 =	sadd.s32 s10, s9;
	s5 =	sadd.s32 $0x1000, s4;
	v8 =	vsel vm1, $0x7A80, v8;
	v4 =	vsel vm0, $0x3B00, v4;
	v3 =	vsel vm2, $0x2A00, v3  }
0x2f: {  	s6 =	sadd.s32 s6, s10;
	s8 =	sadd.s32 $0x2000, s4;
	s9 =	sadd.s32 $0x3000, s4;
	v5 =	vsel vm0, $0x4B00, v5;
	v6 =	vsel vm0, $0x5B00, v6;
	v3 =	vsel vm1, $0x2A80, v3  }
0x30: {  	s10 =	sadd.s32 $0x3600, s11;
	s11 =	sadd.s32 $0x5600, s31;
	s7 =	sadd.s32 $0x1600, s28;
	v7 =	vsel vm0, $0x6B00, v7;
	v8 =	vsel vm0, $0x7B00, v8;
	v3 =	vsel vm0, $0x2B00, v3  }
.LBB2_1:
0x31: {  	[tilespmem:s13], [sflag:$0x1] =	stream.linear.gather [hbm4b:s4+s2], $0x8000, $0x38;
	[tilespmem:$0x11A00] =	vst v63  }
0x32: {  	_ = 	snop  }
0x33: {  	[tilespmem:s14], [sflag:$0x2] =	stream.linear.gather [hbm4b:s5+s2], $0x8000, $0x38;
	[tilespmem:$0x11A00] =	vst v63  }
0x34: {  	_ = 	snop  }
0x35: {  	[tilespmem:s2], [sflag:$0x3] =	stream.strided.gather [hbm4b:s6+s15], $0x200, s16, s15, $0x38;
	[tilespmem:$0x11A00] =	vst v63  }
0x36: {  	_ =	swait.ge [sflag:s17], $0x200  }
0x37: {  	[sflag:s17] =	ssyncset.done $0x0  }
0x38: {  	[sflag:s17] =	ssyncadd.s32 $0xFFFFFE00  }
0x39: {  	[tilespmem:s18], [sflag:$0x3] =	stream.strided.gather [hbm4b:s7+s15], $0x200, s16, s15, $0x38;
	[tilespmem:$0x11A00] =	vst v63  }
0x3a: {  	_ =	swait.ge [sflag:s17], $0x200  }
0x3b: {  	[sflag:s17] =	ssyncset.done $0x0  }
0x3c: {  	[sflag:s17] =	ssyncadd.s32 $0xFFFFFE00  }
0x3d: {  	[tilespmem:$0x10600] =	vst v0  }
0x3e: {  	[tilespmem:$0x10610] =	vst v0  }
0x3f: {  	[tilespmem:$0x10620] =	vst v0  }
0x40: {  	[tilespmem:$0x10630] =	vst v0  }
0x41: {  	[tilespmem:$0x10640] =	vst v0  }
0x42: {  	[tilespmem:$0x10650] =	vst v0  }
0x43: {  	[tilespmem:$0x10660] =	vst v0  }
0x44: {  	[tilespmem:$0x10670] =	vst v0  }
0x45: {  	[tilespmem:$0x10A00] =	vst v0  }
0x46: {  	[tilespmem:$0x10A10] =	vst v0  }
0x47: {  	[tilespmem:$0x10A20] =	vst v0  }
0x48: {  	[tilespmem:$0x10A30] =	vst v0  }
0x49: {  	[tilespmem:$0x10A40] =	vst v0  }
0x4a: {  	[tilespmem:$0x10A50] =	vst v0  }
0x4b: {  	[tilespmem:$0x10A60] =	vst v0  }
0x4c: {  	[tilespmem:$0x10A70] =	vst v0  }
0x4d: {  	[tilespmem:$0x10680] =	vst v0  }
0x4e: {  	[tilespmem:$0x10690] =	vst v0  }
0x4f: {  	[tilespmem:$0x106A0] =	vst v0  }
0x50: {  	[tilespmem:$0x106B0] =	vst v0  }
0x51: {  	[tilespmem:$0x106C0] =	vst v0  }
0x52: {  	[tilespmem:$0x106D0] =	vst v0  }
0x53: {  	[tilespmem:$0x106E0] =	vst v0  }
0x54: {  	[tilespmem:$0x106F0] =	vst v0  }
0x55: {  	[tilespmem:$0x10A80] =	vst v0  }
0x56: {  	[tilespmem:$0x10A90] =	vst v0  }
0x57: {  	[tilespmem:$0x10AA0] =	vst v0  }
0x58: {  	[tilespmem:$0x10AB0] =	vst v0  }
0x59: {  	[tilespmem:$0x10AC0] =	vst v0  }
0x5a: {  	[tilespmem:$0x10AD0] =	vst v0  }
0x5b: {  	[tilespmem:$0x10AE0] =	vst v0  }
0x5c: {  	[tilespmem:$0x10AF0] =	vst v0  }
0x5d: {  	[tilespmem:$0x10700] =	vst v0  }
0x5e: {  	[tilespmem:$0x10710] =	vst v0  }
0x5f: {  	[tilespmem:$0x10720] =	vst v0  }
0x60: {  	[tilespmem:$0x10730] =	vst v0  }
0x61: {  	[tilespmem:$0x10740] =	vst v0  }
0x62: {  	[tilespmem:$0x10750] =	vst v0  }
0x63: {  	[tilespmem:$0x10760] =	vst v0  }
0x64: {  	[tilespmem:$0x10770] =	vst v0  }
0x65: {  	[tilespmem:$0x10B00] =	vst v0  }
0x66: {  	[tilespmem:$0x10B10] =	vst v0  }
0x67: {  	[tilespmem:$0x10B20] =	vst v0  }
0x68: {  	[tilespmem:$0x10B30] =	vst v0  }
0x69: {  	[tilespmem:$0x10B40] =	vst v0  }
0x6a: {  	[tilespmem:$0x10B50] =	vst v0  }
0x6b: {  	[tilespmem:$0x10B60] =	vst v0  }
0x6c: {  	[tilespmem:$0x10B70] =	vst v0  }
0x6d: {  	[tilespmem:$0x10780] =	vst v0  }
0x6e: {  	[tilespmem:$0x10790] =	vst v0  }
0x6f: {  	[tilespmem:$0x107A0] =	vst v0  }
0x70: {  	[tilespmem:$0x107B0] =	vst v0  }
0x71: {  	[tilespmem:$0x107C0] =	vst v0  }
0x72: {  	[tilespmem:$0x107D0] =	vst v0  }
0x73: {  	[tilespmem:$0x107E0] =	vst v0  }
0x74: {  	[tilespmem:$0x107F0] =	vst v0  }
0x75: {  	[tilespmem:$0x10B80] =	vst v0  }
0x76: {  	[tilespmem:$0x10B90] =	vst v0  }
0x77: {  	[tilespmem:$0x10BA0] =	vst v0  }
0x78: {  	[tilespmem:$0x10BB0] =	vst v0  }
0x79: {  	[tilespmem:$0x10BC0] =	vst v0  }
0x7a: {  	[tilespmem:$0x10BD0] =	vst v0  }
0x7b: {  	[tilespmem:$0x10BE0] =	vst v0  }
0x7c: {  	[tilespmem:$0x10BF0] =	vst v0  }
0x7d: {  	[tilespmem:$0x10800] =	vst v0  }
0x7e: {  	[tilespmem:$0x10810] =	vst v0  }
0x7f: {  	[tilespmem:$0x10820] =	vst v0  }
0x80: {  	[tilespmem:$0x10830] =	vst v0  }
0x81: {  	[tilespmem:$0x10840] =	vst v0  }
0x82: {  	[tilespmem:$0x10850] =	vst v0  }
0x83: {  	[tilespmem:$0x10860] =	vst v0  }
0x84: {  	[tilespmem:$0x10870] =	vst v0  }
0x85: {  	[tilespmem:$0x10C00] =	vst v0  }
0x86: {  	[tilespmem:$0x10C10] =	vst v0  }
0x87: {  	[tilespmem:$0x10C20] =	vst v0  }
0x88: {  	[tilespmem:$0x10C30] =	vst v0  }
0x89: {  	[tilespmem:$0x10C40] =	vst v0  }
0x8a: {  	[tilespmem:$0x10C50] =	vst v0  }
0x8b: {  	[tilespmem:$0x10C60] =	vst v0  }
0x8c: {  	[tilespmem:$0x10C70] =	vst v0  }
0x8d: {  	[tilespmem:$0x10880] =	vst v0  }
0x8e: {  	[tilespmem:$0x10890] =	vst v0  }
0x8f: {  	[tilespmem:$0x108A0] =	vst v0  }
0x90: {  	[tilespmem:$0x108B0] =	vst v0  }
0x91: {  	[tilespmem:$0x108C0] =	vst v0  }
0x92: {  	[tilespmem:$0x108D0] =	vst v0  }
0x93: {  	[tilespmem:$0x108E0] =	vst v0  }
0x94: {  	[tilespmem:$0x108F0] =	vst v0  }
0x95: {  	[tilespmem:$0x10C80] =	vst v0  }
0x96: {  	[tilespmem:$0x10C90] =	vst v0  }
0x97: {  	[tilespmem:$0x10CA0] =	vst v0  }
0x98: {  	[tilespmem:$0x10CB0] =	vst v0  }
0x99: {  	[tilespmem:$0x10CC0] =	vst v0  }
0x9a: {  	[tilespmem:$0x10CD0] =	vst v0  }
0x9b: {  	[tilespmem:$0x10CE0] =	vst v0  }
0x9c: {  	[tilespmem:$0x10CF0] =	vst v0  }
0x9d: {  	[tilespmem:$0x10900] =	vst v0  }
0x9e: {  	[tilespmem:$0x10910] =	vst v0  }
0x9f: {  	[tilespmem:$0x10920] =	vst v0  }
0xa0: {  	[tilespmem:$0x10930] =	vst v0  }
0xa1: {  	[tilespmem:$0x10940] =	vst v0  }
0xa2: {  	[tilespmem:$0x10950] =	vst v0  }
0xa3: {  	[tilespmem:$0x10960] =	vst v0  }
0xa4: {  	[tilespmem:$0x10970] =	vst v0  }
0xa5: {  	[tilespmem:$0x10D00] =	vst v0  }
0xa6: {  	[tilespmem:$0x10D10] =	vst v0  }
0xa7: {  	[tilespmem:$0x10D20] =	vst v0  }
0xa8: {  	[tilespmem:$0x10D30] =	vst v0  }
0xa9: {  	[tilespmem:$0x10D40] =	vst v0  }
0xaa: {  	[tilespmem:$0x10D50] =	vst v0  }
0xab: {  	v9 =	vld [tilespmem:$0x0];
	[tilespmem:$0x10D60] =	vst v0  }
0xac: {  	v10 =	vld [tilespmem:$0x200];
	[tilespmem:$0x10D70] =	vst v0  }
0xad: {  	v11 =	vld [tilespmem:$0x10];
	[tilespmem:$0x10980] =	vst v0  }
0xae: {  	v12 =	vld [tilespmem:$0x210];
	[tilespmem:$0x10990] =	vst v0  }
0xaf: {  	v13 =	vld [tilespmem:$0x20];
	[tilespmem:$0x109A0] =	vst v0  }
0xb0: {  	v14 =	vld [tilespmem:$0x220];
	[tilespmem:$0x109B0] =	vst v0  }
0xb1: {  	v15 =	vld [tilespmem:$0x30];
	[tilespmem:$0x109C0] =	vst v0  }
0xb2: {  	v16 =	vld [tilespmem:$0x230];
	[tilespmem:$0x109D0] =	vst v0  }
0xb3: {  	v17 =	vld [tilespmem:$0x40];
	[tilespmem:$0x109E0] =	vst v0  }
0xb4: {  	v18 =	vld [tilespmem:$0x240];
	[tilespmem:$0x109F0] =	vst v0  }
0xb5: {  	v19 =	vld [tilespmem:$0x50];
	[tilespmem:$0x10D80] =	vst v0  }
0xb6: {  	v20 =	vld [tilespmem:$0x250];
	[tilespmem:$0x10D90] =	vst v0  }
0xb7: {  	v21 =	vld [tilespmem:$0x60];
	[tilespmem:$0x10DA0] =	vst v0  }
0xb8: {  	v22 =	vld [tilespmem:$0x260];
	[tilespmem:$0x10DB0] =	vst v0  }
0xb9: {  	v23 =	vld [tilespmem:$0x70];
	[tilespmem:$0x10DC0] =	vst v0  }
0xba: {  	v24 =	vld [tilespmem:$0x270];
	[tilespmem:$0x10DD0] =	vst v0  }
0xbb: {  	v25 =	vld [tilespmem:$0x80];
	[tilespmem:$0x10DE0] =	vst v0  }
0xbc: {  	v26 =	vld [tilespmem:$0x280];
	[tilespmem:$0x10DF0] =	vst v0  }
0xbd: {  	v27 =	vld [tilespmem:$0x90];
	[tilespmem:$0x10E00] =	vst v0  }
0xbe: {  	v28 =	vld [tilespmem:$0x290];
	[tilespmem:$0x10E10] =	vst v0  }
0xbf: {  	v29 =	vld [tilespmem:$0xA0];
	[tilespmem:$0x10E20] =	vst v0  }
0xc0: {  	v30 =	vld [tilespmem:$0x2A0];
	[tilespmem:$0x10E30] =	vst v0  }
0xc1: {  	v41 =	vld [tilespmem:$0xB0];
	[tilespmem:$0x10E40] =	vst v0  }
0xc2: {  	v42 =	vld [tilespmem:$0x2B0];
	[tilespmem:$0x10E50] =	vst v0  }
0xc3: {  	v43 =	vld [tilespmem:$0xC0];
	[tilespmem:$0x10E60] =	vst v0  }
0xc4: {  	v44 =	vld [tilespmem:$0x2C0];
	[tilespmem:$0x10E70] =	vst v0  }
0xc5: {  	v45 =	vld [tilespmem:$0xD0];
	[tilespmem:$0x11200] =	vst v0  }
0xc6: {  	v46 =	vld [tilespmem:$0x2D0];
	[tilespmem:$0x11210] =	vst v0  }
0xc7: {  	v47 =	vld [tilespmem:$0xE0];
	[tilespmem:$0x11220] =	vst v0  }
0xc8: {  	v48 =	vld [tilespmem:$0x2E0];
	[tilespmem:$0x11230] =	vst v0  }
0xc9: {  	v49 =	vld [tilespmem:$0xF0];
	[tilespmem:$0x11240] =	vst v0  }
0xca: {  	v50 =	vld [tilespmem:$0x2F0];
	[tilespmem:$0x11250] =	vst v0  }
0xcb: {  	v51 =	vld [tilespmem:$0x100];
	[tilespmem:$0x11260] =	vst v0;
	vm0 =	veq.s32 v10, $0x0  }
0xcc: {  	v52 =	vld [tilespmem:$0x300];
	[tilespmem:$0x11270] =	vst v0;
	vm11 =	veq.s32 v12, $0x0;
	v40 =	vsel vm0, $0x8, v9  }
0xcd: {  	v53 =	vld [tilespmem:$0x110];
	vm12 =	veq.s32 v14, $0x0;
	v39 =	vsel vm11, $0x8, v11;
	[tilespmem:$0x400] =	vst v40  }
0xce: {  	v54 =	vld [tilespmem:$0x310];
	vm1 =	veq.s32 v16, $0x0;
	v38 =	vsel vm12, $0x8, v13;
	[tilespmem:$0x410] =	vst v39  }
0xcf: {  	v55 =	vld [tilespmem:$0x120];
	vm13 =	veq.s32 v18, $0x0;
	v37 =	vsel vm1, $0x8, v15;
	[tilespmem:$0x420] =	vst v38  }
0xd0: {  	v56 =	vld [tilespmem:$0x320];
	vm14 =	veq.s32 v20, $0x0;
	v36 =	vsel vm13, $0x8, v17;
	[tilespmem:$0x430] =	vst v37  }
0xd1: {  	v57 =	vld [tilespmem:$0x130];
	vm2 =	veq.s32 v22, $0x0;
	v35 =	vsel vm14, $0x8, v19;
	[tilespmem:$0x440] =	vst v36  }
0xd2: {  	v58 =	vld [tilespmem:$0x330];
	vm15 =	veq.s32 v24, $0x0;
	v34 =	vsel vm2, $0x8, v21;
	[tilespmem:$0x450] =	vst v35  }
0xd3: {  	v59 =	vld [tilespmem:$0x140];
	vm4 =	veq.s32 v26, $0x0;
	v33 =	vsel vm15, $0x8, v23;
	[tilespmem:$0x460] =	vst v34  }
0xd4: {  	v60 =	vld [tilespmem:$0x340];
	vm5 =	veq.s32 v28, $0x0;
	v32 =	vsel vm4, $0x8, v25;
	[tilespmem:$0x470] =	vst v33  }
0xd5: {  	v61 =	vld [tilespmem:$0x150];
	vm6 =	veq.s32 v30, $0x0;
	v31 =	vsel vm5, $0x8, v27;
	[tilespmem:$0x480] =	vst v32  }
0xd6: {  	v62 =	vld [tilespmem:$0x350];
	vm7 =	veq.s32 v42, $0x0;
	v30 =	vsel vm6, $0x8, v29;
	[tilespmem:$0x490] =	vst v31  }
0xd7: {  	v63 =	vld [tilespmem:$0x160];
	vm8 =	veq.s32 v44, $0x0;
	v29 =	vsel vm7, $0x8, v41;
	[tilespmem:$0x4A0] =	vst v30  }
0xd8: {  	v10 =	vld [tilespmem:$0x360];
	vm9 =	veq.s32 v46, $0x0;
	v28 =	vsel vm8, $0x8, v43;
	[tilespmem:$0x4B0] =	vst v29  }
0xd9: {  	v12 =	vld [tilespmem:$0x180];
	vm10 =	veq.s32 v48, $0x0;
	v27 =	vsel vm9, $0x8, v45;
	[tilespmem:$0x4C0] =	vst v28  }
0xda: {  	v14 =	vld [tilespmem:$0x190];
	vm11 =	veq.s32 v50, $0x0;
	v26 =	vsel vm10, $0x8, v47;
	[tilespmem:$0x4D0] =	vst v27  }
0xdb: {  	v16 =	vld [tilespmem:$0x1A0];
	vm12 =	veq.s32 v52, $0x0;
	v25 =	vsel vm11, $0x8, v49;
	[tilespmem:$0x4E0] =	vst v26  }
0xdc: {  	v42 =	vld [tilespmem:$0x3A0];
	vm13 =	veq.s32 v54, $0x0;
	v24 =	vsel vm12, $0x8, v51;
	[tilespmem:$0x4F0] =	vst v25  }
0xdd: {  	v44 =	vld [tilespmem:$0x1C0];
	vm14 =	veq.s32 v56, $0x0;
	v23 =	vsel vm13, $0x8, v53;
	[tilespmem:$0x500] =	vst v24  }
0xde: {  	v9 =	vld [tilespmem:$0x170];
	vm15 =	veq.s32 v58, $0x0;
	v22 =	vsel vm14, $0x8, v55;
	[tilespmem:$0x510] =	vst v23  }
0xdf: {  	v11 =	vld [tilespmem:$0x370];
	vm4 =	veq.s32 v60, $0x0;
	v21 =	vsel vm15, $0x8, v57;
	[tilespmem:$0x520] =	vst v22  }
0xe0: {  	v13 =	vld [tilespmem:$0x380];
	vm5 =	veq.s32 v62, $0x0;
	v20 =	vsel vm4, $0x8, v59;
	[tilespmem:$0x530] =	vst v21  }
0xe1: {  	v15 =	vld [tilespmem:$0x390];
	v59 =	vsel vm5, $0x8, v61;
	[tilespmem:$0x540] =	vst v20  }
0xe2: {  	v43 =	vld [tilespmem:$0x3B0];
	[tilespmem:$0x1FF50] =	vst v59;
	vm6 =	veq.s32 v10, $0x0  }
0xe3: {  	v54 =	vld [tilespmem:$0x3C0];
	[tilespmem:$0x550] =	vst v59;
	v61 =	vsel vm6, $0x8, v63  }
0xe4: {  	v58 =	vld [tilespmem:$0x3D0];
	vm10 =	veq.s32 v42, $0x0;
	[tilespmem:$0x1FF60] =	vst v61  }
0xe5: {  	v60 =	vld [tilespmem:$0x3E0];
	v63 =	vsel vm10, $0x8, v16;
	[tilespmem:$0x560] =	vst v61  }
0xe6: {  	v41 =	vld [tilespmem:$0x1B0];
	vm7 =	veq.s32 v11, $0x0;
	[tilespmem:$0x1FFA0] =	vst v63  }
0xe7: {  	v56 =	vld [tilespmem:$0x1D0];
	v62 =	vsel vm7, $0x8, v9;
	[tilespmem:$0x5A0] =	vst v63  }
0xe8: {  	v10 =	vld [tilespmem:$0x1E0];
	vm8 =	veq.s32 v13, $0x0;
	vm9 =	veq.s32 v15, $0x0;
	vm11 =	veq.s32 v43, $0x0;
	[tilespmem:$0x1FF70] =	vst v62  }
0xe9: {  	vm12 =	veq.s32 v54, $0x0;
	vm13 =	veq.s32 v58, $0x0;
	v19 =	vsel vm8, $0x8, v12;
	v9 =	vld [tilespmem:$0x3F0];
	[tilespmem:$0x570] =	vst v62  }
0xea: {  	vm14 =	veq.s32 v60, $0x0;
	v58 =	vshll.u32 v38, $0x7;
	v60 =	vshll.u32 v36, $0x8;
	[tilespmem:$0x1FF80] =	vst v19  }
0xeb: {  	v11 =	vld [tilespmem:$0x1F0];
	v16 =	vshll.u32 v33, $0x8;
	v18 =	vsel vm9, $0x8, v14;
	v52 =	vsel vm11, $0x8, v41;
	[tilespmem:$0x580] =	vst v19  }
0xec: {  	v53 =	vsel vm12, $0x8, v44;
	v54 =	vsel vm13, $0x8, v56;
	v56 =	vshll.u32 v39, $0x8;
	[tilespmem:$0x1FF90] =	vst v18  }
0xed: {  	v59 =	vand.u32 $0x380, v58;
	v63 =	vand.u32 $0xFFFFF800, v60;
	[tilespmem:$0x590] =	vst v18;
	v55 =	vsel vm14, $0x8, v10  }
0xee: {  	[tilespmem:$0x1FFB0] =	vst v52;
	v10 =	vshll.u32 v40, $0x7;
	vm15 =	veq.s32 v9, $0x0;
	v9 =	vshll.u32 v40, $0x8  }
0xef: {  	v12 =	vshll.u32 v35, $0x7;
	[tilespmem:$0x5B0] =	vst v52;
	v10 =	vand.u32 $0x380, v10;
	v9 =	vand.u32 $0xFFFFF800, v9  }
0xf0: {  	[tilespmem:$0x1FFC0] =	vst v53;
	v57 =	vsel vm15, $0x8, v11;
	v11 =	vshll.u32 v38, $0x8;
	v41 =	vor.u32 v10, v9  }
0xf1: {  	[tilespmem:$0x5C0] =	vst v53;
	v9 =	vand.u32 $0xFFFFF800, v56;
	v10 =	vshll.u32 v39, $0x7;
	v11 =	vand.u32 $0xFFFFF800, v11  }
0xf2: {  	[tilespmem:$0x1FFD0] =	vst v54;
	v10 =	vand.u32 $0x380, v10;
	v43 =	vor.u32 v59, v11;
	v11 =	vlaneseq.u32  }
0xf3: {  	[tilespmem:$0x5D0] =	vst v54;
	v42 =	vor.u32 v10, v9;
	v9 =	vshll.u32 v37, $0x8;
	v61 =	vshll.u32 v11, $0x3  }
0xf4: {  	[tilespmem:$0x1FFE0] =	vst v55;
	v10 =	vshll.u32 v37, $0x7;
	v49 =	vand.u32 $0x7F, v11;
	v50 =	vand.u32 $0x400, v61  }
0xf5: {  	[tilespmem:$0x5E0] =	vst v55;
	v9 =	vand.u32 $0xFFFFF800, v9;
	v10 =	vand.u32 $0x380, v10;
	v48 =	vor.u32 v49, v50  }
0xf6: {  	v62 =	vshll.u32 v36, $0x7;
	[tilespmem:$0x1FFF0] =	vst v57;
	v44 =	vor.u32 v10, v9;
	v9 =	vor.u32 v5, v48  }
0xf7: {  	v14 =	vshll.u32 v34, $0x7;
	v46 =	vand.u32 $0x380, v62;
	[tilespmem:$0x5F0] =	vst v57;
	v13 =	vor.u32 v4, v48  }
0xf8: {  	v45 =	vor.u32 v46, v63;
	_ =	swait.ge [sflag:s3], $0x8000;
	v10 =	vshll.u32 v35, $0x8;
	v60 =	vor.u32 v1, v48  }
0xf9: {  	v46 =	vand.u32 $0x380, v12;
	[sflag:s3] =	ssyncset.done $0x0;
	v10 =	vand.u32 $0xFFFFF800, v10;
	v61 =	vor.u32 v2, v48  }
0xfa: {  	[sflag:s3] =	ssyncadd.s32 $0xFFFF8000;
	v15 =	vor.u32 v3, v48;
	v46 =	vor.u32 v46, v10;
	v10 =	vshll.u32 v34, $0x8  }
0xfb: {  	v47 =	vand.u32 $0x380, v14;
	v17 =	vor.u32 v7, v48;
	v10 =	vand.u32 $0xFFFFF800, v10;
	v57 =	vld.idx.msk [tilespmem:v9+s13+$0x0], $0xffff  }
0xfc: {  	v62 =	vshll.u32 v33, $0x7;
	v51 =	vor.u32 v6, v48;
	v47 =	vor.u32 v47, v10;
	v10 =	vld.idx.msk [tilespmem:v13+s13+$0x0], $0xffff  }
0xfd: {  	v12 =	vand.u32 $0x380, v62;
	v63 =	vor.u32 v41, v49;
	v59 =	vor.u32 v8, v48;
	v52 =	vld.idx.msk [tilespmem:v60+s13+$0x0], $0xffff  }
0xfe: {  	v58 =	vor.u32 v50, v63;
	v9 =	vand.u32 $0xFFFFF800, v16;
	v13 =	vor.u32 v42, v49;
	v53 =	vld.idx.msk [tilespmem:v61+s13+$0x0], $0xffff  }
0xff: {  	v14 =	vor.u32 v43, v49;
	v54 =	vld.idx.msk [tilespmem:v15+s13+$0x0], $0xffff;
	v48 =	vor.u32 v12, v9;
	v9 =	vor.u32 v50, v13  }
0x100: {  	v55 =	vor.u32 v50, v14;
	v15 =	vor.u32 v44, v49;
	v16 =	vor.u32 v45, v49;
	v56 =	vld.idx.msk [tilespmem:v17+s13+$0x0], $0xffff  }
0x101: {  	v17 =	vor.u32 v46, v49;
	v51 =	vld.idx.msk [tilespmem:v51+s13+$0x0], $0xffff;
	v60 =	vor.u32 v50, v15;
	v61 =	vor.u32 v50, v16  }
0x102: {  	v59 =	vld.idx.msk [tilespmem:v59+s13+$0x0], $0xffff;
	v12 =	vor.u32 v47, v49;
	v62 =	vor.u32 v50, v17;
	v13 =	vadd.s32 $0x1, v11  }
0x103: {  	v49 =	vor.u32 v48, v49;
	v14 =	vshll.u32 v13, $0x3;
	v16 =	vand.u32 $0x7F, v13;
	[tilespmem:v58+s19+$0x0] =	vst.idx.add.f32.msk $0xffff, v52  }
0x104: {  	v49 =	vor.u32 v50, v49;
	v52 =	vor.u32 v50, v12;
	[tilespmem:v9+s19+$0x0] =	vst.idx.add.f32.msk $0xffff, v53;
	v9 =	vand.u32 $0x400, v14  }
0x105: {  	v13 =	vor.u32 v47, v16;
	[tilespmem:v55+s19+$0x0] =	vst.idx.add.f32.msk $0xffff, v54;
	v63 =	vor.u32 v16, v9  }
0x106: {  	v15 =	vor.u32 v45, v16;
	[tilespmem:v60+s19+$0x0] =	vst.idx.add.f32.msk $0xffff, v10;
	v60 =	vor.u32 v4, v63  }
0x107: {  	v17 =	vor.u32 v46, v16;
	v10 =	vor.u32 v2, v63;
	[tilespmem:v61+s19+$0x0] =	vst.idx.add.f32.msk $0xffff, v57  }
0x108: {  	v12 =	vor.u32 v44, v16;
	v14 =	vor.u32 v3, v63;
	[tilespmem:v62+s19+$0x0] =	vst.idx.add.f32.msk $0xffff, v51  }
0x109: {  	v54 =	vor.u32 v43, v16;
	v57 =	vor.u32 v1, v63;
	[tilespmem:v52+s19+$0x0] =	vst.idx.add.f32.msk $0xffff, v56  }
0x10a: {  	v11 =	vadd.s32 $0x2, v11;
	v50 =	vor.u32 v9, v12;
	v58 =	vor.u32 v6, v63;
	[tilespmem:v49+s19+$0x0] =	vst.idx.add.f32.msk $0xffff, v59  }
0x10b: {  	v53 =	vor.u32 v9, v17;
	v51 =	vor.u32 v9, v15;
	v59 =	vor.u32 v5, v63;
	v52 =	vld.idx.msk [tilespmem:v60+s13+$0x0], $0xffff  }
0x10c: {  	v62 =	vor.u32 v8, v63;
	v55 =	vld.idx.msk [tilespmem:v10+s13+$0x0], $0xffff;
	v60 =	vor.u32 v7, v63;
	v10 =	vor.u32 v41, v16  }
0x10d: {  	v49 =	vand.u32 $0xFF, v11;
	v56 =	vld.idx.msk [tilespmem:v14+s13+$0x0], $0xffff;
	v61 =	vor.u32 v9, v10;
	v10 =	vor.u32 v42, v16  }
0x10e: {  	s23 =	simm.s32 $0x0;
	v11 =	vor.u32 v48, v16;
	v57 =	vld.idx.msk [tilespmem:v57+s13+$0x0], $0xffff;
	v63 =	vor.u32 v9, v10;
	v10 =	vor.u32 v9, v13  }
.LBB2_2:
0x10f: {  	v13 =	vshll.u32 v49, $0x3;
	s23 =	sadd.s32 $0x2, s23;
	v16 =	vld.idx.msk [tilespmem:v58+s13+$0x0], $0xffff;
	v54 =	vor.u32 v9, v54  }
0x110: {  	v58 =	vand.u32 $0x7F, v49;
	v9 =	vor.u32 v9, v11;
	v13 =	vand.u32 $0x400, v13;
	p0 =	slt.u32 s23, $0xFE;
	v59 =	vld.idx.msk [tilespmem:v59+s13+$0x0], $0xffff  }
0x111: {  	v14 =	vor.u32 v41, v58;
	v15 =	vor.u32 v42, v58;
	v11 =	vor.u32 v58, v13;
	v60 =	vld.idx.msk [tilespmem:v60+s13+$0x0], $0xffff  }
0x112: {  	v14 =	vor.u32 v13, v14;
	v12 =	vor.u32 v1, v11;
	v17 =	vor.u32 v7, v11;
	v62 =	vld.idx.msk [tilespmem:v62+s13+$0x0], $0xffff  }
0x113: {  	v18 =	vor.u32 v2, v11;
	v19 =	vor.u32 v4, v11;
	[tilespmem:v61+s19+$0x0] =	vst.idx.add.f32.msk $0xffff, v57  }
0x114: {  	v57 =	vor.u32 v3, v11;
	v61 =	vor.u32 v8, v11;
	[tilespmem:v63+s19+$0x0] =	vst.idx.add.f32.msk $0xffff, v55  }
0x115: {  	v15 =	vor.u32 v13, v15;
	v55 =	vor.u32 v43, v58;
	[tilespmem:v54+s19+$0x0] =	vst.idx.add.f32.msk $0xffff, v56  }
0x116: {  	v54 =	vor.u32 v5, v11;
	v55 =	vor.u32 v13, v55;
	[tilespmem:v50+s19+$0x0] =	vst.idx.add.f32.msk $0xffff, v52  }
0x117: {  	v50 =	vor.u32 v44, v58;
	v52 =	vor.u32 v45, v58;
	[tilespmem:v51+s19+$0x0] =	vst.idx.add.f32.msk $0xffff, v59  }
0x118: {  	v50 =	vor.u32 v13, v50;
	v51 =	vor.u32 v13, v52;
	[tilespmem:v53+s19+$0x0] =	vst.idx.add.f32.msk $0xffff, v16  }
0x119: {  	v52 =	vor.u32 v47, v58;
	v16 =	vor.u32 v46, v58;
	[tilespmem:v10+s19+$0x0] =	vst.idx.add.f32.msk $0xffff, v60  }
0x11a: {  	v10 =	vor.u32 v13, v16;
	v16 =	vor.u32 v13, v52;
	[tilespmem:v9+s19+$0x0] =	vst.idx.add.f32.msk $0xffff, v62  }
0x11b: {  	v9 =	vor.u32 v48, v58;
	v52 =	vld.idx.msk [tilespmem:v54+s13+$0x0], $0xffff  }
0x11c: {  	v11 =	vor.u32 v6, v11;
	v13 =	vor.u32 v13, v9;
	v19 =	vld.idx.msk [tilespmem:v19+s13+$0x0], $0xffff  }
0x11d: {  	v9 =	vld.idx.msk [tilespmem:v12+s13+$0x0], $0xffff  }
0x11e: {  	v12 =	vld.idx.msk [tilespmem:v18+s13+$0x0], $0xffff  }
0x11f: {  	v18 =	vld.idx.msk [tilespmem:v57+s13+$0x0], $0xffff  }
0x120: {  	v17 =	vld.idx.msk [tilespmem:v17+s13+$0x0], $0xffff  }
0x121: {  	v11 =	vld.idx.msk [tilespmem:v11+s13+$0x0], $0xffff  }
0x122: {  	v54 =	vadd.s32 $0x1, v49;
	v53 =	vld.idx.msk [tilespmem:v61+s13+$0x0], $0xffff  }
0x123: {  	[tilespmem:v14+s19+$0x0] =	vst.idx.add.f32.msk $0xffff, v9;
	v9 =	vshll.u32 v54, $0x3  }
0x124: {  	[tilespmem:v15+s19+$0x0] =	vst.idx.add.f32.msk $0xffff, v12;
	v12 =	vand.u32 $0x7F, v54;
	v9 =	vand.u32 $0x400, v9  }
0x125: {  	[tilespmem:v55+s19+$0x0] =	vst.idx.add.f32.msk $0xffff, v18;
	v14 =	vor.u32 v12, v9;
	v15 =	vor.u32 v47, v12  }
0x126: {  	[tilespmem:v50+s19+$0x0] =	vst.idx.add.f32.msk $0xffff, v19;
	v18 =	vor.u32 v2, v14;
	v19 =	vor.u32 v4, v14  }
0x127: {  	v56 =	vor.u32 v1, v14;
	v50 =	vor.u32 v44, v12;
	[tilespmem:v51+s19+$0x0] =	vst.idx.add.f32.msk $0xffff, v52  }
0x128: {  	v54 =	vor.u32 v43, v12;
	v50 =	vor.u32 v9, v50;
	[tilespmem:v10+s19+$0x0] =	vst.idx.add.f32.msk $0xffff, v11  }
0x129: {  	v10 =	vor.u32 v3, v14;
	v11 =	vor.u32 v45, v12;
	[tilespmem:v16+s19+$0x0] =	vst.idx.add.f32.msk $0xffff, v17  }
.Ltmp0:
0x12a: {  	v58 =	vor.u32 v6, v14;
	v51 =	vor.u32 v9, v11;
	v11 =	vadd.s32 $0x2, v49;
	[tilespmem:v13+s19+$0x0] =	vst.idx.add.f32.msk $0xffff, v53;
	(pc) =	sbr.rel @p0 .LBB2_2-.Ltmp0, $4  }
0x12b: {  	v59 =	vor.u32 v5, v14;
	v13 =	vor.u32 v46, v12;
	v49 =	vand.u32 $0xFF, v11;
	v52 =	vld.idx.msk [tilespmem:v19+s13+$0x0], $0xffff  }
0x12c: {  	v60 =	vor.u32 v7, v14;
	v11 =	vor.u32 v41, v12;
	v53 =	vor.u32 v9, v13;
	v55 =	vld.idx.msk [tilespmem:v18+s13+$0x0], $0xffff  }
0x12d: {  	v62 =	vor.u32 v8, v14;
	v61 =	vor.u32 v9, v11;
	v11 =	vor.u32 v42, v12;
	v57 =	vld.idx.msk [tilespmem:v56+s13+$0x0], $0xffff  }
0x12e: {  	v63 =	vor.u32 v9, v11;
	v11 =	vor.u32 v48, v12;
	v56 =	vld.idx.msk [tilespmem:v10+s13+$0x0], $0xffff;
	v10 =	vor.u32 v9, v15  }
0x12f: {  	_ =	sdelay $0x3  }
0x130: {  	v12 =	vld.idx.msk [tilespmem:v58+s13+$0x0], $0xffff  }
0x131: {  	v13 =	vor.u32 v9, v54;
	v14 =	vld.idx.msk [tilespmem:v59+s13+$0x0], $0xffff  }
0x132: {  	v15 =	vld.idx.msk [tilespmem:v60+s13+$0x0], $0xffff  }
0x133: {  	v16 =	vld.idx.msk [tilespmem:v62+s13+$0x0], $0xffff  }
0x134: {  	[tilespmem:v61+s19+$0x0] =	vst.idx.add.f32.msk $0xffff, v57  }
0x135: {  	[tilespmem:v63+s19+$0x0] =	vst.idx.add.f32.msk $0xffff, v55  }
0x136: {  	v9 =	vor.u32 v9, v11;
	[tilespmem:v13+s19+$0x0] =	vst.idx.add.f32.msk $0xffff, v56  }
0x137: {  	[tilespmem:v50+s19+$0x0] =	vst.idx.add.f32.msk $0xffff, v52  }
0x138: {  	[tilespmem:v51+s19+$0x0] =	vst.idx.add.f32.msk $0xffff, v14  }
0x139: {  	[tilespmem:v53+s19+$0x0] =	vst.idx.add.f32.msk $0xffff, v12  }
0x13a: {  	[tilespmem:v10+s19+$0x0] =	vst.idx.add.f32.msk $0xffff, v15  }
0x13b: {  	[tilespmem:v9+s19+$0x0] =	vst.idx.add.f32.msk $0xffff, v16  }
0x13c: {  	[tilespmem:s13], [sflag:$0x1] =	stream.linear.gather [hbm4b:s8+s2], $0x8000, $0x38;
	[tilespmem:$0x11A00] =	vst v63  }
0x13d: {  	_ =	swait.ge [sflag:s20], $0x8000  }
0x13e: {  	[sflag:s20] =	ssyncset.done $0x0  }
0x13f: {  	[sflag:s20] =	ssyncadd.s32 $0xFFFF8000  }
0x140: {  	v12 =	vlaneseq.u32;
	v9 =	vld [tilespmem:$0x480]  }
0x141: {  	v52 =	vshll.u32 v12, $0x3;
	v10 =	vld [tilespmem:$0x490]  }
0x142: {  	v17 =	vand.u32 $0x7F, v12;
	v14 =	vand.u32 $0x400, v52;
	v11 =	vld [tilespmem:$0x4A0]  }
0x143: {  	v18 =	vor.u32 v17, v14  }
0x144: {  	v54 =	vor.u32 v4, v18;
	v55 =	vor.u32 v1, v18;
	v49 =	vld [tilespmem:$0x4C0]  }
0x145: {  	v56 =	vor.u32 v7, v18;
	v57 =	vor.u32 v6, v18;
	v53 =	vld [tilespmem:$0x4E0];
	v47 =	vshll.u32 v9, $0x8  }
0x146: {  	v19 =	vld [tilespmem:$0x4F0];
	v9 =	vshll.u32 v9, $0x7;
	v48 =	vshll.u32 v10, $0x8;
	v10 =	vshll.u32 v10, $0x7  }
0x147: {  	v46 =	vld [tilespmem:$0x4B0];
	v50 =	vshll.u32 v11, $0x8;
	v13 =	vand.u32 $0xFFFFF800, v47;
	v9 =	vand.u32 $0x380, v9  }
0x148: {  	v10 =	vand.u32 $0x380, v10;
	v41 =	vor.u32 v9, v13;
	v9 =	vand.u32 $0xFFFFF800, v48  }
0x149: {  	v11 =	vshll.u32 v11, $0x7;
	v51 =	vshll.u32 v49, $0x8;
	v42 =	vor.u32 v10, v9;
	v10 =	vld [tilespmem:$0x4D0]  }
0x14a: {  	v15 =	vshll.u32 v49, $0x7;
	v16 =	vshll.u32 v53, $0x7;
	v49 =	vor.u32 v3, v18  }
0x14b: {  	v58 =	vshll.u32 v19, $0x7;
	v11 =	vand.u32 $0x380, v11;
	v13 =	vand.u32 $0xFFFFF800, v50  }
0x14c: {  	v43 =	vor.u32 v11, v13;
	v9 =	vshll.u32 v46, $0x8;
	v11 =	vshll.u32 v46, $0x7  }
0x14d: {  	v15 =	vand.u32 $0x380, v15;
	v9 =	vand.u32 $0xFFFFF800, v9;
	v11 =	vand.u32 $0x380, v11  }
0x14e: {  	v44 =	vor.u32 v11, v9;
	v11 =	vshll.u32 v10, $0x8;
	v10 =	vshll.u32 v10, $0x7  }
0x14f: {  	v9 =	vor.u32 v5, v18;
	v11 =	vand.u32 $0xFFFFF800, v11;
	v10 =	vand.u32 $0x380, v10  }
0x150: {  	v13 =	vand.u32 $0xFFFFF800, v51;
	v46 =	vor.u32 v10, v11;
	v11 =	vor.u32 v2, v18  }
0x151: {  	v16 =	vand.u32 $0x380, v16;
	v48 =	vshll.u32 v19, $0x8;
	v45 =	vor.u32 v15, v13;
	v15 =	vld.idx.msk [tilespmem:v55+s14+$0x0], $0xffff  }
0x152: {  	v19 =	vor.u32 v41, v17;
	v59 =	vor.u32 v42, v17;
	v55 =	vld.idx.msk [tilespmem:v56+s14+$0x0], $0xffff;
	v10 =	vshll.u32 v53, $0x8  }
0x153: {  	v19 =	vor.u32 v14, v19;
	v13 =	vld.idx.msk [tilespmem:v57+s14+$0x0], $0xffff;
	v18 =	vor.u32 v8, v18;
	v10 =	vand.u32 $0xFFFFF800, v10  }
0x154: {  	v51 =	vld.idx.msk [tilespmem:v9+s14+$0x0], $0xffff;
	v9 =	vand.u32 $0xFFFFF800, v48;
	v47 =	vor.u32 v16, v10;
	v16 =	vand.u32 $0x380, v58  }
0x155: {  	v60 =	vor.u32 v43, v17;
	v48 =	vor.u32 v16, v9;
	v9 =	vor.u32 v14, v59;
	v11 =	vld.idx.msk [tilespmem:v11+s14+$0x0], $0xffff  }
0x156: {  	v49 =	vld.idx.msk [tilespmem:v49+s14+$0x0], $0xffff;
	v62 =	vor.u32 v45, v17;
	v61 =	vor.u32 v44, v17;
	v16 =	vor.u32 v14, v60  }
0x157: {  	v63 =	vor.u32 v14, v62;
	v50 =	vor.u32 v14, v61;
	v10 =	vld.idx.msk [tilespmem:v54+s14+$0x0], $0xffff  }
0x158: {  	v61 =	vadd.s32 $0x1, v12;
	v59 =	vor.u32 v46, v17;
	v60 =	vor.u32 v47, v17;
	v18 =	vld.idx.msk [tilespmem:v18+s14+$0x0], $0xffff  }
0x159: {  	v53 =	vor.u32 v14, v59;
	v62 =	vor.u32 v14, v60;
	[tilespmem:v19+s19+$0x0] =	vst.idx.add.f32.msk $0xffff, v15;
	v19 =	vshll.u32 v61, $0x3  }
0x15a: {  	v17 =	vor.u32 v48, v17;
	[tilespmem:v9+s19+$0x0] =	vst.idx.add.f32.msk $0xffff, v11;
	v11 =	vand.u32 $0x7F, v61;
	v9 =	vand.u32 $0x400, v19  }
0x15b: {  	v14 =	vor.u32 v14, v17;
	[tilespmem:v16+s19+$0x0] =	vst.idx.add.f32.msk $0xffff, v49;
	v16 =	vor.u32 v11, v9  }
0x15c: {  	v17 =	vor.u32 v47, v11;
	[tilespmem:v50+s19+$0x0] =	vst.idx.add.f32.msk $0xffff, v10;
	v19 =	vor.u32 v4, v16  }
0x15d: {  	v54 =	vor.u32 v43, v11;
	v10 =	vor.u32 v2, v16;
	[tilespmem:v63+s19+$0x0] =	vst.idx.add.f32.msk $0xffff, v51  }
0x15e: {  	v57 =	vor.u32 v46, v11;
	v56 =	vor.u32 v1, v16;
	[tilespmem:v53+s19+$0x0] =	vst.idx.add.f32.msk $0xffff, v13  }
0x15f: {  	v12 =	vadd.s32 $0x2, v12;
	v58 =	vor.u32 v6, v16;
	v13 =	vor.u32 v3, v16;
	[tilespmem:v62+s19+$0x0] =	vst.idx.add.f32.msk $0xffff, v55  }
0x160: {  	v49 =	vand.u32 $0xFF, v12;
	v59 =	vor.u32 v5, v16;
	v63 =	vor.u32 v44, v11;
	[tilespmem:v14+s19+$0x0] =	vst.idx.add.f32.msk $0xffff, v18  }
0x161: {  	v60 =	vor.u32 v7, v16;
	v50 =	vor.u32 v9, v63;
	v55 =	vor.u32 v45, v11;
	v52 =	vld.idx.msk [tilespmem:v19+s14+$0x0], $0xffff  }
0x162: {  	v53 =	vor.u32 v9, v57;
	v51 =	vor.u32 v9, v55;
	v55 =	vld.idx.msk [tilespmem:v10+s14+$0x0], $0xffff;
	v10 =	vor.u32 v41, v11  }
0x163: {  	v62 =	vor.u32 v8, v16;
	v57 =	vld.idx.msk [tilespmem:v56+s14+$0x0], $0xffff;
	v61 =	vor.u32 v9, v10;
	v10 =	vor.u32 v42, v11  }
0x164: {  	s23 =	simm.s32 $0x0;
	v11 =	vor.u32 v48, v11;
	v56 =	vld.idx.msk [tilespmem:v13+s14+$0x0], $0xffff;
	v63 =	vor.u32 v9, v10;
	v10 =	vor.u32 v9, v17  }
.LBB2_4:
0x165: {  	v12 =	vshll.u32 v49, $0x3;
	s23 =	sadd.s32 $0x2, s23;
	v13 =	vld.idx.msk [tilespmem:v58+s14+$0x0], $0xffff;
	v14 =	vor.u32 v9, v54  }
0x166: {  	v15 =	vand.u32 $0x7F, v49;
	v9 =	vor.u32 v9, v11;
	v12 =	vand.u32 $0x400, v12;
	p0 =	slt.u32 s23, $0xFE;
	v16 =	vld.idx.msk [tilespmem:v59+s14+$0x0], $0xffff  }
0x167: {  	v17 =	vor.u32 v41, v15;
	v18 =	vor.u32 v42, v15;
	v11 =	vor.u32 v15, v12;
	v19 =	vld.idx.msk [tilespmem:v60+s14+$0x0], $0xffff  }
0x168: {  	v17 =	vor.u32 v12, v17;
	v54 =	vor.u32 v1, v11;
	v58 =	vor.u32 v7, v11;
	v59 =	vld.idx.msk [tilespmem:v62+s14+$0x0], $0xffff  }
0x169: {  	v60 =	vor.u32 v2, v11;
	v62 =	vor.u32 v4, v11;
	[tilespmem:v61+s19+$0x0] =	vst.idx.add.f32.msk $0xffff, v57  }
0x16a: {  	v57 =	vor.u32 v3, v11;
	v61 =	vor.u32 v8, v11;
	[tilespmem:v63+s19+$0x0] =	vst.idx.add.f32.msk $0xffff, v55  }
0x16b: {  	v18 =	vor.u32 v12, v18;
	v55 =	vor.u32 v43, v15;
	[tilespmem:v14+s19+$0x0] =	vst.idx.add.f32.msk $0xffff, v56  }
0x16c: {  	v14 =	vor.u32 v5, v11;
	v55 =	vor.u32 v12, v55;
	[tilespmem:v50+s19+$0x0] =	vst.idx.add.f32.msk $0xffff, v52  }
0x16d: {  	v50 =	vor.u32 v44, v15;
	v52 =	vor.u32 v45, v15;
	[tilespmem:v51+s19+$0x0] =	vst.idx.add.f32.msk $0xffff, v16  }
0x16e: {  	v16 =	vor.u32 v12, v50;
	v50 =	vor.u32 v12, v52;
	[tilespmem:v53+s19+$0x0] =	vst.idx.add.f32.msk $0xffff, v13  }
0x16f: {  	v51 =	vor.u32 v47, v15;
	v13 =	vor.u32 v46, v15;
	[tilespmem:v10+s19+$0x0] =	vst.idx.add.f32.msk $0xffff, v19  }
0x170: {  	v10 =	vor.u32 v12, v13;
	v13 =	vor.u32 v12, v51;
	[tilespmem:v9+s19+$0x0] =	vst.idx.add.f32.msk $0xffff, v59  }
0x171: {  	v9 =	vor.u32 v48, v15;
	v14 =	vld.idx.msk [tilespmem:v14+s14+$0x0], $0xffff  }
0x172: {  	v11 =	vor.u32 v6, v11;
	v12 =	vor.u32 v12, v9;
	v15 =	vld.idx.msk [tilespmem:v62+s14+$0x0], $0xffff  }
0x173: {  	v9 =	vld.idx.msk [tilespmem:v54+s14+$0x0], $0xffff  }
0x174: {  	v19 =	vld.idx.msk [tilespmem:v60+s14+$0x0], $0xffff  }
0x175: {  	v51 =	vld.idx.msk [tilespmem:v57+s14+$0x0], $0xffff  }
0x176: {  	v52 =	vld.idx.msk [tilespmem:v58+s14+$0x0], $0xffff  }
0x177: {  	v11 =	vld.idx.msk [tilespmem:v11+s14+$0x0], $0xffff  }
0x178: {  	v54 =	vadd.s32 $0x1, v49;
	v53 =	vld.idx.msk [tilespmem:v61+s14+$0x0], $0xffff  }
0x179: {  	[tilespmem:v17+s19+$0x0] =	vst.idx.add.f32.msk $0xffff, v9;
	v9 =	vshll.u32 v54, $0x3  }
0x17a: {  	v17 =	vand.u32 $0x7F, v54;
	[tilespmem:v18+s19+$0x0] =	vst.idx.add.f32.msk $0xffff, v19;
	v9 =	vand.u32 $0x400, v9  }
0x17b: {  	v19 =	vor.u32 v47, v17;
	[tilespmem:v55+s19+$0x0] =	vst.idx.add.f32.msk $0xffff, v51;
	v18 =	vor.u32 v17, v9  }
0x17c: {  	[tilespmem:v16+s19+$0x0] =	vst.idx.add.f32.msk $0xffff, v15;
	v15 =	vor.u32 v2, v18;
	v16 =	vor.u32 v4, v18  }
0x17d: {  	[tilespmem:v50+s19+$0x0] =	vst.idx.add.f32.msk $0xffff, v14;
	v14 =	vor.u32 v1, v18;
	v50 =	vor.u32 v44, v17  }
0x17e: {  	v54 =	vor.u32 v43, v17;
	[tilespmem:v10+s19+$0x0] =	vst.idx.add.f32.msk $0xffff, v11;
	v50 =	vor.u32 v9, v50  }
0x17f: {  	v10 =	vor.u32 v3, v18;
	v11 =	vor.u32 v45, v17;
	[tilespmem:v13+s19+$0x0] =	vst.idx.add.f32.msk $0xffff, v52  }
.Ltmp1:
0x180: {  	v58 =	vor.u32 v6, v18;
	v51 =	vor.u32 v9, v11;
	v11 =	vadd.s32 $0x2, v49;
	[tilespmem:v12+s19+$0x0] =	vst.idx.add.f32.msk $0xffff, v53;
	(pc) =	sbr.rel @p0 .LBB2_4-.Ltmp1, $4  }
0x181: {  	v59 =	vor.u32 v5, v18;
	v12 =	vor.u32 v46, v17;
	v49 =	vand.u32 $0xFF, v11;
	v52 =	vld.idx.msk [tilespmem:v16+s14+$0x0], $0xffff  }
0x182: {  	v60 =	vor.u32 v7, v18;
	v11 =	vor.u32 v41, v17;
	v53 =	vor.u32 v9, v12;
	v55 =	vld.idx.msk [tilespmem:v15+s14+$0x0], $0xffff  }
0x183: {  	v62 =	vor.u32 v8, v18;
	v61 =	vor.u32 v9, v11;
	v11 =	vor.u32 v42, v17;
	v57 =	vld.idx.msk [tilespmem:v14+s14+$0x0], $0xffff  }
0x184: {  	v63 =	vor.u32 v9, v11;
	v11 =	vor.u32 v48, v17;
	v56 =	vld.idx.msk [tilespmem:v10+s14+$0x0], $0xffff;
	v10 =	vor.u32 v9, v19  }
0x185: {  	_ =	sdelay $0x3  }
0x186: {  	v12 =	vld.idx.msk [tilespmem:v58+s14+$0x0], $0xffff  }
0x187: {  	v13 =	vor.u32 v9, v54;
	v14 =	vld.idx.msk [tilespmem:v59+s14+$0x0], $0xffff  }
0x188: {  	v15 =	vld.idx.msk [tilespmem:v60+s14+$0x0], $0xffff  }
0x189: {  	v16 =	vld.idx.msk [tilespmem:v62+s14+$0x0], $0xffff  }
0x18a: {  	[tilespmem:v61+s19+$0x0] =	vst.idx.add.f32.msk $0xffff, v57  }
0x18b: {  	[tilespmem:v63+s19+$0x0] =	vst.idx.add.f32.msk $0xffff, v55  }
0x18c: {  	v9 =	vor.u32 v9, v11;
	[tilespmem:v13+s19+$0x0] =	vst.idx.add.f32.msk $0xffff, v56  }
0x18d: {  	[tilespmem:v50+s19+$0x0] =	vst.idx.add.f32.msk $0xffff, v52  }
0x18e: {  	[tilespmem:v51+s19+$0x0] =	vst.idx.add.f32.msk $0xffff, v14  }
0x18f: {  	[tilespmem:v53+s19+$0x0] =	vst.idx.add.f32.msk $0xffff, v12  }
0x190: {  	[tilespmem:v10+s19+$0x0] =	vst.idx.add.f32.msk $0xffff, v15  }
0x191: {  	[tilespmem:v9+s19+$0x0] =	vst.idx.add.f32.msk $0xffff, v16  }
0x192: {  	[tilespmem:s14], [sflag:$0x2] =	stream.linear.gather [hbm4b:s9+s2], $0x8000, $0x38;
	[tilespmem:$0x11A00] =	vst v63  }
0x193: {  	_ =	swait.ge [sflag:s3], $0x8000  }
0x194: {  	[sflag:s3] =	ssyncset.done $0x0  }
0x195: {  	[sflag:s3] =	ssyncadd.s32 $0xFFFF8000  }
0x196: {  	v12 =	vlaneseq.u32;
	v9 =	vld [tilespmem:$0x500]  }
0x197: {  	v52 =	vshll.u32 v12, $0x3;
	v10 =	vld [tilespmem:$0x510]  }
0x198: {  	v17 =	vand.u32 $0x7F, v12;
	v14 =	vand.u32 $0x400, v52;
	v11 =	vld [tilespmem:$0x520]  }
0x199: {  	v18 =	vor.u32 v17, v14  }
0x19a: {  	v54 =	vor.u32 v4, v18;
	v55 =	vor.u32 v1, v18;
	v49 =	vld [tilespmem:$0x540]  }
0x19b: {  	v56 =	vor.u32 v7, v18;
	v57 =	vor.u32 v6, v18;
	v53 =	vld [tilespmem:$0x560];
	v47 =	vshll.u32 v9, $0x8  }
0x19c: {  	v19 =	vld [tilespmem:$0x570];
	v9 =	vshll.u32 v9, $0x7;
	v48 =	vshll.u32 v10, $0x8;
	v10 =	vshll.u32 v10, $0x7  }
0x19d: {  	v46 =	vld [tilespmem:$0x530];
	v50 =	vshll.u32 v11, $0x8;
	v13 =	vand.u32 $0xFFFFF800, v47;
	v9 =	vand.u32 $0x380, v9  }
0x19e: {  	v10 =	vand.u32 $0x380, v10;
	v41 =	vor.u32 v9, v13;
	v9 =	vand.u32 $0xFFFFF800, v48  }
0x19f: {  	v11 =	vshll.u32 v11, $0x7;
	v51 =	vshll.u32 v49, $0x8;
	v42 =	vor.u32 v10, v9;
	v10 =	vld [tilespmem:$0x550]  }
0x1a0: {  	v15 =	vshll.u32 v49, $0x7;
	v16 =	vshll.u32 v53, $0x7;
	v49 =	vor.u32 v3, v18  }
0x1a1: {  	v58 =	vshll.u32 v19, $0x7;
	v11 =	vand.u32 $0x380, v11;
	v13 =	vand.u32 $0xFFFFF800, v50  }
0x1a2: {  	v43 =	vor.u32 v11, v13;
	v9 =	vshll.u32 v46, $0x8;
	v11 =	vshll.u32 v46, $0x7  }
0x1a3: {  	v15 =	vand.u32 $0x380, v15;
	v9 =	vand.u32 $0xFFFFF800, v9;
	v11 =	vand.u32 $0x380, v11  }
0x1a4: {  	v44 =	vor.u32 v11, v9;
	v11 =	vshll.u32 v10, $0x8;
	v10 =	vshll.u32 v10, $0x7  }
0x1a5: {  	v9 =	vor.u32 v5, v18;
	v11 =	vand.u32 $0xFFFFF800, v11;
	v10 =	vand.u32 $0x380, v10  }
0x1a6: {  	v13 =	vand.u32 $0xFFFFF800, v51;
	v46 =	vor.u32 v10, v11;
	v11 =	vor.u32 v2, v18  }
0x1a7: {  	v16 =	vand.u32 $0x380, v16;
	v48 =	vshll.u32 v19, $0x8;
	v45 =	vor.u32 v15, v13;
	v15 =	vld.idx.msk [tilespmem:v55+s13+$0x0], $0xffff  }
0x1a8: {  	v19 =	vor.u32 v41, v17;
	v59 =	vor.u32 v42, v17;
	v55 =	vld.idx.msk [tilespmem:v56+s13+$0x0], $0xffff;
	v10 =	vshll.u32 v53, $0x8  }
0x1a9: {  	v19 =	vor.u32 v14, v19;
	v13 =	vld.idx.msk [tilespmem:v57+s13+$0x0], $0xffff;
	v18 =	vor.u32 v8, v18;
	v10 =	vand.u32 $0xFFFFF800, v10  }
0x1aa: {  	v51 =	vld.idx.msk [tilespmem:v9+s13+$0x0], $0xffff;
	v9 =	vand.u32 $0xFFFFF800, v48;
	v47 =	vor.u32 v16, v10;
	v16 =	vand.u32 $0x380, v58  }
0x1ab: {  	v60 =	vor.u32 v43, v17;
	v48 =	vor.u32 v16, v9;
	v9 =	vor.u32 v14, v59;
	v11 =	vld.idx.msk [tilespmem:v11+s13+$0x0], $0xffff  }
0x1ac: {  	v49 =	vld.idx.msk [tilespmem:v49+s13+$0x0], $0xffff;
	v62 =	vor.u32 v45, v17;
	v61 =	vor.u32 v44, v17;
	v16 =	vor.u32 v14, v60  }
0x1ad: {  	v63 =	vor.u32 v14, v62;
	v50 =	vor.u32 v14, v61;
	v10 =	vld.idx.msk [tilespmem:v54+s13+$0x0], $0xffff  }
0x1ae: {  	v61 =	vadd.s32 $0x1, v12;
	v59 =	vor.u32 v46, v17;
	v60 =	vor.u32 v47, v17;
	v18 =	vld.idx.msk [tilespmem:v18+s13+$0x0], $0xffff  }
0x1af: {  	v53 =	vor.u32 v14, v59;
	v62 =	vor.u32 v14, v60;
	[tilespmem:v19+s19+$0x0] =	vst.idx.add.f32.msk $0xffff, v15;
	v19 =	vshll.u32 v61, $0x3  }
0x1b0: {  	v17 =	vor.u32 v48, v17;
	[tilespmem:v9+s19+$0x0] =	vst.idx.add.f32.msk $0xffff, v11;
	v11 =	vand.u32 $0x7F, v61;
	v9 =	vand.u32 $0x400, v19  }
0x1b1: {  	v14 =	vor.u32 v14, v17;
	[tilespmem:v16+s19+$0x0] =	vst.idx.add.f32.msk $0xffff, v49;
	v16 =	vor.u32 v11, v9  }
0x1b2: {  	v17 =	vor.u32 v47, v11;
	[tilespmem:v50+s19+$0x0] =	vst.idx.add.f32.msk $0xffff, v10;
	v19 =	vor.u32 v4, v16  }
0x1b3: {  	v54 =	vor.u32 v43, v11;
	v10 =	vor.u32 v2, v16;
	[tilespmem:v63+s19+$0x0] =	vst.idx.add.f32.msk $0xffff, v51  }
0x1b4: {  	v57 =	vor.u32 v46, v11;
	v56 =	vor.u32 v1, v16;
	[tilespmem:v53+s19+$0x0] =	vst.idx.add.f32.msk $0xffff, v13  }
0x1b5: {  	v12 =	vadd.s32 $0x2, v12;
	v58 =	vor.u32 v6, v16;
	v13 =	vor.u32 v3, v16;
	[tilespmem:v62+s19+$0x0] =	vst.idx.add.f32.msk $0xffff, v55  }
0x1b6: {  	v49 =	vand.u32 $0xFF, v12;
	v59 =	vor.u32 v5, v16;
	v63 =	vor.u32 v44, v11;
	[tilespmem:v14+s19+$0x0] =	vst.idx.add.f32.msk $0xffff, v18  }
0x1b7: {  	v60 =	vor.u32 v7, v16;
	v50 =	vor.u32 v9, v63;
	v55 =	vor.u32 v45, v11;
	v52 =	vld.idx.msk [tilespmem:v19+s13+$0x0], $0xffff  }
0x1b8: {  	v53 =	vor.u32 v9, v57;
	v51 =	vor.u32 v9, v55;
	v55 =	vld.idx.msk [tilespmem:v10+s13+$0x0], $0xffff;
	v10 =	vor.u32 v41, v11  }
0x1b9: {  	v62 =	vor.u32 v8, v16;
	v57 =	vld.idx.msk [tilespmem:v56+s13+$0x0], $0xffff;
	v61 =	vor.u32 v9, v10;
	v10 =	vor.u32 v42, v11  }
0x1ba: {  	s23 =	simm.s32 $0x0;
	v11 =	vor.u32 v48, v11;
	v56 =	vld.idx.msk [tilespmem:v13+s13+$0x0], $0xffff;
	v63 =	vor.u32 v9, v10;
	v10 =	vor.u32 v9, v17  }
.LBB2_6:
0x1bb: {  	v12 =	vshll.u32 v49, $0x3;
	s23 =	sadd.s32 $0x2, s23;
	v13 =	vld.idx.msk [tilespmem:v58+s13+$0x0], $0xffff;
	v14 =	vor.u32 v9, v54  }
0x1bc: {  	v15 =	vand.u32 $0x7F, v49;
	v9 =	vor.u32 v9, v11;
	v12 =	vand.u32 $0x400, v12;
	p0 =	slt.u32 s23, $0xFE;
	v16 =	vld.idx.msk [tilespmem:v59+s13+$0x0], $0xffff  }
0x1bd: {  	v17 =	vor.u32 v41, v15;
	v18 =	vor.u32 v42, v15;
	v11 =	vor.u32 v15, v12;
	v19 =	vld.idx.msk [tilespmem:v60+s13+$0x0], $0xffff  }
0x1be: {  	v17 =	vor.u32 v12, v17;
	v54 =	vor.u32 v1, v11;
	v58 =	vor.u32 v7, v11;
	v59 =	vld.idx.msk [tilespmem:v62+s13+$0x0], $0xffff  }
0x1bf: {  	v60 =	vor.u32 v2, v11;
	v62 =	vor.u32 v4, v11;
	[tilespmem:v61+s19+$0x0] =	vst.idx.add.f32.msk $0xffff, v57  }
0x1c0: {  	v57 =	vor.u32 v3, v11;
	v61 =	vor.u32 v8, v11;
	[tilespmem:v63+s19+$0x0] =	vst.idx.add.f32.msk $0xffff, v55  }
0x1c1: {  	v18 =	vor.u32 v12, v18;
	v55 =	vor.u32 v43, v15;
	[tilespmem:v14+s19+$0x0] =	vst.idx.add.f32.msk $0xffff, v56  }
0x1c2: {  	v14 =	vor.u32 v5, v11;
	v55 =	vor.u32 v12, v55;
	[tilespmem:v50+s19+$0x0] =	vst.idx.add.f32.msk $0xffff, v52  }
0x1c3: {  	v50 =	vor.u32 v44, v15;
	v52 =	vor.u32 v45, v15;
	[tilespmem:v51+s19+$0x0] =	vst.idx.add.f32.msk $0xffff, v16  }
0x1c4: {  	v16 =	vor.u32 v12, v50;
	v50 =	vor.u32 v12, v52;
	[tilespmem:v53+s19+$0x0] =	vst.idx.add.f32.msk $0xffff, v13  }
0x1c5: {  	v51 =	vor.u32 v47, v15;
	v13 =	vor.u32 v46, v15;
	[tilespmem:v10+s19+$0x0] =	vst.idx.add.f32.msk $0xffff, v19  }
0x1c6: {  	v10 =	vor.u32 v12, v13;
	v13 =	vor.u32 v12, v51;
	[tilespmem:v9+s19+$0x0] =	vst.idx.add.f32.msk $0xffff, v59  }
0x1c7: {  	v9 =	vor.u32 v48, v15;
	v14 =	vld.idx.msk [tilespmem:v14+s13+$0x0], $0xffff  }
0x1c8: {  	v11 =	vor.u32 v6, v11;
	v12 =	vor.u32 v12, v9;
	v15 =	vld.idx.msk [tilespmem:v62+s13+$0x0], $0xffff  }
0x1c9: {  	v9 =	vld.idx.msk [tilespmem:v54+s13+$0x0], $0xffff  }
0x1ca: {  	v19 =	vld.idx.msk [tilespmem:v60+s13+$0x0], $0xffff  }
0x1cb: {  	v51 =	vld.idx.msk [tilespmem:v57+s13+$0x0], $0xffff  }
0x1cc: {  	v52 =	vld.idx.msk [tilespmem:v58+s13+$0x0], $0xffff  }
0x1cd: {  	v11 =	vld.idx.msk [tilespmem:v11+s13+$0x0], $0xffff  }
0x1ce: {  	v54 =	vadd.s32 $0x1, v49;
	v53 =	vld.idx.msk [tilespmem:v61+s13+$0x0], $0xffff  }
0x1cf: {  	[tilespmem:v17+s19+$0x0] =	vst.idx.add.f32.msk $0xffff, v9;
	v9 =	vshll.u32 v54, $0x3  }
0x1d0: {  	v17 =	vand.u32 $0x7F, v54;
	[tilespmem:v18+s19+$0x0] =	vst.idx.add.f32.msk $0xffff, v19;
	v9 =	vand.u32 $0x400, v9  }
0x1d1: {  	v19 =	vor.u32 v47, v17;
	[tilespmem:v55+s19+$0x0] =	vst.idx.add.f32.msk $0xffff, v51;
	v18 =	vor.u32 v17, v9  }
0x1d2: {  	[tilespmem:v16+s19+$0x0] =	vst.idx.add.f32.msk $0xffff, v15;
	v15 =	vor.u32 v2, v18;
	v16 =	vor.u32 v4, v18  }
0x1d3: {  	[tilespmem:v50+s19+$0x0] =	vst.idx.add.f32.msk $0xffff, v14;
	v14 =	vor.u32 v1, v18;
	v50 =	vor.u32 v44, v17  }
0x1d4: {  	v54 =	vor.u32 v43, v17;
	[tilespmem:v10+s19+$0x0] =	vst.idx.add.f32.msk $0xffff, v11;
	v50 =	vor.u32 v9, v50  }
0x1d5: {  	v10 =	vor.u32 v3, v18;
	v11 =	vor.u32 v45, v17;
	[tilespmem:v13+s19+$0x0] =	vst.idx.add.f32.msk $0xffff, v52  }
.Ltmp2:
0x1d6: {  	v58 =	vor.u32 v6, v18;
	v51 =	vor.u32 v9, v11;
	v11 =	vadd.s32 $0x2, v49;
	[tilespmem:v12+s19+$0x0] =	vst.idx.add.f32.msk $0xffff, v53;
	(pc) =	sbr.rel @p0 .LBB2_6-.Ltmp2, $4  }
0x1d7: {  	v59 =	vor.u32 v5, v18;
	v12 =	vor.u32 v46, v17;
	v49 =	vand.u32 $0xFF, v11;
	v52 =	vld.idx.msk [tilespmem:v16+s13+$0x0], $0xffff  }
0x1d8: {  	v60 =	vor.u32 v7, v18;
	v11 =	vor.u32 v41, v17;
	v53 =	vor.u32 v9, v12;
	v55 =	vld.idx.msk [tilespmem:v15+s13+$0x0], $0xffff  }
0x1d9: {  	v62 =	vor.u32 v8, v18;
	v61 =	vor.u32 v9, v11;
	v11 =	vor.u32 v42, v17;
	v57 =	vld.idx.msk [tilespmem:v14+s13+$0x0], $0xffff  }
0x1da: {  	v63 =	vor.u32 v9, v11;
	v11 =	vor.u32 v48, v17;
	v56 =	vld.idx.msk [tilespmem:v10+s13+$0x0], $0xffff;
	v10 =	vor.u32 v9, v19  }
0x1db: {  	_ =	sdelay $0x3  }
0x1dc: {  	v12 =	vld.idx.msk [tilespmem:v58+s13+$0x0], $0xffff  }
0x1dd: {  	v13 =	vor.u32 v9, v54;
	v14 =	vld.idx.msk [tilespmem:v59+s13+$0x0], $0xffff  }
0x1de: {  	v15 =	vld.idx.msk [tilespmem:v60+s13+$0x0], $0xffff  }
0x1df: {  	v16 =	vld.idx.msk [tilespmem:v62+s13+$0x0], $0xffff  }
0x1e0: {  	[tilespmem:v61+s19+$0x0] =	vst.idx.add.f32.msk $0xffff, v57  }
0x1e1: {  	[tilespmem:v63+s19+$0x0] =	vst.idx.add.f32.msk $0xffff, v55  }
0x1e2: {  	v9 =	vor.u32 v9, v11;
	[tilespmem:v13+s19+$0x0] =	vst.idx.add.f32.msk $0xffff, v56  }
0x1e3: {  	[tilespmem:v50+s19+$0x0] =	vst.idx.add.f32.msk $0xffff, v52  }
0x1e4: {  	[tilespmem:v51+s19+$0x0] =	vst.idx.add.f32.msk $0xffff, v14  }
0x1e5: {  	[tilespmem:v53+s19+$0x0] =	vst.idx.add.f32.msk $0xffff, v12  }
0x1e6: {  	[tilespmem:v10+s19+$0x0] =	vst.idx.add.f32.msk $0xffff, v15  }
0x1e7: {  	[tilespmem:v9+s19+$0x0] =	vst.idx.add.f32.msk $0xffff, v16  }
0x1e8: {  	_ =	swait.ge [sflag:s20], $0x8000  }
0x1e9: {  	[sflag:s20] =	ssyncset.done $0x0  }
0x1ea: {  	[sflag:s20] =	ssyncadd.s32 $0xFFFF8000  }
0x1eb: {  	v12 =	vlaneseq.u32;
	v9 =	vld [tilespmem:$0x580]  }
0x1ec: {  	v50 =	vshll.u32 v12, $0x3;
	v10 =	vld [tilespmem:$0x590]  }
0x1ed: {  	v17 =	vand.u32 $0x7F, v12;
	v14 =	vand.u32 $0x400, v50  }
0x1ee: {  	v18 =	vor.u32 v17, v14;
	v11 =	vld [tilespmem:$0x5A0]  }
0x1ef: {  	v52 =	vor.u32 v4, v18;
	v53 =	vor.u32 v1, v18;
	v47 =	vld [tilespmem:$0x5C0]  }
0x1f0: {  	v41 =	vor.u32 v3, v18;
	v43 =	vor.u32 v7, v18;
	v54 =	vor.u32 v6, v18;
	v51 =	vld [tilespmem:$0x5E0]  }
0x1f1: {  	v19 =	vld [tilespmem:$0x5F0];
	v45 =	vshll.u32 v9, $0x8;
	v9 =	vshll.u32 v9, $0x7;
	v46 =	vshll.u32 v10, $0x8  }
0x1f2: {  	v44 =	vld [tilespmem:$0x5B0];
	v10 =	vshll.u32 v10, $0x7;
	v13 =	vand.u32 $0xFFFFF800, v45;
	v9 =	vand.u32 $0x380, v9  }
0x1f3: {  	v10 =	vand.u32 $0x380, v10;
	v55 =	vor.u32 v9, v13;
	v9 =	vand.u32 $0xFFFFF800, v46  }
0x1f4: {  	v48 =	vshll.u32 v11, $0x8;
	v11 =	vshll.u32 v11, $0x7;
	v56 =	vor.u32 v10, v9;
	v10 =	vld [tilespmem:$0x5D0]  }
0x1f5: {  	v49 =	vshll.u32 v47, $0x8;
	v15 =	vshll.u32 v47, $0x7;
	v16 =	vshll.u32 v51, $0x7  }
0x1f6: {  	v42 =	vshll.u32 v19, $0x8;
	v11 =	vand.u32 $0x380, v11;
	v13 =	vand.u32 $0xFFFFF800, v48  }
0x1f7: {  	v57 =	vor.u32 v11, v13;
	v9 =	vshll.u32 v44, $0x8;
	v11 =	vshll.u32 v44, $0x7  }
0x1f8: {  	v15 =	vand.u32 $0x380, v15;
	v9 =	vand.u32 $0xFFFFF800, v9;
	v11 =	vand.u32 $0x380, v11  }
0x1f9: {  	v58 =	vor.u32 v11, v9;
	v11 =	vshll.u32 v10, $0x8;
	v10 =	vshll.u32 v10, $0x7  }
0x1fa: {  	v9 =	vor.u32 v5, v18;
	v11 =	vand.u32 $0xFFFFF800, v11;
	v10 =	vand.u32 $0x380, v10  }
0x1fb: {  	v16 =	vand.u32 $0x380, v16;
	v60 =	vor.u32 v10, v11;
	v11 =	vor.u32 v2, v18  }
0x1fc: {  	v41 =	vld.idx.msk [tilespmem:v41+s14+$0x0], $0xffff;
	v46 =	vshll.u32 v19, $0x7;
	v13 =	vand.u32 $0xFFFFF800, v49;
	v19 =	vor.u32 v55, v17  }
0x1fd: {  	v43 =	vld.idx.msk [tilespmem:v43+s14+$0x0], $0xffff;
	v59 =	vor.u32 v15, v13;
	v47 =	vor.u32 v56, v17;
	v10 =	vshll.u32 v51, $0x8  }
0x1fe: {  	v15 =	vld.idx.msk [tilespmem:v53+s14+$0x0], $0xffff;
	v19 =	vor.u32 v14, v19;
	v18 =	vor.u32 v8, v18;
	v10 =	vand.u32 $0xFFFFF800, v10  }
0x1ff: {  	v44 =	vld.idx.msk [tilespmem:v9+s14+$0x0], $0xffff;
	v9 =	vand.u32 $0xFFFFF800, v42;
	v61 =	vor.u32 v16, v10;
	v16 =	vand.u32 $0x380, v46  }
0x200: {  	v48 =	vor.u32 v57, v17;
	v62 =	vor.u32 v16, v9;
	v9 =	vor.u32 v14, v47;
	v11 =	vld.idx.msk [tilespmem:v11+s14+$0x0], $0xffff  }
0x201: {  	v13 =	vld.idx.msk [tilespmem:v54+s14+$0x0], $0xffff;
	v45 =	vor.u32 v59, v17;
	v49 =	vor.u32 v58, v17;
	v16 =	vor.u32 v14, v48  }
0x202: {  	v45 =	vor.u32 v14, v45;
	v42 =	vor.u32 v14, v49;
	v10 =	vld.idx.msk [tilespmem:v52+s14+$0x0], $0xffff;
	v46 =	vor.u32 v60, v17  }
0x203: {  	v47 =	vor.u32 v61, v17;
	v46 =	vor.u32 v14, v46;
	v48 =	vadd.s32 $0x1, v12;
	v18 =	vld.idx.msk [tilespmem:v18+s14+$0x0], $0xffff  }
0x204: {  	v50 =	vor.u32 v14, v47;
	v17 =	vor.u32 v62, v17;
	[tilespmem:v19+s19+$0x0] =	vst.idx.add.f32.msk $0xffff, v15;
	v19 =	vshll.u32 v48, $0x3  }
0x205: {  	v14 =	vor.u32 v14, v17;
	[tilespmem:v9+s19+$0x0] =	vst.idx.add.f32.msk $0xffff, v11;
	v11 =	vand.u32 $0x7F, v48;
	v9 =	vand.u32 $0x400, v19  }
0x206: {  	[tilespmem:v16+s19+$0x0] =	vst.idx.add.f32.msk $0xffff, v41;
	v16 =	vor.u32 v11, v9;
	v17 =	vor.u32 v61, v11  }
0x207: {  	v63 =	vor.u32 v58, v11;
	[tilespmem:v42+s19+$0x0] =	vst.idx.add.f32.msk $0xffff, v10;
	v51 =	vor.u32 v4, v16  }
0x208: {  	v47 =	vor.u32 v55, v11;
	v19 =	vor.u32 v2, v16;
	[tilespmem:v45+s19+$0x0] =	vst.idx.add.f32.msk $0xffff, v44  }
0x209: {  	v10 =	vor.u32 v57, v11;
	v45 =	vor.u32 v1, v16;
	[tilespmem:v46+s19+$0x0] =	vst.idx.add.f32.msk $0xffff, v13  }
0x20a: {  	v41 =	vor.u32 v9, v63;
	v13 =	vor.u32 v3, v16;
	[tilespmem:v50+s19+$0x0] =	vst.idx.add.f32.msk $0xffff, v43  }
0x20b: {  	v12 =	vadd.s32 $0x2, v12;
	v42 =	vor.u32 v59, v11;
	v54 =	vor.u32 v6, v16;
	[tilespmem:v14+s19+$0x0] =	vst.idx.add.f32.msk $0xffff, v18  }
0x20c: {  	v53 =	vor.u32 v5, v16;
	v63 =	vand.u32 $0xFF, v12;
	v52 =	vor.u32 v8, v16;
	v44 =	vld.idx.msk [tilespmem:v51+s14+$0x0], $0xffff  }
0x20d: {  	v49 =	vor.u32 v9, v47;
	v42 =	vor.u32 v9, v42;
	v46 =	vld.idx.msk [tilespmem:v19+s14+$0x0], $0xffff;
	v51 =	vor.u32 v7, v16  }
0x20e: {  	v43 =	vor.u32 v60, v11;
	v50 =	vor.u32 v56, v11;
	v11 =	vor.u32 v62, v11;
	v48 =	vld.idx.msk [tilespmem:v45+s14+$0x0], $0xffff  }
0x20f: {  	s23 =	simm.s32 $0x0;
	v43 =	vor.u32 v9, v43;
	v50 =	vor.u32 v9, v50;
	v45 =	vor.u32 v9, v17;
	v47 =	vld.idx.msk [tilespmem:v13+s14+$0x0], $0xffff  }
.LBB2_8:
0x210: {  	v12 =	vshll.u32 v63, $0x3;
	s23 =	sadd.s32 $0x2, s23;
	v13 =	vld.idx.msk [tilespmem:v54+s14+$0x0], $0xffff;
	v10 =	vor.u32 v9, v10  }
0x211: {  	v14 =	vand.u32 $0x7F, v63;
	v9 =	vor.u32 v9, v11;
	v12 =	vand.u32 $0x400, v12;
	p0 =	slt.u32 s23, $0xFE;
	v15 =	vld.idx.msk [tilespmem:v53+s14+$0x0], $0xffff  }
0x212: {  	v16 =	vor.u32 v55, v14;
	v17 =	vor.u32 v56, v14;
	v11 =	vor.u32 v14, v12;
	v18 =	vld.idx.msk [tilespmem:v51+s14+$0x0], $0xffff  }
0x213: {  	v16 =	vor.u32 v12, v16;
	v19 =	vor.u32 v1, v11;
	v51 =	vor.u32 v7, v11;
	v52 =	vld.idx.msk [tilespmem:v52+s14+$0x0], $0xffff  }
0x214: {  	v53 =	vor.u32 v2, v11;
	v54 =	vor.u32 v4, v11;
	[tilespmem:v49+s19+$0x0] =	vst.idx.add.f32.msk $0xffff, v48  }
0x215: {  	v48 =	vor.u32 v3, v11;
	v49 =	vor.u32 v8, v11;
	[tilespmem:v50+s19+$0x0] =	vst.idx.add.f32.msk $0xffff, v46  }
0x216: {  	v17 =	vor.u32 v12, v17;
	v46 =	vor.u32 v57, v14;
	[tilespmem:v10+s19+$0x0] =	vst.idx.add.f32.msk $0xffff, v47  }
0x217: {  	v10 =	vor.u32 v5, v11;
	v46 =	vor.u32 v12, v46;
	[tilespmem:v41+s19+$0x0] =	vst.idx.add.f32.msk $0xffff, v44  }
0x218: {  	v41 =	vor.u32 v58, v14;
	v44 =	vor.u32 v59, v14;
	[tilespmem:v42+s19+$0x0] =	vst.idx.add.f32.msk $0xffff, v15  }
0x219: {  	v15 =	vor.u32 v12, v41;
	v41 =	vor.u32 v12, v44;
	[tilespmem:v43+s19+$0x0] =	vst.idx.add.f32.msk $0xffff, v13  }
0x21a: {  	v42 =	vor.u32 v61, v14;
	v13 =	vor.u32 v60, v14;
	[tilespmem:v45+s19+$0x0] =	vst.idx.add.f32.msk $0xffff, v18  }
0x21b: {  	v13 =	vor.u32 v12, v13;
	v18 =	vor.u32 v12, v42;
	[tilespmem:v9+s19+$0x0] =	vst.idx.add.f32.msk $0xffff, v52  }
0x21c: {  	v9 =	vor.u32 v62, v14;
	v10 =	vld.idx.msk [tilespmem:v10+s14+$0x0], $0xffff  }
0x21d: {  	v11 =	vor.u32 v6, v11;
	v12 =	vor.u32 v12, v9;
	v14 =	vld.idx.msk [tilespmem:v54+s14+$0x0], $0xffff  }
0x21e: {  	v9 =	vld.idx.msk [tilespmem:v19+s14+$0x0], $0xffff  }
0x21f: {  	v19 =	vld.idx.msk [tilespmem:v53+s14+$0x0], $0xffff  }
0x220: {  	v42 =	vld.idx.msk [tilespmem:v48+s14+$0x0], $0xffff  }
0x221: {  	v43 =	vld.idx.msk [tilespmem:v51+s14+$0x0], $0xffff  }
0x222: {  	v11 =	vld.idx.msk [tilespmem:v11+s14+$0x0], $0xffff  }
0x223: {  	v45 =	vadd.s32 $0x1, v63;
	v44 =	vld.idx.msk [tilespmem:v49+s14+$0x0], $0xffff  }
0x224: {  	[tilespmem:v16+s19+$0x0] =	vst.idx.add.f32.msk $0xffff, v9;
	v9 =	vshll.u32 v45, $0x3  }
0x225: {  	v16 =	vand.u32 $0x7F, v45;
	[tilespmem:v17+s19+$0x0] =	vst.idx.add.f32.msk $0xffff, v19;
	v9 =	vand.u32 $0x400, v9  }
0x226: {  	v19 =	vor.u32 v61, v16;
	[tilespmem:v46+s19+$0x0] =	vst.idx.add.f32.msk $0xffff, v42;
	v17 =	vor.u32 v16, v9  }
0x227: {  	[tilespmem:v15+s19+$0x0] =	vst.idx.add.f32.msk $0xffff, v14;
	v14 =	vor.u32 v2, v17;
	v15 =	vor.u32 v4, v17  }
0x228: {  	v45 =	vor.u32 v1, v17;
	[tilespmem:v41+s19+$0x0] =	vst.idx.add.f32.msk $0xffff, v10;
	v41 =	vor.u32 v58, v16  }
0x229: {  	v10 =	vor.u32 v57, v16;
	[tilespmem:v13+s19+$0x0] =	vst.idx.add.f32.msk $0xffff, v11;
	v41 =	vor.u32 v9, v41  }
0x22a: {  	v11 =	vor.u32 v3, v17;
	v13 =	vor.u32 v59, v16;
	[tilespmem:v18+s19+$0x0] =	vst.idx.add.f32.msk $0xffff, v43  }
.Ltmp3:
0x22b: {  	v54 =	vor.u32 v6, v17;
	v42 =	vor.u32 v9, v13;
	[tilespmem:v12+s19+$0x0] =	vst.idx.add.f32.msk $0xffff, v44;
	v12 =	vadd.s32 $0x2, v63;
	(pc) =	sbr.rel @p0 .LBB2_8-.Ltmp3, $4  }
0x22c: {  	v53 =	vor.u32 v5, v17;
	v13 =	vor.u32 v60, v16;
	v44 =	vld.idx.msk [tilespmem:v15+s14+$0x0], $0xffff;
	v63 =	vand.u32 $0xFF, v12  }
0x22d: {  	v51 =	vor.u32 v7, v17;
	v43 =	vor.u32 v9, v13;
	v12 =	vor.u32 v55, v16;
	v46 =	vld.idx.msk [tilespmem:v14+s14+$0x0], $0xffff  }
0x22e: {  	v52 =	vor.u32 v8, v17;
	v49 =	vor.u32 v9, v12;
	v12 =	vor.u32 v56, v16;
	v48 =	vld.idx.msk [tilespmem:v45+s14+$0x0], $0xffff  }
0x22f: {  	v50 =	vor.u32 v9, v12;
	v45 =	vor.u32 v9, v19;
	v47 =	vld.idx.msk [tilespmem:v11+s14+$0x0], $0xffff;
	v11 =	vor.u32 v62, v16  }
0x230: {  	vm0 =	veq.s32 v40, $0x0;
	vm14 =	veq.s32 v40, $0x1;
	vm15 =	veq.s32 v40, $0x2  }
0x231: {  	vm1 =	veq.s32 v40, $0x3;
	vm4 =	veq.s32 v40, $0x4;
	vm5 =	veq.s32 v40, $0x5  }
0x232: {  	vm6 =	veq.s32 v40, $0x6;
	vm7 =	veq.s32 v40, $0x7;
	v55 =	vor.u32 v9, v10  }
0x233: {  	vm8 =	veq.s32 v39, $0x0;
	v40 =	vor.u32 v9, v11;
	vm9 =	veq.s32 v39, $0x1  }
0x234: {  	vm10 =	veq.s32 v39, $0x2;
	vm11 =	veq.s32 v39, $0x3;
	vm12 =	veq.s32 v39, $0x4  }
0x235: {  	vm13 =	veq.s32 v39, $0x5;
	v12 =	vsel vm0, $0x3F800000, v0;
	v13 =	vsel vm14, $0x3F800000, v0  }
0x236: {  	v14 =	vsel vm15, $0x3F800000, v0;
	v15 =	vsel vm1, $0x3F800000, v0;
	v16 =	vsel vm4, $0x3F800000, v0  }
0x237: {  	v17 =	vsel vm5, $0x3F800000, v0;
	v18 =	vsel vm6, $0x3F800000, v0;
	v10 =	vsel vm7, $0x3F800000, v0  }
0x238: {  	v9 =	vsel vm8, $0x3F800000, v0;
	v11 =	vsel vm9, $0x3F800000, v0;
	v63 =	vsel vm10, $0x3F800000, v0  }
0x239: {  	v19 =	vsel vm11, $0x3F800000, v0;
	v56 =	vsel vm12, $0x3F800000, v0;
	v57 =	vsel vm13, $0x3F800000, v0  }
0x23a: {  	vm14 =	veq.s32 v39, $0x6;
	vm15 =	veq.s32 v39, $0x7;
	vm4 =	veq.s32 v38, $0x0  }
0x23b: {  	vm5 =	veq.s32 v38, $0x1;
	vm6 =	veq.s32 v38, $0x2;
	vm7 =	veq.s32 v38, $0x3  }
0x23c: {  	vm8 =	veq.s32 v38, $0x4;
	vm9 =	veq.s32 v38, $0x5;
	vm10 =	veq.s32 v38, $0x6  }
0x23d: {  	vm11 =	veq.s32 v38, $0x7;
	v9 =	vadd.f32 v9, v12;
	v11 =	vadd.f32 v11, v13  }
0x23e: {  	vm12 =	veq.s32 v37, $0x0;
	v12 =	vadd.f32 v63, v14;
	v13 =	vadd.f32 v19, v15  }
0x23f: {  	vm13 =	veq.s32 v37, $0x1;
	v14 =	vadd.f32 v56, v16;
	v15 =	vadd.f32 v57, v17  }
0x240: {  	v58 =	vsel vm14, $0x3F800000, v0;
	v59 =	vsel vm15, $0x3F800000, v0;
	v60 =	vsel vm4, $0x3F800000, v0  }
0x241: {  	v61 =	vsel vm5, $0x3F800000, v0;
	v62 =	vsel vm6, $0x3F800000, v0;
	v63 =	vsel vm7, $0x3F800000, v0  }
0x242: {  	v39 =	vsel vm8, $0x3F800000, v0;
	v56 =	vsel vm9, $0x3F800000, v0;
	v57 =	vsel vm10, $0x3F800000, v0  }
0x243: {  	vm14 =	veq.s32 v37, $0x2;
	vm15 =	veq.s32 v37, $0x3;
	vm4 =	veq.s32 v37, $0x4  }
0x244: {  	vm5 =	veq.s32 v37, $0x5;
	vm6 =	veq.s32 v37, $0x6;
	vm7 =	veq.s32 v37, $0x7  }
0x245: {  	vm8 =	veq.s32 v36, $0x0;
	vm9 =	veq.s32 v36, $0x1;
	vm10 =	veq.s32 v36, $0x2  }
0x246: {  	v16 =	vadd.f32 v58, v18;
	v10 =	vadd.f32 v59, v10;
	v58 =	vsel vm11, $0x3F800000, v0  }
0x247: {  	v59 =	vsel vm12, $0x3F800000, v0;
	v38 =	vsel vm5, $0x3F800000, v0;
	vm11 =	veq.s32 v36, $0x3  }
0x248: {  	vm12 =	veq.s32 v36, $0x4;
	v9 =	vadd.f32 v60, v9;
	v11 =	vadd.f32 v61, v11  }
0x249: {  	vm5 =	veq.s32 v35, $0x1;
	v12 =	vadd.f32 v62, v12;
	v13 =	vadd.f32 v63, v13  }
0x24a: {  	v14 =	vadd.f32 v39, v14;
	v15 =	vadd.f32 v56, v15;
	v60 =	vsel vm13, $0x3F800000, v0  }
0x24b: {  	v61 =	vsel vm14, $0x3F800000, v0;
	v62 =	vsel vm15, $0x3F800000, v0;
	v63 =	vsel vm4, $0x3F800000, v0  }
0x24c: {  	v39 =	vsel vm6, $0x3F800000, v0;
	v56 =	vsel vm7, $0x3F800000, v0;
	vm13 =	veq.s32 v36, $0x5  }
0x24d: {  	vm14 =	veq.s32 v36, $0x6;
	vm15 =	veq.s32 v36, $0x7;
	vm4 =	veq.s32 v35, $0x0  }
0x24e: {  	vm6 =	veq.s32 v35, $0x2;
	vm7 =	veq.s32 v35, $0x3;
	v16 =	vadd.f32 v57, v16  }
0x24f: {  	v10 =	vadd.f32 v58, v10;
	v57 =	vsel vm8, $0x3F800000, v0;
	v58 =	vsel vm9, $0x3F800000, v0  }
0x250: {  	v37 =	vsel vm15, $0x3F800000, v0;
	vm8 =	veq.s32 v35, $0x4;
	v9 =	vadd.f32 v59, v9  }
0x251: {  	vm9 =	veq.s32 v35, $0x5;
	v11 =	vadd.f32 v60, v11;
	v12 =	vadd.f32 v61, v12  }
0x252: {  	vm15 =	veq.s32 v34, $0x3;
	v13 =	vadd.f32 v62, v13;
	v14 =	vadd.f32 v63, v14  }
0x253: {  	v15 =	vadd.f32 v38, v15;
	v59 =	vsel vm10, $0x3F800000, v0;
	v60 =	vsel vm11, $0x3F800000, v0  }
0x254: {  	v61 =	vsel vm12, $0x3F800000, v0;
	v62 =	vsel vm13, $0x3F800000, v0;
	v63 =	vsel vm14, $0x3F800000, v0  }
0x255: {  	v38 =	vsel vm4, $0x3F800000, v0;
	vm10 =	veq.s32 v35, $0x6;
	vm11 =	veq.s32 v35, $0x7  }
0x256: {  	vm12 =	veq.s32 v34, $0x0;
	vm13 =	veq.s32 v34, $0x1;
	vm14 =	veq.s32 v34, $0x2  }
0x257: {  	v36 =	vsel vm15, $0x3F800000, v0;
	vm4 =	veq.s32 v34, $0x4;
	vm15 =	veq.s32 v33, $0x7  }
0x258: {  	v16 =	vadd.f32 v39, v16;
	v10 =	vadd.f32 v56, v10;
	v39 =	vsel vm5, $0x3F800000, v0  }
0x259: {  	v56 =	vsel vm6, $0x3F800000, v0;
	v35 =	vsel vm14, $0x3F800000, v0;
	vm5 =	veq.s32 v34, $0x5  }
0x25a: {  	vm6 =	veq.s32 v34, $0x6;
	v9 =	vadd.f32 v57, v9;
	v11 =	vadd.f32 v58, v11  }
0x25b: {  	vm14 =	veq.s32 v33, $0x6;
	v12 =	vadd.f32 v59, v12;
	v13 =	vadd.f32 v60, v13  }
0x25c: {  	v14 =	vadd.f32 v61, v14;
	v15 =	vadd.f32 v62, v15;
	v57 =	vsel vm7, $0x3F800000, v0  }
0x25d: {  	v58 =	vsel vm8, $0x3F800000, v0;
	v59 =	vsel vm9, $0x3F800000, v0;
	v60 =	vsel vm10, $0x3F800000, v0  }
0x25e: {  	v61 =	vsel vm11, $0x3F800000, v0;
	v62 =	vsel vm12, $0x3F800000, v0;
	vm7 =	veq.s32 v34, $0x7  }
0x25f: {  	vm8 =	veq.s32 v33, $0x0;
	vm9 =	veq.s32 v33, $0x1;
	vm10 =	veq.s32 v33, $0x2  }
0x260: {  	vm11 =	veq.s32 v33, $0x3;
	vm12 =	veq.s32 v33, $0x4;
	v34 =	vsel vm15, $0x3F800000, v0  }
0x261: {  	vm15 =	veq.s32 v31, $0x3;
	v16 =	vadd.f32 v63, v16;
	v10 =	vadd.f32 v37, v10  }
0x262: {  	v63 =	vsel vm13, $0x3F800000, v0;
	v37 =	vsel vm4, $0x3F800000, v0;
	v9 =	vadd.f32 v38, v9  }
0x263: {  	vm13 =	veq.s32 v33, $0x5;
	v11 =	vadd.f32 v39, v11;
	v12 =	vadd.f32 v56, v12  }
0x264: {  	vm4 =	veq.s32 v32, $0x0;
	v13 =	vadd.f32 v57, v13;
	v14 =	vadd.f32 v58, v14  }
0x265: {  	v15 =	vadd.f32 v59, v15;
	v38 =	vsel vm5, $0x3F800000, v0;
	v39 =	vsel vm6, $0x3F800000, v0  }
0x266: {  	v56 =	vsel vm7, $0x3F800000, v0;
	v57 =	vsel vm8, $0x3F800000, v0;
	v58 =	vsel vm9, $0x3F800000, v0  }
0x267: {  	v59 =	vsel vm10, $0x3F800000, v0;
	vm5 =	veq.s32 v32, $0x1;
	vm6 =	veq.s32 v32, $0x2  }
0x268: {  	vm7 =	veq.s32 v32, $0x3;
	vm8 =	veq.s32 v32, $0x4;
	vm9 =	veq.s32 v32, $0x5  }
0x269: {  	vm10 =	veq.s32 v32, $0x6;
	v16 =	vadd.f32 v60, v16;
	v10 =	vadd.f32 v61, v10  }
0x26a: {  	v60 =	vsel vm11, $0x3F800000, v0;
	v61 =	vsel vm12, $0x3F800000, v0;
	v9 =	vadd.f32 v62, v9  }
0x26b: {  	vm11 =	veq.s32 v32, $0x7;
	v11 =	vadd.f32 v63, v11;
	v12 =	vadd.f32 v35, v12  }
0x26c: {  	vm12 =	veq.s32 v31, $0x0;
	v13 =	vadd.f32 v36, v13;
	v14 =	vadd.f32 v37, v14  }
0x26d: {  	v15 =	vadd.f32 v38, v15;
	v62 =	vsel vm13, $0x3F800000, v0;
	v63 =	vsel vm14, $0x3F800000, v0  }
0x26e: {  	v35 =	vsel vm4, $0x3F800000, v0;
	v36 =	vsel vm5, $0x3F800000, v0;
	v37 =	vsel vm6, $0x3F800000, v0  }
0x26f: {  	v38 =	vsel vm7, $0x3F800000, v0;
	vm13 =	veq.s32 v31, $0x1;
	vm14 =	veq.s32 v31, $0x2  }
0x270: {  	vm4 =	veq.s32 v31, $0x4;
	vm5 =	veq.s32 v31, $0x5;
	vm6 =	veq.s32 v31, $0x6  }
0x271: {  	vm7 =	veq.s32 v31, $0x7;
	v16 =	vadd.f32 v39, v16;
	v10 =	vadd.f32 v56, v10  }
0x272: {  	v39 =	vsel vm8, $0x3F800000, v0;
	v56 =	vsel vm9, $0x3F800000, v0;
	v32 =	vsel vm5, $0x3F800000, v0  }
0x273: {  	v33 =	vsel vm6, $0x3F800000, v0;
	vm8 =	veq.s32 v30, $0x0;
	vm9 =	veq.s32 v30, $0x1  }
0x274: {  	vm5 =	veq.s32 v29, $0x1;
	v9 =	vadd.f32 v57, v9;
	v11 =	vadd.f32 v58, v11  }
0x275: {  	vm6 =	veq.s32 v29, $0x2;
	v12 =	vadd.f32 v59, v12;
	v13 =	vadd.f32 v60, v13  }
0x276: {  	v14 =	vadd.f32 v61, v14;
	v15 =	vadd.f32 v62, v15;
	v57 =	vsel vm10, $0x3F800000, v0  }
0x277: {  	v58 =	vsel vm11, $0x3F800000, v0;
	v59 =	vsel vm12, $0x3F800000, v0;
	v60 =	vsel vm13, $0x3F800000, v0  }
0x278: {  	v61 =	vsel vm14, $0x3F800000, v0;
	v62 =	vsel vm15, $0x3F800000, v0;
	vm10 =	veq.s32 v30, $0x2  }
0x279: {  	vm11 =	veq.s32 v30, $0x3;
	vm12 =	veq.s32 v30, $0x4;
	vm13 =	veq.s32 v30, $0x5  }
0x27a: {  	vm14 =	veq.s32 v30, $0x6;
	vm15 =	veq.s32 v30, $0x7;
	v16 =	vadd.f32 v63, v16  }
0x27b: {  	v10 =	vadd.f32 v34, v10;
	v63 =	vsel vm4, $0x3F800000, v0;
	v34 =	vsel vm7, $0x3F800000, v0  }
0x27c: {  	vm4 =	veq.s32 v29, $0x0;
	v9 =	vadd.f32 v35, v9;
	v11 =	vadd.f32 v36, v11  }
0x27d: {  	vm7 =	veq.s32 v29, $0x3;
	v12 =	vadd.f32 v37, v12;
	v13 =	vadd.f32 v38, v13  }
0x27e: {  	v14 =	vadd.f32 v39, v14;
	v15 =	vadd.f32 v56, v15;
	v35 =	vsel vm8, $0x3F800000, v0  }
0x27f: {  	v36 =	vsel vm9, $0x3F800000, v0;
	v37 =	vsel vm10, $0x3F800000, v0;
	v38 =	vsel vm11, $0x3F800000, v0  }
0x280: {  	v39 =	vsel vm12, $0x3F800000, v0;
	v56 =	vsel vm13, $0x3F800000, v0;
	vm8 =	veq.s32 v29, $0x4  }
0x281: {  	vm9 =	veq.s32 v29, $0x5;
	vm10 =	veq.s32 v29, $0x6;
	vm11 =	veq.s32 v29, $0x7  }
0x282: {  	vm12 =	veq.s32 v28, $0x0;
	vm13 =	veq.s32 v28, $0x1;
	v16 =	vadd.f32 v57, v16  }
0x283: {  	v10 =	vadd.f32 v58, v10;
	v57 =	vsel vm14, $0x3F800000, v0;
	v58 =	vsel vm15, $0x3F800000, v0  }
0x284: {  	v30 =	vsel vm9, $0x3F800000, v0;
	v31 =	vsel vm10, $0x3F800000, v0;
	vm14 =	veq.s32 v28, $0x2  }
0x285: {  	vm15 =	veq.s32 v28, $0x3;
	v9 =	vadd.f32 v59, v9;
	v11 =	vadd.f32 v60, v11  }
0x286: {  	vm9 =	veq.s32 v27, $0x1;
	v12 =	vadd.f32 v61, v12;
	v13 =	vadd.f32 v62, v13  }
0x287: {  	vm10 =	veq.s32 v27, $0x2;
	v14 =	vadd.f32 v63, v14;
	v15 =	vadd.f32 v32, v15  }
0x288: {  	v59 =	vsel vm4, $0x3F800000, v0;
	v60 =	vsel vm5, $0x3F800000, v0;
	v61 =	vsel vm6, $0x3F800000, v0  }
0x289: {  	v62 =	vsel vm7, $0x3F800000, v0;
	v63 =	vsel vm8, $0x3F800000, v0;
	v32 =	vsel vm11, $0x3F800000, v0  }
0x28a: {  	vm4 =	veq.s32 v28, $0x4;
	vm5 =	veq.s32 v28, $0x5;
	vm6 =	veq.s32 v28, $0x6  }
0x28b: {  	vm7 =	veq.s32 v28, $0x7;
	vm8 =	veq.s32 v27, $0x0;
	vm11 =	veq.s32 v27, $0x3  }
0x28c: {  	v16 =	vadd.f32 v33, v16;
	v10 =	vadd.f32 v34, v10;
	v33 =	vsel vm12, $0x3F800000, v0  }
0x28d: {  	v34 =	vsel vm13, $0x3F800000, v0;
	v9 =	vadd.f32 v35, v9;
	v11 =	vadd.f32 v36, v11  }
0x28e: {  	vm12 =	veq.s32 v27, $0x4;
	v12 =	vadd.f32 v37, v12;
	v13 =	vadd.f32 v38, v13  }
0x28f: {  	vm13 =	veq.s32 v27, $0x5;
	v14 =	vadd.f32 v39, v14;
	v15 =	vadd.f32 v56, v15  }
0x290: {  	v35 =	vsel vm14, $0x3F800000, v0;
	v36 =	vsel vm15, $0x3F800000, v0;
	v37 =	vsel vm4, $0x3F800000, v0  }
0x291: {  	v38 =	vsel vm5, $0x3F800000, v0;
	v39 =	vsel vm6, $0x3F800000, v0;
	v56 =	vsel vm7, $0x3F800000, v0  }
0x292: {  	vm14 =	veq.s32 v27, $0x6;
	vm15 =	veq.s32 v27, $0x7;
	vm4 =	veq.s32 v26, $0x0  }
0x293: {  	vm5 =	veq.s32 v26, $0x1;
	vm6 =	veq.s32 v26, $0x2;
	vm7 =	veq.s32 v26, $0x3  }
0x294: {  	v16 =	vadd.f32 v57, v16;
	v10 =	vadd.f32 v58, v10;
	v57 =	vsel vm8, $0x3F800000, v0  }
0x295: {  	v58 =	vsel vm9, $0x3F800000, v0;
	v28 =	vsel vm15, $0x3F800000, v0;
	v29 =	vsel vm4, $0x3F800000, v0  }
0x296: {  	vm8 =	veq.s32 v26, $0x4;
	vm9 =	veq.s32 v26, $0x5;
	v9 =	vadd.f32 v59, v9  }
0x297: {  	vm15 =	veq.s32 v25, $0x3;
	v11 =	vadd.f32 v60, v11;
	v12 =	vadd.f32 v61, v12  }
0x298: {  	vm4 =	veq.s32 v25, $0x4;
	v13 =	vadd.f32 v62, v13;
	v14 =	vadd.f32 v63, v14  }
0x299: {  	v15 =	vadd.f32 v30, v15;
	v59 =	vsel vm10, $0x3F800000, v0;
	v60 =	vsel vm11, $0x3F800000, v0  }
0x29a: {  	v61 =	vsel vm12, $0x3F800000, v0;
	v62 =	vsel vm13, $0x3F800000, v0;
	v63 =	vsel vm14, $0x3F800000, v0  }
0x29b: {  	v30 =	vsel vm5, $0x3F800000, v0;
	vm10 =	veq.s32 v26, $0x6;
	vm11 =	veq.s32 v26, $0x7  }
0x29c: {  	vm12 =	veq.s32 v25, $0x0;
	vm13 =	veq.s32 v25, $0x1;
	vm14 =	veq.s32 v25, $0x2  }
0x29d: {  	vm5 =	veq.s32 v25, $0x5;
	v16 =	vadd.f32 v31, v16;
	v10 =	vadd.f32 v32, v10  }
0x29e: {  	v31 =	vsel vm6, $0x3F800000, v0;
	v32 =	vsel vm7, $0x3F800000, v0;
	v9 =	vadd.f32 v33, v9  }
0x29f: {  	vm6 =	veq.s32 v25, $0x6;
	v11 =	vadd.f32 v34, v11;
	v12 =	vadd.f32 v35, v12  }
0x2a0: {  	vm7 =	veq.s32 v25, $0x7;
	v13 =	vadd.f32 v36, v13;
	v14 =	vadd.f32 v37, v14  }
0x2a1: {  	v15 =	vadd.f32 v38, v15;
	v33 =	vsel vm8, $0x3F800000, v0;
	v34 =	vsel vm9, $0x3F800000, v0  }
0x2a2: {  	v35 =	vsel vm10, $0x3F800000, v0;
	v36 =	vsel vm11, $0x3F800000, v0;
	v37 =	vsel vm12, $0x3F800000, v0  }
0x2a3: {  	v38 =	vsel vm13, $0x3F800000, v0;
	vm8 =	veq.s32 v24, $0x0;
	vm9 =	veq.s32 v24, $0x1  }
0x2a4: {  	vm10 =	veq.s32 v24, $0x2;
	vm11 =	veq.s32 v24, $0x3;
	vm12 =	veq.s32 v24, $0x4  }
0x2a5: {  	vm13 =	veq.s32 v24, $0x5;
	v16 =	vadd.f32 v39, v16;
	v10 =	vadd.f32 v56, v10  }
0x2a6: {  	v39 =	vsel vm14, $0x3F800000, v0;
	v56 =	vsel vm15, $0x3F800000, v0;
	v25 =	vsel vm11, $0x3F800000, v0  }
0x2a7: {  	v26 =	vsel vm12, $0x3F800000, v0;
	v27 =	vsel vm13, $0x3F800000, v0;
	vm14 =	veq.s32 v24, $0x6  }
0x2a8: {  	vm15 =	veq.s32 v24, $0x7;
	vm11 =	veq.s32 v23, $0x7;
	v9 =	vadd.f32 v57, v9  }
0x2a9: {  	vm12 =	veq.s32 v22, $0x0;
	v11 =	vadd.f32 v58, v11;
	v12 =	vadd.f32 v59, v12  }
0x2aa: {  	vm13 =	veq.s32 v22, $0x1;
	v13 =	vadd.f32 v60, v13;
	v14 =	vadd.f32 v61, v14  }
0x2ab: {  	v15 =	vadd.f32 v62, v15;
	v57 =	vsel vm4, $0x3F800000, v0;
	v58 =	vsel vm5, $0x3F800000, v0  }
0x2ac: {  	v59 =	vsel vm6, $0x3F800000, v0;
	v60 =	vsel vm7, $0x3F800000, v0;
	v61 =	vsel vm8, $0x3F800000, v0  }
0x2ad: {  	v62 =	vsel vm9, $0x3F800000, v0;
	vm4 =	veq.s32 v23, $0x0;
	vm5 =	veq.s32 v23, $0x1  }
0x2ae: {  	vm6 =	veq.s32 v23, $0x2;
	vm7 =	veq.s32 v23, $0x3;
	vm8 =	veq.s32 v23, $0x4  }
0x2af: {  	vm9 =	veq.s32 v23, $0x5;
	v16 =	vadd.f32 v63, v16;
	v10 =	vadd.f32 v28, v10  }
0x2b0: {  	v63 =	vsel vm10, $0x3F800000, v0;
	v28 =	vsel vm14, $0x3F800000, v0;
	v9 =	vadd.f32 v29, v9  }
0x2b1: {  	vm10 =	veq.s32 v23, $0x6;
	v11 =	vadd.f32 v30, v11;
	v12 =	vadd.f32 v31, v12  }
0x2b2: {  	vm14 =	veq.s32 v22, $0x2;
	v13 =	vadd.f32 v32, v13;
	v14 =	vadd.f32 v33, v14  }
0x2b3: {  	v15 =	vadd.f32 v34, v15;
	v29 =	vsel vm15, $0x3F800000, v0;
	v30 =	vsel vm4, $0x3F800000, v0  }
0x2b4: {  	v31 =	vsel vm5, $0x3F800000, v0;
	v32 =	vsel vm6, $0x3F800000, v0;
	v33 =	vsel vm7, $0x3F800000, v0  }
0x2b5: {  	v34 =	vsel vm8, $0x3F800000, v0;
	vm15 =	veq.s32 v22, $0x3;
	vm4 =	veq.s32 v22, $0x4  }
0x2b6: {  	vm5 =	veq.s32 v22, $0x5;
	vm6 =	veq.s32 v22, $0x6;
	vm7 =	veq.s32 v22, $0x7  }
0x2b7: {  	vm8 =	veq.s32 v21, $0x0;
	v16 =	vadd.f32 v35, v16;
	v10 =	vadd.f32 v36, v10  }
0x2b8: {  	v35 =	vsel vm9, $0x3F800000, v0;
	v36 =	vsel vm10, $0x3F800000, v0;
	v9 =	vadd.f32 v37, v9  }
0x2b9: {  	vm9 =	veq.s32 v21, $0x1;
	v11 =	vadd.f32 v38, v11;
	v12 =	vadd.f32 v39, v12  }
0x2ba: {  	vm10 =	veq.s32 v21, $0x2;
	v13 =	vadd.f32 v56, v13;
	v14 =	vadd.f32 v57, v14  }
0x2bb: {  	v15 =	vadd.f32 v58, v15;
	v37 =	vsel vm11, $0x3F800000, v0;
	v38 =	vsel vm12, $0x3F800000, v0  }
0x2bc: {  	v39 =	vsel vm13, $0x3F800000, v0;
	v56 =	vsel vm14, $0x3F800000, v0;
	v57 =	vsel vm15, $0x3F800000, v0  }
0x2bd: {  	v58 =	vsel vm4, $0x3F800000, v0;
	v22 =	vsel vm10, $0x3F800000, v0;
	vm11 =	veq.s32 v21, $0x3  }
0x2be: {  	vm12 =	veq.s32 v21, $0x4;
	vm13 =	veq.s32 v21, $0x5;
	vm14 =	veq.s32 v21, $0x6  }
0x2bf: {  	vm15 =	veq.s32 v21, $0x7;
	vm4 =	veq.s32 v20, $0x0;
	vm10 =	veq.s32 v20, $0x6  }
0x2c0: {  	v16 =	vadd.f32 v59, v16;
	v10 =	vadd.f32 v60, v10;
	v59 =	vsel vm5, $0x3F800000, v0  }
0x2c1: {  	v60 =	vsel vm6, $0x3F800000, v0;
	v23 =	vsel vm11, $0x3F800000, v0;
	v24 =	vsel vm12, $0x3F800000, v0  }
0x2c2: {  	vm5 =	veq.s32 v20, $0x1;
	v9 =	vadd.f32 v61, v9;
	v11 =	vadd.f32 v62, v11  }
0x2c3: {  	vm6 =	veq.s32 v20, $0x2;
	v12 =	vadd.f32 v63, v12;
	v13 =	vadd.f32 v25, v13  }
0x2c4: {  	vm11 =	veq.s32 v20, $0x7;
	v14 =	vadd.f32 v26, v14;
	v15 =	vadd.f32 v27, v15  }
0x2c5: {  	v61 =	vsel vm7, $0x3F800000, v0;
	v62 =	vsel vm8, $0x3F800000, v0;
	v16 =	vadd.f32 v28, v16  }
0x2c6: {  	v63 =	vsel vm9, $0x3F800000, v0;
	v10 =	vadd.f32 v29, v10;
	v9 =	vadd.f32 v30, v9  }
0x2c7: {  	v25 =	vsel vm13, $0x3F800000, v0;
	v11 =	vadd.f32 v31, v11;
	v12 =	vadd.f32 v32, v12  }
0x2c8: {  	v26 =	vsel vm14, $0x3F800000, v0;
	v13 =	vadd.f32 v33, v13;
	v14 =	vadd.f32 v34, v14  }
0x2c9: {  	v27 =	vsel vm15, $0x3F800000, v0;
	v15 =	vadd.f32 v35, v15;
	v16 =	vadd.f32 v36, v16  }
0x2ca: {  	vm7 =	veq.s32 v20, $0x3;
	v10 =	vadd.f32 v37, v10;
	v9 =	vadd.f32 v38, v9  }
0x2cb: {  	vm8 =	veq.s32 v20, $0x4;
	v11 =	vadd.f32 v39, v11;
	v12 =	vadd.f32 v56, v12  }
0x2cc: {  	vm9 =	veq.s32 v20, $0x5;
	v13 =	vadd.f32 v57, v13;
	v14 =	vadd.f32 v58, v14  }
0x2cd: {  	v28 =	vsel vm4, $0x3F800000, v0;
	v15 =	vadd.f32 v59, v15;
	v16 =	vadd.f32 v60, v16  }
0x2ce: {  	v29 =	vsel vm5, $0x3F800000, v0;
	v10 =	vadd.f32 v61, v10;
	v9 =	vadd.f32 v62, v9  }
0x2cf: {  	v30 =	vsel vm6, $0x3F800000, v0;
	v11 =	vadd.f32 v63, v11;
	v12 =	vadd.f32 v22, v12  }
0x2d0: {  	v31 =	vsel vm7, $0x3F800000, v0;
	v36 =	vld [tilespmem:$0x1FF50];
	v13 =	vadd.f32 v23, v13;
	v14 =	vadd.f32 v24, v14  }
0x2d1: {  	v32 =	vsel vm8, $0x3F800000, v0;
	v15 =	vadd.f32 v25, v15;
	v16 =	vadd.f32 v26, v16  }
0x2d2: {  	v33 =	vsel vm9, $0x3F800000, v0;
	v10 =	vadd.f32 v27, v10;
	v9 =	vadd.f32 v28, v9  }
0x2d3: {  	v34 =	vsel vm10, $0x3F800000, v0;
	v11 =	vadd.f32 v29, v11;
	v12 =	vadd.f32 v30, v12  }
0x2d4: {  	v35 =	vsel vm11, $0x3F800000, v0;
	v13 =	vadd.f32 v31, v13;
	v14 =	vadd.f32 v32, v14  }
0x2d5: {  	v15 =	vadd.f32 v33, v15;
	vm12 =	veq.s32 v36, $0x0;
	vm13 =	veq.s32 v36, $0x1  }
0x2d6: {  	vm14 =	veq.s32 v36, $0x2;
	vm15 =	veq.s32 v36, $0x3;
	vm4 =	veq.s32 v36, $0x4  }
0x2d7: {  	vm5 =	veq.s32 v36, $0x5;
	vm6 =	veq.s32 v36, $0x6;
	vm7 =	veq.s32 v36, $0x7  }
0x2d8: {  	v61 =	vld [tilespmem:$0x1FF60];
	v16 =	vadd.f32 v34, v16;
	v10 =	vadd.f32 v35, v10;
	v37 =	vsel vm12, $0x3F800000, v0  }
0x2d9: {  	v38 =	vsel vm13, $0x3F800000, v0;
	v39 =	vsel vm14, $0x3F800000, v0;
	v56 =	vsel vm15, $0x3F800000, v0  }
0x2da: {  	v57 =	vsel vm4, $0x3F800000, v0;
	v58 =	vsel vm5, $0x3F800000, v0;
	v9 =	vadd.f32 v37, v9  }
0x2db: {  	v59 =	vsel vm6, $0x3F800000, v0;
	v11 =	vadd.f32 v38, v11;
	v12 =	vadd.f32 v39, v12  }
0x2dc: {  	v60 =	vsel vm7, $0x3F800000, v0;
	v13 =	vadd.f32 v56, v13;
	v14 =	vadd.f32 v57, v14  }
0x2dd: {  	v15 =	vadd.f32 v58, v15;
	vm8 =	veq.s32 v61, $0x0;
	vm9 =	veq.s32 v61, $0x1  }
0x2de: {  	vm10 =	veq.s32 v61, $0x2;
	vm11 =	veq.s32 v61, $0x3;
	vm12 =	veq.s32 v61, $0x4  }
0x2df: {  	vm13 =	veq.s32 v61, $0x5;
	vm14 =	veq.s32 v61, $0x6;
	vm15 =	veq.s32 v61, $0x7  }
0x2e0: {  	v26 =	vld [tilespmem:$0x1FF70];
	v16 =	vadd.f32 v59, v16;
	v10 =	vadd.f32 v60, v10;
	v62 =	vsel vm8, $0x3F800000, v0  }
0x2e1: {  	v63 =	vsel vm9, $0x3F800000, v0;
	v20 =	vsel vm10, $0x3F800000, v0;
	v21 =	vsel vm11, $0x3F800000, v0  }
0x2e2: {  	v22 =	vsel vm12, $0x3F800000, v0;
	v23 =	vsel vm13, $0x3F800000, v0;
	v9 =	vadd.f32 v62, v9  }
0x2e3: {  	v24 =	vsel vm14, $0x3F800000, v0;
	v11 =	vadd.f32 v63, v11;
	v12 =	vadd.f32 v20, v12  }
0x2e4: {  	v25 =	vsel vm15, $0x3F800000, v0;
	v13 =	vadd.f32 v21, v13;
	v14 =	vadd.f32 v22, v14  }
0x2e5: {  	v15 =	vadd.f32 v23, v15;
	vm4 =	veq.s32 v26, $0x0;
	vm5 =	veq.s32 v26, $0x1  }
0x2e6: {  	vm6 =	veq.s32 v26, $0x2;
	vm7 =	veq.s32 v26, $0x3;
	vm8 =	veq.s32 v26, $0x4  }
0x2e7: {  	vm9 =	veq.s32 v26, $0x5;
	vm10 =	veq.s32 v26, $0x6;
	vm11 =	veq.s32 v26, $0x7  }
0x2e8: {  	v35 =	vld [tilespmem:$0x1FF80];
	v16 =	vadd.f32 v24, v16;
	v10 =	vadd.f32 v25, v10;
	v27 =	vsel vm4, $0x3F800000, v0  }
0x2e9: {  	v28 =	vsel vm5, $0x3F800000, v0;
	v29 =	vsel vm6, $0x3F800000, v0;
	v30 =	vsel vm7, $0x3F800000, v0  }
0x2ea: {  	v31 =	vsel vm8, $0x3F800000, v0;
	v32 =	vsel vm9, $0x3F800000, v0;
	v9 =	vadd.f32 v27, v9  }
0x2eb: {  	v33 =	vsel vm10, $0x3F800000, v0;
	v11 =	vadd.f32 v28, v11;
	v12 =	vadd.f32 v29, v12  }
0x2ec: {  	v34 =	vsel vm11, $0x3F800000, v0;
	v13 =	vadd.f32 v30, v13;
	v14 =	vadd.f32 v31, v14  }
0x2ed: {  	v15 =	vadd.f32 v32, v15;
	vm12 =	veq.s32 v35, $0x0;
	vm13 =	veq.s32 v35, $0x1  }
0x2ee: {  	vm14 =	veq.s32 v35, $0x2;
	vm15 =	veq.s32 v35, $0x3;
	vm4 =	veq.s32 v35, $0x4  }
0x2ef: {  	vm5 =	veq.s32 v35, $0x5;
	vm6 =	veq.s32 v35, $0x6;
	vm7 =	veq.s32 v35, $0x7  }
0x2f0: {  	v60 =	vld [tilespmem:$0x1FF90];
	v16 =	vadd.f32 v33, v16;
	v10 =	vadd.f32 v34, v10;
	v36 =	vsel vm12, $0x3F800000, v0  }
0x2f1: {  	v37 =	vsel vm13, $0x3F800000, v0;
	v38 =	vsel vm14, $0x3F800000, v0;
	v39 =	vsel vm15, $0x3F800000, v0  }
0x2f2: {  	v56 =	vsel vm4, $0x3F800000, v0;
	v57 =	vsel vm5, $0x3F800000, v0;
	v9 =	vadd.f32 v36, v9  }
0x2f3: {  	v58 =	vsel vm6, $0x3F800000, v0;
	v11 =	vadd.f32 v37, v11;
	v12 =	vadd.f32 v38, v12  }
0x2f4: {  	v59 =	vsel vm7, $0x3F800000, v0;
	v13 =	vadd.f32 v39, v13;
	v14 =	vadd.f32 v56, v14  }
0x2f5: {  	v15 =	vadd.f32 v57, v15;
	vm8 =	veq.s32 v60, $0x0;
	vm9 =	veq.s32 v60, $0x1  }
0x2f6: {  	vm10 =	veq.s32 v60, $0x2;
	vm11 =	veq.s32 v60, $0x3;
	vm12 =	veq.s32 v60, $0x4  }
0x2f7: {  	vm13 =	veq.s32 v60, $0x5;
	vm14 =	veq.s32 v60, $0x6;
	vm15 =	veq.s32 v60, $0x7  }
0x2f8: {  	v25 =	vld [tilespmem:$0x1FFA0];
	v16 =	vadd.f32 v58, v16;
	v10 =	vadd.f32 v59, v10;
	v61 =	vsel vm8, $0x3F800000, v0  }
0x2f9: {  	v62 =	vsel vm9, $0x3F800000, v0;
	v63 =	vsel vm10, $0x3F800000, v0;
	v20 =	vsel vm11, $0x3F800000, v0  }
0x2fa: {  	v21 =	vsel vm12, $0x3F800000, v0;
	v22 =	vsel vm13, $0x3F800000, v0;
	v9 =	vadd.f32 v61, v9  }
0x2fb: {  	v23 =	vsel vm14, $0x3F800000, v0;
	v11 =	vadd.f32 v62, v11;
	v12 =	vadd.f32 v63, v12  }
0x2fc: {  	v24 =	vsel vm15, $0x3F800000, v0;
	v13 =	vadd.f32 v20, v13;
	v14 =	vadd.f32 v21, v14  }
0x2fd: {  	v15 =	vadd.f32 v22, v15;
	vm4 =	veq.s32 v25, $0x0;
	vm5 =	veq.s32 v25, $0x1  }
0x2fe: {  	vm6 =	veq.s32 v25, $0x2;
	vm7 =	veq.s32 v25, $0x3;
	vm8 =	veq.s32 v25, $0x4  }
0x2ff: {  	vm9 =	veq.s32 v25, $0x5;
	vm10 =	veq.s32 v25, $0x6;
	vm11 =	veq.s32 v25, $0x7  }
0x300: {  	v34 =	vld [tilespmem:$0x1FFB0];
	v16 =	vadd.f32 v23, v16;
	v10 =	vadd.f32 v24, v10;
	v26 =	vsel vm4, $0x3F800000, v0  }
0x301: {  	v27 =	vsel vm5, $0x3F800000, v0;
	v28 =	vsel vm6, $0x3F800000, v0;
	v29 =	vsel vm7, $0x3F800000, v0  }
0x302: {  	v30 =	vsel vm8, $0x3F800000, v0;
	v31 =	vsel vm9, $0x3F800000, v0;
	v9 =	vadd.f32 v26, v9  }
0x303: {  	v32 =	vsel vm10, $0x3F800000, v0;
	v11 =	vadd.f32 v27, v11;
	v12 =	vadd.f32 v28, v12  }
0x304: {  	v33 =	vsel vm11, $0x3F800000, v0;
	v13 =	vadd.f32 v29, v13;
	v14 =	vadd.f32 v30, v14  }
0x305: {  	v15 =	vadd.f32 v31, v15;
	vm12 =	veq.s32 v34, $0x0;
	vm13 =	veq.s32 v34, $0x1  }
0x306: {  	vm14 =	veq.s32 v34, $0x2;
	vm15 =	veq.s32 v34, $0x3;
	vm4 =	veq.s32 v34, $0x4  }
0x307: {  	vm5 =	veq.s32 v34, $0x5;
	vm6 =	veq.s32 v34, $0x6;
	vm7 =	veq.s32 v34, $0x7  }
0x308: {  	v59 =	vld [tilespmem:$0x1FFC0];
	v16 =	vadd.f32 v32, v16;
	v10 =	vadd.f32 v33, v10;
	v35 =	vsel vm12, $0x3F800000, v0  }
0x309: {  	v36 =	vsel vm13, $0x3F800000, v0;
	v37 =	vsel vm14, $0x3F800000, v0;
	v38 =	vsel vm15, $0x3F800000, v0  }
0x30a: {  	v39 =	vsel vm4, $0x3F800000, v0;
	v56 =	vsel vm5, $0x3F800000, v0;
	v9 =	vadd.f32 v35, v9  }
0x30b: {  	v57 =	vsel vm6, $0x3F800000, v0;
	v11 =	vadd.f32 v36, v11;
	v12 =	vadd.f32 v37, v12  }
0x30c: {  	v58 =	vsel vm7, $0x3F800000, v0;
	v13 =	vadd.f32 v38, v13;
	v14 =	vadd.f32 v39, v14  }
0x30d: {  	v15 =	vadd.f32 v56, v15;
	vm8 =	veq.s32 v59, $0x0;
	vm9 =	veq.s32 v59, $0x1  }
0x30e: {  	vm10 =	veq.s32 v59, $0x2;
	vm11 =	veq.s32 v59, $0x3;
	vm12 =	veq.s32 v59, $0x4  }
0x30f: {  	vm13 =	veq.s32 v59, $0x5;
	vm14 =	veq.s32 v59, $0x6;
	vm15 =	veq.s32 v59, $0x7  }
0x310: {  	v24 =	vld [tilespmem:$0x1FFD0];
	v16 =	vadd.f32 v57, v16;
	v10 =	vadd.f32 v58, v10;
	v60 =	vsel vm8, $0x3F800000, v0  }
0x311: {  	v61 =	vsel vm9, $0x3F800000, v0;
	v62 =	vsel vm10, $0x3F800000, v0;
	v63 =	vsel vm11, $0x3F800000, v0  }
0x312: {  	v20 =	vsel vm12, $0x3F800000, v0;
	v21 =	vsel vm13, $0x3F800000, v0;
	v9 =	vadd.f32 v60, v9  }
0x313: {  	v22 =	vsel vm14, $0x3F800000, v0;
	v11 =	vadd.f32 v61, v11;
	v12 =	vadd.f32 v62, v12  }
0x314: {  	v23 =	vsel vm15, $0x3F800000, v0;
	v13 =	vadd.f32 v63, v13;
	v14 =	vadd.f32 v20, v14  }
0x315: {  	v15 =	vadd.f32 v21, v15;
	vm4 =	veq.s32 v24, $0x0;
	vm5 =	veq.s32 v24, $0x1  }
0x316: {  	v34 =	vld [tilespmem:$0x1FFE0];
	vm6 =	veq.s32 v24, $0x2;
	vm7 =	veq.s32 v24, $0x3;
	vm8 =	veq.s32 v24, $0x4  }
0x317: {  	vm9 =	veq.s32 v24, $0x5;
	vm10 =	veq.s32 v24, $0x6;
	vm11 =	veq.s32 v24, $0x7  }
0x318: {  	v16 =	vadd.f32 v22, v16;
	v10 =	vadd.f32 v23, v10;
	v25 =	vsel vm4, $0x3F800000, v0  }
0x319: {  	v26 =	vsel vm5, $0x3F800000, v0;
	v27 =	vsel vm6, $0x3F800000, v0;
	v28 =	vsel vm7, $0x3F800000, v0  }
0x31a: {  	v29 =	vsel vm8, $0x3F800000, v0;
	v30 =	vsel vm9, $0x3F800000, v0;
	v31 =	vsel vm10, $0x3F800000, v0  }
0x31b: {  	v19 =	vld.idx.msk [tilespmem:v53+s14+$0x0], $0xffff;
	v33 =	vsel vm11, $0x3F800000, v0;
	vm12 =	veq.s32 v34, $0x0;
	vm13 =	veq.s32 v34, $0x1  }
0x31c: {  	v32 =	vld.idx.msk [tilespmem:v54+s14+$0x0], $0xffff;
	vm14 =	veq.s32 v34, $0x2;
	vm15 =	veq.s32 v34, $0x3;
	vm4 =	veq.s32 v34, $0x4  }
0x31d: {  	v54 =	vld [tilespmem:$0x1FFF0];
	vm5 =	veq.s32 v34, $0x5;
	v9 =	vadd.f32 v25, v9;
	v11 =	vadd.f32 v26, v11  }
0x31e: {  	v36 =	vld.idx.msk [tilespmem:v51+s14+$0x0], $0xffff;
	vm6 =	veq.s32 v34, $0x6;
	v12 =	vadd.f32 v27, v12;
	v13 =	vadd.f32 v28, v13  }
0x31f: {  	v38 =	vld.idx.msk [tilespmem:v52+s14+$0x0], $0xffff;
	vm7 =	veq.s32 v34, $0x7;
	v14 =	vadd.f32 v29, v14;
	v15 =	vadd.f32 v30, v15  }
0x320: {  	[tilespmem:v49+s19+$0x0] =	vst.idx.add.f32.msk $0xffff, v48;
	v35 =	vsel vm12, $0x3F800000, v0;
	v37 =	vsel vm13, $0x3F800000, v0;
	v39 =	vsel vm14, $0x3F800000, v0  }
0x321: {  	[tilespmem:v50+s19+$0x0] =	vst.idx.add.f32.msk $0xffff, v46;
	v49 =	vsel vm15, $0x3F800000, v0;
	v50 =	vsel vm4, $0x3F800000, v0;
	v51 =	vsel vm5, $0x3F800000, v0  }
0x322: {  	v52 =	vsel vm6, $0x3F800000, v0;
	v53 =	vsel vm7, $0x3F800000, v0;
	vm8 =	veq.s32 v54, $0x0  }
0x323: {  	[tilespmem:v55+s19+$0x0] =	vst.idx.add.f32.msk $0xffff, v47;
	vm9 =	veq.s32 v54, $0x1;
	vm10 =	veq.s32 v54, $0x2;
	vm11 =	veq.s32 v54, $0x3  }
0x324: {  	[tilespmem:v41+s19+$0x0] =	vst.idx.add.f32.msk $0xffff, v44;
	vm12 =	veq.s32 v54, $0x4;
	vm13 =	veq.s32 v54, $0x5;
	vm14 =	veq.s32 v54, $0x6  }
0x325: {  	[tilespmem:v42+s19+$0x0] =	vst.idx.add.f32.msk $0xffff, v19;
	vm15 =	veq.s32 v54, $0x7;
	v16 =	vadd.f32 v31, v16;
	v9 =	vadd.f32 v35, v9  }
0x326: {  	v10 =	vadd.f32 v33, v10;
	[tilespmem:v43+s19+$0x0] =	vst.idx.add.f32.msk $0xffff, v32;
	v55 =	vsel vm8, $0x3F800000, v0;
	v11 =	vadd.f32 v37, v11  }
0x327: {  	v56 =	vsel vm9, $0x3F800000, v0;
	v12 =	vadd.f32 v39, v12;
	[tilespmem:v45+s19+$0x0] =	vst.idx.add.f32.msk $0xffff, v36;
	v9 =	vadd.f32 v55, v9  }
0x328: {  	v57 =	vsel vm10, $0x3F800000, v0;
	v15 =	vadd.f32 v51, v15;
	[tilespmem:v40+s19+$0x0] =	vst.idx.add.f32.msk $0xffff, v38;
	v11 =	vadd.f32 v56, v11  }
0x329: {  	v60 =	vsel vm13, $0x3F800000, v0;
	v10 =	vadd.f32 v53, v10;
	v12 =	vadd.f32 v57, v12;
	[tilespmem:$0x11600] =	vst v9  }
0x32a: {  	v63 =	vsel vm15, $0x3F800000, v0;
	v13 =	vadd.f32 v49, v13;
	v61 =	vadd.f32 v60, v15;
	[tilespmem:$0x11680] =	vst v11  }
0x32b: {  	v58 =	vsel vm11, $0x3F800000, v0;
	v14 =	vadd.f32 v50, v14;
	v10 =	vadd.f32 v63, v10;
	[tilespmem:$0x11700] =	vst v12  }
0x32c: {  	v59 =	vsel vm12, $0x3F800000, v0;
	v16 =	vadd.f32 v52, v16;
	v9 =	vadd.f32 v58, v13;
	[tilespmem:$0x11880] =	vst v61  }
0x32d: {  	v62 =	vsel vm14, $0x3F800000, v0;
	v11 =	vadd.f32 v59, v14;
	[tilespmem:$0x11980] =	vst v10  }
0x32e: {  	[tilespmem:$0x11780] =	vst v9;
	v9 =	vadd.f32 v62, v16  }
0x32f: {  	[tilespmem:$0x11800] =	vst v11  }
0x330: {  	[tilespmem:$0x11900] =	vst v9  }
0x331: {  	[hbm4b:s10+s2] =	stream.linear.scatter [tilespmem:s19], [sflag:$0x3], $0x800, $0x38;
	[tilespmem:$0x11A00] =	vst v63  }
0x332: {  	s22 =	sadd.s32 $0x1, s22;
	_ =	swait.ge [sflag:s17], $0x800  }
0x333: {  	p0 =	sne.s32 s22, s12;
	[sflag:s17] =	ssyncset.done $0x0  }
.Ltmp4:
0x334: {  	[sflag:s17] =	ssyncadd.s32 $0xFFFFF800;
	(pc) =	sbr.rel @p0 .LBB2_1-.Ltmp4, $4  }
0x335: {  	[hbm4b:s11+s2] =	stream.linear.scatter [tilespmem:s21], [sflag:$0x3], $0x400, $0x38;
	[tilespmem:$0x11A00] =	vst v63  }
0x336: {  	_ =	swait.ge [sflag:s17], $0x400  }
0x337: {  	[sflag:s17] =	ssyncset.done $0x0  }
0x338: {  	[sflag:s17] =	ssyncadd.s32 $0xFFFFFC00  }
0x339: {  	_ =	sfence.sel $0x180000  }
0x33a: {  	[bflag:$0x0] =	sbarrier.arrive $0xFFFF  }
0x33b: {  	p0 =	sne.s32 s0, $0x0;
	_ =	strace $0x90000047  }
0x33c: {  	s0 =	sadd.s32 @!p0 $0x100000, s1;
	[bflag:$0x2] =	sbarrier.arrive $0xFFFF  }
0x33d: {  	[sflag:s0] =	ssyncadd.tile.s32 @!p0 $0x1;
	_ =	shalt  }
.Lfunc_end2:
_tile_overlayer_lowered:
.L_overlay_start_2:
0x33e: {  	(tag) =	ssettag $0x2  }
0x33f: {  	s0 =	rddreg [dreg:$0x0];
	s2 =	stileid.u32  }
0x340: {  	s1 =	rddreg [dreg:$0x1];
	p0 =	sne.s32 s2, $0x0  }
0x341: {  	s3 =	rddreg [dreg:$0x2];
	[bflag:$0x3] =	sbarrier.arrive $0xFFFF;
	s2 =	simm.s32 @!p0 $0x1C03  }
0x342: {  	[timem:s3], [sflag:s2] =	dma.local @!p0 [hbm:s0], s1  }
0x343: {  	s0 =	simm.s32 @!p0 $0x3  }
0x344: {  	_ =	swait.ge @!p0 [sflag:s0], s1  }
0x345: {  	s1 =	ssub.s32 @!p0 $0x0, s1;
	[sflag:s0] =	ssyncset.done @!p0 $0x0  }
0x346: {  	[sflag:s0] =	ssyncadd.s32 @!p0 s1  }
0x347: {  	[bflag:$0x3] =	sbarrier.arrive $0xFFFF  }
0x348: {  	_ =	shalt  }

</sc_bundles>
